<compile_context>
chip_gen: v7x
topology: tpu7x:2x2x1
jax: 0.10.2.dev20260603
libtpu: 0.0.44.dev20260713+nightly
codegen_flags: <defaults>
</compile_context>

<pallas_src>
import jax
import jax.numpy as jnp
from jax import lax
from jax.experimental import pallas as pl
from jax.experimental.pallas import tpu as pltpu
from jax.experimental.pallas import tpu_sc as plsc

N = 10000
D = 128
E = 320000

NC = 2
NS = 16
NW = NC * NS
CB = 16
K = 64
NB = CB * ((E + NW * K * CB - 1) // (NW * K * CB))
TB = NW * NB
E_PAD = TB * K
SINK = N
Q0 = 256
Q1 = (TB - NS * Q0) // NS

TBL = 10112
ZCH = TBL // NS


def _sc_aggregate(with_count):
  mesh = plsc.VectorSubcoreMesh(core_axis_name="c", subcore_axis_name="s",
                                num_cores=NC, num_subcores=NS)
  agg_t = jax.ShapeDtypeStruct((NC, TBL, D), jnp.float32)
  out_type = [agg_t] if with_count else agg_t
  scratch = [
      pltpu.VMEM((CB, K), jnp.int32),
      pltpu.VMEM((CB, K), jnp.int32),
      pltpu.VMEM((K, D), jnp.float32),
      pltpu.VMEM((K, D), jnp.float32),
      pltpu.VMEM_SHARED((TBL, D), jnp.float32),
      pltpu.SemaphoreType.DMA,
      pltpu.SemaphoreType.DMA,
  ]
  if with_count:
    out_type.append(jax.ShapeDtypeStruct((NW, TBL), jnp.float32))
    scratch += [
        pltpu.VMEM((TBL,), jnp.float32),
    ]

  def body(m_hbm, src_hbm, dst_hbm, agg_out, *rest):
    if with_count:
      (cnt_out, src_v, dst_v, rows_a, rows_b, agg_sh,
       sem_a, sem_b, cnt_t) = rest
    else:
      (src_v, dst_v, rows_a, rows_b, agg_sh, sem_a, sem_b) = rest
    rows = (rows_a, rows_b)
    sems = (sem_a, sem_b)
    c = lax.axis_index("c")
    s = lax.axis_index("s")
    wid = s * NC + c
    base = jnp.where(c == 0, s * Q0, NS * Q0 + s * Q1)
    nch = jnp.where(c == 0, Q0 // CB, Q1 // CB)

    zvec = jnp.zeros((16,), jnp.float32)
    @pl.loop(0, 16)
    def zero_zrows(i):
      for j in range(D // 16):
        rows_a[i, pl.ds(j * 16, 16)] = zvec
    if with_count:
      @pl.loop(0, TBL // 16)
      def zero_cnt_t(k):
        cnt_t[pl.ds(k * 16, 16)] = zvec

    @pl.loop(0, ZCH // 16)
    def zero_agg(k):
      pltpu.sync_copy(rows_a.at[pl.ds(0, 16)],
                      agg_sh.at[pl.ds(s * ZCH + k * 16, 16)])
    pltpu.sync_copy(rows_a.at[pl.ds(0, ZCH % 16)],
                    agg_sh.at[pl.ds(s * ZCH + (ZCH // 16) * 16, ZCH % 16)])
    plsc.subcore_barrier()

    ones16 = jnp.ones((16,), jnp.float32)

    @pl.loop(0, nch)
    def chunk(ci):
      off = pl.multiple_of(base + ci * CB, CB)
      pltpu.sync_copy(src_hbm.at[pl.ds(off, CB)], src_v)
      pltpu.sync_copy(dst_hbm.at[pl.ds(off, CB)], dst_v)
      if with_count:
        for bb in range(CB):
          for j in range(K // 16):
            idx = dst_v[bb, pl.ds(j * 16, 16)]
            plsc.addupdate_scatter(cnt_t, [idx], ones16)

      descs = [
          pltpu.async_copy(m_hbm.at[src_v.at[0]], rows[0], sems[0]),
          pltpu.async_copy(m_hbm.at[src_v.at[1]], rows[1], sems[1]),
      ]
      for b in range(CB):
        p = b % 2
        descs[p].wait()
        pltpu.sync_copy(rows[p], agg_sh.at[dst_v.at[b]], add=True)
        if b + 2 < CB:
          descs[p] = pltpu.async_copy(m_hbm.at[src_v.at[b + 2]],
                                      rows[p], sems[p])
    plsc.subcore_barrier()

    pltpu.sync_copy(agg_sh.at[pl.ds(s * ZCH, ZCH)],
                    agg_out.at[c, pl.ds(s * ZCH, ZCH)])
    if with_count:
      pltpu.sync_copy(cnt_t, cnt_out.at[wid])

  return pl.kernel(body, out_type=out_type, mesh=mesh, scratch_types=scratch,
                   compiler_params=pltpu.CompilerParams(needs_layout_passes=False))



_R = 1024
_GRID = (N + _R - 1) // _R


def _tc_pre_body(x_ref, wpre_ref, bpre_ref, wn1_ref, h0_ref, m1_ref):
  h0 = jnp.dot(x_ref[...], wpre_ref[...],
               preferred_element_type=jnp.float32) + bpre_ref[...]
  h0_ref[...] = h0
  m1_ref[...] = jnp.dot(h0, wn1_ref[...], preferred_element_type=jnp.float32)


def _tc_mid_body(hp_ref, agg_ref, cnt_ref, ws_ref, b_ref, wnn_ref,
                 h_ref, mn_ref):
  agg = agg_ref[0] + agg_ref[1]
  cnt = jnp.sum(cnt_ref[...], axis=0)[:, None]
  mean = agg / jnp.maximum(cnt, 1.0)
  h = jnp.maximum(
      jnp.dot(hp_ref[...], ws_ref[...], preferred_element_type=jnp.float32)
      + mean + b_ref[...], 0.0)
  h_ref[...] = h
  mn_ref[...] = jnp.dot(h, wnn_ref[...], preferred_element_type=jnp.float32)


def _tc_post_body(hp_ref, agg_ref, cnt_ref, ws_ref, b_ref, wpost_ref,
                  bpost_ref, out_ref):
  agg = agg_ref[0] + agg_ref[1]
  cnt = jnp.sum(cnt_ref[...], axis=0)[:, None]
  mean = agg / jnp.maximum(cnt, 1.0)
  h = jnp.maximum(
      jnp.dot(hp_ref[...], ws_ref[...], preferred_element_type=jnp.float32)
      + mean + b_ref[...], 0.0)
  out_ref[...] = jnp.sum(h * wpost_ref[...], axis=1,
                         keepdims=True) + bpost_ref[...]


def _row_spec(shape):
  if len(shape) == 2:
    if shape[0] == NW:
      return pl.BlockSpec((NW, _R), lambda i: (0, i))
    return pl.BlockSpec((_R, shape[1]), lambda i: (i, 0))
  return pl.BlockSpec((shape[0], _R, shape[2]), lambda i: (0, i, 0))


def _full_spec(shape):
  return pl.BlockSpec(shape, lambda i: tuple(0 for _ in shape))


def _tc_call(body, in_shapes, out_shapes, row_in, row_out):
  in_specs = [_row_spec(s) if r else _full_spec(s)
              for s, r in zip(in_shapes, row_in)]
  out_specs = [_row_spec(s) if r else _full_spec(s)
               for s, r in zip(out_shapes, row_out)]
  return pl.pallas_call(
      body,
      grid=(_GRID,),
      in_specs=in_specs,
      out_specs=out_specs[0] if len(out_specs) == 1 else out_specs,
      out_shape=[jax.ShapeDtypeStruct(s, jnp.float32) for s in out_shapes]
      if len(out_shapes) > 1 else jax.ShapeDtypeStruct(out_shapes[0],
                                                       jnp.float32),
  )


def kernel(x, edge_index, W_pre, b_pre, W_self1, W_neigh1, b1,
           W_self2, W_neigh2, b2, W_post, b_post):
  src = edge_index[0]
  dst = edge_index[1]

  pad = E_PAD - E
  src_p = jnp.concatenate(
      [src, jnp.zeros((pad,), jnp.int32)]).reshape(TB, K)
  dst_p = jnp.concatenate(
      [dst, jnp.full((pad,), SINK, jnp.int32)]).reshape(TB, K)

  b_pre2 = b_pre.reshape(1, D)
  b12 = b1.reshape(1, D)
  b22 = b2.reshape(1, D)
  wpost_row = W_post.reshape(1, D)
  bpost2 = b_post.reshape(1, 1)

  tc_pre = _tc_call(
      _tc_pre_body,
      [(N, D), (D, D), (1, D), (D, D)],
      [(N, D), (N, D)],
      [True, False, False, False], [True, True])
  h0, m1 = tc_pre(x, W_pre, b_pre2, W_neigh1)

  agg1, cnt = _sc_aggregate(True)(m1, src_p, dst_p)

  tc_mid = _tc_call(
      _tc_mid_body,
      [(N, D), (NC, TBL, D), (NW, TBL), (D, D), (1, D), (D, D)],
      [(N, D), (N, D)],
      [True, True, True, False, False, False], [True, True])
  h1, m2 = tc_mid(h0, agg1, cnt, W_self1, b12, W_neigh2)

  agg2 = _sc_aggregate(False)(m2, src_p, dst_p)

  tc_post = _tc_call(
      _tc_post_body,
      [(N, D), (NC, TBL, D), (NW, TBL), (D, D), (1, D), (1, D), (1, 1)],
      [(N, 1)],
      [True, True, True, False, False, False, False], [True])
  out = tc_post(h1, agg2, cnt, W_self2, b22, wpost_row, bpost2)
  return jnp.squeeze(out, 1)

# --- scband reference (transcript-rebuilt; emitter-appended) ---
"""Pipeline reference for scband-feature-message-passing-model-23201413333127 (READ-ONLY COPY).

The authoritative reference and input builder live on the scoring server;
editing this copy changes nothing except your own understanding.
"""

import jax, jax.numpy as jnp
import numpy as np

N = 10000
E = 320000
D_IN = 128
HID = 128
N_CLS = 1


def setup_inputs(seed: int = 0) -> dict:
    key = jax.random.key(seed)
    ks = jax.random.split(key, 12)
    x = jax.random.normal(ks[0], (N, D_IN), dtype=jnp.float32)
    edge_index = jax.random.randint(ks[1], (2, E), 0, N, dtype=jnp.int32)
    s_in = 1.0 / np.sqrt(D_IN)
    s_h = 1.0 / np.sqrt(HID)
    return {
        "x": x,
        "edge_index": edge_index,
        "W_pre": jax.random.uniform(ks[2], (D_IN, HID), jnp.float32, -s_in, s_in),
        "b_pre": jnp.zeros((HID,), jnp.float32),
        "W_self1": jax.random.uniform(ks[3], (HID, HID), jnp.float32, -s_h, s_h),
        "W_neigh1": jax.random.uniform(ks[4], (HID, HID), jnp.float32, -s_h, s_h),
        "b1": jnp.zeros((HID,), jnp.float32),
        "W_self2": jax.random.uniform(ks[5], (HID, HID), jnp.float32, -s_h, s_h),
        "W_neigh2": jax.random.uniform(ks[6], (HID, HID), jnp.float32, -s_h, s_h),
        "b2": jnp.zeros((HID,), jnp.float32),
        "W_post": jax.random.uniform(ks[7], (HID, N_CLS), jnp.float32, -s_h, s_h),
        "b_post": jnp.zeros((N_CLS,), jnp.float32),
    }


def _sage_conv(h, src, dst, W_self, W_neigh, b):
    # GraphSAGE mean aggregation: h_i' = W_self h_i + W_neigh mean_{j in N(i)} h_j + b
    msgs = jnp.take(h, src, axis=0)
    agg = jax.ops.segment_sum(msgs, dst, num_segments=N)
    cnt = jax.ops.segment_sum(jnp.ones((E,), h.dtype), dst, num_segments=N)
    mean = agg / jnp.maximum(cnt, 1.0)[:, None]
    return h @ W_self + mean @ W_neigh + b


def reference(x, edge_index, W_pre, b_pre, W_self1, W_neigh1, b1, W_self2, W_neigh2, b2, W_post, b_post):
    src = edge_index[0]
    dst = edge_index[1]
    # pre_process_mlp
    h = x @ W_pre + b_pre
    # layer1 aggregation + act
    h = jax.nn.relu(_sage_conv(h, src, dst, W_self1, W_neigh1, b1))
    # layer2 aggregation + act
    h = jax.nn.relu(_sage_conv(h, src, dst, W_self2, W_neigh2, b2))
    # post_process_mlp
    out = h @ W_post + b_post
    return jnp.squeeze(out, 1)

if __name__ == "__main__":
    import jax
    _d = setup_inputs()
    print(jax.jit(kernel)(*tuple(_d.values())))

</pallas_src>

<mosaic_0001>
#map = affine_map<(d0, d1) -> (0, 0)>
#map1 = affine_map<(d0, d1) -> (0, 0, 0)>
module attributes {stable_mosaic.version = 14 : i64} {
  func.func @body(%arg0: i32, %arg1: i32, %arg2: memref<10000x128xf32, #tpu.memory_space<hbm>>, %arg3: memref<5120x64xi32, #tpu.memory_space<hbm>>, %arg4: memref<5120x64xi32, #tpu.memory_space<hbm>>, %arg5: memref<2x10112x128xf32, #tpu.memory_space<hbm>>, %arg6: memref<32x10112xf32, #tpu.memory_space<hbm>>, %arg7: memref<16x64xi32, #tpu.memory_space<vmem>>, %arg8: memref<16x64xi32, #tpu.memory_space<vmem>>, %arg9: memref<64x128xf32, #tpu.memory_space<vmem>>, %arg10: memref<64x128xf32, #tpu.memory_space<vmem>>, %arg11: memref<10112x128xf32, #tpu.memory_space<vmem_shared>>, %arg12: memref<!tpu.dma_semaphore, #tpu.memory_space<semaphore_mem>>, %arg13: memref<!tpu.dma_semaphore, #tpu.memory_space<semaphore_mem>>, %arg14: memref<10112xf32, #tpu.memory_space<vmem>>) attributes {dimension_semantics = [#tpu.dimension_semantics<core_parallel>, #tpu.dimension_semantics<subcore_parallel>], iteration_bounds = array<i64: 2, 16>, scalar_prefetch = 0 : i64, scratch_operands = 8 : i64, tpu.core_type = #tpu.core_type<sc_vector_subcore>, window_params = [{transform_indices = #map}, {transform_indices = #map}, {transform_indices = #map}, {transform_indices = #map1}, {transform_indices = #map}]} {
    %mul3A = arith.constant 2 : i32
    %mul3A_0 = arith.muli %arg1, %mul3A : i32
    %add3A = arith.addi %mul3A_0, %arg0 : i32
    %eq3A = arith.constant 0 : i32
    %eq3A_1 = arith.cmpi eq, %arg0, %eq3A : i32
    %mul3A_2 = arith.constant 256 : i32
    %mul3A_3 = arith.muli %arg1, %mul3A_2 : i32
    %mul3A_4 = arith.constant 64 : i32
    %mul3A_5 = arith.muli %arg1, %mul3A_4 : i32
    %add3A_6 = arith.constant 4096 : i32
    %add3A_7 = arith.addi %add3A_6, %mul3A_5 : i32
    %select_n3A = arith.select %eq3A_1, %mul3A_3, %add3A_7 : i32
    %eq3A_8 = arith.constant 0 : i32
    %eq3A_9 = arith.cmpi eq, %arg0, %eq3A_8 : i32
    %jit3A = arith.constant 16 : i32
    %jit3A_10 = arith.constant 4 : i32
    %select_n3A_11 = arith.select %eq3A_9, %jit3A, %jit3A_10 : i32
    %broadcast_in_dim3A = arith.constant 0.000000e+00 : f32
    %broadcast_in_dim3A_12 = vector.broadcast %broadcast_in_dim3A : f32 to vector<16xf32>
    %scan3A = arith.constant 0 : i32
    %scan3A_13 = arith.constant 16 : i32
    %scan3A_14 = arith.addi %scan3A, %scan3A_13 : i32
    %scan3A_15 = arith.constant 1 : i32
    scf.for %scan3A_54 = %scan3A to %scan3A_14 step %scan3A_15  : i32 {
      %mul3A_55 = arith.constant 1 : i32
      %mul3A_56 = arith.muli %scan3A_54, %mul3A_55 : i32
      %add3A_57 = arith.constant 0 : i32
      %add3A_58 = arith.addi %add3A_57, %mul3A_56 : i32
      %swap3A = arith.index_cast %add3A_58 : i32 to index
      %swap3A_59 = arith.constant 0 : index
      %swap3A_60 = tpu.vector_load %arg9[%swap3A, %swap3A_59] {strides = array<i32>} : memref<64x128xf32, #tpu.memory_space<vmem>>, vector<16xf32>,
      tpu.vector_store %arg9[%swap3A, %swap3A_59], %broadcast_in_dim3A_12 {strides = array<i32>} : memref<64x128xf32, #tpu.memory_space<vmem>>, vector<16xf32>,
      %swap3A_61 = arith.index_cast %add3A_58 : i32 to index
      %swap3A_62 = arith.constant 16 : index
      %swap3A_63 = tpu.vector_load %arg9[%swap3A_61, %swap3A_62] {strides = array<i32>} : memref<64x128xf32, #tpu.memory_space<vmem>>, vector<16xf32>,
      tpu.vector_store %arg9[%swap3A_61, %swap3A_62], %broadcast_in_dim3A_12 {strides = array<i32>} : memref<64x128xf32, #tpu.memory_space<vmem>>, vector<16xf32>,
      %swap3A_64 = arith.index_cast %add3A_58 : i32 to index
      %swap3A_65 = arith.constant 32 : index
      %swap3A_66 = tpu.vector_load %arg9[%swap3A_64, %swap3A_65] {strides = array<i32>} : memref<64x128xf32, #tpu.memory_space<vmem>>, vector<16xf32>,
      tpu.vector_store %arg9[%swap3A_64, %swap3A_65], %broadcast_in_dim3A_12 {strides = array<i32>} : memref<64x128xf32, #tpu.memory_space<vmem>>, vector<16xf32>,
      %swap3A_67 = arith.index_cast %add3A_58 : i32 to index
      %swap3A_68 = arith.constant 48 : index
      %swap3A_69 = tpu.vector_load %arg9[%swap3A_67, %swap3A_68] {strides = array<i32>} : memref<64x128xf32, #tpu.memory_space<vmem>>, vector<16xf32>,
      tpu.vector_store %arg9[%swap3A_67, %swap3A_68], %broadcast_in_dim3A_12 {strides = array<i32>} : memref<64x128xf32, #tpu.memory_space<vmem>>, vector<16xf32>,
      %swap3A_70 = arith.index_cast %add3A_58 : i32 to index
      %swap3A_71 = arith.constant 64 : index
      %swap3A_72 = tpu.vector_load %arg9[%swap3A_70, %swap3A_71] {strides = array<i32>} : memref<64x128xf32, #tpu.memory_space<vmem>>, vector<16xf32>,
      tpu.vector_store %arg9[%swap3A_70, %swap3A_71], %broadcast_in_dim3A_12 {strides = array<i32>} : memref<64x128xf32, #tpu.memory_space<vmem>>, vector<16xf32>,
      %swap3A_73 = arith.index_cast %add3A_58 : i32 to index
      %swap3A_74 = arith.constant 80 : index
      %swap3A_75 = tpu.vector_load %arg9[%swap3A_73, %swap3A_74] {strides = array<i32>} : memref<64x128xf32, #tpu.memory_space<vmem>>, vector<16xf32>,
      tpu.vector_store %arg9[%swap3A_73, %swap3A_74], %broadcast_in_dim3A_12 {strides = array<i32>} : memref<64x128xf32, #tpu.memory_space<vmem>>, vector<16xf32>,
      %swap3A_76 = arith.index_cast %add3A_58 : i32 to index
      %swap3A_77 = arith.constant 96 : index
      %swap3A_78 = tpu.vector_load %arg9[%swap3A_76, %swap3A_77] {strides = array<i32>} : memref<64x128xf32, #tpu.memory_space<vmem>>, vector<16xf32>,
      tpu.vector_store %arg9[%swap3A_76, %swap3A_77], %broadcast_in_dim3A_12 {strides = array<i32>} : memref<64x128xf32, #tpu.memory_space<vmem>>, vector<16xf32>,
      %swap3A_79 = arith.index_cast %add3A_58 : i32 to index
      %swap3A_80 = arith.constant 112 : index
      %swap3A_81 = tpu.vector_load %arg9[%swap3A_79, %swap3A_80] {strides = array<i32>} : memref<64x128xf32, #tpu.memory_space<vmem>>, vector<16xf32>,
      tpu.vector_store %arg9[%swap3A_79, %swap3A_80], %broadcast_in_dim3A_12 {strides = array<i32>} : memref<64x128xf32, #tpu.memory_space<vmem>>, vector<16xf32>,
    }
    %scan3A_16 = arith.constant 16 : i32
    %scan3A_17 = arith.constant 0 : i32
    %scan3A_18 = arith.constant 632 : i32
    %scan3A_19 = arith.addi %scan3A_17, %scan3A_18 : i32
    %scan3A_20 = arith.constant 1 : i32
    scf.for %scan3A_54 = %scan3A_17 to %scan3A_19 step %scan3A_20  : i32 {
      %mul3A_55 = arith.constant 1 : i32
      %mul3A_56 = arith.muli %scan3A_54, %mul3A_55 : i32
      %add3A_57 = arith.constant 0 : i32
      %add3A_58 = arith.addi %add3A_57, %mul3A_56 : i32
      %mul3A_59 = arith.constant 16 : i32
      %mul3A_60 = arith.muli %add3A_58, %mul3A_59 : i32
      %swap3A = arith.index_cast %mul3A_60 : i32 to index
      %swap3A_61 = tpu.vector_load %arg14[%swap3A] {strides = array<i32>} : memref<10112xf32, #tpu.memory_space<vmem>>, vector<16xf32>,
      tpu.vector_store %arg14[%swap3A], %broadcast_in_dim3A_12 {strides = array<i32>} : memref<10112xf32, #tpu.memory_space<vmem>>, vector<16xf32>,
    }
    %scan3A_21 = arith.constant 632 : i32
    %scan3A_22 = arith.constant 0 : i32
    %scan3A_23 = arith.constant 39 : i32
    %scan3A_24 = arith.addi %scan3A_22, %scan3A_23 : i32
    %scan3A_25 = arith.constant 1 : i32
    scf.for %scan3A_54 = %scan3A_22 to %scan3A_24 step %scan3A_25  : i32 {
      %mul3A_55 = arith.constant 1 : i32
      %mul3A_56 = arith.muli %scan3A_54, %mul3A_55 : i32
      %add3A_57 = arith.constant 0 : i32
      %add3A_58 = arith.addi %add3A_57, %mul3A_56 : i32
      %mul3A_59 = arith.constant 632 : i32
      %mul3A_60 = arith.muli %arg1, %mul3A_59 : i32
      %mul3A_61 = arith.constant 16 : i32
      %mul3A_62 = arith.muli %add3A_58, %mul3A_61 : i32
      %add3A_63 = arith.addi %mul3A_60, %mul3A_62 : i32
      "tpu.region"() ({
        %run_scoped3A = tpu.sem_alloc : memref<!tpu.dma_semaphore, #tpu.memory_space<semaphore_mem>>
        %dma_start3A = arith.constant 0 : i32
        %dma_start3A_64 = arith.constant 0 : i32
        %dma_start3A_65 = tpu.memref_slice %arg9[%dma_start3A, %dma_start3A_64] : memref<64x128xf32, #tpu.memory_space<vmem>> -> memref<16x128xf32, #tpu.memory_space<vmem>>
        %dma_start3A_66 = arith.constant 0 : i32
        %dma_start3A_67 = tpu.memref_slice %arg11[%add3A_63, %dma_start3A_66] : memref<10112x128xf32, #tpu.memory_space<vmem_shared>> -> memref<16x128xf32, #tpu.memory_space<vmem_shared>>
        %dma_start3A_68 = arith.constant 0 : i32
        %dma_start3A_69 = tpu.memref_slice %arg11[%add3A_63, %dma_start3A_68] : memref<10112x128xf32, #tpu.memory_space<vmem_shared>> -> memref<16x128xf32, #tpu.memory_space<vmem_shared>>
        %dma_start3A_70 = arith.constant 0 : i32
        %dma_start3A_71 = arith.constant 0 : i32
        %dma_start3A_72 = tpu.memref_slice %arg9[%dma_start3A_70, %dma_start3A_71] : memref<64x128xf32, #tpu.memory_space<vmem>> -> memref<16x128xf32, #tpu.memory_space<vmem>>
        tpu.enqueue_dma source(%dma_start3A_72 : memref<16x128xf32, #tpu.memory_space<vmem>>) target(%dma_start3A_69 : memref<16x128xf32, #tpu.memory_space<vmem_shared>>) target_semaphore(%run_scoped3A : memref<!tpu.dma_semaphore, #tpu.memory_space<semaphore_mem>>)
        %dma_wait3A = arith.constant 0 : i32
        %dma_wait3A_73 = arith.constant 0 : i32
        %dma_wait3A_74 = tpu.memref_slice %arg9[%dma_wait3A, %dma_wait3A_73] : memref<64x128xf32, #tpu.memory_space<vmem>> -> memref<16x128xf32, #tpu.memory_space<vmem>>
        %dma_wait3A_75 = arith.constant 0 : i32
        %dma_wait3A_76 = tpu.memref_slice %arg11[%add3A_63, %dma_wait3A_75] : memref<10112x128xf32, #tpu.memory_space<vmem_shared>> -> memref<16x128xf32, #tpu.memory_space<vmem_shared>>
        %dma_wait3A_77 = arith.constant 0 : i32
        %dma_wait3A_78 = tpu.memref_slice %arg11[%add3A_63, %dma_wait3A_77] : memref<10112x128xf32, #tpu.memory_space<vmem_shared>> -> memref<16x128xf32, #tpu.memory_space<vmem_shared>>
        %dma_wait3A_79 = arith.constant 0 : i32
        %dma_wait3A_80 = arith.constant 0 : i32
        %dma_wait3A_81 = tpu.memref_slice %arg9[%dma_wait3A_79, %dma_wait3A_80] : memref<64x128xf32, #tpu.memory_space<vmem>> -> memref<16x128xf32, #tpu.memory_space<vmem>>
        tpu.wait_dma2 semaphore(%run_scoped3A : memref<!tpu.dma_semaphore, #tpu.memory_space<semaphore_mem>>) src(%dma_wait3A_81 : memref<16x128xf32, #tpu.memory_space<vmem>>) dst(%dma_wait3A_78 : memref<16x128xf32, #tpu.memory_space<vmem_shared>>)
        tpu.yield
      }) : () -> ()
    }
    %scan3A_26 = arith.constant 39 : i32
    %mul3A_27 = arith.constant 632 : i32
    %mul3A_28 = arith.muli %arg1, %mul3A_27 : i32
    %add3A_29 = arith.constant 624 : i32
    %add3A_30 = arith.addi %mul3A_28, %add3A_29 : i32
    "tpu.region"() ({
      %run_scoped3A = tpu.sem_alloc : memref<!tpu.dma_semaphore, #tpu.memory_space<semaphore_mem>>
      %dma_start3A = arith.constant 0 : i32
      %dma_start3A_54 = arith.constant 0 : i32
      %dma_start3A_55 = tpu.memref_slice %arg9[%dma_start3A, %dma_start3A_54] : memref<64x128xf32, #tpu.memory_space<vmem>> -> memref<8x128xf32, #tpu.memory_space<vmem>>
      %dma_start3A_56 = arith.constant 0 : i32
      %dma_start3A_57 = tpu.memref_slice %arg11[%add3A_30, %dma_start3A_56] : memref<10112x128xf32, #tpu.memory_space<vmem_shared>> -> memref<8x128xf32, #tpu.memory_space<vmem_shared>>
      %dma_start3A_58 = arith.constant 0 : i32
      %dma_start3A_59 = tpu.memref_slice %arg11[%add3A_30, %dma_start3A_58] : memref<10112x128xf32, #tpu.memory_space<vmem_shared>> -> memref<8x128xf32, #tpu.memory_space<vmem_shared>>
      %dma_start3A_60 = arith.constant 0 : i32
      %dma_start3A_61 = arith.constant 0 : i32
      %dma_start3A_62 = tpu.memref_slice %arg9[%dma_start3A_60, %dma_start3A_61] : memref<64x128xf32, #tpu.memory_space<vmem>> -> memref<8x128xf32, #tpu.memory_space<vmem>>
      tpu.enqueue_dma source(%dma_start3A_62 : memref<8x128xf32, #tpu.memory_space<vmem>>) target(%dma_start3A_59 : memref<8x128xf32, #tpu.memory_space<vmem_shared>>) target_semaphore(%run_scoped3A : memref<!tpu.dma_semaphore, #tpu.memory_space<semaphore_mem>>)
      %dma_wait3A = arith.constant 0 : i32
      %dma_wait3A_63 = arith.constant 0 : i32
      %dma_wait3A_64 = tpu.memref_slice %arg9[%dma_wait3A, %dma_wait3A_63] : memref<64x128xf32, #tpu.memory_space<vmem>> -> memref<8x128xf32, #tpu.memory_space<vmem>>
      %dma_wait3A_65 = arith.constant 0 : i32
      %dma_wait3A_66 = tpu.memref_slice %arg11[%add3A_30, %dma_wait3A_65] : memref<10112x128xf32, #tpu.memory_space<vmem_shared>> -> memref<8x128xf32, #tpu.memory_space<vmem_shared>>
      %dma_wait3A_67 = arith.constant 0 : i32
      %dma_wait3A_68 = tpu.memref_slice %arg11[%add3A_30, %dma_wait3A_67] : memref<10112x128xf32, #tpu.memory_space<vmem_shared>> -> memref<8x128xf32, #tpu.memory_space<vmem_shared>>
      %dma_wait3A_69 = arith.constant 0 : i32
      %dma_wait3A_70 = arith.constant 0 : i32
      %dma_wait3A_71 = tpu.memref_slice %arg9[%dma_wait3A_69, %dma_wait3A_70] : memref<64x128xf32, #tpu.memory_space<vmem>> -> memref<8x128xf32, #tpu.memory_space<vmem>>
      tpu.wait_dma2 semaphore(%run_scoped3A : memref<!tpu.dma_semaphore, #tpu.memory_space<semaphore_mem>>) src(%dma_wait3A_71 : memref<8x128xf32, #tpu.memory_space<vmem>>) dst(%dma_wait3A_68 : memref<8x128xf32, #tpu.memory_space<vmem_shared>>)
      tpu.yield
    }) : () -> ()
    %barrier3A = arith.constant 0 : index
    tpu.barrier barrier_id(%barrier3A)
    %broadcast_in_dim3A_31 = arith.constant 1.000000e+00 : f32
    %broadcast_in_dim3A_32 = vector.broadcast %broadcast_in_dim3A_31 : f32 to vector<16xf32>
    %sub3A = arith.constant 0 : i32
    %sub3A_33 = arith.subi %select_n3A_11, %sub3A : i32
    %sub3A_34 = arith.constant 1 : i32
    %sub3A_35 = arith.constant 1 : i32
    %sub3A_36 = arith.subi %sub3A_34, %sub3A_35 : i32
    %add3A_37 = arith.addi %sub3A_33, %sub3A_36 : i32
    %div3A = arith.constant 1 : i32
    %div3A_38 = arith.divsi %add3A_37, %div3A : i32
    %while3A = arith.constant 1 : i32
    %while3A_39 = arith.constant 0 : i32
    %while3A_40 = arith.constant 0 : i32
    %while3A_41 = arith.subi %div3A_38, %while3A_40 : i32
    %while3A_42 = arith.addi %while3A_40, %while3A_41 : i32
    %while3A_43 = arith.constant 1 : i32
    %while3A_44 = arith.divsi %while3A_41, %while3A_43 : i32
    %while3A_45 = arith.muli %while3A_44, %while3A_43 : i32
    %while3A_46 = arith.addi %while3A_40, %while3A_45 : i32
    %while3A_47 = arith.constant 1 : i32
    scf.for %while3A_54 = %while3A_40 to %while3A_46 step %while3A_47  : i32 {
      %mul3A_55 = arith.muli %while3A_54, %while3A : i32
      %add3A_56 = arith.addi %while3A_39, %mul3A_55 : i32
      %mul3A_57 = arith.constant 16 : i32
      %mul3A_58 = arith.muli %add3A_56, %mul3A_57 : i32
      %add3A_59 = arith.addi %select_n3A, %mul3A_58 : i32
      %multiple_of3A = tpu.assume_multiple %add3A_59, 16 : i32
      "tpu.region"() ({
        %run_scoped3A_552 = tpu.sem_alloc : memref<!tpu.dma_semaphore, #tpu.memory_space<semaphore_mem>>
        %dma_start3A_553 = arith.constant 0 : i32
        %dma_start3A_554 = tpu.memref_slice %arg3[%multiple_of3A, %dma_start3A_553] : memref<5120x64xi32, #tpu.memory_space<hbm>> -> memref<16x64xi32, #tpu.memory_space<hbm>>
        %dma_start3A_555 = arith.constant 0 : i32
        %dma_start3A_556 = tpu.memref_slice %arg3[%multiple_of3A, %dma_start3A_555] : memref<5120x64xi32, #tpu.memory_space<hbm>> -> memref<16x64xi32, #tpu.memory_space<hbm>>
        tpu.enqueue_dma source(%dma_start3A_556 : memref<16x64xi32, #tpu.memory_space<hbm>>) target(%arg7 : memref<16x64xi32, #tpu.memory_space<vmem>>) target_semaphore(%run_scoped3A_552 : memref<!tpu.dma_semaphore, #tpu.memory_space<semaphore_mem>>)
        %dma_wait3A_557 = arith.constant 0 : i32
        %dma_wait3A_558 = tpu.memref_slice %arg3[%multiple_of3A, %dma_wait3A_557] : memref<5120x64xi32, #tpu.memory_space<hbm>> -> memref<16x64xi32, #tpu.memory_space<hbm>>
        %dma_wait3A_559 = arith.constant 0 : i32
        %dma_wait3A_560 = tpu.memref_slice %arg3[%multiple_of3A, %dma_wait3A_559] : memref<5120x64xi32, #tpu.memory_space<hbm>> -> memref<16x64xi32, #tpu.memory_space<hbm>>
        tpu.wait_dma2 semaphore(%run_scoped3A_552 : memref<!tpu.dma_semaphore, #tpu.memory_space<semaphore_mem>>) src(%dma_wait3A_560 : memref<16x64xi32, #tpu.memory_space<hbm>>) dst(%arg7 : memref<16x64xi32, #tpu.memory_space<vmem>>)
        tpu.yield
      }) : () -> ()
      "tpu.region"() ({
        %run_scoped3A_552 = tpu.sem_alloc : memref<!tpu.dma_semaphore, #tpu.memory_space<semaphore_mem>>
        %dma_start3A_553 = arith.constant 0 : i32
        %dma_start3A_554 = tpu.memref_slice %arg4[%multiple_of3A, %dma_start3A_553] : memref<5120x64xi32, #tpu.memory_space<hbm>> -> memref<16x64xi32, #tpu.memory_space<hbm>>
        %dma_start3A_555 = arith.constant 0 : i32
        %dma_start3A_556 = tpu.memref_slice %arg4[%multiple_of3A, %dma_start3A_555] : memref<5120x64xi32, #tpu.memory_space<hbm>> -> memref<16x64xi32, #tpu.memory_space<hbm>>
        tpu.enqueue_dma source(%dma_start3A_556 : memref<16x64xi32, #tpu.memory_space<hbm>>) target(%arg8 : memref<16x64xi32, #tpu.memory_space<vmem>>) target_semaphore(%run_scoped3A_552 : memref<!tpu.dma_semaphore, #tpu.memory_space<semaphore_mem>>)
        %dma_wait3A_557 = arith.constant 0 : i32
        %dma_wait3A_558 = tpu.memref_slice %arg4[%multiple_of3A, %dma_wait3A_557] : memref<5120x64xi32, #tpu.memory_space<hbm>> -> memref<16x64xi32, #tpu.memory_space<hbm>>
        %dma_wait3A_559 = arith.constant 0 : i32
        %dma_wait3A_560 = tpu.memref_slice %arg4[%multiple_of3A, %dma_wait3A_559] : memref<5120x64xi32, #tpu.memory_space<hbm>> -> memref<16x64xi32, #tpu.memory_space<hbm>>
        tpu.wait_dma2 semaphore(%run_scoped3A_552 : memref<!tpu.dma_semaphore, #tpu.memory_space<semaphore_mem>>) src(%dma_wait3A_560 : memref<16x64xi32, #tpu.memory_space<hbm>>) dst(%arg8 : memref<16x64xi32, #tpu.memory_space<vmem>>)
        tpu.yield
      }) : () -> ()
      %get3A = arith.constant 0 : i32
      %get3A_60 = arith.index_cast %get3A : i32 to index
      %get3A_61 = arith.constant 0 : index
      %get3A_62 = tpu.vector_load %arg8[%get3A_60, %get3A_61] {strides = array<i32>} : memref<16x64xi32, #tpu.memory_space<vmem>>, vector<16xi32>,
      tpu.vector_store_idx %arg14[%get3A_62], %broadcast_in_dim3A_32 {add = true} : memref<10112xf32, #tpu.memory_space<vmem>>[vector<16xi32>], vector<16xf32>,
      %get3A_63 = arith.constant 0 : i32
      %get3A_64 = arith.index_cast %get3A_63 : i32 to index
      %get3A_65 = arith.constant 16 : index
      %get3A_66 = tpu.vector_load %arg8[%get3A_64, %get3A_65] {strides = array<i32>} : memref<16x64xi32, #tpu.memory_space<vmem>>, vector<16xi32>,
      tpu.vector_store_idx %arg14[%get3A_66], %broadcast_in_dim3A_32 {add = true} : memref<10112xf32, #tpu.memory_space<vmem>>[vector<16xi32>], vector<16xf32>,
      %get3A_67 = arith.constant 0 : i32
      %get3A_68 = arith.index_cast %get3A_67 : i32 to index
      %get3A_69 = arith.constant 32 : index
      %get3A_70 = tpu.vector_load %arg8[%get3A_68, %get3A_69] {strides = array<i32>} : memref<16x64xi32, #tpu.memory_space<vmem>>, vector<16xi32>,
      tpu.vector_store_idx %arg14[%get3A_70], %broadcast_in_dim3A_32 {add = true} : memref<10112xf32, #tpu.memory_space<vmem>>[vector<16xi32>], vector<16xf32>,
      %get3A_71 = arith.constant 0 : i32
      %get3A_72 = arith.index_cast %get3A_71 : i32 to index
      %get3A_73 = arith.constant 48 : index
      %get3A_74 = tpu.vector_load %arg8[%get3A_72, %get3A_73] {strides = array<i32>} : memref<16x64xi32, #tpu.memory_space<vmem>>, vector<16xi32>,
      tpu.vector_store_idx %arg14[%get3A_74], %broadcast_in_dim3A_32 {add = true} : memref<10112xf32, #tpu.memory_space<vmem>>[vector<16xi32>], vector<16xf32>,
      %get3A_75 = arith.constant 1 : i32
      %get3A_76 = arith.index_cast %get3A_75 : i32 to index
      %get3A_77 = arith.constant 0 : index
      %get3A_78 = tpu.vector_load %arg8[%get3A_76, %get3A_77] {strides = array<i32>} : memref<16x64xi32, #tpu.memory_space<vmem>>, vector<16xi32>,
      tpu.vector_store_idx %arg14[%get3A_78], %broadcast_in_dim3A_32 {add = true} : memref<10112xf32, #tpu.memory_space<vmem>>[vector<16xi32>], vector<16xf32>,
      %get3A_79 = arith.constant 1 : i32
      %get3A_80 = arith.index_cast %get3A_79 : i32 to index
      %get3A_81 = arith.constant 16 : index
      %get3A_82 = tpu.vector_load %arg8[%get3A_80, %get3A_81] {strides = array<i32>} : memref<16x64xi32, #tpu.memory_space<vmem>>, vector<16xi32>,
      tpu.vector_store_idx %arg14[%get3A_82], %broadcast_in_dim3A_32 {add = true} : memref<10112xf32, #tpu.memory_space<vmem>>[vector<16xi32>], vector<16xf32>,
      %get3A_83 = arith.constant 1 : i32
      %get3A_84 = arith.index_cast %get3A_83 : i32 to index
      %get3A_85 = arith.constant 32 : index
      %get3A_86 = tpu.vector_load %arg8[%get3A_84, %get3A_85] {strides = array<i32>} : memref<16x64xi32, #tpu.memory_space<vmem>>, vector<16xi32>,
      tpu.vector_store_idx %arg14[%get3A_86], %broadcast_in_dim3A_32 {add = true} : memref<10112xf32, #tpu.memory_space<vmem>>[vector<16xi32>], vector<16xf32>,
      %get3A_87 = arith.constant 1 : i32
      %get3A_88 = arith.index_cast %get3A_87 : i32 to index
      %get3A_89 = arith.constant 48 : index
      %get3A_90 = tpu.vector_load %arg8[%get3A_88, %get3A_89] {strides = array<i32>} : memref<16x64xi32, #tpu.memory_space<vmem>>, vector<16xi32>,
      tpu.vector_store_idx %arg14[%get3A_90], %broadcast_in_dim3A_32 {add = true} : memref<10112xf32, #tpu.memory_space<vmem>>[vector<16xi32>], vector<16xf32>,
      %get3A_91 = arith.constant 2 : i32
      %get3A_92 = arith.index_cast %get3A_91 : i32 to index
      %get3A_93 = arith.constant 0 : index
      %get3A_94 = tpu.vector_load %arg8[%get3A_92, %get3A_93] {strides = array<i32>} : memref<16x64xi32, #tpu.memory_space<vmem>>, vector<16xi32>,
      tpu.vector_store_idx %arg14[%get3A_94], %broadcast_in_dim3A_32 {add = true} : memref<10112xf32, #tpu.memory_space<vmem>>[vector<16xi32>], vector<16xf32>,
      %get3A_95 = arith.constant 2 : i32
      %get3A_96 = arith.index_cast %get3A_95 : i32 to index
      %get3A_97 = arith.constant 16 : index
      %get3A_98 = tpu.vector_load %arg8[%get3A_96, %get3A_97] {strides = array<i32>} : memref<16x64xi32, #tpu.memory_space<vmem>>, vector<16xi32>,
      tpu.vector_store_idx %arg14[%get3A_98], %broadcast_in_dim3A_32 {add = true} : memref<10112xf32, #tpu.memory_space<vmem>>[vector<16xi32>], vector<16xf32>,
      %get3A_99 = arith.constant 2 : i32
      %get3A_100 = arith.index_cast %get3A_99 : i32 to index
      %get3A_101 = arith.constant 32 : index
      %get3A_102 = tpu.vector_load %arg8[%get3A_100, %get3A_101] {strides = array<i32>} : memref<16x64xi32, #tpu.memory_space<vmem>>, vector<16xi32>,
      tpu.vector_store_idx %arg14[%get3A_102], %broadcast_in_dim3A_32 {add = true} : memref<10112xf32, #tpu.memory_space<vmem>>[vector<16xi32>], vector<16xf32>,
      %get3A_103 = arith.constant 2 : i32
      %get3A_104 = arith.index_cast %get3A_103 : i32 to index
      %get3A_105 = arith.constant 48 : index
      %get3A_106 = tpu.vector_load %arg8[%get3A_104, %get3A_105] {strides = array<i32>} : memref<16x64xi32, #tpu.memory_space<vmem>>, vector<16xi32>,
      tpu.vector_store_idx %arg14[%get3A_106], %broadcast_in_dim3A_32 {add = true} : memref<10112xf32, #tpu.memory_space<vmem>>[vector<16xi32>], vector<16xf32>,
      %get3A_107 = arith.constant 3 : i32
      %get3A_108 = arith.index_cast %get3A_107 : i32 to index
      %get3A_109 = arith.constant 0 : index
      %get3A_110 = tpu.vector_load %arg8[%get3A_108, %get3A_109] {strides = array<i32>} : memref<16x64xi32, #tpu.memory_space<vmem>>, vector<16xi32>,
      tpu.vector_store_idx %arg14[%get3A_110], %broadcast_in_dim3A_32 {add = true} : memref<10112xf32, #tpu.memory_space<vmem>>[vector<16xi32>], vector<16xf32>,
      %get3A_111 = arith.constant 3 : i32
      %get3A_112 = arith.index_cast %get3A_111 : i32 to index
      %get3A_113 = arith.constant 16 : index
      %get3A_114 = tpu.vector_load %arg8[%get3A_112, %get3A_113] {strides = array<i32>} : memref<16x64xi32, #tpu.memory_space<vmem>>, vector<16xi32>,
      tpu.vector_store_idx %arg14[%get3A_114], %broadcast_in_dim3A_32 {add = true} : memref<10112xf32, #tpu.memory_space<vmem>>[vector<16xi32>], vector<16xf32>,
      %get3A_115 = arith.constant 3 : i32
      %get3A_116 = arith.index_cast %get3A_115 : i32 to index
      %get3A_117 = arith.constant 32 : index
      %get3A_118 = tpu.vector_load %arg8[%get3A_116, %get3A_117] {strides = array<i32>} : memref<16x64xi32, #tpu.memory_space<vmem>>, vector<16xi32>,
      tpu.vector_store_idx %arg14[%get3A_118], %broadcast_in_dim3A_32 {add = true} : memref<10112xf32, #tpu.memory_space<vmem>>[vector<16xi32>], vector<16xf32>,
      %get3A_119 = arith.constant 3 : i32
      %get3A_120 = arith.index_cast %get3A_119 : i32 to index
      %get3A_121 = arith.constant 48 : index
      %get3A_122 = tpu.vector_load %arg8[%get3A_120, %get3A_121] {strides = array<i32>} : memref<16x64xi32, #tpu.memory_space<vmem>>, vector<16xi32>,
      tpu.vector_store_idx %arg14[%get3A_122], %broadcast_in_dim3A_32 {add = true} : memref<10112xf32, #tpu.memory_space<vmem>>[vector<16xi32>], vector<16xf32>,
      %get3A_123 = arith.constant 4 : i32
      %get3A_124 = arith.index_cast %get3A_123 : i32 to index
      %get3A_125 = arith.constant 0 : index
      %get3A_126 = tpu.vector_load %arg8[%get3A_124, %get3A_125] {strides = array<i32>} : memref<16x64xi32, #tpu.memory_space<vmem>>, vector<16xi32>,
      tpu.vector_store_idx %arg14[%get3A_126], %broadcast_in_dim3A_32 {add = true} : memref<10112xf32, #tpu.memory_space<vmem>>[vector<16xi32>], vector<16xf32>,
      %get3A_127 = arith.constant 4 : i32
      %get3A_128 = arith.index_cast %get3A_127 : i32 to index
      %get3A_129 = arith.constant 16 : index
      %get3A_130 = tpu.vector_load %arg8[%get3A_128, %get3A_129] {strides = array<i32>} : memref<16x64xi32, #tpu.memory_space<vmem>>, vector<16xi32>,
      tpu.vector_store_idx %arg14[%get3A_130], %broadcast_in_dim3A_32 {add = true} : memref<10112xf32, #tpu.memory_space<vmem>>[vector<16xi32>], vector<16xf32>,
      %get3A_131 = arith.constant 4 : i32
      %get3A_132 = arith.index_cast %get3A_131 : i32 to index
      %get3A_133 = arith.constant 32 : index
      %get3A_134 = tpu.vector_load %arg8[%get3A_132, %get3A_133] {strides = array<i32>} : memref<16x64xi32, #tpu.memory_space<vmem>>, vector<16xi32>,
      tpu.vector_store_idx %arg14[%get3A_134], %broadcast_in_dim3A_32 {add = true} : memref<10112xf32, #tpu.memory_space<vmem>>[vector<16xi32>], vector<16xf32>,
      %get3A_135 = arith.constant 4 : i32
      %get3A_136 = arith.index_cast %get3A_135 : i32 to index
      %get3A_137 = arith.constant 48 : index
      %get3A_138 = tpu.vector_load %arg8[%get3A_136, %get3A_137] {strides = array<i32>} : memref<16x64xi32, #tpu.memory_space<vmem>>, vector<16xi32>,
      tpu.vector_store_idx %arg14[%get3A_138], %broadcast_in_dim3A_32 {add = true} : memref<10112xf32, #tpu.memory_space<vmem>>[vector<16xi32>], vector<16xf32>,
      %get3A_139 = arith.constant 5 : i32
      %get3A_140 = arith.index_cast %get3A_139 : i32 to index
      %get3A_141 = arith.constant 0 : index
      %get3A_142 = tpu.vector_load %arg8[%get3A_140, %get3A_141] {strides = array<i32>} : memref<16x64xi32, #tpu.memory_space<vmem>>, vector<16xi32>,
      tpu.vector_store_idx %arg14[%get3A_142], %broadcast_in_dim3A_32 {add = true} : memref<10112xf32, #tpu.memory_space<vmem>>[vector<16xi32>], vector<16xf32>,
      %get3A_143 = arith.constant 5 : i32
      %get3A_144 = arith.index_cast %get3A_143 : i32 to index
      %get3A_145 = arith.constant 16 : index
      %get3A_146 = tpu.vector_load %arg8[%get3A_144, %get3A_145] {strides = array<i32>} : memref<16x64xi32, #tpu.memory_space<vmem>>, vector<16xi32>,
      tpu.vector_store_idx %arg14[%get3A_146], %broadcast_in_dim3A_32 {add = true} : memref<10112xf32, #tpu.memory_space<vmem>>[vector<16xi32>], vector<16xf32>,
      %get3A_147 = arith.constant 5 : i32
      %get3A_148 = arith.index_cast %get3A_147 : i32 to index
      %get3A_149 = arith.constant 32 : index
      %get3A_150 = tpu.vector_load %arg8[%get3A_148, %get3A_149] {strides = array<i32>} : memref<16x64xi32, #tpu.memory_space<vmem>>, vector<16xi32>,
      tpu.vector_store_idx %arg14[%get3A_150], %broadcast_in_dim3A_32 {add = true} : memref<10112xf32, #tpu.memory_space<vmem>>[vector<16xi32>], vector<16xf32>,
      %get3A_151 = arith.constant 5 : i32
      %get3A_152 = arith.index_cast %get3A_151 : i32 to index
      %get3A_153 = arith.constant 48 : index
      %get3A_154 = tpu.vector_load %arg8[%get3A_152, %get3A_153] {strides = array<i32>} : memref<16x64xi32, #tpu.memory_space<vmem>>, vector<16xi32>,
      tpu.vector_store_idx %arg14[%get3A_154], %broadcast_in_dim3A_32 {add = true} : memref<10112xf32, #tpu.memory_space<vmem>>[vector<16xi32>], vector<16xf32>,
      %get3A_155 = arith.constant 6 : i32
      %get3A_156 = arith.index_cast %get3A_155 : i32 to index
      %get3A_157 = arith.constant 0 : index
      %get3A_158 = tpu.vector_load %arg8[%get3A_156, %get3A_157] {strides = array<i32>} : memref<16x64xi32, #tpu.memory_space<vmem>>, vector<16xi32>,
      tpu.vector_store_idx %arg14[%get3A_158], %broadcast_in_dim3A_32 {add = true} : memref<10112xf32, #tpu.memory_space<vmem>>[vector<16xi32>], vector<16xf32>,
      %get3A_159 = arith.constant 6 : i32
      %get3A_160 = arith.index_cast %get3A_159 : i32 to index
      %get3A_161 = arith.constant 16 : index
      %get3A_162 = tpu.vector_load %arg8[%get3A_160, %get3A_161] {strides = array<i32>} : memref<16x64xi32, #tpu.memory_space<vmem>>, vector<16xi32>,
      tpu.vector_store_idx %arg14[%get3A_162], %broadcast_in_dim3A_32 {add = true} : memref<10112xf32, #tpu.memory_space<vmem>>[vector<16xi32>], vector<16xf32>,
      %get3A_163 = arith.constant 6 : i32
      %get3A_164 = arith.index_cast %get3A_163 : i32 to index
      %get3A_165 = arith.constant 32 : index
      %get3A_166 = tpu.vector_load %arg8[%get3A_164, %get3A_165] {strides = array<i32>} : memref<16x64xi32, #tpu.memory_space<vmem>>, vector<16xi32>,
      tpu.vector_store_idx %arg14[%get3A_166], %broadcast_in_dim3A_32 {add = true} : memref<10112xf32, #tpu.memory_space<vmem>>[vector<16xi32>], vector<16xf32>,
      %get3A_167 = arith.constant 6 : i32
      %get3A_168 = arith.index_cast %get3A_167 : i32 to index
      %get3A_169 = arith.constant 48 : index
      %get3A_170 = tpu.vector_load %arg8[%get3A_168, %get3A_169] {strides = array<i32>} : memref<16x64xi32, #tpu.memory_space<vmem>>, vector<16xi32>,
      tpu.vector_store_idx %arg14[%get3A_170], %broadcast_in_dim3A_32 {add = true} : memref<10112xf32, #tpu.memory_space<vmem>>[vector<16xi32>], vector<16xf32>,
      %get3A_171 = arith.constant 7 : i32
      %get3A_172 = arith.index_cast %get3A_171 : i32 to index
      %get3A_173 = arith.constant 0 : index
      %get3A_174 = tpu.vector_load %arg8[%get3A_172, %get3A_173] {strides = array<i32>} : memref<16x64xi32, #tpu.memory_space<vmem>>, vector<16xi32>,
      tpu.vector_store_idx %arg14[%get3A_174], %broadcast_in_dim3A_32 {add = true} : memref<10112xf32, #tpu.memory_space<vmem>>[vector<16xi32>], vector<16xf32>,
      %get3A_175 = arith.constant 7 : i32
      %get3A_176 = arith.index_cast %get3A_175 : i32 to index
      %get3A_177 = arith.constant 16 : index
      %get3A_178 = tpu.vector_load %arg8[%get3A_176, %get3A_177] {strides = array<i32>} : memref<16x64xi32, #tpu.memory_space<vmem>>, vector<16xi32>,
      tpu.vector_store_idx %arg14[%get3A_178], %broadcast_in_dim3A_32 {add = true} : memref<10112xf32, #tpu.memory_space<vmem>>[vector<16xi32>], vector<16xf32>,
      %get3A_179 = arith.constant 7 : i32
      %get3A_180 = arith.index_cast %get3A_179 : i32 to index
      %get3A_181 = arith.constant 32 : index
      %get3A_182 = tpu.vector_load %arg8[%get3A_180, %get3A_181] {strides = array<i32>} : memref<16x64xi32, #tpu.memory_space<vmem>>, vector<16xi32>,
      tpu.vector_store_idx %arg14[%get3A_182], %broadcast_in_dim3A_32 {add = true} : memref<10112xf32, #tpu.memory_space<vmem>>[vector<16xi32>], vector<16xf32>,
      %get3A_183 = arith.constant 7 : i32
      %get3A_184 = arith.index_cast %get3A_183 : i32 to index
      %get3A_185 = arith.constant 48 : index
      %get3A_186 = tpu.vector_load %arg8[%get3A_184, %get3A_185] {strides = array<i32>} : memref<16x64xi32, #tpu.memory_space<vmem>>, vector<16xi32>,
      tpu.vector_store_idx %arg14[%get3A_186], %broadcast_in_dim3A_32 {add = true} : memref<10112xf32, #tpu.memory_space<vmem>>[vector<16xi32>], vector<16xf32>,
      %get3A_187 = arith.constant 8 : i32
      %get3A_188 = arith.index_cast %get3A_187 : i32 to index
      %get3A_189 = arith.constant 0 : index
      %get3A_190 = tpu.vector_load %arg8[%get3A_188, %get3A_189] {strides = array<i32>} : memref<16x64xi32, #tpu.memory_space<vmem>>, vector<16xi32>,
      tpu.vector_store_idx %arg14[%get3A_190], %broadcast_in_dim3A_32 {add = true} : memref<10112xf32, #tpu.memory_space<vmem>>[vector<16xi32>], vector<16xf32>,
      %get3A_191 = arith.constant 8 : i32
      %get3A_192 = arith.index_cast %get3A_191 : i32 to index
      %get3A_193 = arith.constant 16 : index
      %get3A_194 = tpu.vector_load %arg8[%get3A_192, %get3A_193] {strides = array<i32>} : memref<16x64xi32, #tpu.memory_space<vmem>>, vector<16xi32>,
      tpu.vector_store_idx %arg14[%get3A_194], %broadcast_in_dim3A_32 {add = true} : memref<10112xf32, #tpu.memory_space<vmem>>[vector<16xi32>], vector<16xf32>,
      %get3A_195 = arith.constant 8 : i32
      %get3A_196 = arith.index_cast %get3A_195 : i32 to index
      %get3A_197 = arith.constant 32 : index
      %get3A_198 = tpu.vector_load %arg8[%get3A_196, %get3A_197] {strides = array<i32>} : memref<16x64xi32, #tpu.memory_space<vmem>>, vector<16xi32>,
      tpu.vector_store_idx %arg14[%get3A_198], %broadcast_in_dim3A_32 {add = true} : memref<10112xf32, #tpu.memory_space<vmem>>[vector<16xi32>], vector<16xf32>,
      %get3A_199 = arith.constant 8 : i32
      %get3A_200 = arith.index_cast %get3A_199 : i32 to index
      %get3A_201 = arith.constant 48 : index
      %get3A_202 = tpu.vector_load %arg8[%get3A_200, %get3A_201] {strides = array<i32>} : memref<16x64xi32, #tpu.memory_space<vmem>>, vector<16xi32>,
      tpu.vector_store_idx %arg14[%get3A_202], %broadcast_in_dim3A_32 {add = true} : memref<10112xf32, #tpu.memory_space<vmem>>[vector<16xi32>], vector<16xf32>,
      %get3A_203 = arith.constant 9 : i32
      %get3A_204 = arith.index_cast %get3A_203 : i32 to index
      %get3A_205 = arith.constant 0 : index
      %get3A_206 = tpu.vector_load %arg8[%get3A_204, %get3A_205] {strides = array<i32>} : memref<16x64xi32, #tpu.memory_space<vmem>>, vector<16xi32>,
      tpu.vector_store_idx %arg14[%get3A_206], %broadcast_in_dim3A_32 {add = true} : memref<10112xf32, #tpu.memory_space<vmem>>[vector<16xi32>], vector<16xf32>,
      %get3A_207 = arith.constant 9 : i32
      %get3A_208 = arith.index_cast %get3A_207 : i32 to index
      %get3A_209 = arith.constant 16 : index
      %get3A_210 = tpu.vector_load %arg8[%get3A_208, %get3A_209] {strides = array<i32>} : memref<16x64xi32, #tpu.memory_space<vmem>>, vector<16xi32>,
      tpu.vector_store_idx %arg14[%get3A_210], %broadcast_in_dim3A_32 {add = true} : memref<10112xf32, #tpu.memory_space<vmem>>[vector<16xi32>], vector<16xf32>,
      %get3A_211 = arith.constant 9 : i32
      %get3A_212 = arith.index_cast %get3A_211 : i32 to index
      %get3A_213 = arith.constant 32 : index
      %get3A_214 = tpu.vector_load %arg8[%get3A_212, %get3A_213] {strides = array<i32>} : memref<16x64xi32, #tpu.memory_space<vmem>>, vector<16xi32>,
      tpu.vector_store_idx %arg14[%get3A_214], %broadcast_in_dim3A_32 {add = true} : memref<10112xf32, #tpu.memory_space<vmem>>[vector<16xi32>], vector<16xf32>,
      %get3A_215 = arith.constant 9 : i32
      %get3A_216 = arith.index_cast %get3A_215 : i32 to index
      %get3A_217 = arith.constant 48 : index
      %get3A_218 = tpu.vector_load %arg8[%get3A_216, %get3A_217] {strides = array<i32>} : memref<16x64xi32, #tpu.memory_space<vmem>>, vector<16xi32>,
      tpu.vector_store_idx %arg14[%get3A_218], %broadcast_in_dim3A_32 {add = true} : memref<10112xf32, #tpu.memory_space<vmem>>[vector<16xi32>], vector<16xf32>,
      %get3A_219 = arith.constant 10 : i32
      %get3A_220 = arith.index_cast %get3A_219 : i32 to index
      %get3A_221 = arith.constant 0 : index
      %get3A_222 = tpu.vector_load %arg8[%get3A_220, %get3A_221] {strides = array<i32>} : memref<16x64xi32, #tpu.memory_space<vmem>>, vector<16xi32>,
      tpu.vector_store_idx %arg14[%get3A_222], %broadcast_in_dim3A_32 {add = true} : memref<10112xf32, #tpu.memory_space<vmem>>[vector<16xi32>], vector<16xf32>,
      %get3A_223 = arith.constant 10 : i32
      %get3A_224 = arith.index_cast %get3A_223 : i32 to index
      %get3A_225 = arith.constant 16 : index
      %get3A_226 = tpu.vector_load %arg8[%get3A_224, %get3A_225] {strides = array<i32>} : memref<16x64xi32, #tpu.memory_space<vmem>>, vector<16xi32>,
      tpu.vector_store_idx %arg14[%get3A_226], %broadcast_in_dim3A_32 {add = true} : memref<10112xf32, #tpu.memory_space<vmem>>[vector<16xi32>], vector<16xf32>,
      %get3A_227 = arith.constant 10 : i32
      %get3A_228 = arith.index_cast %get3A_227 : i32 to index
      %get3A_229 = arith.constant 32 : index
      %get3A_230 = tpu.vector_load %arg8[%get3A_228, %get3A_229] {strides = array<i32>} : memref<16x64xi32, #tpu.memory_space<vmem>>, vector<16xi32>,
      tpu.vector_store_idx %arg14[%get3A_230], %broadcast_in_dim3A_32 {add = true} : memref<10112xf32, #tpu.memory_space<vmem>>[vector<16xi32>], vector<16xf32>,
      %get3A_231 = arith.constant 10 : i32
      %get3A_232 = arith.index_cast %get3A_231 : i32 to index
      %get3A_233 = arith.constant 48 : index
      %get3A_234 = tpu.vector_load %arg8[%get3A_232, %get3A_233] {strides = array<i32>} : memref<16x64xi32, #tpu.memory_space<vmem>>, vector<16xi32>,
      tpu.vector_store_idx %arg14[%get3A_234], %broadcast_in_dim3A_32 {add = true} : memref<10112xf32, #tpu.memory_space<vmem>>[vector<16xi32>], vector<16xf32>,
      %get3A_235 = arith.constant 11 : i32
      %get3A_236 = arith.index_cast %get3A_235 : i32 to index
      %get3A_237 = arith.constant 0 : index
      %get3A_238 = tpu.vector_load %arg8[%get3A_236, %get3A_237] {strides = array<i32>} : memref<16x64xi32, #tpu.memory_space<vmem>>, vector<16xi32>,
      tpu.vector_store_idx %arg14[%get3A_238], %broadcast_in_dim3A_32 {add = true} : memref<10112xf32, #tpu.memory_space<vmem>>[vector<16xi32>], vector<16xf32>,
      %get3A_239 = arith.constant 11 : i32
      %get3A_240 = arith.index_cast %get3A_239 : i32 to index
      %get3A_241 = arith.constant 16 : index
      %get3A_242 = tpu.vector_load %arg8[%get3A_240, %get3A_241] {strides = array<i32>} : memref<16x64xi32, #tpu.memory_space<vmem>>, vector<16xi32>,
      tpu.vector_store_idx %arg14[%get3A_242], %broadcast_in_dim3A_32 {add = true} : memref<10112xf32, #tpu.memory_space<vmem>>[vector<16xi32>], vector<16xf32>,
      %get3A_243 = arith.constant 11 : i32
      %get3A_244 = arith.index_cast %get3A_243 : i32 to index
      %get3A_245 = arith.constant 32 : index
      %get3A_246 = tpu.vector_load %arg8[%get3A_244, %get3A_245] {strides = array<i32>} : memref<16x64xi32, #tpu.memory_space<vmem>>, vector<16xi32>,
      tpu.vector_store_idx %arg14[%get3A_246], %broadcast_in_dim3A_32 {add = true} : memref<10112xf32, #tpu.memory_space<vmem>>[vector<16xi32>], vector<16xf32>,
      %get3A_247 = arith.constant 11 : i32
      %get3A_248 = arith.index_cast %get3A_247 : i32 to index
      %get3A_249 = arith.constant 48 : index
      %get3A_250 = tpu.vector_load %arg8[%get3A_248, %get3A_249] {strides = array<i32>} : memref<16x64xi32, #tpu.memory_space<vmem>>, vector<16xi32>,
      tpu.vector_store_idx %arg14[%get3A_250], %broadcast_in_dim3A_32 {add = true} : memref<10112xf32, #tpu.memory_space<vmem>>[vector<16xi32>], vector<16xf32>,
      %get3A_251 = arith.constant 12 : i32
      %get3A_252 = arith.index_cast %get3A_251 : i32 to index
      %get3A_253 = arith.constant 0 : index
      %get3A_254 = tpu.vector_load %arg8[%get3A_252, %get3A_253] {strides = array<i32>} : memref<16x64xi32, #tpu.memory_space<vmem>>, vector<16xi32>,
      tpu.vector_store_idx %arg14[%get3A_254], %broadcast_in_dim3A_32 {add = true} : memref<10112xf32, #tpu.memory_space<vmem>>[vector<16xi32>], vector<16xf32>,
      %get3A_255 = arith.constant 12 : i32
      %get3A_256 = arith.index_cast %get3A_255 : i32 to index
      %get3A_257 = arith.constant 16 : index
      %get3A_258 = tpu.vector_load %arg8[%get3A_256, %get3A_257] {strides = array<i32>} : memref<16x64xi32, #tpu.memory_space<vmem>>, vector<16xi32>,
      tpu.vector_store_idx %arg14[%get3A_258], %broadcast_in_dim3A_32 {add = true} : memref<10112xf32, #tpu.memory_space<vmem>>[vector<16xi32>], vector<16xf32>,
      %get3A_259 = arith.constant 12 : i32
      %get3A_260 = arith.index_cast %get3A_259 : i32 to index
      %get3A_261 = arith.constant 32 : index
      %get3A_262 = tpu.vector_load %arg8[%get3A_260, %get3A_261] {strides = array<i32>} : memref<16x64xi32, #tpu.memory_space<vmem>>, vector<16xi32>,
      tpu.vector_store_idx %arg14[%get3A_262], %broadcast_in_dim3A_32 {add = true} : memref<10112xf32, #tpu.memory_space<vmem>>[vector<16xi32>], vector<16xf32>,
      %get3A_263 = arith.constant 12 : i32
      %get3A_264 = arith.index_cast %get3A_263 : i32 to index
      %get3A_265 = arith.constant 48 : index
      %get3A_266 = tpu.vector_load %arg8[%get3A_264, %get3A_265] {strides = array<i32>} : memref<16x64xi32, #tpu.memory_space<vmem>>, vector<16xi32>,
      tpu.vector_store_idx %arg14[%get3A_266], %broadcast_in_dim3A_32 {add = true} : memref<10112xf32, #tpu.memory_space<vmem>>[vector<16xi32>], vector<16xf32>,
      %get3A_267 = arith.constant 13 : i32
      %get3A_268 = arith.index_cast %get3A_267 : i32 to index
      %get3A_269 = arith.constant 0 : index
      %get3A_270 = tpu.vector_load %arg8[%get3A_268, %get3A_269] {strides = array<i32>} : memref<16x64xi32, #tpu.memory_space<vmem>>, vector<16xi32>,
      tpu.vector_store_idx %arg14[%get3A_270], %broadcast_in_dim3A_32 {add = true} : memref<10112xf32, #tpu.memory_space<vmem>>[vector<16xi32>], vector<16xf32>,
      %get3A_271 = arith.constant 13 : i32
      %get3A_272 = arith.index_cast %get3A_271 : i32 to index
      %get3A_273 = arith.constant 16 : index
      %get3A_274 = tpu.vector_load %arg8[%get3A_272, %get3A_273] {strides = array<i32>} : memref<16x64xi32, #tpu.memory_space<vmem>>, vector<16xi32>,
      tpu.vector_store_idx %arg14[%get3A_274], %broadcast_in_dim3A_32 {add = true} : memref<10112xf32, #tpu.memory_space<vmem>>[vector<16xi32>], vector<16xf32>,
      %get3A_275 = arith.constant 13 : i32
      %get3A_276 = arith.index_cast %get3A_275 : i32 to index
      %get3A_277 = arith.constant 32 : index
      %get3A_278 = tpu.vector_load %arg8[%get3A_276, %get3A_277] {strides = array<i32>} : memref<16x64xi32, #tpu.memory_space<vmem>>, vector<16xi32>,
      tpu.vector_store_idx %arg14[%get3A_278], %broadcast_in_dim3A_32 {add = true} : memref<10112xf32, #tpu.memory_space<vmem>>[vector<16xi32>], vector<16xf32>,
      %get3A_279 = arith.constant 13 : i32
      %get3A_280 = arith.index_cast %get3A_279 : i32 to index
      %get3A_281 = arith.constant 48 : index
      %get3A_282 = tpu.vector_load %arg8[%get3A_280, %get3A_281] {strides = array<i32>} : memref<16x64xi32, #tpu.memory_space<vmem>>, vector<16xi32>,
      tpu.vector_store_idx %arg14[%get3A_282], %broadcast_in_dim3A_32 {add = true} : memref<10112xf32, #tpu.memory_space<vmem>>[vector<16xi32>], vector<16xf32>,
      %get3A_283 = arith.constant 14 : i32
      %get3A_284 = arith.index_cast %get3A_283 : i32 to index
      %get3A_285 = arith.constant 0 : index
      %get3A_286 = tpu.vector_load %arg8[%get3A_284, %get3A_285] {strides = array<i32>} : memref<16x64xi32, #tpu.memory_space<vmem>>, vector<16xi32>,
      tpu.vector_store_idx %arg14[%get3A_286], %broadcast_in_dim3A_32 {add = true} : memref<10112xf32, #tpu.memory_space<vmem>>[vector<16xi32>], vector<16xf32>,
      %get3A_287 = arith.constant 14 : i32
      %get3A_288 = arith.index_cast %get3A_287 : i32 to index
      %get3A_289 = arith.constant 16 : index
      %get3A_290 = tpu.vector_load %arg8[%get3A_288, %get3A_289] {strides = array<i32>} : memref<16x64xi32, #tpu.memory_space<vmem>>, vector<16xi32>,
      tpu.vector_store_idx %arg14[%get3A_290], %broadcast_in_dim3A_32 {add = true} : memref<10112xf32, #tpu.memory_space<vmem>>[vector<16xi32>], vector<16xf32>,
      %get3A_291 = arith.constant 14 : i32
      %get3A_292 = arith.index_cast %get3A_291 : i32 to index
      %get3A_293 = arith.constant 32 : index
      %get3A_294 = tpu.vector_load %arg8[%get3A_292, %get3A_293] {strides = array<i32>} : memref<16x64xi32, #tpu.memory_space<vmem>>, vector<16xi32>,
      tpu.vector_store_idx %arg14[%get3A_294], %broadcast_in_dim3A_32 {add = true} : memref<10112xf32, #tpu.memory_space<vmem>>[vector<16xi32>], vector<16xf32>,
      %get3A_295 = arith.constant 14 : i32
      %get3A_296 = arith.index_cast %get3A_295 : i32 to index
      %get3A_297 = arith.constant 48 : index
      %get3A_298 = tpu.vector_load %arg8[%get3A_296, %get3A_297] {strides = array<i32>} : memref<16x64xi32, #tpu.memory_space<vmem>>, vector<16xi32>,
      tpu.vector_store_idx %arg14[%get3A_298], %broadcast_in_dim3A_32 {add = true} : memref<10112xf32, #tpu.memory_space<vmem>>[vector<16xi32>], vector<16xf32>,
      %get3A_299 = arith.constant 15 : i32
      %get3A_300 = arith.index_cast %get3A_299 : i32 to index
      %get3A_301 = arith.constant 0 : index
      %get3A_302 = tpu.vector_load %arg8[%get3A_300, %get3A_301] {strides = array<i32>} : memref<16x64xi32, #tpu.memory_space<vmem>>, vector<16xi32>,
      tpu.vector_store_idx %arg14[%get3A_302], %broadcast_in_dim3A_32 {add = true} : memref<10112xf32, #tpu.memory_space<vmem>>[vector<16xi32>], vector<16xf32>,
      %get3A_303 = arith.constant 15 : i32
      %get3A_304 = arith.index_cast %get3A_303 : i32 to index
      %get3A_305 = arith.constant 16 : index
      %get3A_306 = tpu.vector_load %arg8[%get3A_304, %get3A_305] {strides = array<i32>} : memref<16x64xi32, #tpu.memory_space<vmem>>, vector<16xi32>,
      tpu.vector_store_idx %arg14[%get3A_306], %broadcast_in_dim3A_32 {add = true} : memref<10112xf32, #tpu.memory_space<vmem>>[vector<16xi32>], vector<16xf32>,
      %get3A_307 = arith.constant 15 : i32
      %get3A_308 = arith.index_cast %get3A_307 : i32 to index
      %get3A_309 = arith.constant 32 : index
      %get3A_310 = tpu.vector_load %arg8[%get3A_308, %get3A_309] {strides = array<i32>} : memref<16x64xi32, #tpu.memory_space<vmem>>, vector<16xi32>,
      tpu.vector_store_idx %arg14[%get3A_310], %broadcast_in_dim3A_32 {add = true} : memref<10112xf32, #tpu.memory_space<vmem>>[vector<16xi32>], vector<16xf32>,
      %get3A_311 = arith.constant 15 : i32
      %get3A_312 = arith.index_cast %get3A_311 : i32 to index
      %get3A_313 = arith.constant 48 : index
      %get3A_314 = tpu.vector_load %arg8[%get3A_312, %get3A_313] {strides = array<i32>} : memref<16x64xi32, #tpu.memory_space<vmem>>, vector<16xi32>,
      tpu.vector_store_idx %arg14[%get3A_314], %broadcast_in_dim3A_32 {add = true} : memref<10112xf32, #tpu.memory_space<vmem>>[vector<16xi32>], vector<16xf32>,
      %dma_start3A = arith.constant 0 : i32
      %dma_start3A_315 = arith.constant 0 : i32
      %dma_start3A_316 = tpu.memref_slice %arg7[%dma_start3A, %dma_start3A_315] : memref<16x64xi32, #tpu.memory_space<vmem>> -> memref<1x64xi32, #tpu.memory_space<vmem>>
      %dma_start3A_317 = tpu.memref_squeeze %dma_start3A_316 : memref<1x64xi32, #tpu.memory_space<vmem>> -> memref<64xi32, #tpu.memory_space<vmem>>
      %dma_start3A_318 = arith.constant 0 : i32
      %dma_start3A_319 = arith.constant 0 : i32
      %dma_start3A_320 = tpu.memref_slice %arg2[%dma_start3A_318, %dma_start3A_319] : memref<10000x128xf32, #tpu.memory_space<hbm>> -> memref<10000x128xf32, #tpu.memory_space<hbm>>
      tpu.enqueue_indirect_dma source(%dma_start3A_320 : memref<10000x128xf32, #tpu.memory_space<hbm>>) target(%arg9 : memref<64x128xf32, #tpu.memory_space<vmem>>) offsets(%dma_start3A_317 : memref<64xi32, #tpu.memory_space<vmem>>) semaphore(%arg12 : memref<!tpu.dma_semaphore, #tpu.memory_space<semaphore_mem>>)
      %dma_start3A_321 = arith.constant 1 : i32
      %dma_start3A_322 = arith.constant 0 : i32
      %dma_start3A_323 = tpu.memref_slice %arg7[%dma_start3A_321, %dma_start3A_322] : memref<16x64xi32, #tpu.memory_space<vmem>> -> memref<1x64xi32, #tpu.memory_space<vmem>>
      %dma_start3A_324 = tpu.memref_squeeze %dma_start3A_323 : memref<1x64xi32, #tpu.memory_space<vmem>> -> memref<64xi32, #tpu.memory_space<vmem>>
      %dma_start3A_325 = arith.constant 0 : i32
      %dma_start3A_326 = arith.constant 0 : i32
      %dma_start3A_327 = tpu.memref_slice %arg2[%dma_start3A_325, %dma_start3A_326] : memref<10000x128xf32, #tpu.memory_space<hbm>> -> memref<10000x128xf32, #tpu.memory_space<hbm>>
      tpu.enqueue_indirect_dma source(%dma_start3A_327 : memref<10000x128xf32, #tpu.memory_space<hbm>>) target(%arg10 : memref<64x128xf32, #tpu.memory_space<vmem>>) offsets(%dma_start3A_324 : memref<64xi32, #tpu.memory_space<vmem>>) semaphore(%arg13 : memref<!tpu.dma_semaphore, #tpu.memory_space<semaphore_mem>>)
      %dma_wait3A = arith.constant 0 : i32
      %dma_wait3A_328 = arith.constant 0 : i32
      %dma_wait3A_329 = tpu.memref_slice %arg7[%dma_wait3A, %dma_wait3A_328] : memref<16x64xi32, #tpu.memory_space<vmem>> -> memref<1x64xi32, #tpu.memory_space<vmem>>
      %dma_wait3A_330 = tpu.memref_squeeze %dma_wait3A_329 : memref<1x64xi32, #tpu.memory_space<vmem>> -> memref<64xi32, #tpu.memory_space<vmem>>
      %dma_wait3A_331 = arith.constant 0 : i32
      %dma_wait3A_332 = arith.constant 0 : i32
      %dma_wait3A_333 = tpu.memref_slice %arg2[%dma_wait3A_331, %dma_wait3A_332] : memref<10000x128xf32, #tpu.memory_space<hbm>> -> memref<10000x128xf32, #tpu.memory_space<hbm>>
      tpu.wait_indirect_dma semaphore(%arg12 : memref<!tpu.dma_semaphore, #tpu.memory_space<semaphore_mem>>) src(%dma_wait3A_333 : memref<10000x128xf32, #tpu.memory_space<hbm>>) dst(%arg9 : memref<64x128xf32, #tpu.memory_space<vmem>>)
      %run_scoped3A = arith.constant 0 : i32
      "tpu.region"() ({
        %run_scoped3A_552 = tpu.sem_alloc : memref<!tpu.dma_semaphore, #tpu.memory_space<semaphore_mem>>
        %dma_start3A_553 = arith.constant 0 : i32
        %dma_start3A_554 = tpu.memref_slice %arg8[%run_scoped3A, %dma_start3A_553] : memref<16x64xi32, #tpu.memory_space<vmem>> -> memref<1x64xi32, #tpu.memory_space<vmem>>
        %dma_start3A_555 = tpu.memref_squeeze %dma_start3A_554 : memref<1x64xi32, #tpu.memory_space<vmem>> -> memref<64xi32, #tpu.memory_space<vmem>>
        %dma_start3A_556 = arith.constant 0 : i32
        %dma_start3A_557 = arith.constant 0 : i32
        %dma_start3A_558 = tpu.memref_slice %arg11[%dma_start3A_556, %dma_start3A_557] : memref<10112x128xf32, #tpu.memory_space<vmem_shared>> -> memref<10112x128xf32, #tpu.memory_space<vmem_shared>>
        tpu.enqueue_indirect_dma source(%arg9 : memref<64x128xf32, #tpu.memory_space<vmem>>) target(%dma_start3A_558 : memref<10112x128xf32, #tpu.memory_space<vmem_shared>>) offsets(%dma_start3A_555 : memref<64xi32, #tpu.memory_space<vmem>>) semaphore(%run_scoped3A_552 : memref<!tpu.dma_semaphore, #tpu.memory_space<semaphore_mem>>) {add = true}
        %dma_wait3A_559 = arith.constant 0 : i32
        %dma_wait3A_560 = tpu.memref_slice %arg8[%run_scoped3A, %dma_wait3A_559] : memref<16x64xi32, #tpu.memory_space<vmem>> -> memref<1x64xi32, #tpu.memory_space<vmem>>
        %dma_wait3A_561 = tpu.memref_squeeze %dma_wait3A_560 : memref<1x64xi32, #tpu.memory_space<vmem>> -> memref<64xi32, #tpu.memory_space<vmem>>
        %dma_wait3A_562 = arith.constant 0 : i32
        %dma_wait3A_563 = arith.constant 0 : i32
        %dma_wait3A_564 = tpu.memref_slice %arg11[%dma_wait3A_562, %dma_wait3A_563] : memref<10112x128xf32, #tpu.memory_space<vmem_shared>> -> memref<10112x128xf32, #tpu.memory_space<vmem_shared>>
        tpu.wait_indirect_dma semaphore(%run_scoped3A_552 : memref<!tpu.dma_semaphore, #tpu.memory_space<semaphore_mem>>) src(%arg9 : memref<64x128xf32, #tpu.memory_space<vmem>>) dst(%dma_wait3A_564 : memref<10112x128xf32, #tpu.memory_space<vmem_shared>>)
        tpu.yield
      }) : () -> ()
      %dma_start3A_334 = arith.constant 2 : i32
      %dma_start3A_335 = arith.constant 0 : i32
      %dma_start3A_336 = tpu.memref_slice %arg7[%dma_start3A_334, %dma_start3A_335] : memref<16x64xi32, #tpu.memory_space<vmem>> -> memref<1x64xi32, #tpu.memory_space<vmem>>
      %dma_start3A_337 = tpu.memref_squeeze %dma_start3A_336 : memref<1x64xi32, #tpu.memory_space<vmem>> -> memref<64xi32, #tpu.memory_space<vmem>>
      %dma_start3A_338 = arith.constant 0 : i32
      %dma_start3A_339 = arith.constant 0 : i32
      %dma_start3A_340 = tpu.memref_slice %arg2[%dma_start3A_338, %dma_start3A_339] : memref<10000x128xf32, #tpu.memory_space<hbm>> -> memref<10000x128xf32, #tpu.memory_space<hbm>>
      tpu.enqueue_indirect_dma source(%dma_start3A_340 : memref<10000x128xf32, #tpu.memory_space<hbm>>) target(%arg9 : memref<64x128xf32, #tpu.memory_space<vmem>>) offsets(%dma_start3A_337 : memref<64xi32, #tpu.memory_space<vmem>>) semaphore(%arg12 : memref<!tpu.dma_semaphore, #tpu.memory_space<semaphore_mem>>)
      %dma_wait3A_341 = arith.constant 1 : i32
      %dma_wait3A_342 = arith.constant 0 : i32
      %dma_wait3A_343 = tpu.memref_slice %arg7[%dma_wait3A_341, %dma_wait3A_342] : memref<16x64xi32, #tpu.memory_space<vmem>> -> memref<1x64xi32, #tpu.memory_space<vmem>>
      %dma_wait3A_344 = tpu.memref_squeeze %dma_wait3A_343 : memref<1x64xi32, #tpu.memory_space<vmem>> -> memref<64xi32, #tpu.memory_space<vmem>>
      %dma_wait3A_345 = arith.constant 0 : i32
      %dma_wait3A_346 = arith.constant 0 : i32
      %dma_wait3A_347 = tpu.memref_slice %arg2[%dma_wait3A_345, %dma_wait3A_346] : memref<10000x128xf32, #tpu.memory_space<hbm>> -> memref<10000x128xf32, #tpu.memory_space<hbm>>
      tpu.wait_indirect_dma semaphore(%arg13 : memref<!tpu.dma_semaphore, #tpu.memory_space<semaphore_mem>>) src(%dma_wait3A_347 : memref<10000x128xf32, #tpu.memory_space<hbm>>) dst(%arg10 : memref<64x128xf32, #tpu.memory_space<vmem>>)
      %run_scoped3A_348 = arith.constant 1 : i32
      "tpu.region"() ({
        %run_scoped3A_552 = tpu.sem_alloc : memref<!tpu.dma_semaphore, #tpu.memory_space<semaphore_mem>>
        %dma_start3A_553 = arith.constant 0 : i32
        %dma_start3A_554 = tpu.memref_slice %arg8[%run_scoped3A_348, %dma_start3A_553] : memref<16x64xi32, #tpu.memory_space<vmem>> -> memref<1x64xi32, #tpu.memory_space<vmem>>
        %dma_start3A_555 = tpu.memref_squeeze %dma_start3A_554 : memref<1x64xi32, #tpu.memory_space<vmem>> -> memref<64xi32, #tpu.memory_space<vmem>>
        %dma_start3A_556 = arith.constant 0 : i32
        %dma_start3A_557 = arith.constant 0 : i32
        %dma_start3A_558 = tpu.memref_slice %arg11[%dma_start3A_556, %dma_start3A_557] : memref<10112x128xf32, #tpu.memory_space<vmem_shared>> -> memref<10112x128xf32, #tpu.memory_space<vmem_shared>>
        tpu.enqueue_indirect_dma source(%arg10 : memref<64x128xf32, #tpu.memory_space<vmem>>) target(%dma_start3A_558 : memref<10112x128xf32, #tpu.memory_space<vmem_shared>>) offsets(%dma_start3A_555 : memref<64xi32, #tpu.memory_space<vmem>>) semaphore(%run_scoped3A_552 : memref<!tpu.dma_semaphore, #tpu.memory_space<semaphore_mem>>) {add = true}
        %dma_wait3A_559 = arith.constant 0 : i32
        %dma_wait3A_560 = tpu.memref_slice %arg8[%run_scoped3A_348, %dma_wait3A_559] : memref<16x64xi32, #tpu.memory_space<vmem>> -> memref<1x64xi32, #tpu.memory_space<vmem>>
        %dma_wait3A_561 = tpu.memref_squeeze %dma_wait3A_560 : memref<1x64xi32, #tpu.memory_space<vmem>> -> memref<64xi32, #tpu.memory_space<vmem>>
        %dma_wait3A_562 = arith.constant 0 : i32
        %dma_wait3A_563 = arith.constant 0 : i32
        %dma_wait3A_564 = tpu.memref_slice %arg11[%dma_wait3A_562, %dma_wait3A_563] : memref<10112x128xf32, #tpu.memory_space<vmem_shared>> -> memref<10112x128xf32, #tpu.memory_space<vmem_shared>>
        tpu.wait_indirect_dma semaphore(%run_scoped3A_552 : memref<!tpu.dma_semaphore, #tpu.memory_space<semaphore_mem>>) src(%arg10 : memref<64x128xf32, #tpu.memory_space<vmem>>) dst(%dma_wait3A_564 : memref<10112x128xf32, #tpu.memory_space<vmem_shared>>)
        tpu.yield
      }) : () -> ()
      %dma_start3A_349 = arith.constant 3 : i32
      %dma_start3A_350 = arith.constant 0 : i32
      %dma_start3A_351 = tpu.memref_slice %arg7[%dma_start3A_349, %dma_start3A_350] : memref<16x64xi32, #tpu.memory_space<vmem>> -> memref<1x64xi32, #tpu.memory_space<vmem>>
      %dma_start3A_352 = tpu.memref_squeeze %dma_start3A_351 : memref<1x64xi32, #tpu.memory_space<vmem>> -> memref<64xi32, #tpu.memory_space<vmem>>
      %dma_start3A_353 = arith.constant 0 : i32
      %dma_start3A_354 = arith.constant 0 : i32
      %dma_start3A_355 = tpu.memref_slice %arg2[%dma_start3A_353, %dma_start3A_354] : memref<10000x128xf32, #tpu.memory_space<hbm>> -> memref<10000x128xf32, #tpu.memory_space<hbm>>
      tpu.enqueue_indirect_dma source(%dma_start3A_355 : memref<10000x128xf32, #tpu.memory_space<hbm>>) target(%arg10 : memref<64x128xf32, #tpu.memory_space<vmem>>) offsets(%dma_start3A_352 : memref<64xi32, #tpu.memory_space<vmem>>) semaphore(%arg13 : memref<!tpu.dma_semaphore, #tpu.memory_space<semaphore_mem>>)
      %dma_wait3A_356 = arith.constant 2 : i32
      %dma_wait3A_357 = arith.constant 0 : i32
      %dma_wait3A_358 = tpu.memref_slice %arg7[%dma_wait3A_356, %dma_wait3A_357] : memref<16x64xi32, #tpu.memory_space<vmem>> -> memref<1x64xi32, #tpu.memory_space<vmem>>
      %dma_wait3A_359 = tpu.memref_squeeze %dma_wait3A_358 : memref<1x64xi32, #tpu.memory_space<vmem>> -> memref<64xi32, #tpu.memory_space<vmem>>
      %dma_wait3A_360 = arith.constant 0 : i32
      %dma_wait3A_361 = arith.constant 0 : i32
      %dma_wait3A_362 = tpu.memref_slice %arg2[%dma_wait3A_360, %dma_wait3A_361] : memref<10000x128xf32, #tpu.memory_space<hbm>> -> memref<10000x128xf32, #tpu.memory_space<hbm>>
      tpu.wait_indirect_dma semaphore(%arg12 : memref<!tpu.dma_semaphore, #tpu.memory_space<semaphore_mem>>) src(%dma_wait3A_362 : memref<10000x128xf32, #tpu.memory_space<hbm>>) dst(%arg9 : memref<64x128xf32, #tpu.memory_space<vmem>>)
      %run_scoped3A_363 = arith.constant 2 : i32
      "tpu.region"() ({
        %run_scoped3A_552 = tpu.sem_alloc : memref<!tpu.dma_semaphore, #tpu.memory_space<semaphore_mem>>
        %dma_start3A_553 = arith.constant 0 : i32
        %dma_start3A_554 = tpu.memref_slice %arg8[%run_scoped3A_363, %dma_start3A_553] : memref<16x64xi32, #tpu.memory_space<vmem>> -> memref<1x64xi32, #tpu.memory_space<vmem>>
        %dma_start3A_555 = tpu.memref_squeeze %dma_start3A_554 : memref<1x64xi32, #tpu.memory_space<vmem>> -> memref<64xi32, #tpu.memory_space<vmem>>
        %dma_start3A_556 = arith.constant 0 : i32
        %dma_start3A_557 = arith.constant 0 : i32
        %dma_start3A_558 = tpu.memref_slice %arg11[%dma_start3A_556, %dma_start3A_557] : memref<10112x128xf32, #tpu.memory_space<vmem_shared>> -> memref<10112x128xf32, #tpu.memory_space<vmem_shared>>
        tpu.enqueue_indirect_dma source(%arg9 : memref<64x128xf32, #tpu.memory_space<vmem>>) target(%dma_start3A_558 : memref<10112x128xf32, #tpu.memory_space<vmem_shared>>) offsets(%dma_start3A_555 : memref<64xi32, #tpu.memory_space<vmem>>) semaphore(%run_scoped3A_552 : memref<!tpu.dma_semaphore, #tpu.memory_space<semaphore_mem>>) {add = true}
        %dma_wait3A_559 = arith.constant 0 : i32
        %dma_wait3A_560 = tpu.memref_slice %arg8[%run_scoped3A_363, %dma_wait3A_559] : memref<16x64xi32, #tpu.memory_space<vmem>> -> memref<1x64xi32, #tpu.memory_space<vmem>>
        %dma_wait3A_561 = tpu.memref_squeeze %dma_wait3A_560 : memref<1x64xi32, #tpu.memory_space<vmem>> -> memref<64xi32, #tpu.memory_space<vmem>>
        %dma_wait3A_562 = arith.constant 0 : i32
        %dma_wait3A_563 = arith.constant 0 : i32
        %dma_wait3A_564 = tpu.memref_slice %arg11[%dma_wait3A_562, %dma_wait3A_563] : memref<10112x128xf32, #tpu.memory_space<vmem_shared>> -> memref<10112x128xf32, #tpu.memory_space<vmem_shared>>
        tpu.wait_indirect_dma semaphore(%run_scoped3A_552 : memref<!tpu.dma_semaphore, #tpu.memory_space<semaphore_mem>>) src(%arg9 : memref<64x128xf32, #tpu.memory_space<vmem>>) dst(%dma_wait3A_564 : memref<10112x128xf32, #tpu.memory_space<vmem_shared>>)
        tpu.yield
      }) : () -> ()
      %dma_start3A_364 = arith.constant 4 : i32
      %dma_start3A_365 = arith.constant 0 : i32
      %dma_start3A_366 = tpu.memref_slice %arg7[%dma_start3A_364, %dma_start3A_365] : memref<16x64xi32, #tpu.memory_space<vmem>> -> memref<1x64xi32, #tpu.memory_space<vmem>>
      %dma_start3A_367 = tpu.memref_squeeze %dma_start3A_366 : memref<1x64xi32, #tpu.memory_space<vmem>> -> memref<64xi32, #tpu.memory_space<vmem>>
      %dma_start3A_368 = arith.constant 0 : i32
      %dma_start3A_369 = arith.constant 0 : i32
      %dma_start3A_370 = tpu.memref_slice %arg2[%dma_start3A_368, %dma_start3A_369] : memref<10000x128xf32, #tpu.memory_space<hbm>> -> memref<10000x128xf32, #tpu.memory_space<hbm>>
      tpu.enqueue_indirect_dma source(%dma_start3A_370 : memref<10000x128xf32, #tpu.memory_space<hbm>>) target(%arg9 : memref<64x128xf32, #tpu.memory_space<vmem>>) offsets(%dma_start3A_367 : memref<64xi32, #tpu.memory_space<vmem>>) semaphore(%arg12 : memref<!tpu.dma_semaphore, #tpu.memory_space<semaphore_mem>>)
      %dma_wait3A_371 = arith.constant 3 : i32
      %dma_wait3A_372 = arith.constant 0 : i32
      %dma_wait3A_373 = tpu.memref_slice %arg7[%dma_wait3A_371, %dma_wait3A_372] : memref<16x64xi32, #tpu.memory_space<vmem>> -> memref<1x64xi32, #tpu.memory_space<vmem>>
      %dma_wait3A_374 = tpu.memref_squeeze %dma_wait3A_373 : memref<1x64xi32, #tpu.memory_space<vmem>> -> memref<64xi32, #tpu.memory_space<vmem>>
      %dma_wait3A_375 = arith.constant 0 : i32
      %dma_wait3A_376 = arith.constant 0 : i32
      %dma_wait3A_377 = tpu.memref_slice %arg2[%dma_wait3A_375, %dma_wait3A_376] : memref<10000x128xf32, #tpu.memory_space<hbm>> -> memref<10000x128xf32, #tpu.memory_space<hbm>>
      tpu.wait_indirect_dma semaphore(%arg13 : memref<!tpu.dma_semaphore, #tpu.memory_space<semaphore_mem>>) src(%dma_wait3A_377 : memref<10000x128xf32, #tpu.memory_space<hbm>>) dst(%arg10 : memref<64x128xf32, #tpu.memory_space<vmem>>)
      %run_scoped3A_378 = arith.constant 3 : i32
      "tpu.region"() ({
        %run_scoped3A_552 = tpu.sem_alloc : memref<!tpu.dma_semaphore, #tpu.memory_space<semaphore_mem>>
        %dma_start3A_553 = arith.constant 0 : i32
        %dma_start3A_554 = tpu.memref_slice %arg8[%run_scoped3A_378, %dma_start3A_553] : memref<16x64xi32, #tpu.memory_space<vmem>> -> memref<1x64xi32, #tpu.memory_space<vmem>>
        %dma_start3A_555 = tpu.memref_squeeze %dma_start3A_554 : memref<1x64xi32, #tpu.memory_space<vmem>> -> memref<64xi32, #tpu.memory_space<vmem>>
        %dma_start3A_556 = arith.constant 0 : i32
        %dma_start3A_557 = arith.constant 0 : i32
        %dma_start3A_558 = tpu.memref_slice %arg11[%dma_start3A_556, %dma_start3A_557] : memref<10112x128xf32, #tpu.memory_space<vmem_shared>> -> memref<10112x128xf32, #tpu.memory_space<vmem_shared>>
        tpu.enqueue_indirect_dma source(%arg10 : memref<64x128xf32, #tpu.memory_space<vmem>>) target(%dma_start3A_558 : memref<10112x128xf32, #tpu.memory_space<vmem_shared>>) offsets(%dma_start3A_555 : memref<64xi32, #tpu.memory_space<vmem>>) semaphore(%run_scoped3A_552 : memref<!tpu.dma_semaphore, #tpu.memory_space<semaphore_mem>>) {add = true}
        %dma_wait3A_559 = arith.constant 0 : i32
        %dma_wait3A_560 = tpu.memref_slice %arg8[%run_scoped3A_378, %dma_wait3A_559] : memref<16x64xi32, #tpu.memory_space<vmem>> -> memref<1x64xi32, #tpu.memory_space<vmem>>
        %dma_wait3A_561 = tpu.memref_squeeze %dma_wait3A_560 : memref<1x64xi32, #tpu.memory_space<vmem>> -> memref<64xi32, #tpu.memory_space<vmem>>
        %dma_wait3A_562 = arith.constant 0 : i32
        %dma_wait3A_563 = arith.constant 0 : i32
        %dma_wait3A_564 = tpu.memref_slice %arg11[%dma_wait3A_562, %dma_wait3A_563] : memref<10112x128xf32, #tpu.memory_space<vmem_shared>> -> memref<10112x128xf32, #tpu.memory_space<vmem_shared>>
        tpu.wait_indirect_dma semaphore(%run_scoped3A_552 : memref<!tpu.dma_semaphore, #tpu.memory_space<semaphore_mem>>) src(%arg10 : memref<64x128xf32, #tpu.memory_space<vmem>>) dst(%dma_wait3A_564 : memref<10112x128xf32, #tpu.memory_space<vmem_shared>>)
        tpu.yield
      }) : () -> ()
      %dma_start3A_379 = arith.constant 5 : i32
      %dma_start3A_380 = arith.constant 0 : i32
      %dma_start3A_381 = tpu.memref_slice %arg7[%dma_start3A_379, %dma_start3A_380] : memref<16x64xi32, #tpu.memory_space<vmem>> -> memref<1x64xi32, #tpu.memory_space<vmem>>
      %dma_start3A_382 = tpu.memref_squeeze %dma_start3A_381 : memref<1x64xi32, #tpu.memory_space<vmem>> -> memref<64xi32, #tpu.memory_space<vmem>>
      %dma_start3A_383 = arith.constant 0 : i32
      %dma_start3A_384 = arith.constant 0 : i32
      %dma_start3A_385 = tpu.memref_slice %arg2[%dma_start3A_383, %dma_start3A_384] : memref<10000x128xf32, #tpu.memory_space<hbm>> -> memref<10000x128xf32, #tpu.memory_space<hbm>>
      tpu.enqueue_indirect_dma source(%dma_start3A_385 : memref<10000x128xf32, #tpu.memory_space<hbm>>) target(%arg10 : memref<64x128xf32, #tpu.memory_space<vmem>>) offsets(%dma_start3A_382 : memref<64xi32, #tpu.memory_space<vmem>>) semaphore(%arg13 : memref<!tpu.dma_semaphore, #tpu.memory_space<semaphore_mem>>)
      %dma_wait3A_386 = arith.constant 4 : i32
      %dma_wait3A_387 = arith.constant 0 : i32
      %dma_wait3A_388 = tpu.memref_slice %arg7[%dma_wait3A_386, %dma_wait3A_387] : memref<16x64xi32, #tpu.memory_space<vmem>> -> memref<1x64xi32, #tpu.memory_space<vmem>>
      %dma_wait3A_389 = tpu.memref_squeeze %dma_wait3A_388 : memref<1x64xi32, #tpu.memory_space<vmem>> -> memref<64xi32, #tpu.memory_space<vmem>>
      %dma_wait3A_390 = arith.constant 0 : i32
      %dma_wait3A_391 = arith.constant 0 : i32
      %dma_wait3A_392 = tpu.memref_slice %arg2[%dma_wait3A_390, %dma_wait3A_391] : memref<10000x128xf32, #tpu.memory_space<hbm>> -> memref<10000x128xf32, #tpu.memory_space<hbm>>
      tpu.wait_indirect_dma semaphore(%arg12 : memref<!tpu.dma_semaphore, #tpu.memory_space<semaphore_mem>>) src(%dma_wait3A_392 : memref<10000x128xf32, #tpu.memory_space<hbm>>) dst(%arg9 : memref<64x128xf32, #tpu.memory_space<vmem>>)
      %run_scoped3A_393 = arith.constant 4 : i32
      "tpu.region"() ({
        %run_scoped3A_552 = tpu.sem_alloc : memref<!tpu.dma_semaphore, #tpu.memory_space<semaphore_mem>>
        %dma_start3A_553 = arith.constant 0 : i32
        %dma_start3A_554 = tpu.memref_slice %arg8[%run_scoped3A_393, %dma_start3A_553] : memref<16x64xi32, #tpu.memory_space<vmem>> -> memref<1x64xi32, #tpu.memory_space<vmem>>
        %dma_start3A_555 = tpu.memref_squeeze %dma_start3A_554 : memref<1x64xi32, #tpu.memory_space<vmem>> -> memref<64xi32, #tpu.memory_space<vmem>>
        %dma_start3A_556 = arith.constant 0 : i32
        %dma_start3A_557 = arith.constant 0 : i32
        %dma_start3A_558 = tpu.memref_slice %arg11[%dma_start3A_556, %dma_start3A_557] : memref<10112x128xf32, #tpu.memory_space<vmem_shared>> -> memref<10112x128xf32, #tpu.memory_space<vmem_shared>>
        tpu.enqueue_indirect_dma source(%arg9 : memref<64x128xf32, #tpu.memory_space<vmem>>) target(%dma_start3A_558 : memref<10112x128xf32, #tpu.memory_space<vmem_shared>>) offsets(%dma_start3A_555 : memref<64xi32, #tpu.memory_space<vmem>>) semaphore(%run_scoped3A_552 : memref<!tpu.dma_semaphore, #tpu.memory_space<semaphore_mem>>) {add = true}
        %dma_wait3A_559 = arith.constant 0 : i32
        %dma_wait3A_560 = tpu.memref_slice %arg8[%run_scoped3A_393, %dma_wait3A_559] : memref<16x64xi32, #tpu.memory_space<vmem>> -> memref<1x64xi32, #tpu.memory_space<vmem>>
        %dma_wait3A_561 = tpu.memref_squeeze %dma_wait3A_560 : memref<1x64xi32, #tpu.memory_space<vmem>> -> memref<64xi32, #tpu.memory_space<vmem>>
        %dma_wait3A_562 = arith.constant 0 : i32
        %dma_wait3A_563 = arith.constant 0 : i32
        %dma_wait3A_564 = tpu.memref_slice %arg11[%dma_wait3A_562, %dma_wait3A_563] : memref<10112x128xf32, #tpu.memory_space<vmem_shared>> -> memref<10112x128xf32, #tpu.memory_space<vmem_shared>>
        tpu.wait_indirect_dma semaphore(%run_scoped3A_552 : memref<!tpu.dma_semaphore, #tpu.memory_space<semaphore_mem>>) src(%arg9 : memref<64x128xf32, #tpu.memory_space<vmem>>) dst(%dma_wait3A_564 : memref<10112x128xf32, #tpu.memory_space<vmem_shared>>)
        tpu.yield
      }) : () -> ()
      %dma_start3A_394 = arith.constant 6 : i32
      %dma_start3A_395 = arith.constant 0 : i32
      %dma_start3A_396 = tpu.memref_slice %arg7[%dma_start3A_394, %dma_start3A_395] : memref<16x64xi32, #tpu.memory_space<vmem>> -> memref<1x64xi32, #tpu.memory_space<vmem>>
      %dma_start3A_397 = tpu.memref_squeeze %dma_start3A_396 : memref<1x64xi32, #tpu.memory_space<vmem>> -> memref<64xi32, #tpu.memory_space<vmem>>
      %dma_start3A_398 = arith.constant 0 : i32
      %dma_start3A_399 = arith.constant 0 : i32
      %dma_start3A_400 = tpu.memref_slice %arg2[%dma_start3A_398, %dma_start3A_399] : memref<10000x128xf32, #tpu.memory_space<hbm>> -> memref<10000x128xf32, #tpu.memory_space<hbm>>
      tpu.enqueue_indirect_dma source(%dma_start3A_400 : memref<10000x128xf32, #tpu.memory_space<hbm>>) target(%arg9 : memref<64x128xf32, #tpu.memory_space<vmem>>) offsets(%dma_start3A_397 : memref<64xi32, #tpu.memory_space<vmem>>) semaphore(%arg12 : memref<!tpu.dma_semaphore, #tpu.memory_space<semaphore_mem>>)
      %dma_wait3A_401 = arith.constant 5 : i32
      %dma_wait3A_402 = arith.constant 0 : i32
      %dma_wait3A_403 = tpu.memref_slice %arg7[%dma_wait3A_401, %dma_wait3A_402] : memref<16x64xi32, #tpu.memory_space<vmem>> -> memref<1x64xi32, #tpu.memory_space<vmem>>
      %dma_wait3A_404 = tpu.memref_squeeze %dma_wait3A_403 : memref<1x64xi32, #tpu.memory_space<vmem>> -> memref<64xi32, #tpu.memory_space<vmem>>
      %dma_wait3A_405 = arith.constant 0 : i32
      %dma_wait3A_406 = arith.constant 0 : i32
      %dma_wait3A_407 = tpu.memref_slice %arg2[%dma_wait3A_405, %dma_wait3A_406] : memref<10000x128xf32, #tpu.memory_space<hbm>> -> memref<10000x128xf32, #tpu.memory_space<hbm>>
      tpu.wait_indirect_dma semaphore(%arg13 : memref<!tpu.dma_semaphore, #tpu.memory_space<semaphore_mem>>) src(%dma_wait3A_407 : memref<10000x128xf32, #tpu.memory_space<hbm>>) dst(%arg10 : memref<64x128xf32, #tpu.memory_space<vmem>>)
      %run_scoped3A_408 = arith.constant 5 : i32
      "tpu.region"() ({
        %run_scoped3A_552 = tpu.sem_alloc : memref<!tpu.dma_semaphore, #tpu.memory_space<semaphore_mem>>
        %dma_start3A_553 = arith.constant 0 : i32
        %dma_start3A_554 = tpu.memref_slice %arg8[%run_scoped3A_408, %dma_start3A_553] : memref<16x64xi32, #tpu.memory_space<vmem>> -> memref<1x64xi32, #tpu.memory_space<vmem>>
        %dma_start3A_555 = tpu.memref_squeeze %dma_start3A_554 : memref<1x64xi32, #tpu.memory_space<vmem>> -> memref<64xi32, #tpu.memory_space<vmem>>
        %dma_start3A_556 = arith.constant 0 : i32
        %dma_start3A_557 = arith.constant 0 : i32
        %dma_start3A_558 = tpu.memref_slice %arg11[%dma_start3A_556, %dma_start3A_557] : memref<10112x128xf32, #tpu.memory_space<vmem_shared>> -> memref<10112x128xf32, #tpu.memory_space<vmem_shared>>
        tpu.enqueue_indirect_dma source(%arg10 : memref<64x128xf32, #tpu.memory_space<vmem>>) target(%dma_start3A_558 : memref<10112x128xf32, #tpu.memory_space<vmem_shared>>) offsets(%dma_start3A_555 : memref<64xi32, #tpu.memory_space<vmem>>) semaphore(%run_scoped3A_552 : memref<!tpu.dma_semaphore, #tpu.memory_space<semaphore_mem>>) {add = true}
        %dma_wait3A_559 = arith.constant 0 : i32
        %dma_wait3A_560 = tpu.memref_slice %arg8[%run_scoped3A_408, %dma_wait3A_559] : memref<16x64xi32, #tpu.memory_space<vmem>> -> memref<1x64xi32, #tpu.memory_space<vmem>>
        %dma_wait3A_561 = tpu.memref_squeeze %dma_wait3A_560 : memref<1x64xi32, #tpu.memory_space<vmem>> -> memref<64xi32, #tpu.memory_space<vmem>>
        %dma_wait3A_562 = arith.constant 0 : i32
        %dma_wait3A_563 = arith.constant 0 : i32
        %dma_wait3A_564 = tpu.memref_slice %arg11[%dma_wait3A_562, %dma_wait3A_563] : memref<10112x128xf32, #tpu.memory_space<vmem_shared>> -> memref<10112x128xf32, #tpu.memory_space<vmem_shared>>
        tpu.wait_indirect_dma semaphore(%run_scoped3A_552 : memref<!tpu.dma_semaphore, #tpu.memory_space<semaphore_mem>>) src(%arg10 : memref<64x128xf32, #tpu.memory_space<vmem>>) dst(%dma_wait3A_564 : memref<10112x128xf32, #tpu.memory_space<vmem_shared>>)
        tpu.yield
      }) : () -> ()
      %dma_start3A_409 = arith.constant 7 : i32
      %dma_start3A_410 = arith.constant 0 : i32
      %dma_start3A_411 = tpu.memref_slice %arg7[%dma_start3A_409, %dma_start3A_410] : memref<16x64xi32, #tpu.memory_space<vmem>> -> memref<1x64xi32, #tpu.memory_space<vmem>>
      %dma_start3A_412 = tpu.memref_squeeze %dma_start3A_411 : memref<1x64xi32, #tpu.memory_space<vmem>> -> memref<64xi32, #tpu.memory_space<vmem>>
      %dma_start3A_413 = arith.constant 0 : i32
      %dma_start3A_414 = arith.constant 0 : i32
      %dma_start3A_415 = tpu.memref_slice %arg2[%dma_start3A_413, %dma_start3A_414] : memref<10000x128xf32, #tpu.memory_space<hbm>> -> memref<10000x128xf32, #tpu.memory_space<hbm>>
      tpu.enqueue_indirect_dma source(%dma_start3A_415 : memref<10000x128xf32, #tpu.memory_space<hbm>>) target(%arg10 : memref<64x128xf32, #tpu.memory_space<vmem>>) offsets(%dma_start3A_412 : memref<64xi32, #tpu.memory_space<vmem>>) semaphore(%arg13 : memref<!tpu.dma_semaphore, #tpu.memory_space<semaphore_mem>>)
      %dma_wait3A_416 = arith.constant 6 : i32
      %dma_wait3A_417 = arith.constant 0 : i32
      %dma_wait3A_418 = tpu.memref_slice %arg7[%dma_wait3A_416, %dma_wait3A_417] : memref<16x64xi32, #tpu.memory_space<vmem>> -> memref<1x64xi32, #tpu.memory_space<vmem>>
      %dma_wait3A_419 = tpu.memref_squeeze %dma_wait3A_418 : memref<1x64xi32, #tpu.memory_space<vmem>> -> memref<64xi32, #tpu.memory_space<vmem>>
      %dma_wait3A_420 = arith.constant 0 : i32
      %dma_wait3A_421 = arith.constant 0 : i32
      %dma_wait3A_422 = tpu.memref_slice %arg2[%dma_wait3A_420, %dma_wait3A_421] : memref<10000x128xf32, #tpu.memory_space<hbm>> -> memref<10000x128xf32, #tpu.memory_space<hbm>>
      tpu.wait_indirect_dma semaphore(%arg12 : memref<!tpu.dma_semaphore, #tpu.memory_space<semaphore_mem>>) src(%dma_wait3A_422 : memref<10000x128xf32, #tpu.memory_space<hbm>>) dst(%arg9 : memref<64x128xf32, #tpu.memory_space<vmem>>)
      %run_scoped3A_423 = arith.constant 6 : i32
      "tpu.region"() ({
        %run_scoped3A_552 = tpu.sem_alloc : memref<!tpu.dma_semaphore, #tpu.memory_space<semaphore_mem>>
        %dma_start3A_553 = arith.constant 0 : i32
        %dma_start3A_554 = tpu.memref_slice %arg8[%run_scoped3A_423, %dma_start3A_553] : memref<16x64xi32, #tpu.memory_space<vmem>> -> memref<1x64xi32, #tpu.memory_space<vmem>>
        %dma_start3A_555 = tpu.memref_squeeze %dma_start3A_554 : memref<1x64xi32, #tpu.memory_space<vmem>> -> memref<64xi32, #tpu.memory_space<vmem>>
        %dma_start3A_556 = arith.constant 0 : i32
        %dma_start3A_557 = arith.constant 0 : i32
        %dma_start3A_558 = tpu.memref_slice %arg11[%dma_start3A_556, %dma_start3A_557] : memref<10112x128xf32, #tpu.memory_space<vmem_shared>> -> memref<10112x128xf32, #tpu.memory_space<vmem_shared>>
        tpu.enqueue_indirect_dma source(%arg9 : memref<64x128xf32, #tpu.memory_space<vmem>>) target(%dma_start3A_558 : memref<10112x128xf32, #tpu.memory_space<vmem_shared>>) offsets(%dma_start3A_555 : memref<64xi32, #tpu.memory_space<vmem>>) semaphore(%run_scoped3A_552 : memref<!tpu.dma_semaphore, #tpu.memory_space<semaphore_mem>>) {add = true}
        %dma_wait3A_559 = arith.constant 0 : i32
        %dma_wait3A_560 = tpu.memref_slice %arg8[%run_scoped3A_423, %dma_wait3A_559] : memref<16x64xi32, #tpu.memory_space<vmem>> -> memref<1x64xi32, #tpu.memory_space<vmem>>
        %dma_wait3A_561 = tpu.memref_squeeze %dma_wait3A_560 : memref<1x64xi32, #tpu.memory_space<vmem>> -> memref<64xi32, #tpu.memory_space<vmem>>
        %dma_wait3A_562 = arith.constant 0 : i32
        %dma_wait3A_563 = arith.constant 0 : i32
        %dma_wait3A_564 = tpu.memref_slice %arg11[%dma_wait3A_562, %dma_wait3A_563] : memref<10112x128xf32, #tpu.memory_space<vmem_shared>> -> memref<10112x128xf32, #tpu.memory_space<vmem_shared>>
        tpu.wait_indirect_dma semaphore(%run_scoped3A_552 : memref<!tpu.dma_semaphore, #tpu.memory_space<semaphore_mem>>) src(%arg9 : memref<64x128xf32, #tpu.memory_space<vmem>>) dst(%dma_wait3A_564 : memref<10112x128xf32, #tpu.memory_space<vmem_shared>>)
        tpu.yield
      }) : () -> ()
      %dma_start3A_424 = arith.constant 8 : i32
      %dma_start3A_425 = arith.constant 0 : i32
      %dma_start3A_426 = tpu.memref_slice %arg7[%dma_start3A_424, %dma_start3A_425] : memref<16x64xi32, #tpu.memory_space<vmem>> -> memref<1x64xi32, #tpu.memory_space<vmem>>
      %dma_start3A_427 = tpu.memref_squeeze %dma_start3A_426 : memref<1x64xi32, #tpu.memory_space<vmem>> -> memref<64xi32, #tpu.memory_space<vmem>>
      %dma_start3A_428 = arith.constant 0 : i32
      %dma_start3A_429 = arith.constant 0 : i32
      %dma_start3A_430 = tpu.memref_slice %arg2[%dma_start3A_428, %dma_start3A_429] : memref<10000x128xf32, #tpu.memory_space<hbm>> -> memref<10000x128xf32, #tpu.memory_space<hbm>>
      tpu.enqueue_indirect_dma source(%dma_start3A_430 : memref<10000x128xf32, #tpu.memory_space<hbm>>) target(%arg9 : memref<64x128xf32, #tpu.memory_space<vmem>>) offsets(%dma_start3A_427 : memref<64xi32, #tpu.memory_space<vmem>>) semaphore(%arg12 : memref<!tpu.dma_semaphore, #tpu.memory_space<semaphore_mem>>)
      %dma_wait3A_431 = arith.constant 7 : i32
      %dma_wait3A_432 = arith.constant 0 : i32
      %dma_wait3A_433 = tpu.memref_slice %arg7[%dma_wait3A_431, %dma_wait3A_432] : memref<16x64xi32, #tpu.memory_space<vmem>> -> memref<1x64xi32, #tpu.memory_space<vmem>>
      %dma_wait3A_434 = tpu.memref_squeeze %dma_wait3A_433 : memref<1x64xi32, #tpu.memory_space<vmem>> -> memref<64xi32, #tpu.memory_space<vmem>>
      %dma_wait3A_435 = arith.constant 0 : i32
      %dma_wait3A_436 = arith.constant 0 : i32
      %dma_wait3A_437 = tpu.memref_slice %arg2[%dma_wait3A_435, %dma_wait3A_436] : memref<10000x128xf32, #tpu.memory_space<hbm>> -> memref<10000x128xf32, #tpu.memory_space<hbm>>
      tpu.wait_indirect_dma semaphore(%arg13 : memref<!tpu.dma_semaphore, #tpu.memory_space<semaphore_mem>>) src(%dma_wait3A_437 : memref<10000x128xf32, #tpu.memory_space<hbm>>) dst(%arg10 : memref<64x128xf32, #tpu.memory_space<vmem>>)
      %run_scoped3A_438 = arith.constant 7 : i32
      "tpu.region"() ({
        %run_scoped3A_552 = tpu.sem_alloc : memref<!tpu.dma_semaphore, #tpu.memory_space<semaphore_mem>>
        %dma_start3A_553 = arith.constant 0 : i32
        %dma_start3A_554 = tpu.memref_slice %arg8[%run_scoped3A_438, %dma_start3A_553] : memref<16x64xi32, #tpu.memory_space<vmem>> -> memref<1x64xi32, #tpu.memory_space<vmem>>
        %dma_start3A_555 = tpu.memref_squeeze %dma_start3A_554 : memref<1x64xi32, #tpu.memory_space<vmem>> -> memref<64xi32, #tpu.memory_space<vmem>>
        %dma_start3A_556 = arith.constant 0 : i32
        %dma_start3A_557 = arith.constant 0 : i32
        %dma_start3A_558 = tpu.memref_slice %arg11[%dma_start3A_556, %dma_start3A_557] : memref<10112x128xf32, #tpu.memory_space<vmem_shared>> -> memref<10112x128xf32, #tpu.memory_space<vmem_shared>>
        tpu.enqueue_indirect_dma source(%arg10 : memref<64x128xf32, #tpu.memory_space<vmem>>) target(%dma_start3A_558 : memref<10112x128xf32, #tpu.memory_space<vmem_shared>>) offsets(%dma_start3A_555 : memref<64xi32, #tpu.memory_space<vmem>>) semaphore(%run_scoped3A_552 : memref<!tpu.dma_semaphore, #tpu.memory_space<semaphore_mem>>) {add = true}
        %dma_wait3A_559 = arith.constant 0 : i32
        %dma_wait3A_560 = tpu.memref_slice %arg8[%run_scoped3A_438, %dma_wait3A_559] : memref<16x64xi32, #tpu.memory_space<vmem>> -> memref<1x64xi32, #tpu.memory_space<vmem>>
        %dma_wait3A_561 = tpu.memref_squeeze %dma_wait3A_560 : memref<1x64xi32, #tpu.memory_space<vmem>> -> memref<64xi32, #tpu.memory_space<vmem>>
        %dma_wait3A_562 = arith.constant 0 : i32
        %dma_wait3A_563 = arith.constant 0 : i32
        %dma_wait3A_564 = tpu.memref_slice %arg11[%dma_wait3A_562, %dma_wait3A_563] : memref<10112x128xf32, #tpu.memory_space<vmem_shared>> -> memref<10112x128xf32, #tpu.memory_space<vmem_shared>>
        tpu.wait_indirect_dma semaphore(%run_scoped3A_552 : memref<!tpu.dma_semaphore, #tpu.memory_space<semaphore_mem>>) src(%arg10 : memref<64x128xf32, #tpu.memory_space<vmem>>) dst(%dma_wait3A_564 : memref<10112x128xf32, #tpu.memory_space<vmem_shared>>)
        tpu.yield
      }) : () -> ()
      %dma_start3A_439 = arith.constant 9 : i32
      %dma_start3A_440 = arith.constant 0 : i32
      %dma_start3A_441 = tpu.memref_slice %arg7[%dma_start3A_439, %dma_start3A_440] : memref<16x64xi32, #tpu.memory_space<vmem>> -> memref<1x64xi32, #tpu.memory_space<vmem>>
      %dma_start3A_442 = tpu.memref_squeeze %dma_start3A_441 : memref<1x64xi32, #tpu.memory_space<vmem>> -> memref<64xi32, #tpu.memory_space<vmem>>
      %dma_start3A_443 = arith.constant 0 : i32
      %dma_start3A_444 = arith.constant 0 : i32
      %dma_start3A_445 = tpu.memref_slice %arg2[%dma_start3A_443, %dma_start3A_444] : memref<10000x128xf32, #tpu.memory_space<hbm>> -> memref<10000x128xf32, #tpu.memory_space<hbm>>
      tpu.enqueue_indirect_dma source(%dma_start3A_445 : memref<10000x128xf32, #tpu.memory_space<hbm>>) target(%arg10 : memref<64x128xf32, #tpu.memory_space<vmem>>) offsets(%dma_start3A_442 : memref<64xi32, #tpu.memory_space<vmem>>) semaphore(%arg13 : memref<!tpu.dma_semaphore, #tpu.memory_space<semaphore_mem>>)
      %dma_wait3A_446 = arith.constant 8 : i32
      %dma_wait3A_447 = arith.constant 0 : i32
      %dma_wait3A_448 = tpu.memref_slice %arg7[%dma_wait3A_446, %dma_wait3A_447] : memref<16x64xi32, #tpu.memory_space<vmem>> -> memref<1x64xi32, #tpu.memory_space<vmem>>
      %dma_wait3A_449 = tpu.memref_squeeze %dma_wait3A_448 : memref<1x64xi32, #tpu.memory_space<vmem>> -> memref<64xi32, #tpu.memory_space<vmem>>
      %dma_wait3A_450 = arith.constant 0 : i32
      %dma_wait3A_451 = arith.constant 0 : i32
      %dma_wait3A_452 = tpu.memref_slice %arg2[%dma_wait3A_450, %dma_wait3A_451] : memref<10000x128xf32, #tpu.memory_space<hbm>> -> memref<10000x128xf32, #tpu.memory_space<hbm>>
      tpu.wait_indirect_dma semaphore(%arg12 : memref<!tpu.dma_semaphore, #tpu.memory_space<semaphore_mem>>) src(%dma_wait3A_452 : memref<10000x128xf32, #tpu.memory_space<hbm>>) dst(%arg9 : memref<64x128xf32, #tpu.memory_space<vmem>>)
      %run_scoped3A_453 = arith.constant 8 : i32
      "tpu.region"() ({
        %run_scoped3A_552 = tpu.sem_alloc : memref<!tpu.dma_semaphore, #tpu.memory_space<semaphore_mem>>
        %dma_start3A_553 = arith.constant 0 : i32
        %dma_start3A_554 = tpu.memref_slice %arg8[%run_scoped3A_453, %dma_start3A_553] : memref<16x64xi32, #tpu.memory_space<vmem>> -> memref<1x64xi32, #tpu.memory_space<vmem>>
        %dma_start3A_555 = tpu.memref_squeeze %dma_start3A_554 : memref<1x64xi32, #tpu.memory_space<vmem>> -> memref<64xi32, #tpu.memory_space<vmem>>
        %dma_start3A_556 = arith.constant 0 : i32
        %dma_start3A_557 = arith.constant 0 : i32
        %dma_start3A_558 = tpu.memref_slice %arg11[%dma_start3A_556, %dma_start3A_557] : memref<10112x128xf32, #tpu.memory_space<vmem_shared>> -> memref<10112x128xf32, #tpu.memory_space<vmem_shared>>
        tpu.enqueue_indirect_dma source(%arg9 : memref<64x128xf32, #tpu.memory_space<vmem>>) target(%dma_start3A_558 : memref<10112x128xf32, #tpu.memory_space<vmem_shared>>) offsets(%dma_start3A_555 : memref<64xi32, #tpu.memory_space<vmem>>) semaphore(%run_scoped3A_552 : memref<!tpu.dma_semaphore, #tpu.memory_space<semaphore_mem>>) {add = true}
        %dma_wait3A_559 = arith.constant 0 : i32
        %dma_wait3A_560 = tpu.memref_slice %arg8[%run_scoped3A_453, %dma_wait3A_559] : memref<16x64xi32, #tpu.memory_space<vmem>> -> memref<1x64xi32, #tpu.memory_space<vmem>>
        %dma_wait3A_561 = tpu.memref_squeeze %dma_wait3A_560 : memref<1x64xi32, #tpu.memory_space<vmem>> -> memref<64xi32, #tpu.memory_space<vmem>>
        %dma_wait3A_562 = arith.constant 0 : i32
        %dma_wait3A_563 = arith.constant 0 : i32
        %dma_wait3A_564 = tpu.memref_slice %arg11[%dma_wait3A_562, %dma_wait3A_563] : memref<10112x128xf32, #tpu.memory_space<vmem_shared>> -> memref<10112x128xf32, #tpu.memory_space<vmem_shared>>
        tpu.wait_indirect_dma semaphore(%run_scoped3A_552 : memref<!tpu.dma_semaphore, #tpu.memory_space<semaphore_mem>>) src(%arg9 : memref<64x128xf32, #tpu.memory_space<vmem>>) dst(%dma_wait3A_564 : memref<10112x128xf32, #tpu.memory_space<vmem_shared>>)
        tpu.yield
      }) : () -> ()
      %dma_start3A_454 = arith.constant 10 : i32
      %dma_start3A_455 = arith.constant 0 : i32
      %dma_start3A_456 = tpu.memref_slice %arg7[%dma_start3A_454, %dma_start3A_455] : memref<16x64xi32, #tpu.memory_space<vmem>> -> memref<1x64xi32, #tpu.memory_space<vmem>>
      %dma_start3A_457 = tpu.memref_squeeze %dma_start3A_456 : memref<1x64xi32, #tpu.memory_space<vmem>> -> memref<64xi32, #tpu.memory_space<vmem>>
      %dma_start3A_458 = arith.constant 0 : i32
      %dma_start3A_459 = arith.constant 0 : i32
      %dma_start3A_460 = tpu.memref_slice %arg2[%dma_start3A_458, %dma_start3A_459] : memref<10000x128xf32, #tpu.memory_space<hbm>> -> memref<10000x128xf32, #tpu.memory_space<hbm>>
      tpu.enqueue_indirect_dma source(%dma_start3A_460 : memref<10000x128xf32, #tpu.memory_space<hbm>>) target(%arg9 : memref<64x128xf32, #tpu.memory_space<vmem>>) offsets(%dma_start3A_457 : memref<64xi32, #tpu.memory_space<vmem>>) semaphore(%arg12 : memref<!tpu.dma_semaphore, #tpu.memory_space<semaphore_mem>>)
      %dma_wait3A_461 = arith.constant 9 : i32
      %dma_wait3A_462 = arith.constant 0 : i32
      %dma_wait3A_463 = tpu.memref_slice %arg7[%dma_wait3A_461, %dma_wait3A_462] : memref<16x64xi32, #tpu.memory_space<vmem>> -> memref<1x64xi32, #tpu.memory_space<vmem>>
      %dma_wait3A_464 = tpu.memref_squeeze %dma_wait3A_463 : memref<1x64xi32, #tpu.memory_space<vmem>> -> memref<64xi32, #tpu.memory_space<vmem>>
      %dma_wait3A_465 = arith.constant 0 : i32
      %dma_wait3A_466 = arith.constant 0 : i32
      %dma_wait3A_467 = tpu.memref_slice %arg2[%dma_wait3A_465, %dma_wait3A_466] : memref<10000x128xf32, #tpu.memory_space<hbm>> -> memref<10000x128xf32, #tpu.memory_space<hbm>>
      tpu.wait_indirect_dma semaphore(%arg13 : memref<!tpu.dma_semaphore, #tpu.memory_space<semaphore_mem>>) src(%dma_wait3A_467 : memref<10000x128xf32, #tpu.memory_space<hbm>>) dst(%arg10 : memref<64x128xf32, #tpu.memory_space<vmem>>)
      %run_scoped3A_468 = arith.constant 9 : i32
      "tpu.region"() ({
        %run_scoped3A_552 = tpu.sem_alloc : memref<!tpu.dma_semaphore, #tpu.memory_space<semaphore_mem>>
        %dma_start3A_553 = arith.constant 0 : i32
        %dma_start3A_554 = tpu.memref_slice %arg8[%run_scoped3A_468, %dma_start3A_553] : memref<16x64xi32, #tpu.memory_space<vmem>> -> memref<1x64xi32, #tpu.memory_space<vmem>>
        %dma_start3A_555 = tpu.memref_squeeze %dma_start3A_554 : memref<1x64xi32, #tpu.memory_space<vmem>> -> memref<64xi32, #tpu.memory_space<vmem>>
        %dma_start3A_556 = arith.constant 0 : i32
        %dma_start3A_557 = arith.constant 0 : i32
        %dma_start3A_558 = tpu.memref_slice %arg11[%dma_start3A_556, %dma_start3A_557] : memref<10112x128xf32, #tpu.memory_space<vmem_shared>> -> memref<10112x128xf32, #tpu.memory_space<vmem_shared>>
        tpu.enqueue_indirect_dma source(%arg10 : memref<64x128xf32, #tpu.memory_space<vmem>>) target(%dma_start3A_558 : memref<10112x128xf32, #tpu.memory_space<vmem_shared>>) offsets(%dma_start3A_555 : memref<64xi32, #tpu.memory_space<vmem>>) semaphore(%run_scoped3A_552 : memref<!tpu.dma_semaphore, #tpu.memory_space<semaphore_mem>>) {add = true}
        %dma_wait3A_559 = arith.constant 0 : i32
        %dma_wait3A_560 = tpu.memref_slice %arg8[%run_scoped3A_468, %dma_wait3A_559] : memref<16x64xi32, #tpu.memory_space<vmem>> -> memref<1x64xi32, #tpu.memory_space<vmem>>
        %dma_wait3A_561 = tpu.memref_squeeze %dma_wait3A_560 : memref<1x64xi32, #tpu.memory_space<vmem>> -> memref<64xi32, #tpu.memory_space<vmem>>
        %dma_wait3A_562 = arith.constant 0 : i32
        %dma_wait3A_563 = arith.constant 0 : i32
        %dma_wait3A_564 = tpu.memref_slice %arg11[%dma_wait3A_562, %dma_wait3A_563] : memref<10112x128xf32, #tpu.memory_space<vmem_shared>> -> memref<10112x128xf32, #tpu.memory_space<vmem_shared>>
        tpu.wait_indirect_dma semaphore(%run_scoped3A_552 : memref<!tpu.dma_semaphore, #tpu.memory_space<semaphore_mem>>) src(%arg10 : memref<64x128xf32, #tpu.memory_space<vmem>>) dst(%dma_wait3A_564 : memref<10112x128xf32, #tpu.memory_space<vmem_shared>>)
        tpu.yield
      }) : () -> ()
      %dma_start3A_469 = arith.constant 11 : i32
      %dma_start3A_470 = arith.constant 0 : i32
      %dma_start3A_471 = tpu.memref_slice %arg7[%dma_start3A_469, %dma_start3A_470] : memref<16x64xi32, #tpu.memory_space<vmem>> -> memref<1x64xi32, #tpu.memory_space<vmem>>
      %dma_start3A_472 = tpu.memref_squeeze %dma_start3A_471 : memref<1x64xi32, #tpu.memory_space<vmem>> -> memref<64xi32, #tpu.memory_space<vmem>>
      %dma_start3A_473 = arith.constant 0 : i32
      %dma_start3A_474 = arith.constant 0 : i32
      %dma_start3A_475 = tpu.memref_slice %arg2[%dma_start3A_473, %dma_start3A_474] : memref<10000x128xf32, #tpu.memory_space<hbm>> -> memref<10000x128xf32, #tpu.memory_space<hbm>>
      tpu.enqueue_indirect_dma source(%dma_start3A_475 : memref<10000x128xf32, #tpu.memory_space<hbm>>) target(%arg10 : memref<64x128xf32, #tpu.memory_space<vmem>>) offsets(%dma_start3A_472 : memref<64xi32, #tpu.memory_space<vmem>>) semaphore(%arg13 : memref<!tpu.dma_semaphore, #tpu.memory_space<semaphore_mem>>)
      %dma_wait3A_476 = arith.constant 10 : i32
      %dma_wait3A_477 = arith.constant 0 : i32
      %dma_wait3A_478 = tpu.memref_slice %arg7[%dma_wait3A_476, %dma_wait3A_477] : memref<16x64xi32, #tpu.memory_space<vmem>> -> memref<1x64xi32, #tpu.memory_space<vmem>>
      %dma_wait3A_479 = tpu.memref_squeeze %dma_wait3A_478 : memref<1x64xi32, #tpu.memory_space<vmem>> -> memref<64xi32, #tpu.memory_space<vmem>>
      %dma_wait3A_480 = arith.constant 0 : i32
      %dma_wait3A_481 = arith.constant 0 : i32
      %dma_wait3A_482 = tpu.memref_slice %arg2[%dma_wait3A_480, %dma_wait3A_481] : memref<10000x128xf32, #tpu.memory_space<hbm>> -> memref<10000x128xf32, #tpu.memory_space<hbm>>
      tpu.wait_indirect_dma semaphore(%arg12 : memref<!tpu.dma_semaphore, #tpu.memory_space<semaphore_mem>>) src(%dma_wait3A_482 : memref<10000x128xf32, #tpu.memory_space<hbm>>) dst(%arg9 : memref<64x128xf32, #tpu.memory_space<vmem>>)
      %run_scoped3A_483 = arith.constant 10 : i32
      "tpu.region"() ({
        %run_scoped3A_552 = tpu.sem_alloc : memref<!tpu.dma_semaphore, #tpu.memory_space<semaphore_mem>>
        %dma_start3A_553 = arith.constant 0 : i32
        %dma_start3A_554 = tpu.memref_slice %arg8[%run_scoped3A_483, %dma_start3A_553] : memref<16x64xi32, #tpu.memory_space<vmem>> -> memref<1x64xi32, #tpu.memory_space<vmem>>
        %dma_start3A_555 = tpu.memref_squeeze %dma_start3A_554 : memref<1x64xi32, #tpu.memory_space<vmem>> -> memref<64xi32, #tpu.memory_space<vmem>>
        %dma_start3A_556 = arith.constant 0 : i32
        %dma_start3A_557 = arith.constant 0 : i32
        %dma_start3A_558 = tpu.memref_slice %arg11[%dma_start3A_556, %dma_start3A_557] : memref<10112x128xf32, #tpu.memory_space<vmem_shared>> -> memref<10112x128xf32, #tpu.memory_space<vmem_shared>>
        tpu.enqueue_indirect_dma source(%arg9 : memref<64x128xf32, #tpu.memory_space<vmem>>) target(%dma_start3A_558 : memref<10112x128xf32, #tpu.memory_space<vmem_shared>>) offsets(%dma_start3A_555 : memref<64xi32, #tpu.memory_space<vmem>>) semaphore(%run_scoped3A_552 : memref<!tpu.dma_semaphore, #tpu.memory_space<semaphore_mem>>) {add = true}
        %dma_wait3A_559 = arith.constant 0 : i32
        %dma_wait3A_560 = tpu.memref_slice %arg8[%run_scoped3A_483, %dma_wait3A_559] : memref<16x64xi32, #tpu.memory_space<vmem>> -> memref<1x64xi32, #tpu.memory_space<vmem>>
        %dma_wait3A_561 = tpu.memref_squeeze %dma_wait3A_560 : memref<1x64xi32, #tpu.memory_space<vmem>> -> memref<64xi32, #tpu.memory_space<vmem>>
        %dma_wait3A_562 = arith.constant 0 : i32
        %dma_wait3A_563 = arith.constant 0 : i32
        %dma_wait3A_564 = tpu.memref_slice %arg11[%dma_wait3A_562, %dma_wait3A_563] : memref<10112x128xf32, #tpu.memory_space<vmem_shared>> -> memref<10112x128xf32, #tpu.memory_space<vmem_shared>>
        tpu.wait_indirect_dma semaphore(%run_scoped3A_552 : memref<!tpu.dma_semaphore, #tpu.memory_space<semaphore_mem>>) src(%arg9 : memref<64x128xf32, #tpu.memory_space<vmem>>) dst(%dma_wait3A_564 : memref<10112x128xf32, #tpu.memory_space<vmem_shared>>)
        tpu.yield
      }) : () -> ()
      %dma_start3A_484 = arith.constant 12 : i32
      %dma_start3A_485 = arith.constant 0 : i32
      %dma_start3A_486 = tpu.memref_slice %arg7[%dma_start3A_484, %dma_start3A_485] : memref<16x64xi32, #tpu.memory_space<vmem>> -> memref<1x64xi32, #tpu.memory_space<vmem>>
      %dma_start3A_487 = tpu.memref_squeeze %dma_start3A_486 : memref<1x64xi32, #tpu.memory_space<vmem>> -> memref<64xi32, #tpu.memory_space<vmem>>
      %dma_start3A_488 = arith.constant 0 : i32
      %dma_start3A_489 = arith.constant 0 : i32
      %dma_start3A_490 = tpu.memref_slice %arg2[%dma_start3A_488, %dma_start3A_489] : memref<10000x128xf32, #tpu.memory_space<hbm>> -> memref<10000x128xf32, #tpu.memory_space<hbm>>
      tpu.enqueue_indirect_dma source(%dma_start3A_490 : memref<10000x128xf32, #tpu.memory_space<hbm>>) target(%arg9 : memref<64x128xf32, #tpu.memory_space<vmem>>) offsets(%dma_start3A_487 : memref<64xi32, #tpu.memory_space<vmem>>) semaphore(%arg12 : memref<!tpu.dma_semaphore, #tpu.memory_space<semaphore_mem>>)
      %dma_wait3A_491 = arith.constant 11 : i32
      %dma_wait3A_492 = arith.constant 0 : i32
      %dma_wait3A_493 = tpu.memref_slice %arg7[%dma_wait3A_491, %dma_wait3A_492] : memref<16x64xi32, #tpu.memory_space<vmem>> -> memref<1x64xi32, #tpu.memory_space<vmem>>
      %dma_wait3A_494 = tpu.memref_squeeze %dma_wait3A_493 : memref<1x64xi32, #tpu.memory_space<vmem>> -> memref<64xi32, #tpu.memory_space<vmem>>
      %dma_wait3A_495 = arith.constant 0 : i32
      %dma_wait3A_496 = arith.constant 0 : i32
      %dma_wait3A_497 = tpu.memref_slice %arg2[%dma_wait3A_495, %dma_wait3A_496] : memref<10000x128xf32, #tpu.memory_space<hbm>> -> memref<10000x128xf32, #tpu.memory_space<hbm>>
      tpu.wait_indirect_dma semaphore(%arg13 : memref<!tpu.dma_semaphore, #tpu.memory_space<semaphore_mem>>) src(%dma_wait3A_497 : memref<10000x128xf32, #tpu.memory_space<hbm>>) dst(%arg10 : memref<64x128xf32, #tpu.memory_space<vmem>>)
      %run_scoped3A_498 = arith.constant 11 : i32
      "tpu.region"() ({
        %run_scoped3A_552 = tpu.sem_alloc : memref<!tpu.dma_semaphore, #tpu.memory_space<semaphore_mem>>
        %dma_start3A_553 = arith.constant 0 : i32
        %dma_start3A_554 = tpu.memref_slice %arg8[%run_scoped3A_498, %dma_start3A_553] : memref<16x64xi32, #tpu.memory_space<vmem>> -> memref<1x64xi32, #tpu.memory_space<vmem>>
        %dma_start3A_555 = tpu.memref_squeeze %dma_start3A_554 : memref<1x64xi32, #tpu.memory_space<vmem>> -> memref<64xi32, #tpu.memory_space<vmem>>
        %dma_start3A_556 = arith.constant 0 : i32
        %dma_start3A_557 = arith.constant 0 : i32
        %dma_start3A_558 = tpu.memref_slice %arg11[%dma_start3A_556, %dma_start3A_557] : memref<10112x128xf32, #tpu.memory_space<vmem_shared>> -> memref<10112x128xf32, #tpu.memory_space<vmem_shared>>
        tpu.enqueue_indirect_dma source(%arg10 : memref<64x128xf32, #tpu.memory_space<vmem>>) target(%dma_start3A_558 : memref<10112x128xf32, #tpu.memory_space<vmem_shared>>) offsets(%dma_start3A_555 : memref<64xi32, #tpu.memory_space<vmem>>) semaphore(%run_scoped3A_552 : memref<!tpu.dma_semaphore, #tpu.memory_space<semaphore_mem>>) {add = true}
        %dma_wait3A_559 = arith.constant 0 : i32
        %dma_wait3A_560 = tpu.memref_slice %arg8[%run_scoped3A_498, %dma_wait3A_559] : memref<16x64xi32, #tpu.memory_space<vmem>> -> memref<1x64xi32, #tpu.memory_space<vmem>>
        %dma_wait3A_561 = tpu.memref_squeeze %dma_wait3A_560 : memref<1x64xi32, #tpu.memory_space<vmem>> -> memref<64xi32, #tpu.memory_space<vmem>>
        %dma_wait3A_562 = arith.constant 0 : i32
        %dma_wait3A_563 = arith.constant 0 : i32
        %dma_wait3A_564 = tpu.memref_slice %arg11[%dma_wait3A_562, %dma_wait3A_563] : memref<10112x128xf32, #tpu.memory_space<vmem_shared>> -> memref<10112x128xf32, #tpu.memory_space<vmem_shared>>
        tpu.wait_indirect_dma semaphore(%run_scoped3A_552 : memref<!tpu.dma_semaphore, #tpu.memory_space<semaphore_mem>>) src(%arg10 : memref<64x128xf32, #tpu.memory_space<vmem>>) dst(%dma_wait3A_564 : memref<10112x128xf32, #tpu.memory_space<vmem_shared>>)
        tpu.yield
      }) : () -> ()
      %dma_start3A_499 = arith.constant 13 : i32
      %dma_start3A_500 = arith.constant 0 : i32
      %dma_start3A_501 = tpu.memref_slice %arg7[%dma_start3A_499, %dma_start3A_500] : memref<16x64xi32, #tpu.memory_space<vmem>> -> memref<1x64xi32, #tpu.memory_space<vmem>>
      %dma_start3A_502 = tpu.memref_squeeze %dma_start3A_501 : memref<1x64xi32, #tpu.memory_space<vmem>> -> memref<64xi32, #tpu.memory_space<vmem>>
      %dma_start3A_503 = arith.constant 0 : i32
      %dma_start3A_504 = arith.constant 0 : i32
      %dma_start3A_505 = tpu.memref_slice %arg2[%dma_start3A_503, %dma_start3A_504] : memref<10000x128xf32, #tpu.memory_space<hbm>> -> memref<10000x128xf32, #tpu.memory_space<hbm>>
      tpu.enqueue_indirect_dma source(%dma_start3A_505 : memref<10000x128xf32, #tpu.memory_space<hbm>>) target(%arg10 : memref<64x128xf32, #tpu.memory_space<vmem>>) offsets(%dma_start3A_502 : memref<64xi32, #tpu.memory_space<vmem>>) semaphore(%arg13 : memref<!tpu.dma_semaphore, #tpu.memory_space<semaphore_mem>>)
      %dma_wait3A_506 = arith.constant 12 : i32
      %dma_wait3A_507 = arith.constant 0 : i32
      %dma_wait3A_508 = tpu.memref_slice %arg7[%dma_wait3A_506, %dma_wait3A_507] : memref<16x64xi32, #tpu.memory_space<vmem>> -> memref<1x64xi32, #tpu.memory_space<vmem>>
      %dma_wait3A_509 = tpu.memref_squeeze %dma_wait3A_508 : memref<1x64xi32, #tpu.memory_space<vmem>> -> memref<64xi32, #tpu.memory_space<vmem>>
      %dma_wait3A_510 = arith.constant 0 : i32
      %dma_wait3A_511 = arith.constant 0 : i32
      %dma_wait3A_512 = tpu.memref_slice %arg2[%dma_wait3A_510, %dma_wait3A_511] : memref<10000x128xf32, #tpu.memory_space<hbm>> -> memref<10000x128xf32, #tpu.memory_space<hbm>>
      tpu.wait_indirect_dma semaphore(%arg12 : memref<!tpu.dma_semaphore, #tpu.memory_space<semaphore_mem>>) src(%dma_wait3A_512 : memref<10000x128xf32, #tpu.memory_space<hbm>>) dst(%arg9 : memref<64x128xf32, #tpu.memory_space<vmem>>)
      %run_scoped3A_513 = arith.constant 12 : i32
      "tpu.region"() ({
        %run_scoped3A_552 = tpu.sem_alloc : memref<!tpu.dma_semaphore, #tpu.memory_space<semaphore_mem>>
        %dma_start3A_553 = arith.constant 0 : i32
        %dma_start3A_554 = tpu.memref_slice %arg8[%run_scoped3A_513, %dma_start3A_553] : memref<16x64xi32, #tpu.memory_space<vmem>> -> memref<1x64xi32, #tpu.memory_space<vmem>>
        %dma_start3A_555 = tpu.memref_squeeze %dma_start3A_554 : memref<1x64xi32, #tpu.memory_space<vmem>> -> memref<64xi32, #tpu.memory_space<vmem>>
        %dma_start3A_556 = arith.constant 0 : i32
        %dma_start3A_557 = arith.constant 0 : i32
        %dma_start3A_558 = tpu.memref_slice %arg11[%dma_start3A_556, %dma_start3A_557] : memref<10112x128xf32, #tpu.memory_space<vmem_shared>> -> memref<10112x128xf32, #tpu.memory_space<vmem_shared>>
        tpu.enqueue_indirect_dma source(%arg9 : memref<64x128xf32, #tpu.memory_space<vmem>>) target(%dma_start3A_558 : memref<10112x128xf32, #tpu.memory_space<vmem_shared>>) offsets(%dma_start3A_555 : memref<64xi32, #tpu.memory_space<vmem>>) semaphore(%run_scoped3A_552 : memref<!tpu.dma_semaphore, #tpu.memory_space<semaphore_mem>>) {add = true}
        %dma_wait3A_559 = arith.constant 0 : i32
        %dma_wait3A_560 = tpu.memref_slice %arg8[%run_scoped3A_513, %dma_wait3A_559] : memref<16x64xi32, #tpu.memory_space<vmem>> -> memref<1x64xi32, #tpu.memory_space<vmem>>
        %dma_wait3A_561 = tpu.memref_squeeze %dma_wait3A_560 : memref<1x64xi32, #tpu.memory_space<vmem>> -> memref<64xi32, #tpu.memory_space<vmem>>
        %dma_wait3A_562 = arith.constant 0 : i32
        %dma_wait3A_563 = arith.constant 0 : i32
        %dma_wait3A_564 = tpu.memref_slice %arg11[%dma_wait3A_562, %dma_wait3A_563] : memref<10112x128xf32, #tpu.memory_space<vmem_shared>> -> memref<10112x128xf32, #tpu.memory_space<vmem_shared>>
        tpu.wait_indirect_dma semaphore(%run_scoped3A_552 : memref<!tpu.dma_semaphore, #tpu.memory_space<semaphore_mem>>) src(%arg9 : memref<64x128xf32, #tpu.memory_space<vmem>>) dst(%dma_wait3A_564 : memref<10112x128xf32, #tpu.memory_space<vmem_shared>>)
        tpu.yield
      }) : () -> ()
      %dma_start3A_514 = arith.constant 14 : i32
      %dma_start3A_515 = arith.constant 0 : i32
      %dma_start3A_516 = tpu.memref_slice %arg7[%dma_start3A_514, %dma_start3A_515] : memref<16x64xi32, #tpu.memory_space<vmem>> -> memref<1x64xi32, #tpu.memory_space<vmem>>
      %dma_start3A_517 = tpu.memref_squeeze %dma_start3A_516 : memref<1x64xi32, #tpu.memory_space<vmem>> -> memref<64xi32, #tpu.memory_space<vmem>>
      %dma_start3A_518 = arith.constant 0 : i32
      %dma_start3A_519 = arith.constant 0 : i32
      %dma_start3A_520 = tpu.memref_slice %arg2[%dma_start3A_518, %dma_start3A_519] : memref<10000x128xf32, #tpu.memory_space<hbm>> -> memref<10000x128xf32, #tpu.memory_space<hbm>>
      tpu.enqueue_indirect_dma source(%dma_start3A_520 : memref<10000x128xf32, #tpu.memory_space<hbm>>) target(%arg9 : memref<64x128xf32, #tpu.memory_space<vmem>>) offsets(%dma_start3A_517 : memref<64xi32, #tpu.memory_space<vmem>>) semaphore(%arg12 : memref<!tpu.dma_semaphore, #tpu.memory_space<semaphore_mem>>)
      %dma_wait3A_521 = arith.constant 13 : i32
      %dma_wait3A_522 = arith.constant 0 : i32
      %dma_wait3A_523 = tpu.memref_slice %arg7[%dma_wait3A_521, %dma_wait3A_522] : memref<16x64xi32, #tpu.memory_space<vmem>> -> memref<1x64xi32, #tpu.memory_space<vmem>>
      %dma_wait3A_524 = tpu.memref_squeeze %dma_wait3A_523 : memref<1x64xi32, #tpu.memory_space<vmem>> -> memref<64xi32, #tpu.memory_space<vmem>>
      %dma_wait3A_525 = arith.constant 0 : i32
      %dma_wait3A_526 = arith.constant 0 : i32
      %dma_wait3A_527 = tpu.memref_slice %arg2[%dma_wait3A_525, %dma_wait3A_526] : memref<10000x128xf32, #tpu.memory_space<hbm>> -> memref<10000x128xf32, #tpu.memory_space<hbm>>
      tpu.wait_indirect_dma semaphore(%arg13 : memref<!tpu.dma_semaphore, #tpu.memory_space<semaphore_mem>>) src(%dma_wait3A_527 : memref<10000x128xf32, #tpu.memory_space<hbm>>) dst(%arg10 : memref<64x128xf32, #tpu.memory_space<vmem>>)
      %run_scoped3A_528 = arith.constant 13 : i32
      "tpu.region"() ({
        %run_scoped3A_552 = tpu.sem_alloc : memref<!tpu.dma_semaphore, #tpu.memory_space<semaphore_mem>>
        %dma_start3A_553 = arith.constant 0 : i32
        %dma_start3A_554 = tpu.memref_slice %arg8[%run_scoped3A_528, %dma_start3A_553] : memref<16x64xi32, #tpu.memory_space<vmem>> -> memref<1x64xi32, #tpu.memory_space<vmem>>
        %dma_start3A_555 = tpu.memref_squeeze %dma_start3A_554 : memref<1x64xi32, #tpu.memory_space<vmem>> -> memref<64xi32, #tpu.memory_space<vmem>>
        %dma_start3A_556 = arith.constant 0 : i32
        %dma_start3A_557 = arith.constant 0 : i32
        %dma_start3A_558 = tpu.memref_slice %arg11[%dma_start3A_556, %dma_start3A_557] : memref<10112x128xf32, #tpu.memory_space<vmem_shared>> -> memref<10112x128xf32, #tpu.memory_space<vmem_shared>>
        tpu.enqueue_indirect_dma source(%arg10 : memref<64x128xf32, #tpu.memory_space<vmem>>) target(%dma_start3A_558 : memref<10112x128xf32, #tpu.memory_space<vmem_shared>>) offsets(%dma_start3A_555 : memref<64xi32, #tpu.memory_space<vmem>>) semaphore(%run_scoped3A_552 : memref<!tpu.dma_semaphore, #tpu.memory_space<semaphore_mem>>) {add = true}
        %dma_wait3A_559 = arith.constant 0 : i32
        %dma_wait3A_560 = tpu.memref_slice %arg8[%run_scoped3A_528, %dma_wait3A_559] : memref<16x64xi32, #tpu.memory_space<vmem>> -> memref<1x64xi32, #tpu.memory_space<vmem>>
        %dma_wait3A_561 = tpu.memref_squeeze %dma_wait3A_560 : memref<1x64xi32, #tpu.memory_space<vmem>> -> memref<64xi32, #tpu.memory_space<vmem>>
        %dma_wait3A_562 = arith.constant 0 : i32
        %dma_wait3A_563 = arith.constant 0 : i32
        %dma_wait3A_564 = tpu.memref_slice %arg11[%dma_wait3A_562, %dma_wait3A_563] : memref<10112x128xf32, #tpu.memory_space<vmem_shared>> -> memref<10112x128xf32, #tpu.memory_space<vmem_shared>>
        tpu.wait_indirect_dma semaphore(%run_scoped3A_552 : memref<!tpu.dma_semaphore, #tpu.memory_space<semaphore_mem>>) src(%arg10 : memref<64x128xf32, #tpu.memory_space<vmem>>) dst(%dma_wait3A_564 : memref<10112x128xf32, #tpu.memory_space<vmem_shared>>)
        tpu.yield
      }) : () -> ()
      %dma_start3A_529 = arith.constant 15 : i32
      %dma_start3A_530 = arith.constant 0 : i32
      %dma_start3A_531 = tpu.memref_slice %arg7[%dma_start3A_529, %dma_start3A_530] : memref<16x64xi32, #tpu.memory_space<vmem>> -> memref<1x64xi32, #tpu.memory_space<vmem>>
      %dma_start3A_532 = tpu.memref_squeeze %dma_start3A_531 : memref<1x64xi32, #tpu.memory_space<vmem>> -> memref<64xi32, #tpu.memory_space<vmem>>
      %dma_start3A_533 = arith.constant 0 : i32
      %dma_start3A_534 = arith.constant 0 : i32
      %dma_start3A_535 = tpu.memref_slice %arg2[%dma_start3A_533, %dma_start3A_534] : memref<10000x128xf32, #tpu.memory_space<hbm>> -> memref<10000x128xf32, #tpu.memory_space<hbm>>
      tpu.enqueue_indirect_dma source(%dma_start3A_535 : memref<10000x128xf32, #tpu.memory_space<hbm>>) target(%arg10 : memref<64x128xf32, #tpu.memory_space<vmem>>) offsets(%dma_start3A_532 : memref<64xi32, #tpu.memory_space<vmem>>) semaphore(%arg13 : memref<!tpu.dma_semaphore, #tpu.memory_space<semaphore_mem>>)
      %dma_wait3A_536 = arith.constant 14 : i32
      %dma_wait3A_537 = arith.constant 0 : i32
      %dma_wait3A_538 = tpu.memref_slice %arg7[%dma_wait3A_536, %dma_wait3A_537] : memref<16x64xi32, #tpu.memory_space<vmem>> -> memref<1x64xi32, #tpu.memory_space<vmem>>
      %dma_wait3A_539 = tpu.memref_squeeze %dma_wait3A_538 : memref<1x64xi32, #tpu.memory_space<vmem>> -> memref<64xi32, #tpu.memory_space<vmem>>
      %dma_wait3A_540 = arith.constant 0 : i32
      %dma_wait3A_541 = arith.constant 0 : i32
      %dma_wait3A_542 = tpu.memref_slice %arg2[%dma_wait3A_540, %dma_wait3A_541] : memref<10000x128xf32, #tpu.memory_space<hbm>> -> memref<10000x128xf32, #tpu.memory_space<hbm>>
      tpu.wait_indirect_dma semaphore(%arg12 : memref<!tpu.dma_semaphore, #tpu.memory_space<semaphore_mem>>) src(%dma_wait3A_542 : memref<10000x128xf32, #tpu.memory_space<hbm>>) dst(%arg9 : memref<64x128xf32, #tpu.memory_space<vmem>>)
      %run_scoped3A_543 = arith.constant 14 : i32
      "tpu.region"() ({
        %run_scoped3A_552 = tpu.sem_alloc : memref<!tpu.dma_semaphore, #tpu.memory_space<semaphore_mem>>
        %dma_start3A_553 = arith.constant 0 : i32
        %dma_start3A_554 = tpu.memref_slice %arg8[%run_scoped3A_543, %dma_start3A_553] : memref<16x64xi32, #tpu.memory_space<vmem>> -> memref<1x64xi32, #tpu.memory_space<vmem>>
        %dma_start3A_555 = tpu.memref_squeeze %dma_start3A_554 : memref<1x64xi32, #tpu.memory_space<vmem>> -> memref<64xi32, #tpu.memory_space<vmem>>
        %dma_start3A_556 = arith.constant 0 : i32
        %dma_start3A_557 = arith.constant 0 : i32
        %dma_start3A_558 = tpu.memref_slice %arg11[%dma_start3A_556, %dma_start3A_557] : memref<10112x128xf32, #tpu.memory_space<vmem_shared>> -> memref<10112x128xf32, #tpu.memory_space<vmem_shared>>
        tpu.enqueue_indirect_dma source(%arg9 : memref<64x128xf32, #tpu.memory_space<vmem>>) target(%dma_start3A_558 : memref<10112x128xf32, #tpu.memory_space<vmem_shared>>) offsets(%dma_start3A_555 : memref<64xi32, #tpu.memory_space<vmem>>) semaphore(%run_scoped3A_552 : memref<!tpu.dma_semaphore, #tpu.memory_space<semaphore_mem>>) {add = true}
        %dma_wait3A_559 = arith.constant 0 : i32
        %dma_wait3A_560 = tpu.memref_slice %arg8[%run_scoped3A_543, %dma_wait3A_559] : memref<16x64xi32, #tpu.memory_space<vmem>> -> memref<1x64xi32, #tpu.memory_space<vmem>>
        %dma_wait3A_561 = tpu.memref_squeeze %dma_wait3A_560 : memref<1x64xi32, #tpu.memory_space<vmem>> -> memref<64xi32, #tpu.memory_space<vmem>>
        %dma_wait3A_562 = arith.constant 0 : i32
        %dma_wait3A_563 = arith.constant 0 : i32
        %dma_wait3A_564 = tpu.memref_slice %arg11[%dma_wait3A_562, %dma_wait3A_563] : memref<10112x128xf32, #tpu.memory_space<vmem_shared>> -> memref<10112x128xf32, #tpu.memory_space<vmem_shared>>
        tpu.wait_indirect_dma semaphore(%run_scoped3A_552 : memref<!tpu.dma_semaphore, #tpu.memory_space<semaphore_mem>>) src(%arg9 : memref<64x128xf32, #tpu.memory_space<vmem>>) dst(%dma_wait3A_564 : memref<10112x128xf32, #tpu.memory_space<vmem_shared>>)
        tpu.yield
      }) : () -> ()
      %dma_wait3A_544 = arith.constant 15 : i32
      %dma_wait3A_545 = arith.constant 0 : i32
      %dma_wait3A_546 = tpu.memref_slice %arg7[%dma_wait3A_544, %dma_wait3A_545] : memref<16x64xi32, #tpu.memory_space<vmem>> -> memref<1x64xi32, #tpu.memory_space<vmem>>
      %dma_wait3A_547 = tpu.memref_squeeze %dma_wait3A_546 : memref<1x64xi32, #tpu.memory_space<vmem>> -> memref<64xi32, #tpu.memory_space<vmem>>
      %dma_wait3A_548 = arith.constant 0 : i32
      %dma_wait3A_549 = arith.constant 0 : i32
      %dma_wait3A_550 = tpu.memref_slice %arg2[%dma_wait3A_548, %dma_wait3A_549] : memref<10000x128xf32, #tpu.memory_space<hbm>> -> memref<10000x128xf32, #tpu.memory_space<hbm>>
      tpu.wait_indirect_dma semaphore(%arg13 : memref<!tpu.dma_semaphore, #tpu.memory_space<semaphore_mem>>) src(%dma_wait3A_550 : memref<10000x128xf32, #tpu.memory_space<hbm>>) dst(%arg10 : memref<64x128xf32, #tpu.memory_space<vmem>>)
      %run_scoped3A_551 = arith.constant 15 : i32
      "tpu.region"() ({
        %run_scoped3A_552 = tpu.sem_alloc : memref<!tpu.dma_semaphore, #tpu.memory_space<semaphore_mem>>
        %dma_start3A_553 = arith.constant 0 : i32
        %dma_start3A_554 = tpu.memref_slice %arg8[%run_scoped3A_551, %dma_start3A_553] : memref<16x64xi32, #tpu.memory_space<vmem>> -> memref<1x64xi32, #tpu.memory_space<vmem>>
        %dma_start3A_555 = tpu.memref_squeeze %dma_start3A_554 : memref<1x64xi32, #tpu.memory_space<vmem>> -> memref<64xi32, #tpu.memory_space<vmem>>
        %dma_start3A_556 = arith.constant 0 : i32
        %dma_start3A_557 = arith.constant 0 : i32
        %dma_start3A_558 = tpu.memref_slice %arg11[%dma_start3A_556, %dma_start3A_557] : memref<10112x128xf32, #tpu.memory_space<vmem_shared>> -> memref<10112x128xf32, #tpu.memory_space<vmem_shared>>
        tpu.enqueue_indirect_dma source(%arg10 : memref<64x128xf32, #tpu.memory_space<vmem>>) target(%dma_start3A_558 : memref<10112x128xf32, #tpu.memory_space<vmem_shared>>) offsets(%dma_start3A_555 : memref<64xi32, #tpu.memory_space<vmem>>) semaphore(%run_scoped3A_552 : memref<!tpu.dma_semaphore, #tpu.memory_space<semaphore_mem>>) {add = true}
        %dma_wait3A_559 = arith.constant 0 : i32
        %dma_wait3A_560 = tpu.memref_slice %arg8[%run_scoped3A_551, %dma_wait3A_559] : memref<16x64xi32, #tpu.memory_space<vmem>> -> memref<1x64xi32, #tpu.memory_space<vmem>>
        %dma_wait3A_561 = tpu.memref_squeeze %dma_wait3A_560 : memref<1x64xi32, #tpu.memory_space<vmem>> -> memref<64xi32, #tpu.memory_space<vmem>>
        %dma_wait3A_562 = arith.constant 0 : i32
        %dma_wait3A_563 = arith.constant 0 : i32
        %dma_wait3A_564 = tpu.memref_slice %arg11[%dma_wait3A_562, %dma_wait3A_563] : memref<10112x128xf32, #tpu.memory_space<vmem_shared>> -> memref<10112x128xf32, #tpu.memory_space<vmem_shared>>
        tpu.wait_indirect_dma semaphore(%run_scoped3A_552 : memref<!tpu.dma_semaphore, #tpu.memory_space<semaphore_mem>>) src(%arg10 : memref<64x128xf32, #tpu.memory_space<vmem>>) dst(%dma_wait3A_564 : memref<10112x128xf32, #tpu.memory_space<vmem_shared>>)
        tpu.yield
      }) : () -> ()
    }
    %while3A_48 = arith.constant 1 : i32
    scf.for %while3A_54 = %while3A_46 to %while3A_42 step %while3A_48  : i32 {
      %mul3A_55 = arith.muli %while3A_54, %while3A : i32
      %add3A_56 = arith.addi %while3A_39, %mul3A_55 : i32
      %mul3A_57 = arith.constant 16 : i32
      %mul3A_58 = arith.muli %add3A_56, %mul3A_57 : i32
      %add3A_59 = arith.addi %select_n3A, %mul3A_58 : i32
      %multiple_of3A = tpu.assume_multiple %add3A_59, 16 : i32
      "tpu.region"() ({
        %run_scoped3A_552 = tpu.sem_alloc : memref<!tpu.dma_semaphore, #tpu.memory_space<semaphore_mem>>
        %dma_start3A_553 = arith.constant 0 : i32
        %dma_start3A_554 = tpu.memref_slice %arg3[%multiple_of3A, %dma_start3A_553] : memref<5120x64xi32, #tpu.memory_space<hbm>> -> memref<16x64xi32, #tpu.memory_space<hbm>>
        %dma_start3A_555 = arith.constant 0 : i32
        %dma_start3A_556 = tpu.memref_slice %arg3[%multiple_of3A, %dma_start3A_555] : memref<5120x64xi32, #tpu.memory_space<hbm>> -> memref<16x64xi32, #tpu.memory_space<hbm>>
        tpu.enqueue_dma source(%dma_start3A_556 : memref<16x64xi32, #tpu.memory_space<hbm>>) target(%arg7 : memref<16x64xi32, #tpu.memory_space<vmem>>) target_semaphore(%run_scoped3A_552 : memref<!tpu.dma_semaphore, #tpu.memory_space<semaphore_mem>>)
        %dma_wait3A_557 = arith.constant 0 : i32
        %dma_wait3A_558 = tpu.memref_slice %arg3[%multiple_of3A, %dma_wait3A_557] : memref<5120x64xi32, #tpu.memory_space<hbm>> -> memref<16x64xi32, #tpu.memory_space<hbm>>
        %dma_wait3A_559 = arith.constant 0 : i32
        %dma_wait3A_560 = tpu.memref_slice %arg3[%multiple_of3A, %dma_wait3A_559] : memref<5120x64xi32, #tpu.memory_space<hbm>> -> memref<16x64xi32, #tpu.memory_space<hbm>>
        tpu.wait_dma2 semaphore(%run_scoped3A_552 : memref<!tpu.dma_semaphore, #tpu.memory_space<semaphore_mem>>) src(%dma_wait3A_560 : memref<16x64xi32, #tpu.memory_space<hbm>>) dst(%arg7 : memref<16x64xi32, #tpu.memory_space<vmem>>)
        tpu.yield
      }) : () -> ()
      "tpu.region"() ({
        %run_scoped3A_552 = tpu.sem_alloc : memref<!tpu.dma_semaphore, #tpu.memory_space<semaphore_mem>>
        %dma_start3A_553 = arith.constant 0 : i32
        %dma_start3A_554 = tpu.memref_slice %arg4[%multiple_of3A, %dma_start3A_553] : memref<5120x64xi32, #tpu.memory_space<hbm>> -> memref<16x64xi32, #tpu.memory_space<hbm>>
        %dma_start3A_555 = arith.constant 0 : i32
        %dma_start3A_556 = tpu.memref_slice %arg4[%multiple_of3A, %dma_start3A_555] : memref<5120x64xi32, #tpu.memory_space<hbm>> -> memref<16x64xi32, #tpu.memory_space<hbm>>
        tpu.enqueue_dma source(%dma_start3A_556 : memref<16x64xi32, #tpu.memory_space<hbm>>) target(%arg8 : memref<16x64xi32, #tpu.memory_space<vmem>>) target_semaphore(%run_scoped3A_552 : memref<!tpu.dma_semaphore, #tpu.memory_space<semaphore_mem>>)
        %dma_wait3A_557 = arith.constant 0 : i32
        %dma_wait3A_558 = tpu.memref_slice %arg4[%multiple_of3A, %dma_wait3A_557] : memref<5120x64xi32, #tpu.memory_space<hbm>> -> memref<16x64xi32, #tpu.memory_space<hbm>>
        %dma_wait3A_559 = arith.constant 0 : i32
        %dma_wait3A_560 = tpu.memref_slice %arg4[%multiple_of3A, %dma_wait3A_559] : memref<5120x64xi32, #tpu.memory_space<hbm>> -> memref<16x64xi32, #tpu.memory_space<hbm>>
        tpu.wait_dma2 semaphore(%run_scoped3A_552 : memref<!tpu.dma_semaphore, #tpu.memory_space<semaphore_mem>>) src(%dma_wait3A_560 : memref<16x64xi32, #tpu.memory_space<hbm>>) dst(%arg8 : memref<16x64xi32, #tpu.memory_space<vmem>>)
        tpu.yield
      }) : () -> ()
      %get3A = arith.constant 0 : i32
      %get3A_60 = arith.index_cast %get3A : i32 to index
      %get3A_61 = arith.constant 0 : index
      %get3A_62 = tpu.vector_load %arg8[%get3A_60, %get3A_61] {strides = array<i32>} : memref<16x64xi32, #tpu.memory_space<vmem>>, vector<16xi32>,
      tpu.vector_store_idx %arg14[%get3A_62], %broadcast_in_dim3A_32 {add = true} : memref<10112xf32, #tpu.memory_space<vmem>>[vector<16xi32>], vector<16xf32>,
      %get3A_63 = arith.constant 0 : i32
      %get3A_64 = arith.index_cast %get3A_63 : i32 to index
      %get3A_65 = arith.constant 16 : index
      %get3A_66 = tpu.vector_load %arg8[%get3A_64, %get3A_65] {strides = array<i32>} : memref<16x64xi32, #tpu.memory_space<vmem>>, vector<16xi32>,
      tpu.vector_store_idx %arg14[%get3A_66], %broadcast_in_dim3A_32 {add = true} : memref<10112xf32, #tpu.memory_space<vmem>>[vector<16xi32>], vector<16xf32>,
      %get3A_67 = arith.constant 0 : i32
      %get3A_68 = arith.index_cast %get3A_67 : i32 to index
      %get3A_69 = arith.constant 32 : index
      %get3A_70 = tpu.vector_load %arg8[%get3A_68, %get3A_69] {strides = array<i32>} : memref<16x64xi32, #tpu.memory_space<vmem>>, vector<16xi32>,
      tpu.vector_store_idx %arg14[%get3A_70], %broadcast_in_dim3A_32 {add = true} : memref<10112xf32, #tpu.memory_space<vmem>>[vector<16xi32>], vector<16xf32>,
      %get3A_71 = arith.constant 0 : i32
      %get3A_72 = arith.index_cast %get3A_71 : i32 to index
      %get3A_73 = arith.constant 48 : index
      %get3A_74 = tpu.vector_load %arg8[%get3A_72, %get3A_73] {strides = array<i32>} : memref<16x64xi32, #tpu.memory_space<vmem>>, vector<16xi32>,
      tpu.vector_store_idx %arg14[%get3A_74], %broadcast_in_dim3A_32 {add = true} : memref<10112xf32, #tpu.memory_space<vmem>>[vector<16xi32>], vector<16xf32>,
      %get3A_75 = arith.constant 1 : i32
      %get3A_76 = arith.index_cast %get3A_75 : i32 to index
      %get3A_77 = arith.constant 0 : index
      %get3A_78 = tpu.vector_load %arg8[%get3A_76, %get3A_77] {strides = array<i32>} : memref<16x64xi32, #tpu.memory_space<vmem>>, vector<16xi32>,
      tpu.vector_store_idx %arg14[%get3A_78], %broadcast_in_dim3A_32 {add = true} : memref<10112xf32, #tpu.memory_space<vmem>>[vector<16xi32>], vector<16xf32>,
      %get3A_79 = arith.constant 1 : i32
      %get3A_80 = arith.index_cast %get3A_79 : i32 to index
      %get3A_81 = arith.constant 16 : index
      %get3A_82 = tpu.vector_load %arg8[%get3A_80, %get3A_81] {strides = array<i32>} : memref<16x64xi32, #tpu.memory_space<vmem>>, vector<16xi32>,
      tpu.vector_store_idx %arg14[%get3A_82], %broadcast_in_dim3A_32 {add = true} : memref<10112xf32, #tpu.memory_space<vmem>>[vector<16xi32>], vector<16xf32>,
      %get3A_83 = arith.constant 1 : i32
      %get3A_84 = arith.index_cast %get3A_83 : i32 to index
      %get3A_85 = arith.constant 32 : index
      %get3A_86 = tpu.vector_load %arg8[%get3A_84, %get3A_85] {strides = array<i32>} : memref<16x64xi32, #tpu.memory_space<vmem>>, vector<16xi32>,
      tpu.vector_store_idx %arg14[%get3A_86], %broadcast_in_dim3A_32 {add = true} : memref<10112xf32, #tpu.memory_space<vmem>>[vector<16xi32>], vector<16xf32>,
      %get3A_87 = arith.constant 1 : i32
      %get3A_88 = arith.index_cast %get3A_87 : i32 to index
      %get3A_89 = arith.constant 48 : index
      %get3A_90 = tpu.vector_load %arg8[%get3A_88, %get3A_89] {strides = array<i32>} : memref<16x64xi32, #tpu.memory_space<vmem>>, vector<16xi32>,
      tpu.vector_store_idx %arg14[%get3A_90], %broadcast_in_dim3A_32 {add = true} : memref<10112xf32, #tpu.memory_space<vmem>>[vector<16xi32>], vector<16xf32>,
      %get3A_91 = arith.constant 2 : i32
      %get3A_92 = arith.index_cast %get3A_91 : i32 to index
      %get3A_93 = arith.constant 0 : index
      %get3A_94 = tpu.vector_load %arg8[%get3A_92, %get3A_93] {strides = array<i32>} : memref<16x64xi32, #tpu.memory_space<vmem>>, vector<16xi32>,
      tpu.vector_store_idx %arg14[%get3A_94], %broadcast_in_dim3A_32 {add = true} : memref<10112xf32, #tpu.memory_space<vmem>>[vector<16xi32>], vector<16xf32>,
      %get3A_95 = arith.constant 2 : i32
      %get3A_96 = arith.index_cast %get3A_95 : i32 to index
      %get3A_97 = arith.constant 16 : index
      %get3A_98 = tpu.vector_load %arg8[%get3A_96, %get3A_97] {strides = array<i32>} : memref<16x64xi32, #tpu.memory_space<vmem>>, vector<16xi32>,
      tpu.vector_store_idx %arg14[%get3A_98], %broadcast_in_dim3A_32 {add = true} : memref<10112xf32, #tpu.memory_space<vmem>>[vector<16xi32>], vector<16xf32>,
      %get3A_99 = arith.constant 2 : i32
      %get3A_100 = arith.index_cast %get3A_99 : i32 to index
      %get3A_101 = arith.constant 32 : index
      %get3A_102 = tpu.vector_load %arg8[%get3A_100, %get3A_101] {strides = array<i32>} : memref<16x64xi32, #tpu.memory_space<vmem>>, vector<16xi32>,
      tpu.vector_store_idx %arg14[%get3A_102], %broadcast_in_dim3A_32 {add = true} : memref<10112xf32, #tpu.memory_space<vmem>>[vector<16xi32>], vector<16xf32>,
      %get3A_103 = arith.constant 2 : i32
      %get3A_104 = arith.index_cast %get3A_103 : i32 to index
      %get3A_105 = arith.constant 48 : index
      %get3A_106 = tpu.vector_load %arg8[%get3A_104, %get3A_105] {strides = array<i32>} : memref<16x64xi32, #tpu.memory_space<vmem>>, vector<16xi32>,
      tpu.vector_store_idx %arg14[%get3A_106], %broadcast_in_dim3A_32 {add = true} : memref<10112xf32, #tpu.memory_space<vmem>>[vector<16xi32>], vector<16xf32>,
      %get3A_107 = arith.constant 3 : i32
      %get3A_108 = arith.index_cast %get3A_107 : i32 to index
      %get3A_109 = arith.constant 0 : index
      %get3A_110 = tpu.vector_load %arg8[%get3A_108, %get3A_109] {strides = array<i32>} : memref<16x64xi32, #tpu.memory_space<vmem>>, vector<16xi32>,
      tpu.vector_store_idx %arg14[%get3A_110], %broadcast_in_dim3A_32 {add = true} : memref<10112xf32, #tpu.memory_space<vmem>>[vector<16xi32>], vector<16xf32>,
      %get3A_111 = arith.constant 3 : i32
      %get3A_112 = arith.index_cast %get3A_111 : i32 to index
      %get3A_113 = arith.constant 16 : index
      %get3A_114 = tpu.vector_load %arg8[%get3A_112, %get3A_113] {strides = array<i32>} : memref<16x64xi32, #tpu.memory_space<vmem>>, vector<16xi32>,
      tpu.vector_store_idx %arg14[%get3A_114], %broadcast_in_dim3A_32 {add = true} : memref<10112xf32, #tpu.memory_space<vmem>>[vector<16xi32>], vector<16xf32>,
      %get3A_115 = arith.constant 3 : i32
      %get3A_116 = arith.index_cast %get3A_115 : i32 to index
      %get3A_117 = arith.constant 32 : index
      %get3A_118 = tpu.vector_load %arg8[%get3A_116, %get3A_117] {strides = array<i32>} : memref<16x64xi32, #tpu.memory_space<vmem>>, vector<16xi32>,
      tpu.vector_store_idx %arg14[%get3A_118], %broadcast_in_dim3A_32 {add = true} : memref<10112xf32, #tpu.memory_space<vmem>>[vector<16xi32>], vector<16xf32>,
      %get3A_119 = arith.constant 3 : i32
      %get3A_120 = arith.index_cast %get3A_119 : i32 to index
      %get3A_121 = arith.constant 48 : index
      %get3A_122 = tpu.vector_load %arg8[%get3A_120, %get3A_121] {strides = array<i32>} : memref<16x64xi32, #tpu.memory_space<vmem>>, vector<16xi32>,
      tpu.vector_store_idx %arg14[%get3A_122], %broadcast_in_dim3A_32 {add = true} : memref<10112xf32, #tpu.memory_space<vmem>>[vector<16xi32>], vector<16xf32>,
      %get3A_123 = arith.constant 4 : i32
      %get3A_124 = arith.index_cast %get3A_123 : i32 to index
      %get3A_125 = arith.constant 0 : index
      %get3A_126 = tpu.vector_load %arg8[%get3A_124, %get3A_125] {strides = array<i32>} : memref<16x64xi32, #tpu.memory_space<vmem>>, vector<16xi32>,
      tpu.vector_store_idx %arg14[%get3A_126], %broadcast_in_dim3A_32 {add = true} : memref<10112xf32, #tpu.memory_space<vmem>>[vector<16xi32>], vector<16xf32>,
      %get3A_127 = arith.constant 4 : i32
      %get3A_128 = arith.index_cast %get3A_127 : i32 to index
      %get3A_129 = arith.constant 16 : index
      %get3A_130 = tpu.vector_load %arg8[%get3A_128, %get3A_129] {strides = array<i32>} : memref<16x64xi32, #tpu.memory_space<vmem>>, vector<16xi32>,
      tpu.vector_store_idx %arg14[%get3A_130], %broadcast_in_dim3A_32 {add = true} : memref<10112xf32, #tpu.memory_space<vmem>>[vector<16xi32>], vector<16xf32>,
      %get3A_131 = arith.constant 4 : i32
      %get3A_132 = arith.index_cast %get3A_131 : i32 to index
      %get3A_133 = arith.constant 32 : index
      %get3A_134 = tpu.vector_load %arg8[%get3A_132, %get3A_133] {strides = array<i32>} : memref<16x64xi32, #tpu.memory_space<vmem>>, vector<16xi32>,
      tpu.vector_store_idx %arg14[%get3A_134], %broadcast_in_dim3A_32 {add = true} : memref<10112xf32, #tpu.memory_space<vmem>>[vector<16xi32>], vector<16xf32>,
      %get3A_135 = arith.constant 4 : i32
      %get3A_136 = arith.index_cast %get3A_135 : i32 to index
      %get3A_137 = arith.constant 48 : index
      %get3A_138 = tpu.vector_load %arg8[%get3A_136, %get3A_137] {strides = array<i32>} : memref<16x64xi32, #tpu.memory_space<vmem>>, vector<16xi32>,
      tpu.vector_store_idx %arg14[%get3A_138], %broadcast_in_dim3A_32 {add = true} : memref<10112xf32, #tpu.memory_space<vmem>>[vector<16xi32>], vector<16xf32>,
      %get3A_139 = arith.constant 5 : i32
      %get3A_140 = arith.index_cast %get3A_139 : i32 to index
      %get3A_141 = arith.constant 0 : index
      %get3A_142 = tpu.vector_load %arg8[%get3A_140, %get3A_141] {strides = array<i32>} : memref<16x64xi32, #tpu.memory_space<vmem>>, vector<16xi32>,
      tpu.vector_store_idx %arg14[%get3A_142], %broadcast_in_dim3A_32 {add = true} : memref<10112xf32, #tpu.memory_space<vmem>>[vector<16xi32>], vector<16xf32>,
      %get3A_143 = arith.constant 5 : i32
      %get3A_144 = arith.index_cast %get3A_143 : i32 to index
      %get3A_145 = arith.constant 16 : index
      %get3A_146 = tpu.vector_load %arg8[%get3A_144, %get3A_145] {strides = array<i32>} : memref<16x64xi32, #tpu.memory_space<vmem>>, vector<16xi32>,
      tpu.vector_store_idx %arg14[%get3A_146], %broadcast_in_dim3A_32 {add = true} : memref<10112xf32, #tpu.memory_space<vmem>>[vector<16xi32>], vector<16xf32>,
      %get3A_147 = arith.constant 5 : i32
      %get3A_148 = arith.index_cast %get3A_147 : i32 to index
      %get3A_149 = arith.constant 32 : index
      %get3A_150 = tpu.vector_load %arg8[%get3A_148, %get3A_149] {strides = array<i32>} : memref<16x64xi32, #tpu.memory_space<vmem>>, vector<16xi32>,
      tpu.vector_store_idx %arg14[%get3A_150], %broadcast_in_dim3A_32 {add = true} : memref<10112xf32, #tpu.memory_space<vmem>>[vector<16xi32>], vector<16xf32>,
      %get3A_151 = arith.constant 5 : i32
      %get3A_152 = arith.index_cast %get3A_151 : i32 to index
      %get3A_153 = arith.constant 48 : index
      %get3A_154 = tpu.vector_load %arg8[%get3A_152, %get3A_153] {strides = array<i32>} : memref<16x64xi32, #tpu.memory_space<vmem>>, vector<16xi32>,
      tpu.vector_store_idx %arg14[%get3A_154], %broadcast_in_dim3A_32 {add = true} : memref<10112xf32, #tpu.memory_space<vmem>>[vector<16xi32>], vector<16xf32>,
      %get3A_155 = arith.constant 6 : i32
      %get3A_156 = arith.index_cast %get3A_155 : i32 to index
      %get3A_157 = arith.constant 0 : index
      %get3A_158 = tpu.vector_load %arg8[%get3A_156, %get3A_157] {strides = array<i32>} : memref<16x64xi32, #tpu.memory_space<vmem>>, vector<16xi32>,
      tpu.vector_store_idx %arg14[%get3A_158], %broadcast_in_dim3A_32 {add = true} : memref<10112xf32, #tpu.memory_space<vmem>>[vector<16xi32>], vector<16xf32>,
      %get3A_159 = arith.constant 6 : i32
      %get3A_160 = arith.index_cast %get3A_159 : i32 to index
      %get3A_161 = arith.constant 16 : index
      %get3A_162 = tpu.vector_load %arg8[%get3A_160, %get3A_161] {strides = array<i32>} : memref<16x64xi32, #tpu.memory_space<vmem>>, vector<16xi32>,
      tpu.vector_store_idx %arg14[%get3A_162], %broadcast_in_dim3A_32 {add = true} : memref<10112xf32, #tpu.memory_space<vmem>>[vector<16xi32>], vector<16xf32>,
      %get3A_163 = arith.constant 6 : i32
      %get3A_164 = arith.index_cast %get3A_163 : i32 to index
      %get3A_165 = arith.constant 32 : index
      %get3A_166 = tpu.vector_load %arg8[%get3A_164, %get3A_165] {strides = array<i32>} : memref<16x64xi32, #tpu.memory_space<vmem>>, vector<16xi32>,
      tpu.vector_store_idx %arg14[%get3A_166], %broadcast_in_dim3A_32 {add = true} : memref<10112xf32, #tpu.memory_space<vmem>>[vector<16xi32>], vector<16xf32>,
      %get3A_167 = arith.constant 6 : i32
      %get3A_168 = arith.index_cast %get3A_167 : i32 to index
      %get3A_169 = arith.constant 48 : index
      %get3A_170 = tpu.vector_load %arg8[%get3A_168, %get3A_169] {strides = array<i32>} : memref<16x64xi32, #tpu.memory_space<vmem>>, vector<16xi32>,
      tpu.vector_store_idx %arg14[%get3A_170], %broadcast_in_dim3A_32 {add = true} : memref<10112xf32, #tpu.memory_space<vmem>>[vector<16xi32>], vector<16xf32>,
      %get3A_171 = arith.constant 7 : i32
      %get3A_172 = arith.index_cast %get3A_171 : i32 to index
      %get3A_173 = arith.constant 0 : index
      %get3A_174 = tpu.vector_load %arg8[%get3A_172, %get3A_173] {strides = array<i32>} : memref<16x64xi32, #tpu.memory_space<vmem>>, vector<16xi32>,
      tpu.vector_store_idx %arg14[%get3A_174], %broadcast_in_dim3A_32 {add = true} : memref<10112xf32, #tpu.memory_space<vmem>>[vector<16xi32>], vector<16xf32>,
      %get3A_175 = arith.constant 7 : i32
      %get3A_176 = arith.index_cast %get3A_175 : i32 to index
      %get3A_177 = arith.constant 16 : index
      %get3A_178 = tpu.vector_load %arg8[%get3A_176, %get3A_177] {strides = array<i32>} : memref<16x64xi32, #tpu.memory_space<vmem>>, vector<16xi32>,
      tpu.vector_store_idx %arg14[%get3A_178], %broadcast_in_dim3A_32 {add = true} : memref<10112xf32, #tpu.memory_space<vmem>>[vector<16xi32>], vector<16xf32>,
      %get3A_179 = arith.constant 7 : i32
      %get3A_180 = arith.index_cast %get3A_179 : i32 to index
      %get3A_181 = arith.constant 32 : index
      %get3A_182 = tpu.vector_load %arg8[%get3A_180, %get3A_181] {strides = array<i32>} : memref<16x64xi32, #tpu.memory_space<vmem>>, vector<16xi32>,
      tpu.vector_store_idx %arg14[%get3A_182], %broadcast_in_dim3A_32 {add = true} : memref<10112xf32, #tpu.memory_space<vmem>>[vector<16xi32>], vector<16xf32>,
      %get3A_183 = arith.constant 7 : i32
      %get3A_184 = arith.index_cast %get3A_183 : i32 to index
      %get3A_185 = arith.constant 48 : index
      %get3A_186 = tpu.vector_load %arg8[%get3A_184, %get3A_185] {strides = array<i32>} : memref<16x64xi32, #tpu.memory_space<vmem>>, vector<16xi32>,
      tpu.vector_store_idx %arg14[%get3A_186], %broadcast_in_dim3A_32 {add = true} : memref<10112xf32, #tpu.memory_space<vmem>>[vector<16xi32>], vector<16xf32>,
      %get3A_187 = arith.constant 8 : i32
      %get3A_188 = arith.index_cast %get3A_187 : i32 to index
      %get3A_189 = arith.constant 0 : index
      %get3A_190 = tpu.vector_load %arg8[%get3A_188, %get3A_189] {strides = array<i32>} : memref<16x64xi32, #tpu.memory_space<vmem>>, vector<16xi32>,
      tpu.vector_store_idx %arg14[%get3A_190], %broadcast_in_dim3A_32 {add = true} : memref<10112xf32, #tpu.memory_space<vmem>>[vector<16xi32>], vector<16xf32>,
      %get3A_191 = arith.constant 8 : i32
      %get3A_192 = arith.index_cast %get3A_191 : i32 to index
      %get3A_193 = arith.constant 16 : index
      %get3A_194 = tpu.vector_load %arg8[%get3A_192, %get3A_193] {strides = array<i32>} : memref<16x64xi32, #tpu.memory_space<vmem>>, vector<16xi32>,
      tpu.vector_store_idx %arg14[%get3A_194], %broadcast_in_dim3A_32 {add = true} : memref<10112xf32, #tpu.memory_space<vmem>>[vector<16xi32>], vector<16xf32>,
      %get3A_195 = arith.constant 8 : i32
      %get3A_196 = arith.index_cast %get3A_195 : i32 to index
      %get3A_197 = arith.constant 32 : index
      %get3A_198 = tpu.vector_load %arg8[%get3A_196, %get3A_197] {strides = array<i32>} : memref<16x64xi32, #tpu.memory_space<vmem>>, vector<16xi32>,
      tpu.vector_store_idx %arg14[%get3A_198], %broadcast_in_dim3A_32 {add = true} : memref<10112xf32, #tpu.memory_space<vmem>>[vector<16xi32>], vector<16xf32>,
      %get3A_199 = arith.constant 8 : i32
      %get3A_200 = arith.index_cast %get3A_199 : i32 to index
      %get3A_201 = arith.constant 48 : index
      %get3A_202 = tpu.vector_load %arg8[%get3A_200, %get3A_201] {strides = array<i32>} : memref<16x64xi32, #tpu.memory_space<vmem>>, vector<16xi32>,
      tpu.vector_store_idx %arg14[%get3A_202], %broadcast_in_dim3A_32 {add = true} : memref<10112xf32, #tpu.memory_space<vmem>>[vector<16xi32>], vector<16xf32>,
      %get3A_203 = arith.constant 9 : i32
      %get3A_204 = arith.index_cast %get3A_203 : i32 to index
      %get3A_205 = arith.constant 0 : index
      %get3A_206 = tpu.vector_load %arg8[%get3A_204, %get3A_205] {strides = array<i32>} : memref<16x64xi32, #tpu.memory_space<vmem>>, vector<16xi32>,
      tpu.vector_store_idx %arg14[%get3A_206], %broadcast_in_dim3A_32 {add = true} : memref<10112xf32, #tpu.memory_space<vmem>>[vector<16xi32>], vector<16xf32>,
      %get3A_207 = arith.constant 9 : i32
      %get3A_208 = arith.index_cast %get3A_207 : i32 to index
      %get3A_209 = arith.constant 16 : index
      %get3A_210 = tpu.vector_load %arg8[%get3A_208, %get3A_209] {strides = array<i32>} : memref<16x64xi32, #tpu.memory_space<vmem>>, vector<16xi32>,
      tpu.vector_store_idx %arg14[%get3A_210], %broadcast_in_dim3A_32 {add = true} : memref<10112xf32, #tpu.memory_space<vmem>>[vector<16xi32>], vector<16xf32>,
      %get3A_211 = arith.constant 9 : i32
      %get3A_212 = arith.index_cast %get3A_211 : i32 to index
      %get3A_213 = arith.constant 32 : index
      %get3A_214 = tpu.vector_load %arg8[%get3A_212, %get3A_213] {strides = array<i32>} : memref<16x64xi32, #tpu.memory_space<vmem>>, vector<16xi32>,
      tpu.vector_store_idx %arg14[%get3A_214], %broadcast_in_dim3A_32 {add = true} : memref<10112xf32, #tpu.memory_space<vmem>>[vector<16xi32>], vector<16xf32>,
      %get3A_215 = arith.constant 9 : i32
      %get3A_216 = arith.index_cast %get3A_215 : i32 to index
      %get3A_217 = arith.constant 48 : index
      %get3A_218 = tpu.vector_load %arg8[%get3A_216, %get3A_217] {strides = array<i32>} : memref<16x64xi32, #tpu.memory_space<vmem>>, vector<16xi32>,
      tpu.vector_store_idx %arg14[%get3A_218], %broadcast_in_dim3A_32 {add = true} : memref<10112xf32, #tpu.memory_space<vmem>>[vector<16xi32>], vector<16xf32>,
      %get3A_219 = arith.constant 10 : i32
      %get3A_220 = arith.index_cast %get3A_219 : i32 to index
      %get3A_221 = arith.constant 0 : index
      %get3A_222 = tpu.vector_load %arg8[%get3A_220, %get3A_221] {strides = array<i32>} : memref<16x64xi32, #tpu.memory_space<vmem>>, vector<16xi32>,
      tpu.vector_store_idx %arg14[%get3A_222], %broadcast_in_dim3A_32 {add = true} : memref<10112xf32, #tpu.memory_space<vmem>>[vector<16xi32>], vector<16xf32>,
      %get3A_223 = arith.constant 10 : i32
      %get3A_224 = arith.index_cast %get3A_223 : i32 to index
      %get3A_225 = arith.constant 16 : index
      %get3A_226 = tpu.vector_load %arg8[%get3A_224, %get3A_225] {strides = array<i32>} : memref<16x64xi32, #tpu.memory_space<vmem>>, vector<16xi32>,
      tpu.vector_store_idx %arg14[%get3A_226], %broadcast_in_dim3A_32 {add = true} : memref<10112xf32, #tpu.memory_space<vmem>>[vector<16xi32>], vector<16xf32>,
      %get3A_227 = arith.constant 10 : i32
      %get3A_228 = arith.index_cast %get3A_227 : i32 to index
      %get3A_229 = arith.constant 32 : index
      %get3A_230 = tpu.vector_load %arg8[%get3A_228, %get3A_229] {strides = array<i32>} : memref<16x64xi32, #tpu.memory_space<vmem>>, vector<16xi32>,
      tpu.vector_store_idx %arg14[%get3A_230], %broadcast_in_dim3A_32 {add = true} : memref<10112xf32, #tpu.memory_space<vmem>>[vector<16xi32>], vector<16xf32>,
      %get3A_231 = arith.constant 10 : i32
      %get3A_232 = arith.index_cast %get3A_231 : i32 to index
      %get3A_233 = arith.constant 48 : index
      %get3A_234 = tpu.vector_load %arg8[%get3A_232, %get3A_233] {strides = array<i32>} : memref<16x64xi32, #tpu.memory_space<vmem>>, vector<16xi32>,
      tpu.vector_store_idx %arg14[%get3A_234], %broadcast_in_dim3A_32 {add = true} : memref<10112xf32, #tpu.memory_space<vmem>>[vector<16xi32>], vector<16xf32>,
      %get3A_235 = arith.constant 11 : i32
      %get3A_236 = arith.index_cast %get3A_235 : i32 to index
      %get3A_237 = arith.constant 0 : index
      %get3A_238 = tpu.vector_load %arg8[%get3A_236, %get3A_237] {strides = array<i32>} : memref<16x64xi32, #tpu.memory_space<vmem>>, vector<16xi32>,
      tpu.vector_store_idx %arg14[%get3A_238], %broadcast_in_dim3A_32 {add = true} : memref<10112xf32, #tpu.memory_space<vmem>>[vector<16xi32>], vector<16xf32>,
      %get3A_239 = arith.constant 11 : i32
      %get3A_240 = arith.index_cast %get3A_239 : i32 to index
      %get3A_241 = arith.constant 16 : index
      %get3A_242 = tpu.vector_load %arg8[%get3A_240, %get3A_241] {strides = array<i32>} : memref<16x64xi32, #tpu.memory_space<vmem>>, vector<16xi32>,
      tpu.vector_store_idx %arg14[%get3A_242], %broadcast_in_dim3A_32 {add = true} : memref<10112xf32, #tpu.memory_space<vmem>>[vector<16xi32>], vector<16xf32>,
      %get3A_243 = arith.constant 11 : i32
      %get3A_244 = arith.index_cast %get3A_243 : i32 to index
      %get3A_245 = arith.constant 32 : index
      %get3A_246 = tpu.vector_load %arg8[%get3A_244, %get3A_245] {strides = array<i32>} : memref<16x64xi32, #tpu.memory_space<vmem>>, vector<16xi32>,
      tpu.vector_store_idx %arg14[%get3A_246], %broadcast_in_dim3A_32 {add = true} : memref<10112xf32, #tpu.memory_space<vmem>>[vector<16xi32>], vector<16xf32>,
      %get3A_247 = arith.constant 11 : i32
      %get3A_248 = arith.index_cast %get3A_247 : i32 to index
      %get3A_249 = arith.constant 48 : index
      %get3A_250 = tpu.vector_load %arg8[%get3A_248, %get3A_249] {strides = array<i32>} : memref<16x64xi32, #tpu.memory_space<vmem>>, vector<16xi32>,
      tpu.vector_store_idx %arg14[%get3A_250], %broadcast_in_dim3A_32 {add = true} : memref<10112xf32, #tpu.memory_space<vmem>>[vector<16xi32>], vector<16xf32>,
      %get3A_251 = arith.constant 12 : i32
      %get3A_252 = arith.index_cast %get3A_251 : i32 to index
      %get3A_253 = arith.constant 0 : index
      %get3A_254 = tpu.vector_load %arg8[%get3A_252, %get3A_253] {strides = array<i32>} : memref<16x64xi32, #tpu.memory_space<vmem>>, vector<16xi32>,
      tpu.vector_store_idx %arg14[%get3A_254], %broadcast_in_dim3A_32 {add = true} : memref<10112xf32, #tpu.memory_space<vmem>>[vector<16xi32>], vector<16xf32>,
      %get3A_255 = arith.constant 12 : i32
      %get3A_256 = arith.index_cast %get3A_255 : i32 to index
      %get3A_257 = arith.constant 16 : index
      %get3A_258 = tpu.vector_load %arg8[%get3A_256, %get3A_257] {strides = array<i32>} : memref<16x64xi32, #tpu.memory_space<vmem>>, vector<16xi32>,
      tpu.vector_store_idx %arg14[%get3A_258], %broadcast_in_dim3A_32 {add = true} : memref<10112xf32, #tpu.memory_space<vmem>>[vector<16xi32>], vector<16xf32>,
      %get3A_259 = arith.constant 12 : i32
      %get3A_260 = arith.index_cast %get3A_259 : i32 to index
      %get3A_261 = arith.constant 32 : index
      %get3A_262 = tpu.vector_load %arg8[%get3A_260, %get3A_261] {strides = array<i32>} : memref<16x64xi32, #tpu.memory_space<vmem>>, vector<16xi32>,
      tpu.vector_store_idx %arg14[%get3A_262], %broadcast_in_dim3A_32 {add = true} : memref<10112xf32, #tpu.memory_space<vmem>>[vector<16xi32>], vector<16xf32>,
      %get3A_263 = arith.constant 12 : i32
      %get3A_264 = arith.index_cast %get3A_263 : i32 to index
      %get3A_265 = arith.constant 48 : index
      %get3A_266 = tpu.vector_load %arg8[%get3A_264, %get3A_265] {strides = array<i32>} : memref<16x64xi32, #tpu.memory_space<vmem>>, vector<16xi32>,
      tpu.vector_store_idx %arg14[%get3A_266], %broadcast_in_dim3A_32 {add = true} : memref<10112xf32, #tpu.memory_space<vmem>>[vector<16xi32>], vector<16xf32>,
      %get3A_267 = arith.constant 13 : i32
      %get3A_268 = arith.index_cast %get3A_267 : i32 to index
      %get3A_269 = arith.constant 0 : index
      %get3A_270 = tpu.vector_load %arg8[%get3A_268, %get3A_269] {strides = array<i32>} : memref<16x64xi32, #tpu.memory_space<vmem>>, vector<16xi32>,
      tpu.vector_store_idx %arg14[%get3A_270], %broadcast_in_dim3A_32 {add = true} : memref<10112xf32, #tpu.memory_space<vmem>>[vector<16xi32>], vector<16xf32>,
      %get3A_271 = arith.constant 13 : i32
      %get3A_272 = arith.index_cast %get3A_271 : i32 to index
      %get3A_273 = arith.constant 16 : index
      %get3A_274 = tpu.vector_load %arg8[%get3A_272, %get3A_273] {strides = array<i32>} : memref<16x64xi32, #tpu.memory_space<vmem>>, vector<16xi32>,
      tpu.vector_store_idx %arg14[%get3A_274], %broadcast_in_dim3A_32 {add = true} : memref<10112xf32, #tpu.memory_space<vmem>>[vector<16xi32>], vector<16xf32>,
      %get3A_275 = arith.constant 13 : i32
      %get3A_276 = arith.index_cast %get3A_275 : i32 to index
      %get3A_277 = arith.constant 32 : index
      %get3A_278 = tpu.vector_load %arg8[%get3A_276, %get3A_277] {strides = array<i32>} : memref<16x64xi32, #tpu.memory_space<vmem>>, vector<16xi32>,
      tpu.vector_store_idx %arg14[%get3A_278], %broadcast_in_dim3A_32 {add = true} : memref<10112xf32, #tpu.memory_space<vmem>>[vector<16xi32>], vector<16xf32>,
      %get3A_279 = arith.constant 13 : i32
      %get3A_280 = arith.index_cast %get3A_279 : i32 to index
      %get3A_281 = arith.constant 48 : index
      %get3A_282 = tpu.vector_load %arg8[%get3A_280, %get3A_281] {strides = array<i32>} : memref<16x64xi32, #tpu.memory_space<vmem>>, vector<16xi32>,
      tpu.vector_store_idx %arg14[%get3A_282], %broadcast_in_dim3A_32 {add = true} : memref<10112xf32, #tpu.memory_space<vmem>>[vector<16xi32>], vector<16xf32>,
      %get3A_283 = arith.constant 14 : i32
      %get3A_284 = arith.index_cast %get3A_283 : i32 to index
      %get3A_285 = arith.constant 0 : index
      %get3A_286 = tpu.vector_load %arg8[%get3A_284, %get3A_285] {strides = array<i32>} : memref<16x64xi32, #tpu.memory_space<vmem>>, vector<16xi32>,
      tpu.vector_store_idx %arg14[%get3A_286], %broadcast_in_dim3A_32 {add = true} : memref<10112xf32, #tpu.memory_space<vmem>>[vector<16xi32>], vector<16xf32>,
      %get3A_287 = arith.constant 14 : i32
      %get3A_288 = arith.index_cast %get3A_287 : i32 to index
      %get3A_289 = arith.constant 16 : index
      %get3A_290 = tpu.vector_load %arg8[%get3A_288, %get3A_289] {strides = array<i32>} : memref<16x64xi32, #tpu.memory_space<vmem>>, vector<16xi32>,
      tpu.vector_store_idx %arg14[%get3A_290], %broadcast_in_dim3A_32 {add = true} : memref<10112xf32, #tpu.memory_space<vmem>>[vector<16xi32>], vector<16xf32>,
      %get3A_291 = arith.constant 14 : i32
      %get3A_292 = arith.index_cast %get3A_291 : i32 to index
      %get3A_293 = arith.constant 32 : index
      %get3A_294 = tpu.vector_load %arg8[%get3A_292, %get3A_293] {strides = array<i32>} : memref<16x64xi32, #tpu.memory_space<vmem>>, vector<16xi32>,
      tpu.vector_store_idx %arg14[%get3A_294], %broadcast_in_dim3A_32 {add = true} : memref<10112xf32, #tpu.memory_space<vmem>>[vector<16xi32>], vector<16xf32>,
      %get3A_295 = arith.constant 14 : i32
      %get3A_296 = arith.index_cast %get3A_295 : i32 to index
      %get3A_297 = arith.constant 48 : index
      %get3A_298 = tpu.vector_load %arg8[%get3A_296, %get3A_297] {strides = array<i32>} : memref<16x64xi32, #tpu.memory_space<vmem>>, vector<16xi32>,
      tpu.vector_store_idx %arg14[%get3A_298], %broadcast_in_dim3A_32 {add = true} : memref<10112xf32, #tpu.memory_space<vmem>>[vector<16xi32>], vector<16xf32>,
      %get3A_299 = arith.constant 15 : i32
      %get3A_300 = arith.index_cast %get3A_299 : i32 to index
      %get3A_301 = arith.constant 0 : index
      %get3A_302 = tpu.vector_load %arg8[%get3A_300, %get3A_301] {strides = array<i32>} : memref<16x64xi32, #tpu.memory_space<vmem>>, vector<16xi32>,
      tpu.vector_store_idx %arg14[%get3A_302], %broadcast_in_dim3A_32 {add = true} : memref<10112xf32, #tpu.memory_space<vmem>>[vector<16xi32>], vector<16xf32>,
      %get3A_303 = arith.constant 15 : i32
      %get3A_304 = arith.index_cast %get3A_303 : i32 to index
      %get3A_305 = arith.constant 16 : index
      %get3A_306 = tpu.vector_load %arg8[%get3A_304, %get3A_305] {strides = array<i32>} : memref<16x64xi32, #tpu.memory_space<vmem>>, vector<16xi32>,
      tpu.vector_store_idx %arg14[%get3A_306], %broadcast_in_dim3A_32 {add = true} : memref<10112xf32, #tpu.memory_space<vmem>>[vector<16xi32>], vector<16xf32>,
      %get3A_307 = arith.constant 15 : i32
      %get3A_308 = arith.index_cast %get3A_307 : i32 to index
      %get3A_309 = arith.constant 32 : index
      %get3A_310 = tpu.vector_load %arg8[%get3A_308, %get3A_309] {strides = array<i32>} : memref<16x64xi32, #tpu.memory_space<vmem>>, vector<16xi32>,
      tpu.vector_store_idx %arg14[%get3A_310], %broadcast_in_dim3A_32 {add = true} : memref<10112xf32, #tpu.memory_space<vmem>>[vector<16xi32>], vector<16xf32>,
      %get3A_311 = arith.constant 15 : i32
      %get3A_312 = arith.index_cast %get3A_311 : i32 to index
      %get3A_313 = arith.constant 48 : index
      %get3A_314 = tpu.vector_load %arg8[%get3A_312, %get3A_313] {strides = array<i32>} : memref<16x64xi32, #tpu.memory_space<vmem>>, vector<16xi32>,
      tpu.vector_store_idx %arg14[%get3A_314], %broadcast_in_dim3A_32 {add = true} : memref<10112xf32, #tpu.memory_space<vmem>>[vector<16xi32>], vector<16xf32>,
      %dma_start3A = arith.constant 0 : i32
      %dma_start3A_315 = arith.constant 0 : i32
      %dma_start3A_316 = tpu.memref_slice %arg7[%dma_start3A, %dma_start3A_315] : memref<16x64xi32, #tpu.memory_space<vmem>> -> memref<1x64xi32, #tpu.memory_space<vmem>>
      %dma_start3A_317 = tpu.memref_squeeze %dma_start3A_316 : memref<1x64xi32, #tpu.memory_space<vmem>> -> memref<64xi32, #tpu.memory_space<vmem>>
      %dma_start3A_318 = arith.constant 0 : i32
      %dma_start3A_319 = arith.constant 0 : i32
      %dma_start3A_320 = tpu.memref_slice %arg2[%dma_start3A_318, %dma_start3A_319] : memref<10000x128xf32, #tpu.memory_space<hbm>> -> memref<10000x128xf32, #tpu.memory_space<hbm>>
      tpu.enqueue_indirect_dma source(%dma_start3A_320 : memref<10000x128xf32, #tpu.memory_space<hbm>>) target(%arg9 : memref<64x128xf32, #tpu.memory_space<vmem>>) offsets(%dma_start3A_317 : memref<64xi32, #tpu.memory_space<vmem>>) semaphore(%arg12 : memref<!tpu.dma_semaphore, #tpu.memory_space<semaphore_mem>>)
      %dma_start3A_321 = arith.constant 1 : i32
      %dma_start3A_322 = arith.constant 0 : i32
      %dma_start3A_323 = tpu.memref_slice %arg7[%dma_start3A_321, %dma_start3A_322] : memref<16x64xi32, #tpu.memory_space<vmem>> -> memref<1x64xi32, #tpu.memory_space<vmem>>
      %dma_start3A_324 = tpu.memref_squeeze %dma_start3A_323 : memref<1x64xi32, #tpu.memory_space<vmem>> -> memref<64xi32, #tpu.memory_space<vmem>>
      %dma_start3A_325 = arith.constant 0 : i32
      %dma_start3A_326 = arith.constant 0 : i32
      %dma_start3A_327 = tpu.memref_slice %arg2[%dma_start3A_325, %dma_start3A_326] : memref<10000x128xf32, #tpu.memory_space<hbm>> -> memref<10000x128xf32, #tpu.memory_space<hbm>>
      tpu.enqueue_indirect_dma source(%dma_start3A_327 : memref<10000x128xf32, #tpu.memory_space<hbm>>) target(%arg10 : memref<64x128xf32, #tpu.memory_space<vmem>>) offsets(%dma_start3A_324 : memref<64xi32, #tpu.memory_space<vmem>>) semaphore(%arg13 : memref<!tpu.dma_semaphore, #tpu.memory_space<semaphore_mem>>)
      %dma_wait3A = arith.constant 0 : i32
      %dma_wait3A_328 = arith.constant 0 : i32
      %dma_wait3A_329 = tpu.memref_slice %arg7[%dma_wait3A, %dma_wait3A_328] : memref<16x64xi32, #tpu.memory_space<vmem>> -> memref<1x64xi32, #tpu.memory_space<vmem>>
      %dma_wait3A_330 = tpu.memref_squeeze %dma_wait3A_329 : memref<1x64xi32, #tpu.memory_space<vmem>> -> memref<64xi32, #tpu.memory_space<vmem>>
      %dma_wait3A_331 = arith.constant 0 : i32
      %dma_wait3A_332 = arith.constant 0 : i32
      %dma_wait3A_333 = tpu.memref_slice %arg2[%dma_wait3A_331, %dma_wait3A_332] : memref<10000x128xf32, #tpu.memory_space<hbm>> -> memref<10000x128xf32, #tpu.memory_space<hbm>>
      tpu.wait_indirect_dma semaphore(%arg12 : memref<!tpu.dma_semaphore, #tpu.memory_space<semaphore_mem>>) src(%dma_wait3A_333 : memref<10000x128xf32, #tpu.memory_space<hbm>>) dst(%arg9 : memref<64x128xf32, #tpu.memory_space<vmem>>)
      %run_scoped3A = arith.constant 0 : i32
      "tpu.region"() ({
        %run_scoped3A_552 = tpu.sem_alloc : memref<!tpu.dma_semaphore, #tpu.memory_space<semaphore_mem>>
        %dma_start3A_553 = arith.constant 0 : i32
        %dma_start3A_554 = tpu.memref_slice %arg8[%run_scoped3A, %dma_start3A_553] : memref<16x64xi32, #tpu.memory_space<vmem>> -> memref<1x64xi32, #tpu.memory_space<vmem>>
        %dma_start3A_555 = tpu.memref_squeeze %dma_start3A_554 : memref<1x64xi32, #tpu.memory_space<vmem>> -> memref<64xi32, #tpu.memory_space<vmem>>
        %dma_start3A_556 = arith.constant 0 : i32
        %dma_start3A_557 = arith.constant 0 : i32
        %dma_start3A_558 = tpu.memref_slice %arg11[%dma_start3A_556, %dma_start3A_557] : memref<10112x128xf32, #tpu.memory_space<vmem_shared>> -> memref<10112x128xf32, #tpu.memory_space<vmem_shared>>
        tpu.enqueue_indirect_dma source(%arg9 : memref<64x128xf32, #tpu.memory_space<vmem>>) target(%dma_start3A_558 : memref<10112x128xf32, #tpu.memory_space<vmem_shared>>) offsets(%dma_start3A_555 : memref<64xi32, #tpu.memory_space<vmem>>) semaphore(%run_scoped3A_552 : memref<!tpu.dma_semaphore, #tpu.memory_space<semaphore_mem>>) {add = true}
        %dma_wait3A_559 = arith.constant 0 : i32
        %dma_wait3A_560 = tpu.memref_slice %arg8[%run_scoped3A, %dma_wait3A_559] : memref<16x64xi32, #tpu.memory_space<vmem>> -> memref<1x64xi32, #tpu.memory_space<vmem>>
        %dma_wait3A_561 = tpu.memref_squeeze %dma_wait3A_560 : memref<1x64xi32, #tpu.memory_space<vmem>> -> memref<64xi32, #tpu.memory_space<vmem>>
        %dma_wait3A_562 = arith.constant 0 : i32
        %dma_wait3A_563 = arith.constant 0 : i32
        %dma_wait3A_564 = tpu.memref_slice %arg11[%dma_wait3A_562, %dma_wait3A_563] : memref<10112x128xf32, #tpu.memory_space<vmem_shared>> -> memref<10112x128xf32, #tpu.memory_space<vmem_shared>>
        tpu.wait_indirect_dma semaphore(%run_scoped3A_552 : memref<!tpu.dma_semaphore, #tpu.memory_space<semaphore_mem>>) src(%arg9 : memref<64x128xf32, #tpu.memory_space<vmem>>) dst(%dma_wait3A_564 : memref<10112x128xf32, #tpu.memory_space<vmem_shared>>)
        tpu.yield
      }) : () -> ()
      %dma_start3A_334 = arith.constant 2 : i32
      %dma_start3A_335 = arith.constant 0 : i32
      %dma_start3A_336 = tpu.memref_slice %arg7[%dma_start3A_334, %dma_start3A_335] : memref<16x64xi32, #tpu.memory_space<vmem>> -> memref<1x64xi32, #tpu.memory_space<vmem>>
      %dma_start3A_337 = tpu.memref_squeeze %dma_start3A_336 : memref<1x64xi32, #tpu.memory_space<vmem>> -> memref<64xi32, #tpu.memory_space<vmem>>
      %dma_start3A_338 = arith.constant 0 : i32
      %dma_start3A_339 = arith.constant 0 : i32
      %dma_start3A_340 = tpu.memref_slice %arg2[%dma_start3A_338, %dma_start3A_339] : memref<10000x128xf32, #tpu.memory_space<hbm>> -> memref<10000x128xf32, #tpu.memory_space<hbm>>
      tpu.enqueue_indirect_dma source(%dma_start3A_340 : memref<10000x128xf32, #tpu.memory_space<hbm>>) target(%arg9 : memref<64x128xf32, #tpu.memory_space<vmem>>) offsets(%dma_start3A_337 : memref<64xi32, #tpu.memory_space<vmem>>) semaphore(%arg12 : memref<!tpu.dma_semaphore, #tpu.memory_space<semaphore_mem>>)
      %dma_wait3A_341 = arith.constant 1 : i32
      %dma_wait3A_342 = arith.constant 0 : i32
      %dma_wait3A_343 = tpu.memref_slice %arg7[%dma_wait3A_341, %dma_wait3A_342] : memref<16x64xi32, #tpu.memory_space<vmem>> -> memref<1x64xi32, #tpu.memory_space<vmem>>
      %dma_wait3A_344 = tpu.memref_squeeze %dma_wait3A_343 : memref<1x64xi32, #tpu.memory_space<vmem>> -> memref<64xi32, #tpu.memory_space<vmem>>
      %dma_wait3A_345 = arith.constant 0 : i32
      %dma_wait3A_346 = arith.constant 0 : i32
      %dma_wait3A_347 = tpu.memref_slice %arg2[%dma_wait3A_345, %dma_wait3A_346] : memref<10000x128xf32, #tpu.memory_space<hbm>> -> memref<10000x128xf32, #tpu.memory_space<hbm>>
      tpu.wait_indirect_dma semaphore(%arg13 : memref<!tpu.dma_semaphore, #tpu.memory_space<semaphore_mem>>) src(%dma_wait3A_347 : memref<10000x128xf32, #tpu.memory_space<hbm>>) dst(%arg10 : memref<64x128xf32, #tpu.memory_space<vmem>>)
      %run_scoped3A_348 = arith.constant 1 : i32
      "tpu.region"() ({
        %run_scoped3A_552 = tpu.sem_alloc : memref<!tpu.dma_semaphore, #tpu.memory_space<semaphore_mem>>
        %dma_start3A_553 = arith.constant 0 : i32
        %dma_start3A_554 = tpu.memref_slice %arg8[%run_scoped3A_348, %dma_start3A_553] : memref<16x64xi32, #tpu.memory_space<vmem>> -> memref<1x64xi32, #tpu.memory_space<vmem>>
        %dma_start3A_555 = tpu.memref_squeeze %dma_start3A_554 : memref<1x64xi32, #tpu.memory_space<vmem>> -> memref<64xi32, #tpu.memory_space<vmem>>
        %dma_start3A_556 = arith.constant 0 : i32
        %dma_start3A_557 = arith.constant 0 : i32
        %dma_start3A_558 = tpu.memref_slice %arg11[%dma_start3A_556, %dma_start3A_557] : memref<10112x128xf32, #tpu.memory_space<vmem_shared>> -> memref<10112x128xf32, #tpu.memory_space<vmem_shared>>
        tpu.enqueue_indirect_dma source(%arg10 : memref<64x128xf32, #tpu.memory_space<vmem>>) target(%dma_start3A_558 : memref<10112x128xf32, #tpu.memory_space<vmem_shared>>) offsets(%dma_start3A_555 : memref<64xi32, #tpu.memory_space<vmem>>) semaphore(%run_scoped3A_552 : memref<!tpu.dma_semaphore, #tpu.memory_space<semaphore_mem>>) {add = true}
        %dma_wait3A_559 = arith.constant 0 : i32
        %dma_wait3A_560 = tpu.memref_slice %arg8[%run_scoped3A_348, %dma_wait3A_559] : memref<16x64xi32, #tpu.memory_space<vmem>> -> memref<1x64xi32, #tpu.memory_space<vmem>>
        %dma_wait3A_561 = tpu.memref_squeeze %dma_wait3A_560 : memref<1x64xi32, #tpu.memory_space<vmem>> -> memref<64xi32, #tpu.memory_space<vmem>>
        %dma_wait3A_562 = arith.constant 0 : i32
        %dma_wait3A_563 = arith.constant 0 : i32
        %dma_wait3A_564 = tpu.memref_slice %arg11[%dma_wait3A_562, %dma_wait3A_563] : memref<10112x128xf32, #tpu.memory_space<vmem_shared>> -> memref<10112x128xf32, #tpu.memory_space<vmem_shared>>
        tpu.wait_indirect_dma semaphore(%run_scoped3A_552 : memref<!tpu.dma_semaphore, #tpu.memory_space<semaphore_mem>>) src(%arg10 : memref<64x128xf32, #tpu.memory_space<vmem>>) dst(%dma_wait3A_564 : memref<10112x128xf32, #tpu.memory_space<vmem_shared>>)
        tpu.yield
      }) : () -> ()
      %dma_start3A_349 = arith.constant 3 : i32
      %dma_start3A_350 = arith.constant 0 : i32
      %dma_start3A_351 = tpu.memref_slice %arg7[%dma_start3A_349, %dma_start3A_350] : memref<16x64xi32, #tpu.memory_space<vmem>> -> memref<1x64xi32, #tpu.memory_space<vmem>>
      %dma_start3A_352 = tpu.memref_squeeze %dma_start3A_351 : memref<1x64xi32, #tpu.memory_space<vmem>> -> memref<64xi32, #tpu.memory_space<vmem>>
      %dma_start3A_353 = arith.constant 0 : i32
      %dma_start3A_354 = arith.constant 0 : i32
      %dma_start3A_355 = tpu.memref_slice %arg2[%dma_start3A_353, %dma_start3A_354] : memref<10000x128xf32, #tpu.memory_space<hbm>> -> memref<10000x128xf32, #tpu.memory_space<hbm>>
      tpu.enqueue_indirect_dma source(%dma_start3A_355 : memref<10000x128xf32, #tpu.memory_space<hbm>>) target(%arg10 : memref<64x128xf32, #tpu.memory_space<vmem>>) offsets(%dma_start3A_352 : memref<64xi32, #tpu.memory_space<vmem>>) semaphore(%arg13 : memref<!tpu.dma_semaphore, #tpu.memory_space<semaphore_mem>>)
      %dma_wait3A_356 = arith.constant 2 : i32
      %dma_wait3A_357 = arith.constant 0 : i32
      %dma_wait3A_358 = tpu.memref_slice %arg7[%dma_wait3A_356, %dma_wait3A_357] : memref<16x64xi32, #tpu.memory_space<vmem>> -> memref<1x64xi32, #tpu.memory_space<vmem>>
      %dma_wait3A_359 = tpu.memref_squeeze %dma_wait3A_358 : memref<1x64xi32, #tpu.memory_space<vmem>> -> memref<64xi32, #tpu.memory_space<vmem>>
      %dma_wait3A_360 = arith.constant 0 : i32
      %dma_wait3A_361 = arith.constant 0 : i32
      %dma_wait3A_362 = tpu.memref_slice %arg2[%dma_wait3A_360, %dma_wait3A_361] : memref<10000x128xf32, #tpu.memory_space<hbm>> -> memref<10000x128xf32, #tpu.memory_space<hbm>>
      tpu.wait_indirect_dma semaphore(%arg12 : memref<!tpu.dma_semaphore, #tpu.memory_space<semaphore_mem>>) src(%dma_wait3A_362 : memref<10000x128xf32, #tpu.memory_space<hbm>>) dst(%arg9 : memref<64x128xf32, #tpu.memory_space<vmem>>)
      %run_scoped3A_363 = arith.constant 2 : i32
      "tpu.region"() ({
        %run_scoped3A_552 = tpu.sem_alloc : memref<!tpu.dma_semaphore, #tpu.memory_space<semaphore_mem>>
        %dma_start3A_553 = arith.constant 0 : i32
        %dma_start3A_554 = tpu.memref_slice %arg8[%run_scoped3A_363, %dma_start3A_553] : memref<16x64xi32, #tpu.memory_space<vmem>> -> memref<1x64xi32, #tpu.memory_space<vmem>>
        %dma_start3A_555 = tpu.memref_squeeze %dma_start3A_554 : memref<1x64xi32, #tpu.memory_space<vmem>> -> memref<64xi32, #tpu.memory_space<vmem>>
        %dma_start3A_556 = arith.constant 0 : i32
        %dma_start3A_557 = arith.constant 0 : i32
        %dma_start3A_558 = tpu.memref_slice %arg11[%dma_start3A_556, %dma_start3A_557] : memref<10112x128xf32, #tpu.memory_space<vmem_shared>> -> memref<10112x128xf32, #tpu.memory_space<vmem_shared>>
        tpu.enqueue_indirect_dma source(%arg9 : memref<64x128xf32, #tpu.memory_space<vmem>>) target(%dma_start3A_558 : memref<10112x128xf32, #tpu.memory_space<vmem_shared>>) offsets(%dma_start3A_555 : memref<64xi32, #tpu.memory_space<vmem>>) semaphore(%run_scoped3A_552 : memref<!tpu.dma_semaphore, #tpu.memory_space<semaphore_mem>>) {add = true}
        %dma_wait3A_559 = arith.constant 0 : i32
        %dma_wait3A_560 = tpu.memref_slice %arg8[%run_scoped3A_363, %dma_wait3A_559] : memref<16x64xi32, #tpu.memory_space<vmem>> -> memref<1x64xi32, #tpu.memory_space<vmem>>
        %dma_wait3A_561 = tpu.memref_squeeze %dma_wait3A_560 : memref<1x64xi32, #tpu.memory_space<vmem>> -> memref<64xi32, #tpu.memory_space<vmem>>
        %dma_wait3A_562 = arith.constant 0 : i32
        %dma_wait3A_563 = arith.constant 0 : i32
        %dma_wait3A_564 = tpu.memref_slice %arg11[%dma_wait3A_562, %dma_wait3A_563] : memref<10112x128xf32, #tpu.memory_space<vmem_shared>> -> memref<10112x128xf32, #tpu.memory_space<vmem_shared>>
        tpu.wait_indirect_dma semaphore(%run_scoped3A_552 : memref<!tpu.dma_semaphore, #tpu.memory_space<semaphore_mem>>) src(%arg9 : memref<64x128xf32, #tpu.memory_space<vmem>>) dst(%dma_wait3A_564 : memref<10112x128xf32, #tpu.memory_space<vmem_shared>>)
        tpu.yield
      }) : () -> ()
      %dma_start3A_364 = arith.constant 4 : i32
      %dma_start3A_365 = arith.constant 0 : i32
      %dma_start3A_366 = tpu.memref_slice %arg7[%dma_start3A_364, %dma_start3A_365] : memref<16x64xi32, #tpu.memory_space<vmem>> -> memref<1x64xi32, #tpu.memory_space<vmem>>
      %dma_start3A_367 = tpu.memref_squeeze %dma_start3A_366 : memref<1x64xi32, #tpu.memory_space<vmem>> -> memref<64xi32, #tpu.memory_space<vmem>>
      %dma_start3A_368 = arith.constant 0 : i32
      %dma_start3A_369 = arith.constant 0 : i32
      %dma_start3A_370 = tpu.memref_slice %arg2[%dma_start3A_368, %dma_start3A_369] : memref<10000x128xf32, #tpu.memory_space<hbm>> -> memref<10000x128xf32, #tpu.memory_space<hbm>>
      tpu.enqueue_indirect_dma source(%dma_start3A_370 : memref<10000x128xf32, #tpu.memory_space<hbm>>) target(%arg9 : memref<64x128xf32, #tpu.memory_space<vmem>>) offsets(%dma_start3A_367 : memref<64xi32, #tpu.memory_space<vmem>>) semaphore(%arg12 : memref<!tpu.dma_semaphore, #tpu.memory_space<semaphore_mem>>)
      %dma_wait3A_371 = arith.constant 3 : i32
      %dma_wait3A_372 = arith.constant 0 : i32
      %dma_wait3A_373 = tpu.memref_slice %arg7[%dma_wait3A_371, %dma_wait3A_372] : memref<16x64xi32, #tpu.memory_space<vmem>> -> memref<1x64xi32, #tpu.memory_space<vmem>>
      %dma_wait3A_374 = tpu.memref_squeeze %dma_wait3A_373 : memref<1x64xi32, #tpu.memory_space<vmem>> -> memref<64xi32, #tpu.memory_space<vmem>>
      %dma_wait3A_375 = arith.constant 0 : i32
      %dma_wait3A_376 = arith.constant 0 : i32
      %dma_wait3A_377 = tpu.memref_slice %arg2[%dma_wait3A_375, %dma_wait3A_376] : memref<10000x128xf32, #tpu.memory_space<hbm>> -> memref<10000x128xf32, #tpu.memory_space<hbm>>
      tpu.wait_indirect_dma semaphore(%arg13 : memref<!tpu.dma_semaphore, #tpu.memory_space<semaphore_mem>>) src(%dma_wait3A_377 : memref<10000x128xf32, #tpu.memory_space<hbm>>) dst(%arg10 : memref<64x128xf32, #tpu.memory_space<vmem>>)
      %run_scoped3A_378 = arith.constant 3 : i32
      "tpu.region"() ({
        %run_scoped3A_552 = tpu.sem_alloc : memref<!tpu.dma_semaphore, #tpu.memory_space<semaphore_mem>>
        %dma_start3A_553 = arith.constant 0 : i32
        %dma_start3A_554 = tpu.memref_slice %arg8[%run_scoped3A_378, %dma_start3A_553] : memref<16x64xi32, #tpu.memory_space<vmem>> -> memref<1x64xi32, #tpu.memory_space<vmem>>
        %dma_start3A_555 = tpu.memref_squeeze %dma_start3A_554 : memref<1x64xi32, #tpu.memory_space<vmem>> -> memref<64xi32, #tpu.memory_space<vmem>>
        %dma_start3A_556 = arith.constant 0 : i32
        %dma_start3A_557 = arith.constant 0 : i32
        %dma_start3A_558 = tpu.memref_slice %arg11[%dma_start3A_556, %dma_start3A_557] : memref<10112x128xf32, #tpu.memory_space<vmem_shared>> -> memref<10112x128xf32, #tpu.memory_space<vmem_shared>>
        tpu.enqueue_indirect_dma source(%arg10 : memref<64x128xf32, #tpu.memory_space<vmem>>) target(%dma_start3A_558 : memref<10112x128xf32, #tpu.memory_space<vmem_shared>>) offsets(%dma_start3A_555 : memref<64xi32, #tpu.memory_space<vmem>>) semaphore(%run_scoped3A_552 : memref<!tpu.dma_semaphore, #tpu.memory_space<semaphore_mem>>) {add = true}
        %dma_wait3A_559 = arith.constant 0 : i32
        %dma_wait3A_560 = tpu.memref_slice %arg8[%run_scoped3A_378, %dma_wait3A_559] : memref<16x64xi32, #tpu.memory_space<vmem>> -> memref<1x64xi32, #tpu.memory_space<vmem>>
        %dma_wait3A_561 = tpu.memref_squeeze %dma_wait3A_560 : memref<1x64xi32, #tpu.memory_space<vmem>> -> memref<64xi32, #tpu.memory_space<vmem>>
        %dma_wait3A_562 = arith.constant 0 : i32
        %dma_wait3A_563 = arith.constant 0 : i32
        %dma_wait3A_564 = tpu.memref_slice %arg11[%dma_wait3A_562, %dma_wait3A_563] : memref<10112x128xf32, #tpu.memory_space<vmem_shared>> -> memref<10112x128xf32, #tpu.memory_space<vmem_shared>>
        tpu.wait_indirect_dma semaphore(%run_scoped3A_552 : memref<!tpu.dma_semaphore, #tpu.memory_space<semaphore_mem>>) src(%arg10 : memref<64x128xf32, #tpu.memory_space<vmem>>) dst(%dma_wait3A_564 : memref<10112x128xf32, #tpu.memory_space<vmem_shared>>)
        tpu.yield
      }) : () -> ()
      %dma_start3A_379 = arith.constant 5 : i32
      %dma_start3A_380 = arith.constant 0 : i32
      %dma_start3A_381 = tpu.memref_slice %arg7[%dma_start3A_379, %dma_start3A_380] : memref<16x64xi32, #tpu.memory_space<vmem>> -> memref<1x64xi32, #tpu.memory_space<vmem>>
      %dma_start3A_382 = tpu.memref_squeeze %dma_start3A_381 : memref<1x64xi32, #tpu.memory_space<vmem>> -> memref<64xi32, #tpu.memory_space<vmem>>
      %dma_start3A_383 = arith.constant 0 : i32
      %dma_start3A_384 = arith.constant 0 : i32
      %dma_start3A_385 = tpu.memref_slice %arg2[%dma_start3A_383, %dma_start3A_384] : memref<10000x128xf32, #tpu.memory_space<hbm>> -> memref<10000x128xf32, #tpu.memory_space<hbm>>
      tpu.enqueue_indirect_dma source(%dma_start3A_385 : memref<10000x128xf32, #tpu.memory_space<hbm>>) target(%arg10 : memref<64x128xf32, #tpu.memory_space<vmem>>) offsets(%dma_start3A_382 : memref<64xi32, #tpu.memory_space<vmem>>) semaphore(%arg13 : memref<!tpu.dma_semaphore, #tpu.memory_space<semaphore_mem>>)
      %dma_wait3A_386 = arith.constant 4 : i32
      %dma_wait3A_387 = arith.constant 0 : i32
      %dma_wait3A_388 = tpu.memref_slice %arg7[%dma_wait3A_386, %dma_wait3A_387] : memref<16x64xi32, #tpu.memory_space<vmem>> -> memref<1x64xi32, #tpu.memory_space<vmem>>
      %dma_wait3A_389 = tpu.memref_squeeze %dma_wait3A_388 : memref<1x64xi32, #tpu.memory_space<vmem>> -> memref<64xi32, #tpu.memory_space<vmem>>
      %dma_wait3A_390 = arith.constant 0 : i32
      %dma_wait3A_391 = arith.constant 0 : i32
      %dma_wait3A_392 = tpu.memref_slice %arg2[%dma_wait3A_390, %dma_wait3A_391] : memref<10000x128xf32, #tpu.memory_space<hbm>> -> memref<10000x128xf32, #tpu.memory_space<hbm>>
      tpu.wait_indirect_dma semaphore(%arg12 : memref<!tpu.dma_semaphore, #tpu.memory_space<semaphore_mem>>) src(%dma_wait3A_392 : memref<10000x128xf32, #tpu.memory_space<hbm>>) dst(%arg9 : memref<64x128xf32, #tpu.memory_space<vmem>>)
      %run_scoped3A_393 = arith.constant 4 : i32
      "tpu.region"() ({
        %run_scoped3A_552 = tpu.sem_alloc : memref<!tpu.dma_semaphore, #tpu.memory_space<semaphore_mem>>
        %dma_start3A_553 = arith.constant 0 : i32
        %dma_start3A_554 = tpu.memref_slice %arg8[%run_scoped3A_393, %dma_start3A_553] : memref<16x64xi32, #tpu.memory_space<vmem>> -> memref<1x64xi32, #tpu.memory_space<vmem>>
        %dma_start3A_555 = tpu.memref_squeeze %dma_start3A_554 : memref<1x64xi32, #tpu.memory_space<vmem>> -> memref<64xi32, #tpu.memory_space<vmem>>
        %dma_start3A_556 = arith.constant 0 : i32
        %dma_start3A_557 = arith.constant 0 : i32
        %dma_start3A_558 = tpu.memref_slice %arg11[%dma_start3A_556, %dma_start3A_557] : memref<10112x128xf32, #tpu.memory_space<vmem_shared>> -> memref<10112x128xf32, #tpu.memory_space<vmem_shared>>
        tpu.enqueue_indirect_dma source(%arg9 : memref<64x128xf32, #tpu.memory_space<vmem>>) target(%dma_start3A_558 : memref<10112x128xf32, #tpu.memory_space<vmem_shared>>) offsets(%dma_start3A_555 : memref<64xi32, #tpu.memory_space<vmem>>) semaphore(%run_scoped3A_552 : memref<!tpu.dma_semaphore, #tpu.memory_space<semaphore_mem>>) {add = true}
        %dma_wait3A_559 = arith.constant 0 : i32
        %dma_wait3A_560 = tpu.memref_slice %arg8[%run_scoped3A_393, %dma_wait3A_559] : memref<16x64xi32, #tpu.memory_space<vmem>> -> memref<1x64xi32, #tpu.memory_space<vmem>>
        %dma_wait3A_561 = tpu.memref_squeeze %dma_wait3A_560 : memref<1x64xi32, #tpu.memory_space<vmem>> -> memref<64xi32, #tpu.memory_space<vmem>>
        %dma_wait3A_562 = arith.constant 0 : i32
        %dma_wait3A_563 = arith.constant 0 : i32
        %dma_wait3A_564 = tpu.memref_slice %arg11[%dma_wait3A_562, %dma_wait3A_563] : memref<10112x128xf32, #tpu.memory_space<vmem_shared>> -> memref<10112x128xf32, #tpu.memory_space<vmem_shared>>
        tpu.wait_indirect_dma semaphore(%run_scoped3A_552 : memref<!tpu.dma_semaphore, #tpu.memory_space<semaphore_mem>>) src(%arg9 : memref<64x128xf32, #tpu.memory_space<vmem>>) dst(%dma_wait3A_564 : memref<10112x128xf32, #tpu.memory_space<vmem_shared>>)
        tpu.yield
      }) : () -> ()
      %dma_start3A_394 = arith.constant 6 : i32
      %dma_start3A_395 = arith.constant 0 : i32
      %dma_start3A_396 = tpu.memref_slice %arg7[%dma_start3A_394, %dma_start3A_395] : memref<16x64xi32, #tpu.memory_space<vmem>> -> memref<1x64xi32, #tpu.memory_space<vmem>>
      %dma_start3A_397 = tpu.memref_squeeze %dma_start3A_396 : memref<1x64xi32, #tpu.memory_space<vmem>> -> memref<64xi32, #tpu.memory_space<vmem>>
      %dma_start3A_398 = arith.constant 0 : i32
      %dma_start3A_399 = arith.constant 0 : i32
      %dma_start3A_400 = tpu.memref_slice %arg2[%dma_start3A_398, %dma_start3A_399] : memref<10000x128xf32, #tpu.memory_space<hbm>> -> memref<10000x128xf32, #tpu.memory_space<hbm>>
      tpu.enqueue_indirect_dma source(%dma_start3A_400 : memref<10000x128xf32, #tpu.memory_space<hbm>>) target(%arg9 : memref<64x128xf32, #tpu.memory_space<vmem>>) offsets(%dma_start3A_397 : memref<64xi32, #tpu.memory_space<vmem>>) semaphore(%arg12 : memref<!tpu.dma_semaphore, #tpu.memory_space<semaphore_mem>>)
      %dma_wait3A_401 = arith.constant 5 : i32
      %dma_wait3A_402 = arith.constant 0 : i32
      %dma_wait3A_403 = tpu.memref_slice %arg7[%dma_wait3A_401, %dma_wait3A_402] : memref<16x64xi32, #tpu.memory_space<vmem>> -> memref<1x64xi32, #tpu.memory_space<vmem>>
      %dma_wait3A_404 = tpu.memref_squeeze %dma_wait3A_403 : memref<1x64xi32, #tpu.memory_space<vmem>> -> memref<64xi32, #tpu.memory_space<vmem>>
      %dma_wait3A_405 = arith.constant 0 : i32
      %dma_wait3A_406 = arith.constant 0 : i32
      %dma_wait3A_407 = tpu.memref_slice %arg2[%dma_wait3A_405, %dma_wait3A_406] : memref<10000x128xf32, #tpu.memory_space<hbm>> -> memref<10000x128xf32, #tpu.memory_space<hbm>>
      tpu.wait_indirect_dma semaphore(%arg13 : memref<!tpu.dma_semaphore, #tpu.memory_space<semaphore_mem>>) src(%dma_wait3A_407 : memref<10000x128xf32, #tpu.memory_space<hbm>>) dst(%arg10 : memref<64x128xf32, #tpu.memory_space<vmem>>)
      %run_scoped3A_408 = arith.constant 5 : i32
      "tpu.region"() ({
        %run_scoped3A_552 = tpu.sem_alloc : memref<!tpu.dma_semaphore, #tpu.memory_space<semaphore_mem>>
        %dma_start3A_553 = arith.constant 0 : i32
        %dma_start3A_554 = tpu.memref_slice %arg8[%run_scoped3A_408, %dma_start3A_553] : memref<16x64xi32, #tpu.memory_space<vmem>> -> memref<1x64xi32, #tpu.memory_space<vmem>>
        %dma_start3A_555 = tpu.memref_squeeze %dma_start3A_554 : memref<1x64xi32, #tpu.memory_space<vmem>> -> memref<64xi32, #tpu.memory_space<vmem>>
        %dma_start3A_556 = arith.constant 0 : i32
        %dma_start3A_557 = arith.constant 0 : i32
        %dma_start3A_558 = tpu.memref_slice %arg11[%dma_start3A_556, %dma_start3A_557] : memref<10112x128xf32, #tpu.memory_space<vmem_shared>> -> memref<10112x128xf32, #tpu.memory_space<vmem_shared>>
        tpu.enqueue_indirect_dma source(%arg10 : memref<64x128xf32, #tpu.memory_space<vmem>>) target(%dma_start3A_558 : memref<10112x128xf32, #tpu.memory_space<vmem_shared>>) offsets(%dma_start3A_555 : memref<64xi32, #tpu.memory_space<vmem>>) semaphore(%run_scoped3A_552 : memref<!tpu.dma_semaphore, #tpu.memory_space<semaphore_mem>>) {add = true}
        %dma_wait3A_559 = arith.constant 0 : i32
        %dma_wait3A_560 = tpu.memref_slice %arg8[%run_scoped3A_408, %dma_wait3A_559] : memref<16x64xi32, #tpu.memory_space<vmem>> -> memref<1x64xi32, #tpu.memory_space<vmem>>
        %dma_wait3A_561 = tpu.memref_squeeze %dma_wait3A_560 : memref<1x64xi32, #tpu.memory_space<vmem>> -> memref<64xi32, #tpu.memory_space<vmem>>
        %dma_wait3A_562 = arith.constant 0 : i32
        %dma_wait3A_563 = arith.constant 0 : i32
        %dma_wait3A_564 = tpu.memref_slice %arg11[%dma_wait3A_562, %dma_wait3A_563] : memref<10112x128xf32, #tpu.memory_space<vmem_shared>> -> memref<10112x128xf32, #tpu.memory_space<vmem_shared>>
        tpu.wait_indirect_dma semaphore(%run_scoped3A_552 : memref<!tpu.dma_semaphore, #tpu.memory_space<semaphore_mem>>) src(%arg10 : memref<64x128xf32, #tpu.memory_space<vmem>>) dst(%dma_wait3A_564 : memref<10112x128xf32, #tpu.memory_space<vmem_shared>>)
        tpu.yield
      }) : () -> ()
      %dma_start3A_409 = arith.constant 7 : i32
      %dma_start3A_410 = arith.constant 0 : i32
      %dma_start3A_411 = tpu.memref_slice %arg7[%dma_start3A_409, %dma_start3A_410] : memref<16x64xi32, #tpu.memory_space<vmem>> -> memref<1x64xi32, #tpu.memory_space<vmem>>
      %dma_start3A_412 = tpu.memref_squeeze %dma_start3A_411 : memref<1x64xi32, #tpu.memory_space<vmem>> -> memref<64xi32, #tpu.memory_space<vmem>>
      %dma_start3A_413 = arith.constant 0 : i32
      %dma_start3A_414 = arith.constant 0 : i32
      %dma_start3A_415 = tpu.memref_slice %arg2[%dma_start3A_413, %dma_start3A_414] : memref<10000x128xf32, #tpu.memory_space<hbm>> -> memref<10000x128xf32, #tpu.memory_space<hbm>>
      tpu.enqueue_indirect_dma source(%dma_start3A_415 : memref<10000x128xf32, #tpu.memory_space<hbm>>) target(%arg10 : memref<64x128xf32, #tpu.memory_space<vmem>>) offsets(%dma_start3A_412 : memref<64xi32, #tpu.memory_space<vmem>>) semaphore(%arg13 : memref<!tpu.dma_semaphore, #tpu.memory_space<semaphore_mem>>)
      %dma_wait3A_416 = arith.constant 6 : i32
      %dma_wait3A_417 = arith.constant 0 : i32
      %dma_wait3A_418 = tpu.memref_slice %arg7[%dma_wait3A_416, %dma_wait3A_417] : memref<16x64xi32, #tpu.memory_space<vmem>> -> memref<1x64xi32, #tpu.memory_space<vmem>>
      %dma_wait3A_419 = tpu.memref_squeeze %dma_wait3A_418 : memref<1x64xi32, #tpu.memory_space<vmem>> -> memref<64xi32, #tpu.memory_space<vmem>>
      %dma_wait3A_420 = arith.constant 0 : i32
      %dma_wait3A_421 = arith.constant 0 : i32
      %dma_wait3A_422 = tpu.memref_slice %arg2[%dma_wait3A_420, %dma_wait3A_421] : memref<10000x128xf32, #tpu.memory_space<hbm>> -> memref<10000x128xf32, #tpu.memory_space<hbm>>
      tpu.wait_indirect_dma semaphore(%arg12 : memref<!tpu.dma_semaphore, #tpu.memory_space<semaphore_mem>>) src(%dma_wait3A_422 : memref<10000x128xf32, #tpu.memory_space<hbm>>) dst(%arg9 : memref<64x128xf32, #tpu.memory_space<vmem>>)
      %run_scoped3A_423 = arith.constant 6 : i32
      "tpu.region"() ({
        %run_scoped3A_552 = tpu.sem_alloc : memref<!tpu.dma_semaphore, #tpu.memory_space<semaphore_mem>>
        %dma_start3A_553 = arith.constant 0 : i32
        %dma_start3A_554 = tpu.memref_slice %arg8[%run_scoped3A_423, %dma_start3A_553] : memref<16x64xi32, #tpu.memory_space<vmem>> -> memref<1x64xi32, #tpu.memory_space<vmem>>
        %dma_start3A_555 = tpu.memref_squeeze %dma_start3A_554 : memref<1x64xi32, #tpu.memory_space<vmem>> -> memref<64xi32, #tpu.memory_space<vmem>>
        %dma_start3A_556 = arith.constant 0 : i32
        %dma_start3A_557 = arith.constant 0 : i32
        %dma_start3A_558 = tpu.memref_slice %arg11[%dma_start3A_556, %dma_start3A_557] : memref<10112x128xf32, #tpu.memory_space<vmem_shared>> -> memref<10112x128xf32, #tpu.memory_space<vmem_shared>>
        tpu.enqueue_indirect_dma source(%arg9 : memref<64x128xf32, #tpu.memory_space<vmem>>) target(%dma_start3A_558 : memref<10112x128xf32, #tpu.memory_space<vmem_shared>>) offsets(%dma_start3A_555 : memref<64xi32, #tpu.memory_space<vmem>>) semaphore(%run_scoped3A_552 : memref<!tpu.dma_semaphore, #tpu.memory_space<semaphore_mem>>) {add = true}
        %dma_wait3A_559 = arith.constant 0 : i32
        %dma_wait3A_560 = tpu.memref_slice %arg8[%run_scoped3A_423, %dma_wait3A_559] : memref<16x64xi32, #tpu.memory_space<vmem>> -> memref<1x64xi32, #tpu.memory_space<vmem>>
        %dma_wait3A_561 = tpu.memref_squeeze %dma_wait3A_560 : memref<1x64xi32, #tpu.memory_space<vmem>> -> memref<64xi32, #tpu.memory_space<vmem>>
        %dma_wait3A_562 = arith.constant 0 : i32
        %dma_wait3A_563 = arith.constant 0 : i32
        %dma_wait3A_564 = tpu.memref_slice %arg11[%dma_wait3A_562, %dma_wait3A_563] : memref<10112x128xf32, #tpu.memory_space<vmem_shared>> -> memref<10112x128xf32, #tpu.memory_space<vmem_shared>>
        tpu.wait_indirect_dma semaphore(%run_scoped3A_552 : memref<!tpu.dma_semaphore, #tpu.memory_space<semaphore_mem>>) src(%arg9 : memref<64x128xf32, #tpu.memory_space<vmem>>) dst(%dma_wait3A_564 : memref<10112x128xf32, #tpu.memory_space<vmem_shared>>)
        tpu.yield
      }) : () -> ()
      %dma_start3A_424 = arith.constant 8 : i32
      %dma_start3A_425 = arith.constant 0 : i32
      %dma_start3A_426 = tpu.memref_slice %arg7[%dma_start3A_424, %dma_start3A_425] : memref<16x64xi32, #tpu.memory_space<vmem>> -> memref<1x64xi32, #tpu.memory_space<vmem>>
      %dma_start3A_427 = tpu.memref_squeeze %dma_start3A_426 : memref<1x64xi32, #tpu.memory_space<vmem>> -> memref<64xi32, #tpu.memory_space<vmem>>
      %dma_start3A_428 = arith.constant 0 : i32
      %dma_start3A_429 = arith.constant 0 : i32
      %dma_start3A_430 = tpu.memref_slice %arg2[%dma_start3A_428, %dma_start3A_429] : memref<10000x128xf32, #tpu.memory_space<hbm>> -> memref<10000x128xf32, #tpu.memory_space<hbm>>
      tpu.enqueue_indirect_dma source(%dma_start3A_430 : memref<10000x128xf32, #tpu.memory_space<hbm>>) target(%arg9 : memref<64x128xf32, #tpu.memory_space<vmem>>) offsets(%dma_start3A_427 : memref<64xi32, #tpu.memory_space<vmem>>) semaphore(%arg12 : memref<!tpu.dma_semaphore, #tpu.memory_space<semaphore_mem>>)
      %dma_wait3A_431 = arith.constant 7 : i32
      %dma_wait3A_432 = arith.constant 0 : i32
      %dma_wait3A_433 = tpu.memref_slice %arg7[%dma_wait3A_431, %dma_wait3A_432] : memref<16x64xi32, #tpu.memory_space<vmem>> -> memref<1x64xi32, #tpu.memory_space<vmem>>
      %dma_wait3A_434 = tpu.memref_squeeze %dma_wait3A_433 : memref<1x64xi32, #tpu.memory_space<vmem>> -> memref<64xi32, #tpu.memory_space<vmem>>
      %dma_wait3A_435 = arith.constant 0 : i32
      %dma_wait3A_436 = arith.constant 0 : i32
      %dma_wait3A_437 = tpu.memref_slice %arg2[%dma_wait3A_435, %dma_wait3A_436] : memref<10000x128xf32, #tpu.memory_space<hbm>> -> memref<10000x128xf32, #tpu.memory_space<hbm>>
      tpu.wait_indirect_dma semaphore(%arg13 : memref<!tpu.dma_semaphore, #tpu.memory_space<semaphore_mem>>) src(%dma_wait3A_437 : memref<10000x128xf32, #tpu.memory_space<hbm>>) dst(%arg10 : memref<64x128xf32, #tpu.memory_space<vmem>>)
      %run_scoped3A_438 = arith.constant 7 : i32
      "tpu.region"() ({
        %run_scoped3A_552 = tpu.sem_alloc : memref<!tpu.dma_semaphore, #tpu.memory_space<semaphore_mem>>
        %dma_start3A_553 = arith.constant 0 : i32
        %dma_start3A_554 = tpu.memref_slice %arg8[%run_scoped3A_438, %dma_start3A_553] : memref<16x64xi32, #tpu.memory_space<vmem>> -> memref<1x64xi32, #tpu.memory_space<vmem>>
        %dma_start3A_555 = tpu.memref_squeeze %dma_start3A_554 : memref<1x64xi32, #tpu.memory_space<vmem>> -> memref<64xi32, #tpu.memory_space<vmem>>
        %dma_start3A_556 = arith.constant 0 : i32
        %dma_start3A_557 = arith.constant 0 : i32
        %dma_start3A_558 = tpu.memref_slice %arg11[%dma_start3A_556, %dma_start3A_557] : memref<10112x128xf32, #tpu.memory_space<vmem_shared>> -> memref<10112x128xf32, #tpu.memory_space<vmem_shared>>
        tpu.enqueue_indirect_dma source(%arg10 : memref<64x128xf32, #tpu.memory_space<vmem>>) target(%dma_start3A_558 : memref<10112x128xf32, #tpu.memory_space<vmem_shared>>) offsets(%dma_start3A_555 : memref<64xi32, #tpu.memory_space<vmem>>) semaphore(%run_scoped3A_552 : memref<!tpu.dma_semaphore, #tpu.memory_space<semaphore_mem>>) {add = true}
        %dma_wait3A_559 = arith.constant 0 : i32
        %dma_wait3A_560 = tpu.memref_slice %arg8[%run_scoped3A_438, %dma_wait3A_559] : memref<16x64xi32, #tpu.memory_space<vmem>> -> memref<1x64xi32, #tpu.memory_space<vmem>>
        %dma_wait3A_561 = tpu.memref_squeeze %dma_wait3A_560 : memref<1x64xi32, #tpu.memory_space<vmem>> -> memref<64xi32, #tpu.memory_space<vmem>>
        %dma_wait3A_562 = arith.constant 0 : i32
        %dma_wait3A_563 = arith.constant 0 : i32
        %dma_wait3A_564 = tpu.memref_slice %arg11[%dma_wait3A_562, %dma_wait3A_563] : memref<10112x128xf32, #tpu.memory_space<vmem_shared>> -> memref<10112x128xf32, #tpu.memory_space<vmem_shared>>
        tpu.wait_indirect_dma semaphore(%run_scoped3A_552 : memref<!tpu.dma_semaphore, #tpu.memory_space<semaphore_mem>>) src(%arg10 : memref<64x128xf32, #tpu.memory_space<vmem>>) dst(%dma_wait3A_564 : memref<10112x128xf32, #tpu.memory_space<vmem_shared>>)
        tpu.yield
      }) : () -> ()
      %dma_start3A_439 = arith.constant 9 : i32
      %dma_start3A_440 = arith.constant 0 : i32
      %dma_start3A_441 = tpu.memref_slice %arg7[%dma_start3A_439, %dma_start3A_440] : memref<16x64xi32, #tpu.memory_space<vmem>> -> memref<1x64xi32, #tpu.memory_space<vmem>>
      %dma_start3A_442 = tpu.memref_squeeze %dma_start3A_441 : memref<1x64xi32, #tpu.memory_space<vmem>> -> memref<64xi32, #tpu.memory_space<vmem>>
      %dma_start3A_443 = arith.constant 0 : i32
      %dma_start3A_444 = arith.constant 0 : i32
      %dma_start3A_445 = tpu.memref_slice %arg2[%dma_start3A_443, %dma_start3A_444] : memref<10000x128xf32, #tpu.memory_space<hbm>> -> memref<10000x128xf32, #tpu.memory_space<hbm>>
      tpu.enqueue_indirect_dma source(%dma_start3A_445 : memref<10000x128xf32, #tpu.memory_space<hbm>>) target(%arg10 : memref<64x128xf32, #tpu.memory_space<vmem>>) offsets(%dma_start3A_442 : memref<64xi32, #tpu.memory_space<vmem>>) semaphore(%arg13 : memref<!tpu.dma_semaphore, #tpu.memory_space<semaphore_mem>>)
      %dma_wait3A_446 = arith.constant 8 : i32
      %dma_wait3A_447 = arith.constant 0 : i32
      %dma_wait3A_448 = tpu.memref_slice %arg7[%dma_wait3A_446, %dma_wait3A_447] : memref<16x64xi32, #tpu.memory_space<vmem>> -> memref<1x64xi32, #tpu.memory_space<vmem>>
      %dma_wait3A_449 = tpu.memref_squeeze %dma_wait3A_448 : memref<1x64xi32, #tpu.memory_space<vmem>> -> memref<64xi32, #tpu.memory_space<vmem>>
      %dma_wait3A_450 = arith.constant 0 : i32
      %dma_wait3A_451 = arith.constant 0 : i32
      %dma_wait3A_452 = tpu.memref_slice %arg2[%dma_wait3A_450, %dma_wait3A_451] : memref<10000x128xf32, #tpu.memory_space<hbm>> -> memref<10000x128xf32, #tpu.memory_space<hbm>>
      tpu.wait_indirect_dma semaphore(%arg12 : memref<!tpu.dma_semaphore, #tpu.memory_space<semaphore_mem>>) src(%dma_wait3A_452 : memref<10000x128xf32, #tpu.memory_space<hbm>>) dst(%arg9 : memref<64x128xf32, #tpu.memory_space<vmem>>)
      %run_scoped3A_453 = arith.constant 8 : i32
      "tpu.region"() ({
        %run_scoped3A_552 = tpu.sem_alloc : memref<!tpu.dma_semaphore, #tpu.memory_space<semaphore_mem>>
        %dma_start3A_553 = arith.constant 0 : i32
        %dma_start3A_554 = tpu.memref_slice %arg8[%run_scoped3A_453, %dma_start3A_553] : memref<16x64xi32, #tpu.memory_space<vmem>> -> memref<1x64xi32, #tpu.memory_space<vmem>>
        %dma_start3A_555 = tpu.memref_squeeze %dma_start3A_554 : memref<1x64xi32, #tpu.memory_space<vmem>> -> memref<64xi32, #tpu.memory_space<vmem>>
        %dma_start3A_556 = arith.constant 0 : i32
        %dma_start3A_557 = arith.constant 0 : i32
        %dma_start3A_558 = tpu.memref_slice %arg11[%dma_start3A_556, %dma_start3A_557] : memref<10112x128xf32, #tpu.memory_space<vmem_shared>> -> memref<10112x128xf32, #tpu.memory_space<vmem_shared>>
        tpu.enqueue_indirect_dma source(%arg9 : memref<64x128xf32, #tpu.memory_space<vmem>>) target(%dma_start3A_558 : memref<10112x128xf32, #tpu.memory_space<vmem_shared>>) offsets(%dma_start3A_555 : memref<64xi32, #tpu.memory_space<vmem>>) semaphore(%run_scoped3A_552 : memref<!tpu.dma_semaphore, #tpu.memory_space<semaphore_mem>>) {add = true}
        %dma_wait3A_559 = arith.constant 0 : i32
        %dma_wait3A_560 = tpu.memref_slice %arg8[%run_scoped3A_453, %dma_wait3A_559] : memref<16x64xi32, #tpu.memory_space<vmem>> -> memref<1x64xi32, #tpu.memory_space<vmem>>
        %dma_wait3A_561 = tpu.memref_squeeze %dma_wait3A_560 : memref<1x64xi32, #tpu.memory_space<vmem>> -> memref<64xi32, #tpu.memory_space<vmem>>
        %dma_wait3A_562 = arith.constant 0 : i32
        %dma_wait3A_563 = arith.constant 0 : i32
        %dma_wait3A_564 = tpu.memref_slice %arg11[%dma_wait3A_562, %dma_wait3A_563] : memref<10112x128xf32, #tpu.memory_space<vmem_shared>> -> memref<10112x128xf32, #tpu.memory_space<vmem_shared>>
        tpu.wait_indirect_dma semaphore(%run_scoped3A_552 : memref<!tpu.dma_semaphore, #tpu.memory_space<semaphore_mem>>) src(%arg9 : memref<64x128xf32, #tpu.memory_space<vmem>>) dst(%dma_wait3A_564 : memref<10112x128xf32, #tpu.memory_space<vmem_shared>>)
        tpu.yield
      }) : () -> ()
      %dma_start3A_454 = arith.constant 10 : i32
      %dma_start3A_455 = arith.constant 0 : i32
      %dma_start3A_456 = tpu.memref_slice %arg7[%dma_start3A_454, %dma_start3A_455] : memref<16x64xi32, #tpu.memory_space<vmem>> -> memref<1x64xi32, #tpu.memory_space<vmem>>
      %dma_start3A_457 = tpu.memref_squeeze %dma_start3A_456 : memref<1x64xi32, #tpu.memory_space<vmem>> -> memref<64xi32, #tpu.memory_space<vmem>>
      %dma_start3A_458 = arith.constant 0 : i32
      %dma_start3A_459 = arith.constant 0 : i32
      %dma_start3A_460 = tpu.memref_slice %arg2[%dma_start3A_458, %dma_start3A_459] : memref<10000x128xf32, #tpu.memory_space<hbm>> -> memref<10000x128xf32, #tpu.memory_space<hbm>>
      tpu.enqueue_indirect_dma source(%dma_start3A_460 : memref<10000x128xf32, #tpu.memory_space<hbm>>) target(%arg9 : memref<64x128xf32, #tpu.memory_space<vmem>>) offsets(%dma_start3A_457 : memref<64xi32, #tpu.memory_space<vmem>>) semaphore(%arg12 : memref<!tpu.dma_semaphore, #tpu.memory_space<semaphore_mem>>)
      %dma_wait3A_461 = arith.constant 9 : i32
      %dma_wait3A_462 = arith.constant 0 : i32
      %dma_wait3A_463 = tpu.memref_slice %arg7[%dma_wait3A_461, %dma_wait3A_462] : memref<16x64xi32, #tpu.memory_space<vmem>> -> memref<1x64xi32, #tpu.memory_space<vmem>>
      %dma_wait3A_464 = tpu.memref_squeeze %dma_wait3A_463 : memref<1x64xi32, #tpu.memory_space<vmem>> -> memref<64xi32, #tpu.memory_space<vmem>>
      %dma_wait3A_465 = arith.constant 0 : i32
      %dma_wait3A_466 = arith.constant 0 : i32
      %dma_wait3A_467 = tpu.memref_slice %arg2[%dma_wait3A_465, %dma_wait3A_466] : memref<10000x128xf32, #tpu.memory_space<hbm>> -> memref<10000x128xf32, #tpu.memory_space<hbm>>
      tpu.wait_indirect_dma semaphore(%arg13 : memref<!tpu.dma_semaphore, #tpu.memory_space<semaphore_mem>>) src(%dma_wait3A_467 : memref<10000x128xf32, #tpu.memory_space<hbm>>) dst(%arg10 : memref<64x128xf32, #tpu.memory_space<vmem>>)
      %run_scoped3A_468 = arith.constant 9 : i32
      "tpu.region"() ({
        %run_scoped3A_552 = tpu.sem_alloc : memref<!tpu.dma_semaphore, #tpu.memory_space<semaphore_mem>>
        %dma_start3A_553 = arith.constant 0 : i32
        %dma_start3A_554 = tpu.memref_slice %arg8[%run_scoped3A_468, %dma_start3A_553] : memref<16x64xi32, #tpu.memory_space<vmem>> -> memref<1x64xi32, #tpu.memory_space<vmem>>
        %dma_start3A_555 = tpu.memref_squeeze %dma_start3A_554 : memref<1x64xi32, #tpu.memory_space<vmem>> -> memref<64xi32, #tpu.memory_space<vmem>>
        %dma_start3A_556 = arith.constant 0 : i32
        %dma_start3A_557 = arith.constant 0 : i32
        %dma_start3A_558 = tpu.memref_slice %arg11[%dma_start3A_556, %dma_start3A_557] : memref<10112x128xf32, #tpu.memory_space<vmem_shared>> -> memref<10112x128xf32, #tpu.memory_space<vmem_shared>>
        tpu.enqueue_indirect_dma source(%arg10 : memref<64x128xf32, #tpu.memory_space<vmem>>) target(%dma_start3A_558 : memref<10112x128xf32, #tpu.memory_space<vmem_shared>>) offsets(%dma_start3A_555 : memref<64xi32, #tpu.memory_space<vmem>>) semaphore(%run_scoped3A_552 : memref<!tpu.dma_semaphore, #tpu.memory_space<semaphore_mem>>) {add = true}
        %dma_wait3A_559 = arith.constant 0 : i32
        %dma_wait3A_560 = tpu.memref_slice %arg8[%run_scoped3A_468, %dma_wait3A_559] : memref<16x64xi32, #tpu.memory_space<vmem>> -> memref<1x64xi32, #tpu.memory_space<vmem>>
        %dma_wait3A_561 = tpu.memref_squeeze %dma_wait3A_560 : memref<1x64xi32, #tpu.memory_space<vmem>> -> memref<64xi32, #tpu.memory_space<vmem>>
        %dma_wait3A_562 = arith.constant 0 : i32
        %dma_wait3A_563 = arith.constant 0 : i32
        %dma_wait3A_564 = tpu.memref_slice %arg11[%dma_wait3A_562, %dma_wait3A_563] : memref<10112x128xf32, #tpu.memory_space<vmem_shared>> -> memref<10112x128xf32, #tpu.memory_space<vmem_shared>>
        tpu.wait_indirect_dma semaphore(%run_scoped3A_552 : memref<!tpu.dma_semaphore, #tpu.memory_space<semaphore_mem>>) src(%arg10 : memref<64x128xf32, #tpu.memory_space<vmem>>) dst(%dma_wait3A_564 : memref<10112x128xf32, #tpu.memory_space<vmem_shared>>)
        tpu.yield
      }) : () -> ()
      %dma_start3A_469 = arith.constant 11 : i32
      %dma_start3A_470 = arith.constant 0 : i32
      %dma_start3A_471 = tpu.memref_slice %arg7[%dma_start3A_469, %dma_start3A_470] : memref<16x64xi32, #tpu.memory_space<vmem>> -> memref<1x64xi32, #tpu.memory_space<vmem>>
      %dma_start3A_472 = tpu.memref_squeeze %dma_start3A_471 : memref<1x64xi32, #tpu.memory_space<vmem>> -> memref<64xi32, #tpu.memory_space<vmem>>
      %dma_start3A_473 = arith.constant 0 : i32
      %dma_start3A_474 = arith.constant 0 : i32
      %dma_start3A_475 = tpu.memref_slice %arg2[%dma_start3A_473, %dma_start3A_474] : memref<10000x128xf32, #tpu.memory_space<hbm>> -> memref<10000x128xf32, #tpu.memory_space<hbm>>
      tpu.enqueue_indirect_dma source(%dma_start3A_475 : memref<10000x128xf32, #tpu.memory_space<hbm>>) target(%arg10 : memref<64x128xf32, #tpu.memory_space<vmem>>) offsets(%dma_start3A_472 : memref<64xi32, #tpu.memory_space<vmem>>) semaphore(%arg13 : memref<!tpu.dma_semaphore, #tpu.memory_space<semaphore_mem>>)
      %dma_wait3A_476 = arith.constant 10 : i32
      %dma_wait3A_477 = arith.constant 0 : i32
      %dma_wait3A_478 = tpu.memref_slice %arg7[%dma_wait3A_476, %dma_wait3A_477] : memref<16x64xi32, #tpu.memory_space<vmem>> -> memref<1x64xi32, #tpu.memory_space<vmem>>
      %dma_wait3A_479 = tpu.memref_squeeze %dma_wait3A_478 : memref<1x64xi32, #tpu.memory_space<vmem>> -> memref<64xi32, #tpu.memory_space<vmem>>
      %dma_wait3A_480 = arith.constant 0 : i32
      %dma_wait3A_481 = arith.constant 0 : i32
      %dma_wait3A_482 = tpu.memref_slice %arg2[%dma_wait3A_480, %dma_wait3A_481] : memref<10000x128xf32, #tpu.memory_space<hbm>> -> memref<10000x128xf32, #tpu.memory_space<hbm>>
      tpu.wait_indirect_dma semaphore(%arg12 : memref<!tpu.dma_semaphore, #tpu.memory_space<semaphore_mem>>) src(%dma_wait3A_482 : memref<10000x128xf32, #tpu.memory_space<hbm>>) dst(%arg9 : memref<64x128xf32, #tpu.memory_space<vmem>>)
      %run_scoped3A_483 = arith.constant 10 : i32
      "tpu.region"() ({
        %run_scoped3A_552 = tpu.sem_alloc : memref<!tpu.dma_semaphore, #tpu.memory_space<semaphore_mem>>
        %dma_start3A_553 = arith.constant 0 : i32
        %dma_start3A_554 = tpu.memref_slice %arg8[%run_scoped3A_483, %dma_start3A_553] : memref<16x64xi32, #tpu.memory_space<vmem>> -> memref<1x64xi32, #tpu.memory_space<vmem>>
        %dma_start3A_555 = tpu.memref_squeeze %dma_start3A_554 : memref<1x64xi32, #tpu.memory_space<vmem>> -> memref<64xi32, #tpu.memory_space<vmem>>
        %dma_start3A_556 = arith.constant 0 : i32
        %dma_start3A_557 = arith.constant 0 : i32
        %dma_start3A_558 = tpu.memref_slice %arg11[%dma_start3A_556, %dma_start3A_557] : memref<10112x128xf32, #tpu.memory_space<vmem_shared>> -> memref<10112x128xf32, #tpu.memory_space<vmem_shared>>
        tpu.enqueue_indirect_dma source(%arg9 : memref<64x128xf32, #tpu.memory_space<vmem>>) target(%dma_start3A_558 : memref<10112x128xf32, #tpu.memory_space<vmem_shared>>) offsets(%dma_start3A_555 : memref<64xi32, #tpu.memory_space<vmem>>) semaphore(%run_scoped3A_552 : memref<!tpu.dma_semaphore, #tpu.memory_space<semaphore_mem>>) {add = true}
        %dma_wait3A_559 = arith.constant 0 : i32
        %dma_wait3A_560 = tpu.memref_slice %arg8[%run_scoped3A_483, %dma_wait3A_559] : memref<16x64xi32, #tpu.memory_space<vmem>> -> memref<1x64xi32, #tpu.memory_space<vmem>>
        %dma_wait3A_561 = tpu.memref_squeeze %dma_wait3A_560 : memref<1x64xi32, #tpu.memory_space<vmem>> -> memref<64xi32, #tpu.memory_space<vmem>>
        %dma_wait3A_562 = arith.constant 0 : i32
        %dma_wait3A_563 = arith.constant 0 : i32
        %dma_wait3A_564 = tpu.memref_slice %arg11[%dma_wait3A_562, %dma_wait3A_563] : memref<10112x128xf32, #tpu.memory_space<vmem_shared>> -> memref<10112x128xf32, #tpu.memory_space<vmem_shared>>
        tpu.wait_indirect_dma semaphore(%run_scoped3A_552 : memref<!tpu.dma_semaphore, #tpu.memory_space<semaphore_mem>>) src(%arg9 : memref<64x128xf32, #tpu.memory_space<vmem>>) dst(%dma_wait3A_564 : memref<10112x128xf32, #tpu.memory_space<vmem_shared>>)
        tpu.yield
      }) : () -> ()
      %dma_start3A_484 = arith.constant 12 : i32
      %dma_start3A_485 = arith.constant 0 : i32
      %dma_start3A_486 = tpu.memref_slice %arg7[%dma_start3A_484, %dma_start3A_485] : memref<16x64xi32, #tpu.memory_space<vmem>> -> memref<1x64xi32, #tpu.memory_space<vmem>>
      %dma_start3A_487 = tpu.memref_squeeze %dma_start3A_486 : memref<1x64xi32, #tpu.memory_space<vmem>> -> memref<64xi32, #tpu.memory_space<vmem>>
      %dma_start3A_488 = arith.constant 0 : i32
      %dma_start3A_489 = arith.constant 0 : i32
      %dma_start3A_490 = tpu.memref_slice %arg2[%dma_start3A_488, %dma_start3A_489] : memref<10000x128xf32, #tpu.memory_space<hbm>> -> memref<10000x128xf32, #tpu.memory_space<hbm>>
      tpu.enqueue_indirect_dma source(%dma_start3A_490 : memref<10000x128xf32, #tpu.memory_space<hbm>>) target(%arg9 : memref<64x128xf32, #tpu.memory_space<vmem>>) offsets(%dma_start3A_487 : memref<64xi32, #tpu.memory_space<vmem>>) semaphore(%arg12 : memref<!tpu.dma_semaphore, #tpu.memory_space<semaphore_mem>>)
      %dma_wait3A_491 = arith.constant 11 : i32
      %dma_wait3A_492 = arith.constant 0 : i32
      %dma_wait3A_493 = tpu.memref_slice %arg7[%dma_wait3A_491, %dma_wait3A_492] : memref<16x64xi32, #tpu.memory_space<vmem>> -> memref<1x64xi32, #tpu.memory_space<vmem>>
      %dma_wait3A_494 = tpu.memref_squeeze %dma_wait3A_493 : memref<1x64xi32, #tpu.memory_space<vmem>> -> memref<64xi32, #tpu.memory_space<vmem>>
      %dma_wait3A_495 = arith.constant 0 : i32
      %dma_wait3A_496 = arith.constant 0 : i32
      %dma_wait3A_497 = tpu.memref_slice %arg2[%dma_wait3A_495, %dma_wait3A_496] : memref<10000x128xf32, #tpu.memory_space<hbm>> -> memref<10000x128xf32, #tpu.memory_space<hbm>>
      tpu.wait_indirect_dma semaphore(%arg13 : memref<!tpu.dma_semaphore, #tpu.memory_space<semaphore_mem>>) src(%dma_wait3A_497 : memref<10000x128xf32, #tpu.memory_space<hbm>>) dst(%arg10 : memref<64x128xf32, #tpu.memory_space<vmem>>)
      %run_scoped3A_498 = arith.constant 11 : i32
      "tpu.region"() ({
        %run_scoped3A_552 = tpu.sem_alloc : memref<!tpu.dma_semaphore, #tpu.memory_space<semaphore_mem>>
        %dma_start3A_553 = arith.constant 0 : i32
        %dma_start3A_554 = tpu.memref_slice %arg8[%run_scoped3A_498, %dma_start3A_553] : memref<16x64xi32, #tpu.memory_space<vmem>> -> memref<1x64xi32, #tpu.memory_space<vmem>>
        %dma_start3A_555 = tpu.memref_squeeze %dma_start3A_554 : memref<1x64xi32, #tpu.memory_space<vmem>> -> memref<64xi32, #tpu.memory_space<vmem>>
        %dma_start3A_556 = arith.constant 0 : i32
        %dma_start3A_557 = arith.constant 0 : i32
        %dma_start3A_558 = tpu.memref_slice %arg11[%dma_start3A_556, %dma_start3A_557] : memref<10112x128xf32, #tpu.memory_space<vmem_shared>> -> memref<10112x128xf32, #tpu.memory_space<vmem_shared>>
        tpu.enqueue_indirect_dma source(%arg10 : memref<64x128xf32, #tpu.memory_space<vmem>>) target(%dma_start3A_558 : memref<10112x128xf32, #tpu.memory_space<vmem_shared>>) offsets(%dma_start3A_555 : memref<64xi32, #tpu.memory_space<vmem>>) semaphore(%run_scoped3A_552 : memref<!tpu.dma_semaphore, #tpu.memory_space<semaphore_mem>>) {add = true}
        %dma_wait3A_559 = arith.constant 0 : i32
        %dma_wait3A_560 = tpu.memref_slice %arg8[%run_scoped3A_498, %dma_wait3A_559] : memref<16x64xi32, #tpu.memory_space<vmem>> -> memref<1x64xi32, #tpu.memory_space<vmem>>
        %dma_wait3A_561 = tpu.memref_squeeze %dma_wait3A_560 : memref<1x64xi32, #tpu.memory_space<vmem>> -> memref<64xi32, #tpu.memory_space<vmem>>
        %dma_wait3A_562 = arith.constant 0 : i32
        %dma_wait3A_563 = arith.constant 0 : i32
        %dma_wait3A_564 = tpu.memref_slice %arg11[%dma_wait3A_562, %dma_wait3A_563] : memref<10112x128xf32, #tpu.memory_space<vmem_shared>> -> memref<10112x128xf32, #tpu.memory_space<vmem_shared>>
        tpu.wait_indirect_dma semaphore(%run_scoped3A_552 : memref<!tpu.dma_semaphore, #tpu.memory_space<semaphore_mem>>) src(%arg10 : memref<64x128xf32, #tpu.memory_space<vmem>>) dst(%dma_wait3A_564 : memref<10112x128xf32, #tpu.memory_space<vmem_shared>>)
        tpu.yield
      }) : () -> ()
      %dma_start3A_499 = arith.constant 13 : i32
      %dma_start3A_500 = arith.constant 0 : i32
      %dma_start3A_501 = tpu.memref_slice %arg7[%dma_start3A_499, %dma_start3A_500] : memref<16x64xi32, #tpu.memory_space<vmem>> -> memref<1x64xi32, #tpu.memory_space<vmem>>
      %dma_start3A_502 = tpu.memref_squeeze %dma_start3A_501 : memref<1x64xi32, #tpu.memory_space<vmem>> -> memref<64xi32, #tpu.memory_space<vmem>>
      %dma_start3A_503 = arith.constant 0 : i32
      %dma_start3A_504 = arith.constant 0 : i32
      %dma_start3A_505 = tpu.memref_slice %arg2[%dma_start3A_503, %dma_start3A_504] : memref<10000x128xf32, #tpu.memory_space<hbm>> -> memref<10000x128xf32, #tpu.memory_space<hbm>>
      tpu.enqueue_indirect_dma source(%dma_start3A_505 : memref<10000x128xf32, #tpu.memory_space<hbm>>) target(%arg10 : memref<64x128xf32, #tpu.memory_space<vmem>>) offsets(%dma_start3A_502 : memref<64xi32, #tpu.memory_space<vmem>>) semaphore(%arg13 : memref<!tpu.dma_semaphore, #tpu.memory_space<semaphore_mem>>)
      %dma_wait3A_506 = arith.constant 12 : i32
      %dma_wait3A_507 = arith.constant 0 : i32
      %dma_wait3A_508 = tpu.memref_slice %arg7[%dma_wait3A_506, %dma_wait3A_507] : memref<16x64xi32, #tpu.memory_space<vmem>> -> memref<1x64xi32, #tpu.memory_space<vmem>>
      %dma_wait3A_509 = tpu.memref_squeeze %dma_wait3A_508 : memref<1x64xi32, #tpu.memory_space<vmem>> -> memref<64xi32, #tpu.memory_space<vmem>>
      %dma_wait3A_510 = arith.constant 0 : i32
      %dma_wait3A_511 = arith.constant 0 : i32
      %dma_wait3A_512 = tpu.memref_slice %arg2[%dma_wait3A_510, %dma_wait3A_511] : memref<10000x128xf32, #tpu.memory_space<hbm>> -> memref<10000x128xf32, #tpu.memory_space<hbm>>
      tpu.wait_indirect_dma semaphore(%arg12 : memref<!tpu.dma_semaphore, #tpu.memory_space<semaphore_mem>>) src(%dma_wait3A_512 : memref<10000x128xf32, #tpu.memory_space<hbm>>) dst(%arg9 : memref<64x128xf32, #tpu.memory_space<vmem>>)
      %run_scoped3A_513 = arith.constant 12 : i32
      "tpu.region"() ({
        %run_scoped3A_552 = tpu.sem_alloc : memref<!tpu.dma_semaphore, #tpu.memory_space<semaphore_mem>>
        %dma_start3A_553 = arith.constant 0 : i32
        %dma_start3A_554 = tpu.memref_slice %arg8[%run_scoped3A_513, %dma_start3A_553] : memref<16x64xi32, #tpu.memory_space<vmem>> -> memref<1x64xi32, #tpu.memory_space<vmem>>
        %dma_start3A_555 = tpu.memref_squeeze %dma_start3A_554 : memref<1x64xi32, #tpu.memory_space<vmem>> -> memref<64xi32, #tpu.memory_space<vmem>>
        %dma_start3A_556 = arith.constant 0 : i32
        %dma_start3A_557 = arith.constant 0 : i32
        %dma_start3A_558 = tpu.memref_slice %arg11[%dma_start3A_556, %dma_start3A_557] : memref<10112x128xf32, #tpu.memory_space<vmem_shared>> -> memref<10112x128xf32, #tpu.memory_space<vmem_shared>>
        tpu.enqueue_indirect_dma source(%arg9 : memref<64x128xf32, #tpu.memory_space<vmem>>) target(%dma_start3A_558 : memref<10112x128xf32, #tpu.memory_space<vmem_shared>>) offsets(%dma_start3A_555 : memref<64xi32, #tpu.memory_space<vmem>>) semaphore(%run_scoped3A_552 : memref<!tpu.dma_semaphore, #tpu.memory_space<semaphore_mem>>) {add = true}
        %dma_wait3A_559 = arith.constant 0 : i32
        %dma_wait3A_560 = tpu.memref_slice %arg8[%run_scoped3A_513, %dma_wait3A_559] : memref<16x64xi32, #tpu.memory_space<vmem>> -> memref<1x64xi32, #tpu.memory_space<vmem>>
        %dma_wait3A_561 = tpu.memref_squeeze %dma_wait3A_560 : memref<1x64xi32, #tpu.memory_space<vmem>> -> memref<64xi32, #tpu.memory_space<vmem>>
        %dma_wait3A_562 = arith.constant 0 : i32
        %dma_wait3A_563 = arith.constant 0 : i32
        %dma_wait3A_564 = tpu.memref_slice %arg11[%dma_wait3A_562, %dma_wait3A_563] : memref<10112x128xf32, #tpu.memory_space<vmem_shared>> -> memref<10112x128xf32, #tpu.memory_space<vmem_shared>>
        tpu.wait_indirect_dma semaphore(%run_scoped3A_552 : memref<!tpu.dma_semaphore, #tpu.memory_space<semaphore_mem>>) src(%arg9 : memref<64x128xf32, #tpu.memory_space<vmem>>) dst(%dma_wait3A_564 : memref<10112x128xf32, #tpu.memory_space<vmem_shared>>)
        tpu.yield
      }) : () -> ()
      %dma_start3A_514 = arith.constant 14 : i32
      %dma_start3A_515 = arith.constant 0 : i32
      %dma_start3A_516 = tpu.memref_slice %arg7[%dma_start3A_514, %dma_start3A_515] : memref<16x64xi32, #tpu.memory_space<vmem>> -> memref<1x64xi32, #tpu.memory_space<vmem>>
      %dma_start3A_517 = tpu.memref_squeeze %dma_start3A_516 : memref<1x64xi32, #tpu.memory_space<vmem>> -> memref<64xi32, #tpu.memory_space<vmem>>
      %dma_start3A_518 = arith.constant 0 : i32
      %dma_start3A_519 = arith.constant 0 : i32
      %dma_start3A_520 = tpu.memref_slice %arg2[%dma_start3A_518, %dma_start3A_519] : memref<10000x128xf32, #tpu.memory_space<hbm>> -> memref<10000x128xf32, #tpu.memory_space<hbm>>
      tpu.enqueue_indirect_dma source(%dma_start3A_520 : memref<10000x128xf32, #tpu.memory_space<hbm>>) target(%arg9 : memref<64x128xf32, #tpu.memory_space<vmem>>) offsets(%dma_start3A_517 : memref<64xi32, #tpu.memory_space<vmem>>) semaphore(%arg12 : memref<!tpu.dma_semaphore, #tpu.memory_space<semaphore_mem>>)
      %dma_wait3A_521 = arith.constant 13 : i32
      %dma_wait3A_522 = arith.constant 0 : i32
      %dma_wait3A_523 = tpu.memref_slice %arg7[%dma_wait3A_521, %dma_wait3A_522] : memref<16x64xi32, #tpu.memory_space<vmem>> -> memref<1x64xi32, #tpu.memory_space<vmem>>
      %dma_wait3A_524 = tpu.memref_squeeze %dma_wait3A_523 : memref<1x64xi32, #tpu.memory_space<vmem>> -> memref<64xi32, #tpu.memory_space<vmem>>
      %dma_wait3A_525 = arith.constant 0 : i32
      %dma_wait3A_526 = arith.constant 0 : i32
      %dma_wait3A_527 = tpu.memref_slice %arg2[%dma_wait3A_525, %dma_wait3A_526] : memref<10000x128xf32, #tpu.memory_space<hbm>> -> memref<10000x128xf32, #tpu.memory_space<hbm>>
      tpu.wait_indirect_dma semaphore(%arg13 : memref<!tpu.dma_semaphore, #tpu.memory_space<semaphore_mem>>) src(%dma_wait3A_527 : memref<10000x128xf32, #tpu.memory_space<hbm>>) dst(%arg10 : memref<64x128xf32, #tpu.memory_space<vmem>>)
      %run_scoped3A_528 = arith.constant 13 : i32
      "tpu.region"() ({
        %run_scoped3A_552 = tpu.sem_alloc : memref<!tpu.dma_semaphore, #tpu.memory_space<semaphore_mem>>
        %dma_start3A_553 = arith.constant 0 : i32
        %dma_start3A_554 = tpu.memref_slice %arg8[%run_scoped3A_528, %dma_start3A_553] : memref<16x64xi32, #tpu.memory_space<vmem>> -> memref<1x64xi32, #tpu.memory_space<vmem>>
        %dma_start3A_555 = tpu.memref_squeeze %dma_start3A_554 : memref<1x64xi32, #tpu.memory_space<vmem>> -> memref<64xi32, #tpu.memory_space<vmem>>
        %dma_start3A_556 = arith.constant 0 : i32
        %dma_start3A_557 = arith.constant 0 : i32
        %dma_start3A_558 = tpu.memref_slice %arg11[%dma_start3A_556, %dma_start3A_557] : memref<10112x128xf32, #tpu.memory_space<vmem_shared>> -> memref<10112x128xf32, #tpu.memory_space<vmem_shared>>
        tpu.enqueue_indirect_dma source(%arg10 : memref<64x128xf32, #tpu.memory_space<vmem>>) target(%dma_start3A_558 : memref<10112x128xf32, #tpu.memory_space<vmem_shared>>) offsets(%dma_start3A_555 : memref<64xi32, #tpu.memory_space<vmem>>) semaphore(%run_scoped3A_552 : memref<!tpu.dma_semaphore, #tpu.memory_space<semaphore_mem>>) {add = true}
        %dma_wait3A_559 = arith.constant 0 : i32
        %dma_wait3A_560 = tpu.memref_slice %arg8[%run_scoped3A_528, %dma_wait3A_559] : memref<16x64xi32, #tpu.memory_space<vmem>> -> memref<1x64xi32, #tpu.memory_space<vmem>>
        %dma_wait3A_561 = tpu.memref_squeeze %dma_wait3A_560 : memref<1x64xi32, #tpu.memory_space<vmem>> -> memref<64xi32, #tpu.memory_space<vmem>>
        %dma_wait3A_562 = arith.constant 0 : i32
        %dma_wait3A_563 = arith.constant 0 : i32
        %dma_wait3A_564 = tpu.memref_slice %arg11[%dma_wait3A_562, %dma_wait3A_563] : memref<10112x128xf32, #tpu.memory_space<vmem_shared>> -> memref<10112x128xf32, #tpu.memory_space<vmem_shared>>
        tpu.wait_indirect_dma semaphore(%run_scoped3A_552 : memref<!tpu.dma_semaphore, #tpu.memory_space<semaphore_mem>>) src(%arg10 : memref<64x128xf32, #tpu.memory_space<vmem>>) dst(%dma_wait3A_564 : memref<10112x128xf32, #tpu.memory_space<vmem_shared>>)
        tpu.yield
      }) : () -> ()
      %dma_start3A_529 = arith.constant 15 : i32
      %dma_start3A_530 = arith.constant 0 : i32
      %dma_start3A_531 = tpu.memref_slice %arg7[%dma_start3A_529, %dma_start3A_530] : memref<16x64xi32, #tpu.memory_space<vmem>> -> memref<1x64xi32, #tpu.memory_space<vmem>>
      %dma_start3A_532 = tpu.memref_squeeze %dma_start3A_531 : memref<1x64xi32, #tpu.memory_space<vmem>> -> memref<64xi32, #tpu.memory_space<vmem>>
      %dma_start3A_533 = arith.constant 0 : i32
      %dma_start3A_534 = arith.constant 0 : i32
      %dma_start3A_535 = tpu.memref_slice %arg2[%dma_start3A_533, %dma_start3A_534] : memref<10000x128xf32, #tpu.memory_space<hbm>> -> memref<10000x128xf32, #tpu.memory_space<hbm>>
      tpu.enqueue_indirect_dma source(%dma_start3A_535 : memref<10000x128xf32, #tpu.memory_space<hbm>>) target(%arg10 : memref<64x128xf32, #tpu.memory_space<vmem>>) offsets(%dma_start3A_532 : memref<64xi32, #tpu.memory_space<vmem>>) semaphore(%arg13 : memref<!tpu.dma_semaphore, #tpu.memory_space<semaphore_mem>>)
      %dma_wait3A_536 = arith.constant 14 : i32
      %dma_wait3A_537 = arith.constant 0 : i32
      %dma_wait3A_538 = tpu.memref_slice %arg7[%dma_wait3A_536, %dma_wait3A_537] : memref<16x64xi32, #tpu.memory_space<vmem>> -> memref<1x64xi32, #tpu.memory_space<vmem>>
      %dma_wait3A_539 = tpu.memref_squeeze %dma_wait3A_538 : memref<1x64xi32, #tpu.memory_space<vmem>> -> memref<64xi32, #tpu.memory_space<vmem>>
      %dma_wait3A_540 = arith.constant 0 : i32
      %dma_wait3A_541 = arith.constant 0 : i32
      %dma_wait3A_542 = tpu.memref_slice %arg2[%dma_wait3A_540, %dma_wait3A_541] : memref<10000x128xf32, #tpu.memory_space<hbm>> -> memref<10000x128xf32, #tpu.memory_space<hbm>>
      tpu.wait_indirect_dma semaphore(%arg12 : memref<!tpu.dma_semaphore, #tpu.memory_space<semaphore_mem>>) src(%dma_wait3A_542 : memref<10000x128xf32, #tpu.memory_space<hbm>>) dst(%arg9 : memref<64x128xf32, #tpu.memory_space<vmem>>)
      %run_scoped3A_543 = arith.constant 14 : i32
      "tpu.region"() ({
        %run_scoped3A_552 = tpu.sem_alloc : memref<!tpu.dma_semaphore, #tpu.memory_space<semaphore_mem>>
        %dma_start3A_553 = arith.constant 0 : i32
        %dma_start3A_554 = tpu.memref_slice %arg8[%run_scoped3A_543, %dma_start3A_553] : memref<16x64xi32, #tpu.memory_space<vmem>> -> memref<1x64xi32, #tpu.memory_space<vmem>>
        %dma_start3A_555 = tpu.memref_squeeze %dma_start3A_554 : memref<1x64xi32, #tpu.memory_space<vmem>> -> memref<64xi32, #tpu.memory_space<vmem>>
        %dma_start3A_556 = arith.constant 0 : i32
        %dma_start3A_557 = arith.constant 0 : i32
        %dma_start3A_558 = tpu.memref_slice %arg11[%dma_start3A_556, %dma_start3A_557] : memref<10112x128xf32, #tpu.memory_space<vmem_shared>> -> memref<10112x128xf32, #tpu.memory_space<vmem_shared>>
        tpu.enqueue_indirect_dma source(%arg9 : memref<64x128xf32, #tpu.memory_space<vmem>>) target(%dma_start3A_558 : memref<10112x128xf32, #tpu.memory_space<vmem_shared>>) offsets(%dma_start3A_555 : memref<64xi32, #tpu.memory_space<vmem>>) semaphore(%run_scoped3A_552 : memref<!tpu.dma_semaphore, #tpu.memory_space<semaphore_mem>>) {add = true}
        %dma_wait3A_559 = arith.constant 0 : i32
        %dma_wait3A_560 = tpu.memref_slice %arg8[%run_scoped3A_543, %dma_wait3A_559] : memref<16x64xi32, #tpu.memory_space<vmem>> -> memref<1x64xi32, #tpu.memory_space<vmem>>
        %dma_wait3A_561 = tpu.memref_squeeze %dma_wait3A_560 : memref<1x64xi32, #tpu.memory_space<vmem>> -> memref<64xi32, #tpu.memory_space<vmem>>
        %dma_wait3A_562 = arith.constant 0 : i32
        %dma_wait3A_563 = arith.constant 0 : i32
        %dma_wait3A_564 = tpu.memref_slice %arg11[%dma_wait3A_562, %dma_wait3A_563] : memref<10112x128xf32, #tpu.memory_space<vmem_shared>> -> memref<10112x128xf32, #tpu.memory_space<vmem_shared>>
        tpu.wait_indirect_dma semaphore(%run_scoped3A_552 : memref<!tpu.dma_semaphore, #tpu.memory_space<semaphore_mem>>) src(%arg9 : memref<64x128xf32, #tpu.memory_space<vmem>>) dst(%dma_wait3A_564 : memref<10112x128xf32, #tpu.memory_space<vmem_shared>>)
        tpu.yield
      }) : () -> ()
      %dma_wait3A_544 = arith.constant 15 : i32
      %dma_wait3A_545 = arith.constant 0 : i32
      %dma_wait3A_546 = tpu.memref_slice %arg7[%dma_wait3A_544, %dma_wait3A_545] : memref<16x64xi32, #tpu.memory_space<vmem>> -> memref<1x64xi32, #tpu.memory_space<vmem>>
      %dma_wait3A_547 = tpu.memref_squeeze %dma_wait3A_546 : memref<1x64xi32, #tpu.memory_space<vmem>> -> memref<64xi32, #tpu.memory_space<vmem>>
      %dma_wait3A_548 = arith.constant 0 : i32
      %dma_wait3A_549 = arith.constant 0 : i32
      %dma_wait3A_550 = tpu.memref_slice %arg2[%dma_wait3A_548, %dma_wait3A_549] : memref<10000x128xf32, #tpu.memory_space<hbm>> -> memref<10000x128xf32, #tpu.memory_space<hbm>>
      tpu.wait_indirect_dma semaphore(%arg13 : memref<!tpu.dma_semaphore, #tpu.memory_space<semaphore_mem>>) src(%dma_wait3A_550 : memref<10000x128xf32, #tpu.memory_space<hbm>>) dst(%arg10 : memref<64x128xf32, #tpu.memory_space<vmem>>)
      %run_scoped3A_551 = arith.constant 15 : i32
      "tpu.region"() ({
        %run_scoped3A_552 = tpu.sem_alloc : memref<!tpu.dma_semaphore, #tpu.memory_space<semaphore_mem>>
        %dma_start3A_553 = arith.constant 0 : i32
        %dma_start3A_554 = tpu.memref_slice %arg8[%run_scoped3A_551, %dma_start3A_553] : memref<16x64xi32, #tpu.memory_space<vmem>> -> memref<1x64xi32, #tpu.memory_space<vmem>>
        %dma_start3A_555 = tpu.memref_squeeze %dma_start3A_554 : memref<1x64xi32, #tpu.memory_space<vmem>> -> memref<64xi32, #tpu.memory_space<vmem>>
        %dma_start3A_556 = arith.constant 0 : i32
        %dma_start3A_557 = arith.constant 0 : i32
        %dma_start3A_558 = tpu.memref_slice %arg11[%dma_start3A_556, %dma_start3A_557] : memref<10112x128xf32, #tpu.memory_space<vmem_shared>> -> memref<10112x128xf32, #tpu.memory_space<vmem_shared>>
        tpu.enqueue_indirect_dma source(%arg10 : memref<64x128xf32, #tpu.memory_space<vmem>>) target(%dma_start3A_558 : memref<10112x128xf32, #tpu.memory_space<vmem_shared>>) offsets(%dma_start3A_555 : memref<64xi32, #tpu.memory_space<vmem>>) semaphore(%run_scoped3A_552 : memref<!tpu.dma_semaphore, #tpu.memory_space<semaphore_mem>>) {add = true}
        %dma_wait3A_559 = arith.constant 0 : i32
        %dma_wait3A_560 = tpu.memref_slice %arg8[%run_scoped3A_551, %dma_wait3A_559] : memref<16x64xi32, #tpu.memory_space<vmem>> -> memref<1x64xi32, #tpu.memory_space<vmem>>
        %dma_wait3A_561 = tpu.memref_squeeze %dma_wait3A_560 : memref<1x64xi32, #tpu.memory_space<vmem>> -> memref<64xi32, #tpu.memory_space<vmem>>
        %dma_wait3A_562 = arith.constant 0 : i32
        %dma_wait3A_563 = arith.constant 0 : i32
        %dma_wait3A_564 = tpu.memref_slice %arg11[%dma_wait3A_562, %dma_wait3A_563] : memref<10112x128xf32, #tpu.memory_space<vmem_shared>> -> memref<10112x128xf32, #tpu.memory_space<vmem_shared>>
        tpu.wait_indirect_dma semaphore(%run_scoped3A_552 : memref<!tpu.dma_semaphore, #tpu.memory_space<semaphore_mem>>) src(%arg10 : memref<64x128xf32, #tpu.memory_space<vmem>>) dst(%dma_wait3A_564 : memref<10112x128xf32, #tpu.memory_space<vmem_shared>>)
        tpu.yield
      }) : () -> ()
    }
    %barrier3A_49 = arith.constant 0 : index
    tpu.barrier barrier_id(%barrier3A_49)
    %mul3A_50 = arith.constant 632 : i32
    %mul3A_51 = arith.muli %arg1, %mul3A_50 : i32
    %mul3A_52 = arith.constant 632 : i32
    %mul3A_53 = arith.muli %arg1, %mul3A_52 : i32
    "tpu.region"() ({
      %run_scoped3A = tpu.sem_alloc : memref<!tpu.dma_semaphore, #tpu.memory_space<semaphore_mem>>
      %dma_start3A = arith.constant 0 : i32
      %dma_start3A_54 = tpu.memref_slice %arg5[%arg0, %mul3A_53, %dma_start3A] : memref<2x10112x128xf32, #tpu.memory_space<hbm>> -> memref<1x632x128xf32, #tpu.memory_space<hbm>>
      %dma_start3A_55 = tpu.memref_squeeze %dma_start3A_54 : memref<1x632x128xf32, #tpu.memory_space<hbm>> -> memref<632x128xf32, #tpu.memory_space<hbm>>
      %dma_start3A_56 = arith.constant 0 : i32
      %dma_start3A_57 = tpu.memref_slice %arg11[%mul3A_51, %dma_start3A_56] : memref<10112x128xf32, #tpu.memory_space<vmem_shared>> -> memref<632x128xf32, #tpu.memory_space<vmem_shared>>
      tpu.enqueue_dma source(%dma_start3A_57 : memref<632x128xf32, #tpu.memory_space<vmem_shared>>) target(%dma_start3A_55 : memref<632x128xf32, #tpu.memory_space<hbm>>) target_semaphore(%run_scoped3A : memref<!tpu.dma_semaphore, #tpu.memory_space<semaphore_mem>>)
      %dma_wait3A = arith.constant 0 : i32
      %dma_wait3A_58 = tpu.memref_slice %arg5[%arg0, %mul3A_53, %dma_wait3A] : memref<2x10112x128xf32, #tpu.memory_space<hbm>> -> memref<1x632x128xf32, #tpu.memory_space<hbm>>
      %dma_wait3A_59 = tpu.memref_squeeze %dma_wait3A_58 : memref<1x632x128xf32, #tpu.memory_space<hbm>> -> memref<632x128xf32, #tpu.memory_space<hbm>>
      %dma_wait3A_60 = arith.constant 0 : i32
      %dma_wait3A_61 = tpu.memref_slice %arg11[%mul3A_51, %dma_wait3A_60] : memref<10112x128xf32, #tpu.memory_space<vmem_shared>> -> memref<632x128xf32, #tpu.memory_space<vmem_shared>>
      tpu.wait_dma2 semaphore(%run_scoped3A : memref<!tpu.dma_semaphore, #tpu.memory_space<semaphore_mem>>) src(%dma_wait3A_61 : memref<632x128xf32, #tpu.memory_space<vmem_shared>>) dst(%dma_wait3A_59 : memref<632x128xf32, #tpu.memory_space<hbm>>)
      tpu.yield
    }) : () -> ()
    "tpu.region"() ({
      %run_scoped3A = tpu.sem_alloc : memref<!tpu.dma_semaphore, #tpu.memory_space<semaphore_mem>>
      %dma_start3A = arith.constant 0 : i32
      %dma_start3A_54 = tpu.memref_slice %arg6[%add3A, %dma_start3A] : memref<32x10112xf32, #tpu.memory_space<hbm>> -> memref<1x10112xf32, #tpu.memory_space<hbm>>
      %dma_start3A_55 = tpu.memref_squeeze %dma_start3A_54 : memref<1x10112xf32, #tpu.memory_space<hbm>> -> memref<10112xf32, #tpu.memory_space<hbm>>
      %dma_start3A_56 = arith.constant 0 : i32
      %dma_start3A_57 = tpu.memref_slice %arg6[%add3A, %dma_start3A_56] : memref<32x10112xf32, #tpu.memory_space<hbm>> -> memref<1x10112xf32, #tpu.memory_space<hbm>>
      %dma_start3A_58 = tpu.memref_squeeze %dma_start3A_57 : memref<1x10112xf32, #tpu.memory_space<hbm>> -> memref<10112xf32, #tpu.memory_space<hbm>>
      tpu.enqueue_dma source(%arg14 : memref<10112xf32, #tpu.memory_space<vmem>>) target(%dma_start3A_58 : memref<10112xf32, #tpu.memory_space<hbm>>) target_semaphore(%run_scoped3A : memref<!tpu.dma_semaphore, #tpu.memory_space<semaphore_mem>>)
      %dma_wait3A = arith.constant 0 : i32
      %dma_wait3A_59 = tpu.memref_slice %arg6[%add3A, %dma_wait3A] : memref<32x10112xf32, #tpu.memory_space<hbm>> -> memref<1x10112xf32, #tpu.memory_space<hbm>>
      %dma_wait3A_60 = tpu.memref_squeeze %dma_wait3A_59 : memref<1x10112xf32, #tpu.memory_space<hbm>> -> memref<10112xf32, #tpu.memory_space<hbm>>
      %dma_wait3A_61 = arith.constant 0 : i32
      %dma_wait3A_62 = tpu.memref_slice %arg6[%add3A, %dma_wait3A_61] : memref<32x10112xf32, #tpu.memory_space<hbm>> -> memref<1x10112xf32, #tpu.memory_space<hbm>>
      %dma_wait3A_63 = tpu.memref_squeeze %dma_wait3A_62 : memref<1x10112xf32, #tpu.memory_space<hbm>> -> memref<10112xf32, #tpu.memory_space<hbm>>
      tpu.wait_dma2 semaphore(%run_scoped3A : memref<!tpu.dma_semaphore, #tpu.memory_space<semaphore_mem>>) src(%arg14 : memref<10112xf32, #tpu.memory_space<vmem>>) dst(%dma_wait3A_63 : memref<10112xf32, #tpu.memory_space<hbm>>)
      tpu.yield
    }) : () -> ()
    return
  }
}

#map = affine_map<(d0, d1) -> (0, 0)>
#map1 = affine_map<(d0, d1) -> (0, 0, 0)>
module attributes {stable_mosaic.version = 14 : i64} {
  func.func @body(%arg0: i32, %arg1: i32, %arg2: memref<10000x128xf32, #tpu.memory_space<hbm>>, %arg3: memref<5120x64xi32, #tpu.memory_space<hbm>>, %arg4: memref<5120x64xi32, #tpu.memory_space<hbm>>, %arg5: memref<2x10112x128xf32, #tpu.memory_space<hbm>>, %arg6: memref<16x64xi32, #tpu.memory_space<vmem>>, %arg7: memref<16x64xi32, #tpu.memory_space<vmem>>, %arg8: memref<64x128xf32, #tpu.memory_space<vmem>>, %arg9: memref<64x128xf32, #tpu.memory_space<vmem>>, %arg10: memref<10112x128xf32, #tpu.memory_space<vmem_shared>>, %arg11: memref<!tpu.dma_semaphore, #tpu.memory_space<semaphore_mem>>, %arg12: memref<!tpu.dma_semaphore, #tpu.memory_space<semaphore_mem>>) attributes {dimension_semantics = [#tpu.dimension_semantics<core_parallel>, #tpu.dimension_semantics<subcore_parallel>], iteration_bounds = array<i64: 2, 16>, scalar_prefetch = 0 : i64, scratch_operands = 7 : i64, tpu.core_type = #tpu.core_type<sc_vector_subcore>, window_params = [{transform_indices = #map}, {transform_indices = #map}, {transform_indices = #map}, {transform_indices = #map1}]} {
    %mul3A = arith.constant 2 : i32
    %mul3A_0 = arith.muli %arg1, %mul3A : i32
    %add3A = arith.addi %mul3A_0, %arg0 : i32
    %eq3A = arith.constant 0 : i32
    %eq3A_1 = arith.cmpi eq, %arg0, %eq3A : i32
    %mul3A_2 = arith.constant 256 : i32
    %mul3A_3 = arith.muli %arg1, %mul3A_2 : i32
    %mul3A_4 = arith.constant 64 : i32
    %mul3A_5 = arith.muli %arg1, %mul3A_4 : i32
    %add3A_6 = arith.constant 4096 : i32
    %add3A_7 = arith.addi %add3A_6, %mul3A_5 : i32
    %select_n3A = arith.select %eq3A_1, %mul3A_3, %add3A_7 : i32
    %eq3A_8 = arith.constant 0 : i32
    %eq3A_9 = arith.cmpi eq, %arg0, %eq3A_8 : i32
    %jit3A = arith.constant 16 : i32
    %jit3A_10 = arith.constant 4 : i32
    %select_n3A_11 = arith.select %eq3A_9, %jit3A, %jit3A_10 : i32
    %broadcast_in_dim3A = arith.constant 0.000000e+00 : f32
    %broadcast_in_dim3A_12 = vector.broadcast %broadcast_in_dim3A : f32 to vector<16xf32>
    %scan3A = arith.constant 0 : i32
    %scan3A_13 = arith.constant 16 : i32
    %scan3A_14 = arith.addi %scan3A, %scan3A_13 : i32
    %scan3A_15 = arith.constant 1 : i32
    scf.for %scan3A_49 = %scan3A to %scan3A_14 step %scan3A_15  : i32 {
      %mul3A_50 = arith.constant 1 : i32
      %mul3A_51 = arith.muli %scan3A_49, %mul3A_50 : i32
      %add3A_52 = arith.constant 0 : i32
      %add3A_53 = arith.addi %add3A_52, %mul3A_51 : i32
      %swap3A = arith.index_cast %add3A_53 : i32 to index
      %swap3A_54 = arith.constant 0 : index
      %swap3A_55 = tpu.vector_load %arg8[%swap3A, %swap3A_54] {strides = array<i32>} : memref<64x128xf32, #tpu.memory_space<vmem>>, vector<16xf32>,
      tpu.vector_store %arg8[%swap3A, %swap3A_54], %broadcast_in_dim3A_12 {strides = array<i32>} : memref<64x128xf32, #tpu.memory_space<vmem>>, vector<16xf32>,
      %swap3A_56 = arith.index_cast %add3A_53 : i32 to index
      %swap3A_57 = arith.constant 16 : index
      %swap3A_58 = tpu.vector_load %arg8[%swap3A_56, %swap3A_57] {strides = array<i32>} : memref<64x128xf32, #tpu.memory_space<vmem>>, vector<16xf32>,
      tpu.vector_store %arg8[%swap3A_56, %swap3A_57], %broadcast_in_dim3A_12 {strides = array<i32>} : memref<64x128xf32, #tpu.memory_space<vmem>>, vector<16xf32>,
      %swap3A_59 = arith.index_cast %add3A_53 : i32 to index
      %swap3A_60 = arith.constant 32 : index
      %swap3A_61 = tpu.vector_load %arg8[%swap3A_59, %swap3A_60] {strides = array<i32>} : memref<64x128xf32, #tpu.memory_space<vmem>>, vector<16xf32>,
      tpu.vector_store %arg8[%swap3A_59, %swap3A_60], %broadcast_in_dim3A_12 {strides = array<i32>} : memref<64x128xf32, #tpu.memory_space<vmem>>, vector<16xf32>,
      %swap3A_62 = arith.index_cast %add3A_53 : i32 to index
      %swap3A_63 = arith.constant 48 : index
      %swap3A_64 = tpu.vector_load %arg8[%swap3A_62, %swap3A_63] {strides = array<i32>} : memref<64x128xf32, #tpu.memory_space<vmem>>, vector<16xf32>,
      tpu.vector_store %arg8[%swap3A_62, %swap3A_63], %broadcast_in_dim3A_12 {strides = array<i32>} : memref<64x128xf32, #tpu.memory_space<vmem>>, vector<16xf32>,
      %swap3A_65 = arith.index_cast %add3A_53 : i32 to index
      %swap3A_66 = arith.constant 64 : index
      %swap3A_67 = tpu.vector_load %arg8[%swap3A_65, %swap3A_66] {strides = array<i32>} : memref<64x128xf32, #tpu.memory_space<vmem>>, vector<16xf32>,
      tpu.vector_store %arg8[%swap3A_65, %swap3A_66], %broadcast_in_dim3A_12 {strides = array<i32>} : memref<64x128xf32, #tpu.memory_space<vmem>>, vector<16xf32>,
      %swap3A_68 = arith.index_cast %add3A_53 : i32 to index
      %swap3A_69 = arith.constant 80 : index
      %swap3A_70 = tpu.vector_load %arg8[%swap3A_68, %swap3A_69] {strides = array<i32>} : memref<64x128xf32, #tpu.memory_space<vmem>>, vector<16xf32>,
      tpu.vector_store %arg8[%swap3A_68, %swap3A_69], %broadcast_in_dim3A_12 {strides = array<i32>} : memref<64x128xf32, #tpu.memory_space<vmem>>, vector<16xf32>,
      %swap3A_71 = arith.index_cast %add3A_53 : i32 to index
      %swap3A_72 = arith.constant 96 : index
      %swap3A_73 = tpu.vector_load %arg8[%swap3A_71, %swap3A_72] {strides = array<i32>} : memref<64x128xf32, #tpu.memory_space<vmem>>, vector<16xf32>,
      tpu.vector_store %arg8[%swap3A_71, %swap3A_72], %broadcast_in_dim3A_12 {strides = array<i32>} : memref<64x128xf32, #tpu.memory_space<vmem>>, vector<16xf32>,
      %swap3A_74 = arith.index_cast %add3A_53 : i32 to index
      %swap3A_75 = arith.constant 112 : index
      %swap3A_76 = tpu.vector_load %arg8[%swap3A_74, %swap3A_75] {strides = array<i32>} : memref<64x128xf32, #tpu.memory_space<vmem>>, vector<16xf32>,
      tpu.vector_store %arg8[%swap3A_74, %swap3A_75], %broadcast_in_dim3A_12 {strides = array<i32>} : memref<64x128xf32, #tpu.memory_space<vmem>>, vector<16xf32>,
    }
    %scan3A_16 = arith.constant 16 : i32
    %scan3A_17 = arith.constant 0 : i32
    %scan3A_18 = arith.constant 39 : i32
    %scan3A_19 = arith.addi %scan3A_17, %scan3A_18 : i32
    %scan3A_20 = arith.constant 1 : i32
    scf.for %scan3A_49 = %scan3A_17 to %scan3A_19 step %scan3A_20  : i32 {
      %mul3A_50 = arith.constant 1 : i32
      %mul3A_51 = arith.muli %scan3A_49, %mul3A_50 : i32
      %add3A_52 = arith.constant 0 : i32
      %add3A_53 = arith.addi %add3A_52, %mul3A_51 : i32
      %mul3A_54 = arith.constant 632 : i32
      %mul3A_55 = arith.muli %arg1, %mul3A_54 : i32
      %mul3A_56 = arith.constant 16 : i32
      %mul3A_57 = arith.muli %add3A_53, %mul3A_56 : i32
      %add3A_58 = arith.addi %mul3A_55, %mul3A_57 : i32
      "tpu.region"() ({
        %run_scoped3A = tpu.sem_alloc : memref<!tpu.dma_semaphore, #tpu.memory_space<semaphore_mem>>
        %dma_start3A = arith.constant 0 : i32
        %dma_start3A_59 = arith.constant 0 : i32
        %dma_start3A_60 = tpu.memref_slice %arg8[%dma_start3A, %dma_start3A_59] : memref<64x128xf32, #tpu.memory_space<vmem>> -> memref<16x128xf32, #tpu.memory_space<vmem>>
        %dma_start3A_61 = arith.constant 0 : i32
        %dma_start3A_62 = tpu.memref_slice %arg10[%add3A_58, %dma_start3A_61] : memref<10112x128xf32, #tpu.memory_space<vmem_shared>> -> memref<16x128xf32, #tpu.memory_space<vmem_shared>>
        %dma_start3A_63 = arith.constant 0 : i32
        %dma_start3A_64 = tpu.memref_slice %arg10[%add3A_58, %dma_start3A_63] : memref<10112x128xf32, #tpu.memory_space<vmem_shared>> -> memref<16x128xf32, #tpu.memory_space<vmem_shared>>
        %dma_start3A_65 = arith.constant 0 : i32
        %dma_start3A_66 = arith.constant 0 : i32
        %dma_start3A_67 = tpu.memref_slice %arg8[%dma_start3A_65, %dma_start3A_66] : memref<64x128xf32, #tpu.memory_space<vmem>> -> memref<16x128xf32, #tpu.memory_space<vmem>>
        tpu.enqueue_dma source(%dma_start3A_67 : memref<16x128xf32, #tpu.memory_space<vmem>>) target(%dma_start3A_64 : memref<16x128xf32, #tpu.memory_space<vmem_shared>>) target_semaphore(%run_scoped3A : memref<!tpu.dma_semaphore, #tpu.memory_space<semaphore_mem>>)
        %dma_wait3A = arith.constant 0 : i32
        %dma_wait3A_68 = arith.constant 0 : i32
        %dma_wait3A_69 = tpu.memref_slice %arg8[%dma_wait3A, %dma_wait3A_68] : memref<64x128xf32, #tpu.memory_space<vmem>> -> memref<16x128xf32, #tpu.memory_space<vmem>>
        %dma_wait3A_70 = arith.constant 0 : i32
        %dma_wait3A_71 = tpu.memref_slice %arg10[%add3A_58, %dma_wait3A_70] : memref<10112x128xf32, #tpu.memory_space<vmem_shared>> -> memref<16x128xf32, #tpu.memory_space<vmem_shared>>
        %dma_wait3A_72 = arith.constant 0 : i32
        %dma_wait3A_73 = tpu.memref_slice %arg10[%add3A_58, %dma_wait3A_72] : memref<10112x128xf32, #tpu.memory_space<vmem_shared>> -> memref<16x128xf32, #tpu.memory_space<vmem_shared>>
        %dma_wait3A_74 = arith.constant 0 : i32
        %dma_wait3A_75 = arith.constant 0 : i32
        %dma_wait3A_76 = tpu.memref_slice %arg8[%dma_wait3A_74, %dma_wait3A_75] : memref<64x128xf32, #tpu.memory_space<vmem>> -> memref<16x128xf32, #tpu.memory_space<vmem>>
        tpu.wait_dma2 semaphore(%run_scoped3A : memref<!tpu.dma_semaphore, #tpu.memory_space<semaphore_mem>>) src(%dma_wait3A_76 : memref<16x128xf32, #tpu.memory_space<vmem>>) dst(%dma_wait3A_73 : memref<16x128xf32, #tpu.memory_space<vmem_shared>>)
        tpu.yield
      }) : () -> ()
    }
    %scan3A_21 = arith.constant 39 : i32
    %mul3A_22 = arith.constant 632 : i32
    %mul3A_23 = arith.muli %arg1, %mul3A_22 : i32
    %add3A_24 = arith.constant 624 : i32
    %add3A_25 = arith.addi %mul3A_23, %add3A_24 : i32
    "tpu.region"() ({
      %run_scoped3A = tpu.sem_alloc : memref<!tpu.dma_semaphore, #tpu.memory_space<semaphore_mem>>
      %dma_start3A = arith.constant 0 : i32
      %dma_start3A_49 = arith.constant 0 : i32
      %dma_start3A_50 = tpu.memref_slice %arg8[%dma_start3A, %dma_start3A_49] : memref<64x128xf32, #tpu.memory_space<vmem>> -> memref<8x128xf32, #tpu.memory_space<vmem>>
      %dma_start3A_51 = arith.constant 0 : i32
      %dma_start3A_52 = tpu.memref_slice %arg10[%add3A_25, %dma_start3A_51] : memref<10112x128xf32, #tpu.memory_space<vmem_shared>> -> memref<8x128xf32, #tpu.memory_space<vmem_shared>>
      %dma_start3A_53 = arith.constant 0 : i32
      %dma_start3A_54 = tpu.memref_slice %arg10[%add3A_25, %dma_start3A_53] : memref<10112x128xf32, #tpu.memory_space<vmem_shared>> -> memref<8x128xf32, #tpu.memory_space<vmem_shared>>
      %dma_start3A_55 = arith.constant 0 : i32
      %dma_start3A_56 = arith.constant 0 : i32
      %dma_start3A_57 = tpu.memref_slice %arg8[%dma_start3A_55, %dma_start3A_56] : memref<64x128xf32, #tpu.memory_space<vmem>> -> memref<8x128xf32, #tpu.memory_space<vmem>>
      tpu.enqueue_dma source(%dma_start3A_57 : memref<8x128xf32, #tpu.memory_space<vmem>>) target(%dma_start3A_54 : memref<8x128xf32, #tpu.memory_space<vmem_shared>>) target_semaphore(%run_scoped3A : memref<!tpu.dma_semaphore, #tpu.memory_space<semaphore_mem>>)
      %dma_wait3A = arith.constant 0 : i32
      %dma_wait3A_58 = arith.constant 0 : i32
      %dma_wait3A_59 = tpu.memref_slice %arg8[%dma_wait3A, %dma_wait3A_58] : memref<64x128xf32, #tpu.memory_space<vmem>> -> memref<8x128xf32, #tpu.memory_space<vmem>>
      %dma_wait3A_60 = arith.constant 0 : i32
      %dma_wait3A_61 = tpu.memref_slice %arg10[%add3A_25, %dma_wait3A_60] : memref<10112x128xf32, #tpu.memory_space<vmem_shared>> -> memref<8x128xf32, #tpu.memory_space<vmem_shared>>
      %dma_wait3A_62 = arith.constant 0 : i32
      %dma_wait3A_63 = tpu.memref_slice %arg10[%add3A_25, %dma_wait3A_62] : memref<10112x128xf32, #tpu.memory_space<vmem_shared>> -> memref<8x128xf32, #tpu.memory_space<vmem_shared>>
      %dma_wait3A_64 = arith.constant 0 : i32
      %dma_wait3A_65 = arith.constant 0 : i32
      %dma_wait3A_66 = tpu.memref_slice %arg8[%dma_wait3A_64, %dma_wait3A_65] : memref<64x128xf32, #tpu.memory_space<vmem>> -> memref<8x128xf32, #tpu.memory_space<vmem>>
      tpu.wait_dma2 semaphore(%run_scoped3A : memref<!tpu.dma_semaphore, #tpu.memory_space<semaphore_mem>>) src(%dma_wait3A_66 : memref<8x128xf32, #tpu.memory_space<vmem>>) dst(%dma_wait3A_63 : memref<8x128xf32, #tpu.memory_space<vmem_shared>>)
      tpu.yield
    }) : () -> ()
    %barrier3A = arith.constant 0 : index
    tpu.barrier barrier_id(%barrier3A)
    %broadcast_in_dim3A_26 = arith.constant 1.000000e+00 : f32
    %broadcast_in_dim3A_27 = vector.broadcast %broadcast_in_dim3A_26 : f32 to vector<16xf32>
    %sub3A = arith.constant 0 : i32
    %sub3A_28 = arith.subi %select_n3A_11, %sub3A : i32
    %sub3A_29 = arith.constant 1 : i32
    %sub3A_30 = arith.constant 1 : i32
    %sub3A_31 = arith.subi %sub3A_29, %sub3A_30 : i32
    %add3A_32 = arith.addi %sub3A_28, %sub3A_31 : i32
    %div3A = arith.constant 1 : i32
    %div3A_33 = arith.divsi %add3A_32, %div3A : i32
    %while3A = arith.constant 1 : i32
    %while3A_34 = arith.constant 0 : i32
    %while3A_35 = arith.constant 0 : i32
    %while3A_36 = arith.subi %div3A_33, %while3A_35 : i32
    %while3A_37 = arith.addi %while3A_35, %while3A_36 : i32
    %while3A_38 = arith.constant 1 : i32
    %while3A_39 = arith.divsi %while3A_36, %while3A_38 : i32
    %while3A_40 = arith.muli %while3A_39, %while3A_38 : i32
    %while3A_41 = arith.addi %while3A_35, %while3A_40 : i32
    %while3A_42 = arith.constant 1 : i32
    scf.for %while3A_49 = %while3A_35 to %while3A_41 step %while3A_42  : i32 {
      %mul3A_50 = arith.muli %while3A_49, %while3A : i32
      %add3A_51 = arith.addi %while3A_34, %mul3A_50 : i32
      %mul3A_52 = arith.constant 16 : i32
      %mul3A_53 = arith.muli %add3A_51, %mul3A_52 : i32
      %add3A_54 = arith.addi %select_n3A, %mul3A_53 : i32
      %multiple_of3A = tpu.assume_multiple %add3A_54, 16 : i32
      "tpu.region"() ({
        %run_scoped3A_292 = tpu.sem_alloc : memref<!tpu.dma_semaphore, #tpu.memory_space<semaphore_mem>>
        %dma_start3A_293 = arith.constant 0 : i32
        %dma_start3A_294 = tpu.memref_slice %arg3[%multiple_of3A, %dma_start3A_293] : memref<5120x64xi32, #tpu.memory_space<hbm>> -> memref<16x64xi32, #tpu.memory_space<hbm>>
        %dma_start3A_295 = arith.constant 0 : i32
        %dma_start3A_296 = tpu.memref_slice %arg3[%multiple_of3A, %dma_start3A_295] : memref<5120x64xi32, #tpu.memory_space<hbm>> -> memref<16x64xi32, #tpu.memory_space<hbm>>
        tpu.enqueue_dma source(%dma_start3A_296 : memref<16x64xi32, #tpu.memory_space<hbm>>) target(%arg6 : memref<16x64xi32, #tpu.memory_space<vmem>>) target_semaphore(%run_scoped3A_292 : memref<!tpu.dma_semaphore, #tpu.memory_space<semaphore_mem>>)
        %dma_wait3A_297 = arith.constant 0 : i32
        %dma_wait3A_298 = tpu.memref_slice %arg3[%multiple_of3A, %dma_wait3A_297] : memref<5120x64xi32, #tpu.memory_space<hbm>> -> memref<16x64xi32, #tpu.memory_space<hbm>>
        %dma_wait3A_299 = arith.constant 0 : i32
        %dma_wait3A_300 = tpu.memref_slice %arg3[%multiple_of3A, %dma_wait3A_299] : memref<5120x64xi32, #tpu.memory_space<hbm>> -> memref<16x64xi32, #tpu.memory_space<hbm>>
        tpu.wait_dma2 semaphore(%run_scoped3A_292 : memref<!tpu.dma_semaphore, #tpu.memory_space<semaphore_mem>>) src(%dma_wait3A_300 : memref<16x64xi32, #tpu.memory_space<hbm>>) dst(%arg6 : memref<16x64xi32, #tpu.memory_space<vmem>>)
        tpu.yield
      }) : () -> ()
      "tpu.region"() ({
        %run_scoped3A_292 = tpu.sem_alloc : memref<!tpu.dma_semaphore, #tpu.memory_space<semaphore_mem>>
        %dma_start3A_293 = arith.constant 0 : i32
        %dma_start3A_294 = tpu.memref_slice %arg4[%multiple_of3A, %dma_start3A_293] : memref<5120x64xi32, #tpu.memory_space<hbm>> -> memref<16x64xi32, #tpu.memory_space<hbm>>
        %dma_start3A_295 = arith.constant 0 : i32
        %dma_start3A_296 = tpu.memref_slice %arg4[%multiple_of3A, %dma_start3A_295] : memref<5120x64xi32, #tpu.memory_space<hbm>> -> memref<16x64xi32, #tpu.memory_space<hbm>>
        tpu.enqueue_dma source(%dma_start3A_296 : memref<16x64xi32, #tpu.memory_space<hbm>>) target(%arg7 : memref<16x64xi32, #tpu.memory_space<vmem>>) target_semaphore(%run_scoped3A_292 : memref<!tpu.dma_semaphore, #tpu.memory_space<semaphore_mem>>)
        %dma_wait3A_297 = arith.constant 0 : i32
        %dma_wait3A_298 = tpu.memref_slice %arg4[%multiple_of3A, %dma_wait3A_297] : memref<5120x64xi32, #tpu.memory_space<hbm>> -> memref<16x64xi32, #tpu.memory_space<hbm>>
        %dma_wait3A_299 = arith.constant 0 : i32
        %dma_wait3A_300 = tpu.memref_slice %arg4[%multiple_of3A, %dma_wait3A_299] : memref<5120x64xi32, #tpu.memory_space<hbm>> -> memref<16x64xi32, #tpu.memory_space<hbm>>
        tpu.wait_dma2 semaphore(%run_scoped3A_292 : memref<!tpu.dma_semaphore, #tpu.memory_space<semaphore_mem>>) src(%dma_wait3A_300 : memref<16x64xi32, #tpu.memory_space<hbm>>) dst(%arg7 : memref<16x64xi32, #tpu.memory_space<vmem>>)
        tpu.yield
      }) : () -> ()
      %dma_start3A = arith.constant 0 : i32
      %dma_start3A_55 = arith.constant 0 : i32
      %dma_start3A_56 = tpu.memref_slice %arg6[%dma_start3A, %dma_start3A_55] : memref<16x64xi32, #tpu.memory_space<vmem>> -> memref<1x64xi32, #tpu.memory_space<vmem>>
      %dma_start3A_57 = tpu.memref_squeeze %dma_start3A_56 : memref<1x64xi32, #tpu.memory_space<vmem>> -> memref<64xi32, #tpu.memory_space<vmem>>
      %dma_start3A_58 = arith.constant 0 : i32
      %dma_start3A_59 = arith.constant 0 : i32
      %dma_start3A_60 = tpu.memref_slice %arg2[%dma_start3A_58, %dma_start3A_59] : memref<10000x128xf32, #tpu.memory_space<hbm>> -> memref<10000x128xf32, #tpu.memory_space<hbm>>
      tpu.enqueue_indirect_dma source(%dma_start3A_60 : memref<10000x128xf32, #tpu.memory_space<hbm>>) target(%arg8 : memref<64x128xf32, #tpu.memory_space<vmem>>) offsets(%dma_start3A_57 : memref<64xi32, #tpu.memory_space<vmem>>) semaphore(%arg11 : memref<!tpu.dma_semaphore, #tpu.memory_space<semaphore_mem>>)
      %dma_start3A_61 = arith.constant 1 : i32
      %dma_start3A_62 = arith.constant 0 : i32
      %dma_start3A_63 = tpu.memref_slice %arg6[%dma_start3A_61, %dma_start3A_62] : memref<16x64xi32, #tpu.memory_space<vmem>> -> memref<1x64xi32, #tpu.memory_space<vmem>>
      %dma_start3A_64 = tpu.memref_squeeze %dma_start3A_63 : memref<1x64xi32, #tpu.memory_space<vmem>> -> memref<64xi32, #tpu.memory_space<vmem>>
      %dma_start3A_65 = arith.constant 0 : i32
      %dma_start3A_66 = arith.constant 0 : i32
      %dma_start3A_67 = tpu.memref_slice %arg2[%dma_start3A_65, %dma_start3A_66] : memref<10000x128xf32, #tpu.memory_space<hbm>> -> memref<10000x128xf32, #tpu.memory_space<hbm>>
      tpu.enqueue_indirect_dma source(%dma_start3A_67 : memref<10000x128xf32, #tpu.memory_space<hbm>>) target(%arg9 : memref<64x128xf32, #tpu.memory_space<vmem>>) offsets(%dma_start3A_64 : memref<64xi32, #tpu.memory_space<vmem>>) semaphore(%arg12 : memref<!tpu.dma_semaphore, #tpu.memory_space<semaphore_mem>>)
      %dma_wait3A = arith.constant 0 : i32
      %dma_wait3A_68 = arith.constant 0 : i32
      %dma_wait3A_69 = tpu.memref_slice %arg6[%dma_wait3A, %dma_wait3A_68] : memref<16x64xi32, #tpu.memory_space<vmem>> -> memref<1x64xi32, #tpu.memory_space<vmem>>
      %dma_wait3A_70 = tpu.memref_squeeze %dma_wait3A_69 : memref<1x64xi32, #tpu.memory_space<vmem>> -> memref<64xi32, #tpu.memory_space<vmem>>
      %dma_wait3A_71 = arith.constant 0 : i32
      %dma_wait3A_72 = arith.constant 0 : i32
      %dma_wait3A_73 = tpu.memref_slice %arg2[%dma_wait3A_71, %dma_wait3A_72] : memref<10000x128xf32, #tpu.memory_space<hbm>> -> memref<10000x128xf32, #tpu.memory_space<hbm>>
      tpu.wait_indirect_dma semaphore(%arg11 : memref<!tpu.dma_semaphore, #tpu.memory_space<semaphore_mem>>) src(%dma_wait3A_73 : memref<10000x128xf32, #tpu.memory_space<hbm>>) dst(%arg8 : memref<64x128xf32, #tpu.memory_space<vmem>>)
      %run_scoped3A = arith.constant 0 : i32
      "tpu.region"() ({
        %run_scoped3A_292 = tpu.sem_alloc : memref<!tpu.dma_semaphore, #tpu.memory_space<semaphore_mem>>
        %dma_start3A_293 = arith.constant 0 : i32
        %dma_start3A_294 = tpu.memref_slice %arg7[%run_scoped3A, %dma_start3A_293] : memref<16x64xi32, #tpu.memory_space<vmem>> -> memref<1x64xi32, #tpu.memory_space<vmem>>
        %dma_start3A_295 = tpu.memref_squeeze %dma_start3A_294 : memref<1x64xi32, #tpu.memory_space<vmem>> -> memref<64xi32, #tpu.memory_space<vmem>>
        %dma_start3A_296 = arith.constant 0 : i32
        %dma_start3A_297 = arith.constant 0 : i32
        %dma_start3A_298 = tpu.memref_slice %arg10[%dma_start3A_296, %dma_start3A_297] : memref<10112x128xf32, #tpu.memory_space<vmem_shared>> -> memref<10112x128xf32, #tpu.memory_space<vmem_shared>>
        tpu.enqueue_indirect_dma source(%arg8 : memref<64x128xf32, #tpu.memory_space<vmem>>) target(%dma_start3A_298 : memref<10112x128xf32, #tpu.memory_space<vmem_shared>>) offsets(%dma_start3A_295 : memref<64xi32, #tpu.memory_space<vmem>>) semaphore(%run_scoped3A_292 : memref<!tpu.dma_semaphore, #tpu.memory_space<semaphore_mem>>) {add = true}
        %dma_wait3A_299 = arith.constant 0 : i32
        %dma_wait3A_300 = tpu.memref_slice %arg7[%run_scoped3A, %dma_wait3A_299] : memref<16x64xi32, #tpu.memory_space<vmem>> -> memref<1x64xi32, #tpu.memory_space<vmem>>
        %dma_wait3A_301 = tpu.memref_squeeze %dma_wait3A_300 : memref<1x64xi32, #tpu.memory_space<vmem>> -> memref<64xi32, #tpu.memory_space<vmem>>
        %dma_wait3A_302 = arith.constant 0 : i32
        %dma_wait3A_303 = arith.constant 0 : i32
        %dma_wait3A_304 = tpu.memref_slice %arg10[%dma_wait3A_302, %dma_wait3A_303] : memref<10112x128xf32, #tpu.memory_space<vmem_shared>> -> memref<10112x128xf32, #tpu.memory_space<vmem_shared>>
        tpu.wait_indirect_dma semaphore(%run_scoped3A_292 : memref<!tpu.dma_semaphore, #tpu.memory_space<semaphore_mem>>) src(%arg8 : memref<64x128xf32, #tpu.memory_space<vmem>>) dst(%dma_wait3A_304 : memref<10112x128xf32, #tpu.memory_space<vmem_shared>>)
        tpu.yield
      }) : () -> ()
      %dma_start3A_74 = arith.constant 2 : i32
      %dma_start3A_75 = arith.constant 0 : i32
      %dma_start3A_76 = tpu.memref_slice %arg6[%dma_start3A_74, %dma_start3A_75] : memref<16x64xi32, #tpu.memory_space<vmem>> -> memref<1x64xi32, #tpu.memory_space<vmem>>
      %dma_start3A_77 = tpu.memref_squeeze %dma_start3A_76 : memref<1x64xi32, #tpu.memory_space<vmem>> -> memref<64xi32, #tpu.memory_space<vmem>>
      %dma_start3A_78 = arith.constant 0 : i32
      %dma_start3A_79 = arith.constant 0 : i32
      %dma_start3A_80 = tpu.memref_slice %arg2[%dma_start3A_78, %dma_start3A_79] : memref<10000x128xf32, #tpu.memory_space<hbm>> -> memref<10000x128xf32, #tpu.memory_space<hbm>>
      tpu.enqueue_indirect_dma source(%dma_start3A_80 : memref<10000x128xf32, #tpu.memory_space<hbm>>) target(%arg8 : memref<64x128xf32, #tpu.memory_space<vmem>>) offsets(%dma_start3A_77 : memref<64xi32, #tpu.memory_space<vmem>>) semaphore(%arg11 : memref<!tpu.dma_semaphore, #tpu.memory_space<semaphore_mem>>)
      %dma_wait3A_81 = arith.constant 1 : i32
      %dma_wait3A_82 = arith.constant 0 : i32
      %dma_wait3A_83 = tpu.memref_slice %arg6[%dma_wait3A_81, %dma_wait3A_82] : memref<16x64xi32, #tpu.memory_space<vmem>> -> memref<1x64xi32, #tpu.memory_space<vmem>>
      %dma_wait3A_84 = tpu.memref_squeeze %dma_wait3A_83 : memref<1x64xi32, #tpu.memory_space<vmem>> -> memref<64xi32, #tpu.memory_space<vmem>>
      %dma_wait3A_85 = arith.constant 0 : i32
      %dma_wait3A_86 = arith.constant 0 : i32
      %dma_wait3A_87 = tpu.memref_slice %arg2[%dma_wait3A_85, %dma_wait3A_86] : memref<10000x128xf32, #tpu.memory_space<hbm>> -> memref<10000x128xf32, #tpu.memory_space<hbm>>
      tpu.wait_indirect_dma semaphore(%arg12 : memref<!tpu.dma_semaphore, #tpu.memory_space<semaphore_mem>>) src(%dma_wait3A_87 : memref<10000x128xf32, #tpu.memory_space<hbm>>) dst(%arg9 : memref<64x128xf32, #tpu.memory_space<vmem>>)
      %run_scoped3A_88 = arith.constant 1 : i32
      "tpu.region"() ({
        %run_scoped3A_292 = tpu.sem_alloc : memref<!tpu.dma_semaphore, #tpu.memory_space<semaphore_mem>>
        %dma_start3A_293 = arith.constant 0 : i32
        %dma_start3A_294 = tpu.memref_slice %arg7[%run_scoped3A_88, %dma_start3A_293] : memref<16x64xi32, #tpu.memory_space<vmem>> -> memref<1x64xi32, #tpu.memory_space<vmem>>
        %dma_start3A_295 = tpu.memref_squeeze %dma_start3A_294 : memref<1x64xi32, #tpu.memory_space<vmem>> -> memref<64xi32, #tpu.memory_space<vmem>>
        %dma_start3A_296 = arith.constant 0 : i32
        %dma_start3A_297 = arith.constant 0 : i32
        %dma_start3A_298 = tpu.memref_slice %arg10[%dma_start3A_296, %dma_start3A_297] : memref<10112x128xf32, #tpu.memory_space<vmem_shared>> -> memref<10112x128xf32, #tpu.memory_space<vmem_shared>>
        tpu.enqueue_indirect_dma source(%arg9 : memref<64x128xf32, #tpu.memory_space<vmem>>) target(%dma_start3A_298 : memref<10112x128xf32, #tpu.memory_space<vmem_shared>>) offsets(%dma_start3A_295 : memref<64xi32, #tpu.memory_space<vmem>>) semaphore(%run_scoped3A_292 : memref<!tpu.dma_semaphore, #tpu.memory_space<semaphore_mem>>) {add = true}
        %dma_wait3A_299 = arith.constant 0 : i32
        %dma_wait3A_300 = tpu.memref_slice %arg7[%run_scoped3A_88, %dma_wait3A_299] : memref<16x64xi32, #tpu.memory_space<vmem>> -> memref<1x64xi32, #tpu.memory_space<vmem>>
        %dma_wait3A_301 = tpu.memref_squeeze %dma_wait3A_300 : memref<1x64xi32, #tpu.memory_space<vmem>> -> memref<64xi32, #tpu.memory_space<vmem>>
        %dma_wait3A_302 = arith.constant 0 : i32
        %dma_wait3A_303 = arith.constant 0 : i32
        %dma_wait3A_304 = tpu.memref_slice %arg10[%dma_wait3A_302, %dma_wait3A_303] : memref<10112x128xf32, #tpu.memory_space<vmem_shared>> -> memref<10112x128xf32, #tpu.memory_space<vmem_shared>>
        tpu.wait_indirect_dma semaphore(%run_scoped3A_292 : memref<!tpu.dma_semaphore, #tpu.memory_space<semaphore_mem>>) src(%arg9 : memref<64x128xf32, #tpu.memory_space<vmem>>) dst(%dma_wait3A_304 : memref<10112x128xf32, #tpu.memory_space<vmem_shared>>)
        tpu.yield
      }) : () -> ()
      %dma_start3A_89 = arith.constant 3 : i32
      %dma_start3A_90 = arith.constant 0 : i32
      %dma_start3A_91 = tpu.memref_slice %arg6[%dma_start3A_89, %dma_start3A_90] : memref<16x64xi32, #tpu.memory_space<vmem>> -> memref<1x64xi32, #tpu.memory_space<vmem>>
      %dma_start3A_92 = tpu.memref_squeeze %dma_start3A_91 : memref<1x64xi32, #tpu.memory_space<vmem>> -> memref<64xi32, #tpu.memory_space<vmem>>
      %dma_start3A_93 = arith.constant 0 : i32
      %dma_start3A_94 = arith.constant 0 : i32
      %dma_start3A_95 = tpu.memref_slice %arg2[%dma_start3A_93, %dma_start3A_94] : memref<10000x128xf32, #tpu.memory_space<hbm>> -> memref<10000x128xf32, #tpu.memory_space<hbm>>
      tpu.enqueue_indirect_dma source(%dma_start3A_95 : memref<10000x128xf32, #tpu.memory_space<hbm>>) target(%arg9 : memref<64x128xf32, #tpu.memory_space<vmem>>) offsets(%dma_start3A_92 : memref<64xi32, #tpu.memory_space<vmem>>) semaphore(%arg12 : memref<!tpu.dma_semaphore, #tpu.memory_space<semaphore_mem>>)
      %dma_wait3A_96 = arith.constant 2 : i32
      %dma_wait3A_97 = arith.constant 0 : i32
      %dma_wait3A_98 = tpu.memref_slice %arg6[%dma_wait3A_96, %dma_wait3A_97] : memref<16x64xi32, #tpu.memory_space<vmem>> -> memref<1x64xi32, #tpu.memory_space<vmem>>
      %dma_wait3A_99 = tpu.memref_squeeze %dma_wait3A_98 : memref<1x64xi32, #tpu.memory_space<vmem>> -> memref<64xi32, #tpu.memory_space<vmem>>
      %dma_wait3A_100 = arith.constant 0 : i32
      %dma_wait3A_101 = arith.constant 0 : i32
      %dma_wait3A_102 = tpu.memref_slice %arg2[%dma_wait3A_100, %dma_wait3A_101] : memref<10000x128xf32, #tpu.memory_space<hbm>> -> memref<10000x128xf32, #tpu.memory_space<hbm>>
      tpu.wait_indirect_dma semaphore(%arg11 : memref<!tpu.dma_semaphore, #tpu.memory_space<semaphore_mem>>) src(%dma_wait3A_102 : memref<10000x128xf32, #tpu.memory_space<hbm>>) dst(%arg8 : memref<64x128xf32, #tpu.memory_space<vmem>>)
      %run_scoped3A_103 = arith.constant 2 : i32
      "tpu.region"() ({
        %run_scoped3A_292 = tpu.sem_alloc : memref<!tpu.dma_semaphore, #tpu.memory_space<semaphore_mem>>
        %dma_start3A_293 = arith.constant 0 : i32
        %dma_start3A_294 = tpu.memref_slice %arg7[%run_scoped3A_103, %dma_start3A_293] : memref<16x64xi32, #tpu.memory_space<vmem>> -> memref<1x64xi32, #tpu.memory_space<vmem>>
        %dma_start3A_295 = tpu.memref_squeeze %dma_start3A_294 : memref<1x64xi32, #tpu.memory_space<vmem>> -> memref<64xi32, #tpu.memory_space<vmem>>
        %dma_start3A_296 = arith.constant 0 : i32
        %dma_start3A_297 = arith.constant 0 : i32
        %dma_start3A_298 = tpu.memref_slice %arg10[%dma_start3A_296, %dma_start3A_297] : memref<10112x128xf32, #tpu.memory_space<vmem_shared>> -> memref<10112x128xf32, #tpu.memory_space<vmem_shared>>
        tpu.enqueue_indirect_dma source(%arg8 : memref<64x128xf32, #tpu.memory_space<vmem>>) target(%dma_start3A_298 : memref<10112x128xf32, #tpu.memory_space<vmem_shared>>) offsets(%dma_start3A_295 : memref<64xi32, #tpu.memory_space<vmem>>) semaphore(%run_scoped3A_292 : memref<!tpu.dma_semaphore, #tpu.memory_space<semaphore_mem>>) {add = true}
        %dma_wait3A_299 = arith.constant 0 : i32
        %dma_wait3A_300 = tpu.memref_slice %arg7[%run_scoped3A_103, %dma_wait3A_299] : memref<16x64xi32, #tpu.memory_space<vmem>> -> memref<1x64xi32, #tpu.memory_space<vmem>>
        %dma_wait3A_301 = tpu.memref_squeeze %dma_wait3A_300 : memref<1x64xi32, #tpu.memory_space<vmem>> -> memref<64xi32, #tpu.memory_space<vmem>>
        %dma_wait3A_302 = arith.constant 0 : i32
        %dma_wait3A_303 = arith.constant 0 : i32
        %dma_wait3A_304 = tpu.memref_slice %arg10[%dma_wait3A_302, %dma_wait3A_303] : memref<10112x128xf32, #tpu.memory_space<vmem_shared>> -> memref<10112x128xf32, #tpu.memory_space<vmem_shared>>
        tpu.wait_indirect_dma semaphore(%run_scoped3A_292 : memref<!tpu.dma_semaphore, #tpu.memory_space<semaphore_mem>>) src(%arg8 : memref<64x128xf32, #tpu.memory_space<vmem>>) dst(%dma_wait3A_304 : memref<10112x128xf32, #tpu.memory_space<vmem_shared>>)
        tpu.yield
      }) : () -> ()
      %dma_start3A_104 = arith.constant 4 : i32
      %dma_start3A_105 = arith.constant 0 : i32
      %dma_start3A_106 = tpu.memref_slice %arg6[%dma_start3A_104, %dma_start3A_105] : memref<16x64xi32, #tpu.memory_space<vmem>> -> memref<1x64xi32, #tpu.memory_space<vmem>>
      %dma_start3A_107 = tpu.memref_squeeze %dma_start3A_106 : memref<1x64xi32, #tpu.memory_space<vmem>> -> memref<64xi32, #tpu.memory_space<vmem>>
      %dma_start3A_108 = arith.constant 0 : i32
      %dma_start3A_109 = arith.constant 0 : i32
      %dma_start3A_110 = tpu.memref_slice %arg2[%dma_start3A_108, %dma_start3A_109] : memref<10000x128xf32, #tpu.memory_space<hbm>> -> memref<10000x128xf32, #tpu.memory_space<hbm>>
      tpu.enqueue_indirect_dma source(%dma_start3A_110 : memref<10000x128xf32, #tpu.memory_space<hbm>>) target(%arg8 : memref<64x128xf32, #tpu.memory_space<vmem>>) offsets(%dma_start3A_107 : memref<64xi32, #tpu.memory_space<vmem>>) semaphore(%arg11 : memref<!tpu.dma_semaphore, #tpu.memory_space<semaphore_mem>>)
      %dma_wait3A_111 = arith.constant 3 : i32
      %dma_wait3A_112 = arith.constant 0 : i32
      %dma_wait3A_113 = tpu.memref_slice %arg6[%dma_wait3A_111, %dma_wait3A_112] : memref<16x64xi32, #tpu.memory_space<vmem>> -> memref<1x64xi32, #tpu.memory_space<vmem>>
      %dma_wait3A_114 = tpu.memref_squeeze %dma_wait3A_113 : memref<1x64xi32, #tpu.memory_space<vmem>> -> memref<64xi32, #tpu.memory_space<vmem>>
      %dma_wait3A_115 = arith.constant 0 : i32
      %dma_wait3A_116 = arith.constant 0 : i32
      %dma_wait3A_117 = tpu.memref_slice %arg2[%dma_wait3A_115, %dma_wait3A_116] : memref<10000x128xf32, #tpu.memory_space<hbm>> -> memref<10000x128xf32, #tpu.memory_space<hbm>>
      tpu.wait_indirect_dma semaphore(%arg12 : memref<!tpu.dma_semaphore, #tpu.memory_space<semaphore_mem>>) src(%dma_wait3A_117 : memref<10000x128xf32, #tpu.memory_space<hbm>>) dst(%arg9 : memref<64x128xf32, #tpu.memory_space<vmem>>)
      %run_scoped3A_118 = arith.constant 3 : i32
      "tpu.region"() ({
        %run_scoped3A_292 = tpu.sem_alloc : memref<!tpu.dma_semaphore, #tpu.memory_space<semaphore_mem>>
        %dma_start3A_293 = arith.constant 0 : i32
        %dma_start3A_294 = tpu.memref_slice %arg7[%run_scoped3A_118, %dma_start3A_293] : memref<16x64xi32, #tpu.memory_space<vmem>> -> memref<1x64xi32, #tpu.memory_space<vmem>>
        %dma_start3A_295 = tpu.memref_squeeze %dma_start3A_294 : memref<1x64xi32, #tpu.memory_space<vmem>> -> memref<64xi32, #tpu.memory_space<vmem>>
        %dma_start3A_296 = arith.constant 0 : i32
        %dma_start3A_297 = arith.constant 0 : i32
        %dma_start3A_298 = tpu.memref_slice %arg10[%dma_start3A_296, %dma_start3A_297] : memref<10112x128xf32, #tpu.memory_space<vmem_shared>> -> memref<10112x128xf32, #tpu.memory_space<vmem_shared>>
        tpu.enqueue_indirect_dma source(%arg9 : memref<64x128xf32, #tpu.memory_space<vmem>>) target(%dma_start3A_298 : memref<10112x128xf32, #tpu.memory_space<vmem_shared>>) offsets(%dma_start3A_295 : memref<64xi32, #tpu.memory_space<vmem>>) semaphore(%run_scoped3A_292 : memref<!tpu.dma_semaphore, #tpu.memory_space<semaphore_mem>>) {add = true}
        %dma_wait3A_299 = arith.constant 0 : i32
        %dma_wait3A_300 = tpu.memref_slice %arg7[%run_scoped3A_118, %dma_wait3A_299] : memref<16x64xi32, #tpu.memory_space<vmem>> -> memref<1x64xi32, #tpu.memory_space<vmem>>
        %dma_wait3A_301 = tpu.memref_squeeze %dma_wait3A_300 : memref<1x64xi32, #tpu.memory_space<vmem>> -> memref<64xi32, #tpu.memory_space<vmem>>
        %dma_wait3A_302 = arith.constant 0 : i32
        %dma_wait3A_303 = arith.constant 0 : i32
        %dma_wait3A_304 = tpu.memref_slice %arg10[%dma_wait3A_302, %dma_wait3A_303] : memref<10112x128xf32, #tpu.memory_space<vmem_shared>> -> memref<10112x128xf32, #tpu.memory_space<vmem_shared>>
        tpu.wait_indirect_dma semaphore(%run_scoped3A_292 : memref<!tpu.dma_semaphore, #tpu.memory_space<semaphore_mem>>) src(%arg9 : memref<64x128xf32, #tpu.memory_space<vmem>>) dst(%dma_wait3A_304 : memref<10112x128xf32, #tpu.memory_space<vmem_shared>>)
        tpu.yield
      }) : () -> ()
      %dma_start3A_119 = arith.constant 5 : i32
      %dma_start3A_120 = arith.constant 0 : i32
      %dma_start3A_121 = tpu.memref_slice %arg6[%dma_start3A_119, %dma_start3A_120] : memref<16x64xi32, #tpu.memory_space<vmem>> -> memref<1x64xi32, #tpu.memory_space<vmem>>
      %dma_start3A_122 = tpu.memref_squeeze %dma_start3A_121 : memref<1x64xi32, #tpu.memory_space<vmem>> -> memref<64xi32, #tpu.memory_space<vmem>>
      %dma_start3A_123 = arith.constant 0 : i32
      %dma_start3A_124 = arith.constant 0 : i32
      %dma_start3A_125 = tpu.memref_slice %arg2[%dma_start3A_123, %dma_start3A_124] : memref<10000x128xf32, #tpu.memory_space<hbm>> -> memref<10000x128xf32, #tpu.memory_space<hbm>>
      tpu.enqueue_indirect_dma source(%dma_start3A_125 : memref<10000x128xf32, #tpu.memory_space<hbm>>) target(%arg9 : memref<64x128xf32, #tpu.memory_space<vmem>>) offsets(%dma_start3A_122 : memref<64xi32, #tpu.memory_space<vmem>>) semaphore(%arg12 : memref<!tpu.dma_semaphore, #tpu.memory_space<semaphore_mem>>)
      %dma_wait3A_126 = arith.constant 4 : i32
      %dma_wait3A_127 = arith.constant 0 : i32
      %dma_wait3A_128 = tpu.memref_slice %arg6[%dma_wait3A_126, %dma_wait3A_127] : memref<16x64xi32, #tpu.memory_space<vmem>> -> memref<1x64xi32, #tpu.memory_space<vmem>>
      %dma_wait3A_129 = tpu.memref_squeeze %dma_wait3A_128 : memref<1x64xi32, #tpu.memory_space<vmem>> -> memref<64xi32, #tpu.memory_space<vmem>>
      %dma_wait3A_130 = arith.constant 0 : i32
      %dma_wait3A_131 = arith.constant 0 : i32
      %dma_wait3A_132 = tpu.memref_slice %arg2[%dma_wait3A_130, %dma_wait3A_131] : memref<10000x128xf32, #tpu.memory_space<hbm>> -> memref<10000x128xf32, #tpu.memory_space<hbm>>
      tpu.wait_indirect_dma semaphore(%arg11 : memref<!tpu.dma_semaphore, #tpu.memory_space<semaphore_mem>>) src(%dma_wait3A_132 : memref<10000x128xf32, #tpu.memory_space<hbm>>) dst(%arg8 : memref<64x128xf32, #tpu.memory_space<vmem>>)
      %run_scoped3A_133 = arith.constant 4 : i32
      "tpu.region"() ({
        %run_scoped3A_292 = tpu.sem_alloc : memref<!tpu.dma_semaphore, #tpu.memory_space<semaphore_mem>>
        %dma_start3A_293 = arith.constant 0 : i32
        %dma_start3A_294 = tpu.memref_slice %arg7[%run_scoped3A_133, %dma_start3A_293] : memref<16x64xi32, #tpu.memory_space<vmem>> -> memref<1x64xi32, #tpu.memory_space<vmem>>
        %dma_start3A_295 = tpu.memref_squeeze %dma_start3A_294 : memref<1x64xi32, #tpu.memory_space<vmem>> -> memref<64xi32, #tpu.memory_space<vmem>>
        %dma_start3A_296 = arith.constant 0 : i32
        %dma_start3A_297 = arith.constant 0 : i32
        %dma_start3A_298 = tpu.memref_slice %arg10[%dma_start3A_296, %dma_start3A_297] : memref<10112x128xf32, #tpu.memory_space<vmem_shared>> -> memref<10112x128xf32, #tpu.memory_space<vmem_shared>>
        tpu.enqueue_indirect_dma source(%arg8 : memref<64x128xf32, #tpu.memory_space<vmem>>) target(%dma_start3A_298 : memref<10112x128xf32, #tpu.memory_space<vmem_shared>>) offsets(%dma_start3A_295 : memref<64xi32, #tpu.memory_space<vmem>>) semaphore(%run_scoped3A_292 : memref<!tpu.dma_semaphore, #tpu.memory_space<semaphore_mem>>) {add = true}
        %dma_wait3A_299 = arith.constant 0 : i32
        %dma_wait3A_300 = tpu.memref_slice %arg7[%run_scoped3A_133, %dma_wait3A_299] : memref<16x64xi32, #tpu.memory_space<vmem>> -> memref<1x64xi32, #tpu.memory_space<vmem>>
        %dma_wait3A_301 = tpu.memref_squeeze %dma_wait3A_300 : memref<1x64xi32, #tpu.memory_space<vmem>> -> memref<64xi32, #tpu.memory_space<vmem>>
        %dma_wait3A_302 = arith.constant 0 : i32
        %dma_wait3A_303 = arith.constant 0 : i32
        %dma_wait3A_304 = tpu.memref_slice %arg10[%dma_wait3A_302, %dma_wait3A_303] : memref<10112x128xf32, #tpu.memory_space<vmem_shared>> -> memref<10112x128xf32, #tpu.memory_space<vmem_shared>>
        tpu.wait_indirect_dma semaphore(%run_scoped3A_292 : memref<!tpu.dma_semaphore, #tpu.memory_space<semaphore_mem>>) src(%arg8 : memref<64x128xf32, #tpu.memory_space<vmem>>) dst(%dma_wait3A_304 : memref<10112x128xf32, #tpu.memory_space<vmem_shared>>)
        tpu.yield
      }) : () -> ()
      %dma_start3A_134 = arith.constant 6 : i32
      %dma_start3A_135 = arith.constant 0 : i32
      %dma_start3A_136 = tpu.memref_slice %arg6[%dma_start3A_134, %dma_start3A_135] : memref<16x64xi32, #tpu.memory_space<vmem>> -> memref<1x64xi32, #tpu.memory_space<vmem>>
      %dma_start3A_137 = tpu.memref_squeeze %dma_start3A_136 : memref<1x64xi32, #tpu.memory_space<vmem>> -> memref<64xi32, #tpu.memory_space<vmem>>
      %dma_start3A_138 = arith.constant 0 : i32
      %dma_start3A_139 = arith.constant 0 : i32
      %dma_start3A_140 = tpu.memref_slice %arg2[%dma_start3A_138, %dma_start3A_139] : memref<10000x128xf32, #tpu.memory_space<hbm>> -> memref<10000x128xf32, #tpu.memory_space<hbm>>
      tpu.enqueue_indirect_dma source(%dma_start3A_140 : memref<10000x128xf32, #tpu.memory_space<hbm>>) target(%arg8 : memref<64x128xf32, #tpu.memory_space<vmem>>) offsets(%dma_start3A_137 : memref<64xi32, #tpu.memory_space<vmem>>) semaphore(%arg11 : memref<!tpu.dma_semaphore, #tpu.memory_space<semaphore_mem>>)
      %dma_wait3A_141 = arith.constant 5 : i32
      %dma_wait3A_142 = arith.constant 0 : i32
      %dma_wait3A_143 = tpu.memref_slice %arg6[%dma_wait3A_141, %dma_wait3A_142] : memref<16x64xi32, #tpu.memory_space<vmem>> -> memref<1x64xi32, #tpu.memory_space<vmem>>
      %dma_wait3A_144 = tpu.memref_squeeze %dma_wait3A_143 : memref<1x64xi32, #tpu.memory_space<vmem>> -> memref<64xi32, #tpu.memory_space<vmem>>
      %dma_wait3A_145 = arith.constant 0 : i32
      %dma_wait3A_146 = arith.constant 0 : i32
      %dma_wait3A_147 = tpu.memref_slice %arg2[%dma_wait3A_145, %dma_wait3A_146] : memref<10000x128xf32, #tpu.memory_space<hbm>> -> memref<10000x128xf32, #tpu.memory_space<hbm>>
      tpu.wait_indirect_dma semaphore(%arg12 : memref<!tpu.dma_semaphore, #tpu.memory_space<semaphore_mem>>) src(%dma_wait3A_147 : memref<10000x128xf32, #tpu.memory_space<hbm>>) dst(%arg9 : memref<64x128xf32, #tpu.memory_space<vmem>>)
      %run_scoped3A_148 = arith.constant 5 : i32
      "tpu.region"() ({
        %run_scoped3A_292 = tpu.sem_alloc : memref<!tpu.dma_semaphore, #tpu.memory_space<semaphore_mem>>
        %dma_start3A_293 = arith.constant 0 : i32
        %dma_start3A_294 = tpu.memref_slice %arg7[%run_scoped3A_148, %dma_start3A_293] : memref<16x64xi32, #tpu.memory_space<vmem>> -> memref<1x64xi32, #tpu.memory_space<vmem>>
        %dma_start3A_295 = tpu.memref_squeeze %dma_start3A_294 : memref<1x64xi32, #tpu.memory_space<vmem>> -> memref<64xi32, #tpu.memory_space<vmem>>
        %dma_start3A_296 = arith.constant 0 : i32
        %dma_start3A_297 = arith.constant 0 : i32
        %dma_start3A_298 = tpu.memref_slice %arg10[%dma_start3A_296, %dma_start3A_297] : memref<10112x128xf32, #tpu.memory_space<vmem_shared>> -> memref<10112x128xf32, #tpu.memory_space<vmem_shared>>
        tpu.enqueue_indirect_dma source(%arg9 : memref<64x128xf32, #tpu.memory_space<vmem>>) target(%dma_start3A_298 : memref<10112x128xf32, #tpu.memory_space<vmem_shared>>) offsets(%dma_start3A_295 : memref<64xi32, #tpu.memory_space<vmem>>) semaphore(%run_scoped3A_292 : memref<!tpu.dma_semaphore, #tpu.memory_space<semaphore_mem>>) {add = true}
        %dma_wait3A_299 = arith.constant 0 : i32
        %dma_wait3A_300 = tpu.memref_slice %arg7[%run_scoped3A_148, %dma_wait3A_299] : memref<16x64xi32, #tpu.memory_space<vmem>> -> memref<1x64xi32, #tpu.memory_space<vmem>>
        %dma_wait3A_301 = tpu.memref_squeeze %dma_wait3A_300 : memref<1x64xi32, #tpu.memory_space<vmem>> -> memref<64xi32, #tpu.memory_space<vmem>>
        %dma_wait3A_302 = arith.constant 0 : i32
        %dma_wait3A_303 = arith.constant 0 : i32
        %dma_wait3A_304 = tpu.memref_slice %arg10[%dma_wait3A_302, %dma_wait3A_303] : memref<10112x128xf32, #tpu.memory_space<vmem_shared>> -> memref<10112x128xf32, #tpu.memory_space<vmem_shared>>
        tpu.wait_indirect_dma semaphore(%run_scoped3A_292 : memref<!tpu.dma_semaphore, #tpu.memory_space<semaphore_mem>>) src(%arg9 : memref<64x128xf32, #tpu.memory_space<vmem>>) dst(%dma_wait3A_304 : memref<10112x128xf32, #tpu.memory_space<vmem_shared>>)
        tpu.yield
      }) : () -> ()
      %dma_start3A_149 = arith.constant 7 : i32
      %dma_start3A_150 = arith.constant 0 : i32
      %dma_start3A_151 = tpu.memref_slice %arg6[%dma_start3A_149, %dma_start3A_150] : memref<16x64xi32, #tpu.memory_space<vmem>> -> memref<1x64xi32, #tpu.memory_space<vmem>>
      %dma_start3A_152 = tpu.memref_squeeze %dma_start3A_151 : memref<1x64xi32, #tpu.memory_space<vmem>> -> memref<64xi32, #tpu.memory_space<vmem>>
      %dma_start3A_153 = arith.constant 0 : i32
      %dma_start3A_154 = arith.constant 0 : i32
      %dma_start3A_155 = tpu.memref_slice %arg2[%dma_start3A_153, %dma_start3A_154] : memref<10000x128xf32, #tpu.memory_space<hbm>> -> memref<10000x128xf32, #tpu.memory_space<hbm>>
      tpu.enqueue_indirect_dma source(%dma_start3A_155 : memref<10000x128xf32, #tpu.memory_space<hbm>>) target(%arg9 : memref<64x128xf32, #tpu.memory_space<vmem>>) offsets(%dma_start3A_152 : memref<64xi32, #tpu.memory_space<vmem>>) semaphore(%arg12 : memref<!tpu.dma_semaphore, #tpu.memory_space<semaphore_mem>>)
      %dma_wait3A_156 = arith.constant 6 : i32
      %dma_wait3A_157 = arith.constant 0 : i32
      %dma_wait3A_158 = tpu.memref_slice %arg6[%dma_wait3A_156, %dma_wait3A_157] : memref<16x64xi32, #tpu.memory_space<vmem>> -> memref<1x64xi32, #tpu.memory_space<vmem>>
      %dma_wait3A_159 = tpu.memref_squeeze %dma_wait3A_158 : memref<1x64xi32, #tpu.memory_space<vmem>> -> memref<64xi32, #tpu.memory_space<vmem>>
      %dma_wait3A_160 = arith.constant 0 : i32
      %dma_wait3A_161 = arith.constant 0 : i32
      %dma_wait3A_162 = tpu.memref_slice %arg2[%dma_wait3A_160, %dma_wait3A_161] : memref<10000x128xf32, #tpu.memory_space<hbm>> -> memref<10000x128xf32, #tpu.memory_space<hbm>>
      tpu.wait_indirect_dma semaphore(%arg11 : memref<!tpu.dma_semaphore, #tpu.memory_space<semaphore_mem>>) src(%dma_wait3A_162 : memref<10000x128xf32, #tpu.memory_space<hbm>>) dst(%arg8 : memref<64x128xf32, #tpu.memory_space<vmem>>)
      %run_scoped3A_163 = arith.constant 6 : i32
      "tpu.region"() ({
        %run_scoped3A_292 = tpu.sem_alloc : memref<!tpu.dma_semaphore, #tpu.memory_space<semaphore_mem>>
        %dma_start3A_293 = arith.constant 0 : i32
        %dma_start3A_294 = tpu.memref_slice %arg7[%run_scoped3A_163, %dma_start3A_293] : memref<16x64xi32, #tpu.memory_space<vmem>> -> memref<1x64xi32, #tpu.memory_space<vmem>>
        %dma_start3A_295 = tpu.memref_squeeze %dma_start3A_294 : memref<1x64xi32, #tpu.memory_space<vmem>> -> memref<64xi32, #tpu.memory_space<vmem>>
        %dma_start3A_296 = arith.constant 0 : i32
        %dma_start3A_297 = arith.constant 0 : i32
        %dma_start3A_298 = tpu.memref_slice %arg10[%dma_start3A_296, %dma_start3A_297] : memref<10112x128xf32, #tpu.memory_space<vmem_shared>> -> memref<10112x128xf32, #tpu.memory_space<vmem_shared>>
        tpu.enqueue_indirect_dma source(%arg8 : memref<64x128xf32, #tpu.memory_space<vmem>>) target(%dma_start3A_298 : memref<10112x128xf32, #tpu.memory_space<vmem_shared>>) offsets(%dma_start3A_295 : memref<64xi32, #tpu.memory_space<vmem>>) semaphore(%run_scoped3A_292 : memref<!tpu.dma_semaphore, #tpu.memory_space<semaphore_mem>>) {add = true}
        %dma_wait3A_299 = arith.constant 0 : i32
        %dma_wait3A_300 = tpu.memref_slice %arg7[%run_scoped3A_163, %dma_wait3A_299] : memref<16x64xi32, #tpu.memory_space<vmem>> -> memref<1x64xi32, #tpu.memory_space<vmem>>
        %dma_wait3A_301 = tpu.memref_squeeze %dma_wait3A_300 : memref<1x64xi32, #tpu.memory_space<vmem>> -> memref<64xi32, #tpu.memory_space<vmem>>
        %dma_wait3A_302 = arith.constant 0 : i32
        %dma_wait3A_303 = arith.constant 0 : i32
        %dma_wait3A_304 = tpu.memref_slice %arg10[%dma_wait3A_302, %dma_wait3A_303] : memref<10112x128xf32, #tpu.memory_space<vmem_shared>> -> memref<10112x128xf32, #tpu.memory_space<vmem_shared>>
        tpu.wait_indirect_dma semaphore(%run_scoped3A_292 : memref<!tpu.dma_semaphore, #tpu.memory_space<semaphore_mem>>) src(%arg8 : memref<64x128xf32, #tpu.memory_space<vmem>>) dst(%dma_wait3A_304 : memref<10112x128xf32, #tpu.memory_space<vmem_shared>>)
        tpu.yield
      }) : () -> ()
      %dma_start3A_164 = arith.constant 8 : i32
      %dma_start3A_165 = arith.constant 0 : i32
      %dma_start3A_166 = tpu.memref_slice %arg6[%dma_start3A_164, %dma_start3A_165] : memref<16x64xi32, #tpu.memory_space<vmem>> -> memref<1x64xi32, #tpu.memory_space<vmem>>
      %dma_start3A_167 = tpu.memref_squeeze %dma_start3A_166 : memref<1x64xi32, #tpu.memory_space<vmem>> -> memref<64xi32, #tpu.memory_space<vmem>>
      %dma_start3A_168 = arith.constant 0 : i32
      %dma_start3A_169 = arith.constant 0 : i32
      %dma_start3A_170 = tpu.memref_slice %arg2[%dma_start3A_168, %dma_start3A_169] : memref<10000x128xf32, #tpu.memory_space<hbm>> -> memref<10000x128xf32, #tpu.memory_space<hbm>>
      tpu.enqueue_indirect_dma source(%dma_start3A_170 : memref<10000x128xf32, #tpu.memory_space<hbm>>) target(%arg8 : memref<64x128xf32, #tpu.memory_space<vmem>>) offsets(%dma_start3A_167 : memref<64xi32, #tpu.memory_space<vmem>>) semaphore(%arg11 : memref<!tpu.dma_semaphore, #tpu.memory_space<semaphore_mem>>)
      %dma_wait3A_171 = arith.constant 7 : i32
      %dma_wait3A_172 = arith.constant 0 : i32
      %dma_wait3A_173 = tpu.memref_slice %arg6[%dma_wait3A_171, %dma_wait3A_172] : memref<16x64xi32, #tpu.memory_space<vmem>> -> memref<1x64xi32, #tpu.memory_space<vmem>>
      %dma_wait3A_174 = tpu.memref_squeeze %dma_wait3A_173 : memref<1x64xi32, #tpu.memory_space<vmem>> -> memref<64xi32, #tpu.memory_space<vmem>>
      %dma_wait3A_175 = arith.constant 0 : i32
      %dma_wait3A_176 = arith.constant 0 : i32
      %dma_wait3A_177 = tpu.memref_slice %arg2[%dma_wait3A_175, %dma_wait3A_176] : memref<10000x128xf32, #tpu.memory_space<hbm>> -> memref<10000x128xf32, #tpu.memory_space<hbm>>
      tpu.wait_indirect_dma semaphore(%arg12 : memref<!tpu.dma_semaphore, #tpu.memory_space<semaphore_mem>>) src(%dma_wait3A_177 : memref<10000x128xf32, #tpu.memory_space<hbm>>) dst(%arg9 : memref<64x128xf32, #tpu.memory_space<vmem>>)
      %run_scoped3A_178 = arith.constant 7 : i32
      "tpu.region"() ({
        %run_scoped3A_292 = tpu.sem_alloc : memref<!tpu.dma_semaphore, #tpu.memory_space<semaphore_mem>>
        %dma_start3A_293 = arith.constant 0 : i32
        %dma_start3A_294 = tpu.memref_slice %arg7[%run_scoped3A_178, %dma_start3A_293] : memref<16x64xi32, #tpu.memory_space<vmem>> -> memref<1x64xi32, #tpu.memory_space<vmem>>
        %dma_start3A_295 = tpu.memref_squeeze %dma_start3A_294 : memref<1x64xi32, #tpu.memory_space<vmem>> -> memref<64xi32, #tpu.memory_space<vmem>>
        %dma_start3A_296 = arith.constant 0 : i32
        %dma_start3A_297 = arith.constant 0 : i32
        %dma_start3A_298 = tpu.memref_slice %arg10[%dma_start3A_296, %dma_start3A_297] : memref<10112x128xf32, #tpu.memory_space<vmem_shared>> -> memref<10112x128xf32, #tpu.memory_space<vmem_shared>>
        tpu.enqueue_indirect_dma source(%arg9 : memref<64x128xf32, #tpu.memory_space<vmem>>) target(%dma_start3A_298 : memref<10112x128xf32, #tpu.memory_space<vmem_shared>>) offsets(%dma_start3A_295 : memref<64xi32, #tpu.memory_space<vmem>>) semaphore(%run_scoped3A_292 : memref<!tpu.dma_semaphore, #tpu.memory_space<semaphore_mem>>) {add = true}
        %dma_wait3A_299 = arith.constant 0 : i32
        %dma_wait3A_300 = tpu.memref_slice %arg7[%run_scoped3A_178, %dma_wait3A_299] : memref<16x64xi32, #tpu.memory_space<vmem>> -> memref<1x64xi32, #tpu.memory_space<vmem>>
        %dma_wait3A_301 = tpu.memref_squeeze %dma_wait3A_300 : memref<1x64xi32, #tpu.memory_space<vmem>> -> memref<64xi32, #tpu.memory_space<vmem>>
        %dma_wait3A_302 = arith.constant 0 : i32
        %dma_wait3A_303 = arith.constant 0 : i32
        %dma_wait3A_304 = tpu.memref_slice %arg10[%dma_wait3A_302, %dma_wait3A_303] : memref<10112x128xf32, #tpu.memory_space<vmem_shared>> -> memref<10112x128xf32, #tpu.memory_space<vmem_shared>>
        tpu.wait_indirect_dma semaphore(%run_scoped3A_292 : memref<!tpu.dma_semaphore, #tpu.memory_space<semaphore_mem>>) src(%arg9 : memref<64x128xf32, #tpu.memory_space<vmem>>) dst(%dma_wait3A_304 : memref<10112x128xf32, #tpu.memory_space<vmem_shared>>)
        tpu.yield
      }) : () -> ()
      %dma_start3A_179 = arith.constant 9 : i32
      %dma_start3A_180 = arith.constant 0 : i32
      %dma_start3A_181 = tpu.memref_slice %arg6[%dma_start3A_179, %dma_start3A_180] : memref<16x64xi32, #tpu.memory_space<vmem>> -> memref<1x64xi32, #tpu.memory_space<vmem>>
      %dma_start3A_182 = tpu.memref_squeeze %dma_start3A_181 : memref<1x64xi32, #tpu.memory_space<vmem>> -> memref<64xi32, #tpu.memory_space<vmem>>
      %dma_start3A_183 = arith.constant 0 : i32
      %dma_start3A_184 = arith.constant 0 : i32
      %dma_start3A_185 = tpu.memref_slice %arg2[%dma_start3A_183, %dma_start3A_184] : memref<10000x128xf32, #tpu.memory_space<hbm>> -> memref<10000x128xf32, #tpu.memory_space<hbm>>
      tpu.enqueue_indirect_dma source(%dma_start3A_185 : memref<10000x128xf32, #tpu.memory_space<hbm>>) target(%arg9 : memref<64x128xf32, #tpu.memory_space<vmem>>) offsets(%dma_start3A_182 : memref<64xi32, #tpu.memory_space<vmem>>) semaphore(%arg12 : memref<!tpu.dma_semaphore, #tpu.memory_space<semaphore_mem>>)
      %dma_wait3A_186 = arith.constant 8 : i32
      %dma_wait3A_187 = arith.constant 0 : i32
      %dma_wait3A_188 = tpu.memref_slice %arg6[%dma_wait3A_186, %dma_wait3A_187] : memref<16x64xi32, #tpu.memory_space<vmem>> -> memref<1x64xi32, #tpu.memory_space<vmem>>
      %dma_wait3A_189 = tpu.memref_squeeze %dma_wait3A_188 : memref<1x64xi32, #tpu.memory_space<vmem>> -> memref<64xi32, #tpu.memory_space<vmem>>
      %dma_wait3A_190 = arith.constant 0 : i32
      %dma_wait3A_191 = arith.constant 0 : i32
      %dma_wait3A_192 = tpu.memref_slice %arg2[%dma_wait3A_190, %dma_wait3A_191] : memref<10000x128xf32, #tpu.memory_space<hbm>> -> memref<10000x128xf32, #tpu.memory_space<hbm>>
      tpu.wait_indirect_dma semaphore(%arg11 : memref<!tpu.dma_semaphore, #tpu.memory_space<semaphore_mem>>) src(%dma_wait3A_192 : memref<10000x128xf32, #tpu.memory_space<hbm>>) dst(%arg8 : memref<64x128xf32, #tpu.memory_space<vmem>>)
      %run_scoped3A_193 = arith.constant 8 : i32
      "tpu.region"() ({
        %run_scoped3A_292 = tpu.sem_alloc : memref<!tpu.dma_semaphore, #tpu.memory_space<semaphore_mem>>
        %dma_start3A_293 = arith.constant 0 : i32
        %dma_start3A_294 = tpu.memref_slice %arg7[%run_scoped3A_193, %dma_start3A_293] : memref<16x64xi32, #tpu.memory_space<vmem>> -> memref<1x64xi32, #tpu.memory_space<vmem>>
        %dma_start3A_295 = tpu.memref_squeeze %dma_start3A_294 : memref<1x64xi32, #tpu.memory_space<vmem>> -> memref<64xi32, #tpu.memory_space<vmem>>
        %dma_start3A_296 = arith.constant 0 : i32
        %dma_start3A_297 = arith.constant 0 : i32
        %dma_start3A_298 = tpu.memref_slice %arg10[%dma_start3A_296, %dma_start3A_297] : memref<10112x128xf32, #tpu.memory_space<vmem_shared>> -> memref<10112x128xf32, #tpu.memory_space<vmem_shared>>
        tpu.enqueue_indirect_dma source(%arg8 : memref<64x128xf32, #tpu.memory_space<vmem>>) target(%dma_start3A_298 : memref<10112x128xf32, #tpu.memory_space<vmem_shared>>) offsets(%dma_start3A_295 : memref<64xi32, #tpu.memory_space<vmem>>) semaphore(%run_scoped3A_292 : memref<!tpu.dma_semaphore, #tpu.memory_space<semaphore_mem>>) {add = true}
        %dma_wait3A_299 = arith.constant 0 : i32
        %dma_wait3A_300 = tpu.memref_slice %arg7[%run_scoped3A_193, %dma_wait3A_299] : memref<16x64xi32, #tpu.memory_space<vmem>> -> memref<1x64xi32, #tpu.memory_space<vmem>>
        %dma_wait3A_301 = tpu.memref_squeeze %dma_wait3A_300 : memref<1x64xi32, #tpu.memory_space<vmem>> -> memref<64xi32, #tpu.memory_space<vmem>>
        %dma_wait3A_302 = arith.constant 0 : i32
        %dma_wait3A_303 = arith.constant 0 : i32
        %dma_wait3A_304 = tpu.memref_slice %arg10[%dma_wait3A_302, %dma_wait3A_303] : memref<10112x128xf32, #tpu.memory_space<vmem_shared>> -> memref<10112x128xf32, #tpu.memory_space<vmem_shared>>
        tpu.wait_indirect_dma semaphore(%run_scoped3A_292 : memref<!tpu.dma_semaphore, #tpu.memory_space<semaphore_mem>>) src(%arg8 : memref<64x128xf32, #tpu.memory_space<vmem>>) dst(%dma_wait3A_304 : memref<10112x128xf32, #tpu.memory_space<vmem_shared>>)
        tpu.yield
      }) : () -> ()
      %dma_start3A_194 = arith.constant 10 : i32
      %dma_start3A_195 = arith.constant 0 : i32
      %dma_start3A_196 = tpu.memref_slice %arg6[%dma_start3A_194, %dma_start3A_195] : memref<16x64xi32, #tpu.memory_space<vmem>> -> memref<1x64xi32, #tpu.memory_space<vmem>>
      %dma_start3A_197 = tpu.memref_squeeze %dma_start3A_196 : memref<1x64xi32, #tpu.memory_space<vmem>> -> memref<64xi32, #tpu.memory_space<vmem>>
      %dma_start3A_198 = arith.constant 0 : i32
      %dma_start3A_199 = arith.constant 0 : i32
      %dma_start3A_200 = tpu.memref_slice %arg2[%dma_start3A_198, %dma_start3A_199] : memref<10000x128xf32, #tpu.memory_space<hbm>> -> memref<10000x128xf32, #tpu.memory_space<hbm>>
      tpu.enqueue_indirect_dma source(%dma_start3A_200 : memref<10000x128xf32, #tpu.memory_space<hbm>>) target(%arg8 : memref<64x128xf32, #tpu.memory_space<vmem>>) offsets(%dma_start3A_197 : memref<64xi32, #tpu.memory_space<vmem>>) semaphore(%arg11 : memref<!tpu.dma_semaphore, #tpu.memory_space<semaphore_mem>>)
      %dma_wait3A_201 = arith.constant 9 : i32
      %dma_wait3A_202 = arith.constant 0 : i32
      %dma_wait3A_203 = tpu.memref_slice %arg6[%dma_wait3A_201, %dma_wait3A_202] : memref<16x64xi32, #tpu.memory_space<vmem>> -> memref<1x64xi32, #tpu.memory_space<vmem>>
      %dma_wait3A_204 = tpu.memref_squeeze %dma_wait3A_203 : memref<1x64xi32, #tpu.memory_space<vmem>> -> memref<64xi32, #tpu.memory_space<vmem>>
      %dma_wait3A_205 = arith.constant 0 : i32
      %dma_wait3A_206 = arith.constant 0 : i32
      %dma_wait3A_207 = tpu.memref_slice %arg2[%dma_wait3A_205, %dma_wait3A_206] : memref<10000x128xf32, #tpu.memory_space<hbm>> -> memref<10000x128xf32, #tpu.memory_space<hbm>>
      tpu.wait_indirect_dma semaphore(%arg12 : memref<!tpu.dma_semaphore, #tpu.memory_space<semaphore_mem>>) src(%dma_wait3A_207 : memref<10000x128xf32, #tpu.memory_space<hbm>>) dst(%arg9 : memref<64x128xf32, #tpu.memory_space<vmem>>)
      %run_scoped3A_208 = arith.constant 9 : i32
      "tpu.region"() ({
        %run_scoped3A_292 = tpu.sem_alloc : memref<!tpu.dma_semaphore, #tpu.memory_space<semaphore_mem>>
        %dma_start3A_293 = arith.constant 0 : i32
        %dma_start3A_294 = tpu.memref_slice %arg7[%run_scoped3A_208, %dma_start3A_293] : memref<16x64xi32, #tpu.memory_space<vmem>> -> memref<1x64xi32, #tpu.memory_space<vmem>>
        %dma_start3A_295 = tpu.memref_squeeze %dma_start3A_294 : memref<1x64xi32, #tpu.memory_space<vmem>> -> memref<64xi32, #tpu.memory_space<vmem>>
        %dma_start3A_296 = arith.constant 0 : i32
        %dma_start3A_297 = arith.constant 0 : i32
        %dma_start3A_298 = tpu.memref_slice %arg10[%dma_start3A_296, %dma_start3A_297] : memref<10112x128xf32, #tpu.memory_space<vmem_shared>> -> memref<10112x128xf32, #tpu.memory_space<vmem_shared>>
        tpu.enqueue_indirect_dma source(%arg9 : memref<64x128xf32, #tpu.memory_space<vmem>>) target(%dma_start3A_298 : memref<10112x128xf32, #tpu.memory_space<vmem_shared>>) offsets(%dma_start3A_295 : memref<64xi32, #tpu.memory_space<vmem>>) semaphore(%run_scoped3A_292 : memref<!tpu.dma_semaphore, #tpu.memory_space<semaphore_mem>>) {add = true}
        %dma_wait3A_299 = arith.constant 0 : i32
        %dma_wait3A_300 = tpu.memref_slice %arg7[%run_scoped3A_208, %dma_wait3A_299] : memref<16x64xi32, #tpu.memory_space<vmem>> -> memref<1x64xi32, #tpu.memory_space<vmem>>
        %dma_wait3A_301 = tpu.memref_squeeze %dma_wait3A_300 : memref<1x64xi32, #tpu.memory_space<vmem>> -> memref<64xi32, #tpu.memory_space<vmem>>
        %dma_wait3A_302 = arith.constant 0 : i32
        %dma_wait3A_303 = arith.constant 0 : i32
        %dma_wait3A_304 = tpu.memref_slice %arg10[%dma_wait3A_302, %dma_wait3A_303] : memref<10112x128xf32, #tpu.memory_space<vmem_shared>> -> memref<10112x128xf32, #tpu.memory_space<vmem_shared>>
        tpu.wait_indirect_dma semaphore(%run_scoped3A_292 : memref<!tpu.dma_semaphore, #tpu.memory_space<semaphore_mem>>) src(%arg9 : memref<64x128xf32, #tpu.memory_space<vmem>>) dst(%dma_wait3A_304 : memref<10112x128xf32, #tpu.memory_space<vmem_shared>>)
        tpu.yield
      }) : () -> ()
      %dma_start3A_209 = arith.constant 11 : i32
      %dma_start3A_210 = arith.constant 0 : i32
      %dma_start3A_211 = tpu.memref_slice %arg6[%dma_start3A_209, %dma_start3A_210] : memref<16x64xi32, #tpu.memory_space<vmem>> -> memref<1x64xi32, #tpu.memory_space<vmem>>
      %dma_start3A_212 = tpu.memref_squeeze %dma_start3A_211 : memref<1x64xi32, #tpu.memory_space<vmem>> -> memref<64xi32, #tpu.memory_space<vmem>>
      %dma_start3A_213 = arith.constant 0 : i32
      %dma_start3A_214 = arith.constant 0 : i32
      %dma_start3A_215 = tpu.memref_slice %arg2[%dma_start3A_213, %dma_start3A_214] : memref<10000x128xf32, #tpu.memory_space<hbm>> -> memref<10000x128xf32, #tpu.memory_space<hbm>>
      tpu.enqueue_indirect_dma source(%dma_start3A_215 : memref<10000x128xf32, #tpu.memory_space<hbm>>) target(%arg9 : memref<64x128xf32, #tpu.memory_space<vmem>>) offsets(%dma_start3A_212 : memref<64xi32, #tpu.memory_space<vmem>>) semaphore(%arg12 : memref<!tpu.dma_semaphore, #tpu.memory_space<semaphore_mem>>)
      %dma_wait3A_216 = arith.constant 10 : i32
      %dma_wait3A_217 = arith.constant 0 : i32
      %dma_wait3A_218 = tpu.memref_slice %arg6[%dma_wait3A_216, %dma_wait3A_217] : memref<16x64xi32, #tpu.memory_space<vmem>> -> memref<1x64xi32, #tpu.memory_space<vmem>>
      %dma_wait3A_219 = tpu.memref_squeeze %dma_wait3A_218 : memref<1x64xi32, #tpu.memory_space<vmem>> -> memref<64xi32, #tpu.memory_space<vmem>>
      %dma_wait3A_220 = arith.constant 0 : i32
      %dma_wait3A_221 = arith.constant 0 : i32
      %dma_wait3A_222 = tpu.memref_slice %arg2[%dma_wait3A_220, %dma_wait3A_221] : memref<10000x128xf32, #tpu.memory_space<hbm>> -> memref<10000x128xf32, #tpu.memory_space<hbm>>
      tpu.wait_indirect_dma semaphore(%arg11 : memref<!tpu.dma_semaphore, #tpu.memory_space<semaphore_mem>>) src(%dma_wait3A_222 : memref<10000x128xf32, #tpu.memory_space<hbm>>) dst(%arg8 : memref<64x128xf32, #tpu.memory_space<vmem>>)
      %run_scoped3A_223 = arith.constant 10 : i32
      "tpu.region"() ({
        %run_scoped3A_292 = tpu.sem_alloc : memref<!tpu.dma_semaphore, #tpu.memory_space<semaphore_mem>>
        %dma_start3A_293 = arith.constant 0 : i32
        %dma_start3A_294 = tpu.memref_slice %arg7[%run_scoped3A_223, %dma_start3A_293] : memref<16x64xi32, #tpu.memory_space<vmem>> -> memref<1x64xi32, #tpu.memory_space<vmem>>
        %dma_start3A_295 = tpu.memref_squeeze %dma_start3A_294 : memref<1x64xi32, #tpu.memory_space<vmem>> -> memref<64xi32, #tpu.memory_space<vmem>>
        %dma_start3A_296 = arith.constant 0 : i32
        %dma_start3A_297 = arith.constant 0 : i32
        %dma_start3A_298 = tpu.memref_slice %arg10[%dma_start3A_296, %dma_start3A_297] : memref<10112x128xf32, #tpu.memory_space<vmem_shared>> -> memref<10112x128xf32, #tpu.memory_space<vmem_shared>>
        tpu.enqueue_indirect_dma source(%arg8 : memref<64x128xf32, #tpu.memory_space<vmem>>) target(%dma_start3A_298 : memref<10112x128xf32, #tpu.memory_space<vmem_shared>>) offsets(%dma_start3A_295 : memref<64xi32, #tpu.memory_space<vmem>>) semaphore(%run_scoped3A_292 : memref<!tpu.dma_semaphore, #tpu.memory_space<semaphore_mem>>) {add = true}
        %dma_wait3A_299 = arith.constant 0 : i32
        %dma_wait3A_300 = tpu.memref_slice %arg7[%run_scoped3A_223, %dma_wait3A_299] : memref<16x64xi32, #tpu.memory_space<vmem>> -> memref<1x64xi32, #tpu.memory_space<vmem>>
        %dma_wait3A_301 = tpu.memref_squeeze %dma_wait3A_300 : memref<1x64xi32, #tpu.memory_space<vmem>> -> memref<64xi32, #tpu.memory_space<vmem>>
        %dma_wait3A_302 = arith.constant 0 : i32
        %dma_wait3A_303 = arith.constant 0 : i32
        %dma_wait3A_304 = tpu.memref_slice %arg10[%dma_wait3A_302, %dma_wait3A_303] : memref<10112x128xf32, #tpu.memory_space<vmem_shared>> -> memref<10112x128xf32, #tpu.memory_space<vmem_shared>>
        tpu.wait_indirect_dma semaphore(%run_scoped3A_292 : memref<!tpu.dma_semaphore, #tpu.memory_space<semaphore_mem>>) src(%arg8 : memref<64x128xf32, #tpu.memory_space<vmem>>) dst(%dma_wait3A_304 : memref<10112x128xf32, #tpu.memory_space<vmem_shared>>)
        tpu.yield
      }) : () -> ()
      %dma_start3A_224 = arith.constant 12 : i32
      %dma_start3A_225 = arith.constant 0 : i32
      %dma_start3A_226 = tpu.memref_slice %arg6[%dma_start3A_224, %dma_start3A_225] : memref<16x64xi32, #tpu.memory_space<vmem>> -> memref<1x64xi32, #tpu.memory_space<vmem>>
      %dma_start3A_227 = tpu.memref_squeeze %dma_start3A_226 : memref<1x64xi32, #tpu.memory_space<vmem>> -> memref<64xi32, #tpu.memory_space<vmem>>
      %dma_start3A_228 = arith.constant 0 : i32
      %dma_start3A_229 = arith.constant 0 : i32
      %dma_start3A_230 = tpu.memref_slice %arg2[%dma_start3A_228, %dma_start3A_229] : memref<10000x128xf32, #tpu.memory_space<hbm>> -> memref<10000x128xf32, #tpu.memory_space<hbm>>
      tpu.enqueue_indirect_dma source(%dma_start3A_230 : memref<10000x128xf32, #tpu.memory_space<hbm>>) target(%arg8 : memref<64x128xf32, #tpu.memory_space<vmem>>) offsets(%dma_start3A_227 : memref<64xi32, #tpu.memory_space<vmem>>) semaphore(%arg11 : memref<!tpu.dma_semaphore, #tpu.memory_space<semaphore_mem>>)
      %dma_wait3A_231 = arith.constant 11 : i32
      %dma_wait3A_232 = arith.constant 0 : i32
      %dma_wait3A_233 = tpu.memref_slice %arg6[%dma_wait3A_231, %dma_wait3A_232] : memref<16x64xi32, #tpu.memory_space<vmem>> -> memref<1x64xi32, #tpu.memory_space<vmem>>
      %dma_wait3A_234 = tpu.memref_squeeze %dma_wait3A_233 : memref<1x64xi32, #tpu.memory_space<vmem>> -> memref<64xi32, #tpu.memory_space<vmem>>
      %dma_wait3A_235 = arith.constant 0 : i32
      %dma_wait3A_236 = arith.constant 0 : i32
      %dma_wait3A_237 = tpu.memref_slice %arg2[%dma_wait3A_235, %dma_wait3A_236] : memref<10000x128xf32, #tpu.memory_space<hbm>> -> memref<10000x128xf32, #tpu.memory_space<hbm>>
      tpu.wait_indirect_dma semaphore(%arg12 : memref<!tpu.dma_semaphore, #tpu.memory_space<semaphore_mem>>) src(%dma_wait3A_237 : memref<10000x128xf32, #tpu.memory_space<hbm>>) dst(%arg9 : memref<64x128xf32, #tpu.memory_space<vmem>>)
      %run_scoped3A_238 = arith.constant 11 : i32
      "tpu.region"() ({
        %run_scoped3A_292 = tpu.sem_alloc : memref<!tpu.dma_semaphore, #tpu.memory_space<semaphore_mem>>
        %dma_start3A_293 = arith.constant 0 : i32
        %dma_start3A_294 = tpu.memref_slice %arg7[%run_scoped3A_238, %dma_start3A_293] : memref<16x64xi32, #tpu.memory_space<vmem>> -> memref<1x64xi32, #tpu.memory_space<vmem>>
        %dma_start3A_295 = tpu.memref_squeeze %dma_start3A_294 : memref<1x64xi32, #tpu.memory_space<vmem>> -> memref<64xi32, #tpu.memory_space<vmem>>
        %dma_start3A_296 = arith.constant 0 : i32
        %dma_start3A_297 = arith.constant 0 : i32
        %dma_start3A_298 = tpu.memref_slice %arg10[%dma_start3A_296, %dma_start3A_297] : memref<10112x128xf32, #tpu.memory_space<vmem_shared>> -> memref<10112x128xf32, #tpu.memory_space<vmem_shared>>
        tpu.enqueue_indirect_dma source(%arg9 : memref<64x128xf32, #tpu.memory_space<vmem>>) target(%dma_start3A_298 : memref<10112x128xf32, #tpu.memory_space<vmem_shared>>) offsets(%dma_start3A_295 : memref<64xi32, #tpu.memory_space<vmem>>) semaphore(%run_scoped3A_292 : memref<!tpu.dma_semaphore, #tpu.memory_space<semaphore_mem>>) {add = true}
        %dma_wait3A_299 = arith.constant 0 : i32
        %dma_wait3A_300 = tpu.memref_slice %arg7[%run_scoped3A_238, %dma_wait3A_299] : memref<16x64xi32, #tpu.memory_space<vmem>> -> memref<1x64xi32, #tpu.memory_space<vmem>>
        %dma_wait3A_301 = tpu.memref_squeeze %dma_wait3A_300 : memref<1x64xi32, #tpu.memory_space<vmem>> -> memref<64xi32, #tpu.memory_space<vmem>>
        %dma_wait3A_302 = arith.constant 0 : i32
        %dma_wait3A_303 = arith.constant 0 : i32
        %dma_wait3A_304 = tpu.memref_slice %arg10[%dma_wait3A_302, %dma_wait3A_303] : memref<10112x128xf32, #tpu.memory_space<vmem_shared>> -> memref<10112x128xf32, #tpu.memory_space<vmem_shared>>
        tpu.wait_indirect_dma semaphore(%run_scoped3A_292 : memref<!tpu.dma_semaphore, #tpu.memory_space<semaphore_mem>>) src(%arg9 : memref<64x128xf32, #tpu.memory_space<vmem>>) dst(%dma_wait3A_304 : memref<10112x128xf32, #tpu.memory_space<vmem_shared>>)
        tpu.yield
      }) : () -> ()
      %dma_start3A_239 = arith.constant 13 : i32
      %dma_start3A_240 = arith.constant 0 : i32
      %dma_start3A_241 = tpu.memref_slice %arg6[%dma_start3A_239, %dma_start3A_240] : memref<16x64xi32, #tpu.memory_space<vmem>> -> memref<1x64xi32, #tpu.memory_space<vmem>>
      %dma_start3A_242 = tpu.memref_squeeze %dma_start3A_241 : memref<1x64xi32, #tpu.memory_space<vmem>> -> memref<64xi32, #tpu.memory_space<vmem>>
      %dma_start3A_243 = arith.constant 0 : i32
      %dma_start3A_244 = arith.constant 0 : i32
      %dma_start3A_245 = tpu.memref_slice %arg2[%dma_start3A_243, %dma_start3A_244] : memref<10000x128xf32, #tpu.memory_space<hbm>> -> memref<10000x128xf32, #tpu.memory_space<hbm>>
      tpu.enqueue_indirect_dma source(%dma_start3A_245 : memref<10000x128xf32, #tpu.memory_space<hbm>>) target(%arg9 : memref<64x128xf32, #tpu.memory_space<vmem>>) offsets(%dma_start3A_242 : memref<64xi32, #tpu.memory_space<vmem>>) semaphore(%arg12 : memref<!tpu.dma_semaphore, #tpu.memory_space<semaphore_mem>>)
      %dma_wait3A_246 = arith.constant 12 : i32
      %dma_wait3A_247 = arith.constant 0 : i32
      %dma_wait3A_248 = tpu.memref_slice %arg6[%dma_wait3A_246, %dma_wait3A_247] : memref<16x64xi32, #tpu.memory_space<vmem>> -> memref<1x64xi32, #tpu.memory_space<vmem>>
      %dma_wait3A_249 = tpu.memref_squeeze %dma_wait3A_248 : memref<1x64xi32, #tpu.memory_space<vmem>> -> memref<64xi32, #tpu.memory_space<vmem>>
      %dma_wait3A_250 = arith.constant 0 : i32
      %dma_wait3A_251 = arith.constant 0 : i32
      %dma_wait3A_252 = tpu.memref_slice %arg2[%dma_wait3A_250, %dma_wait3A_251] : memref<10000x128xf32, #tpu.memory_space<hbm>> -> memref<10000x128xf32, #tpu.memory_space<hbm>>
      tpu.wait_indirect_dma semaphore(%arg11 : memref<!tpu.dma_semaphore, #tpu.memory_space<semaphore_mem>>) src(%dma_wait3A_252 : memref<10000x128xf32, #tpu.memory_space<hbm>>) dst(%arg8 : memref<64x128xf32, #tpu.memory_space<vmem>>)
      %run_scoped3A_253 = arith.constant 12 : i32
      "tpu.region"() ({
        %run_scoped3A_292 = tpu.sem_alloc : memref<!tpu.dma_semaphore, #tpu.memory_space<semaphore_mem>>
        %dma_start3A_293 = arith.constant 0 : i32
        %dma_start3A_294 = tpu.memref_slice %arg7[%run_scoped3A_253, %dma_start3A_293] : memref<16x64xi32, #tpu.memory_space<vmem>> -> memref<1x64xi32, #tpu.memory_space<vmem>>
        %dma_start3A_295 = tpu.memref_squeeze %dma_start3A_294 : memref<1x64xi32, #tpu.memory_space<vmem>> -> memref<64xi32, #tpu.memory_space<vmem>>
        %dma_start3A_296 = arith.constant 0 : i32
        %dma_start3A_297 = arith.constant 0 : i32
        %dma_start3A_298 = tpu.memref_slice %arg10[%dma_start3A_296, %dma_start3A_297] : memref<10112x128xf32, #tpu.memory_space<vmem_shared>> -> memref<10112x128xf32, #tpu.memory_space<vmem_shared>>
        tpu.enqueue_indirect_dma source(%arg8 : memref<64x128xf32, #tpu.memory_space<vmem>>) target(%dma_start3A_298 : memref<10112x128xf32, #tpu.memory_space<vmem_shared>>) offsets(%dma_start3A_295 : memref<64xi32, #tpu.memory_space<vmem>>) semaphore(%run_scoped3A_292 : memref<!tpu.dma_semaphore, #tpu.memory_space<semaphore_mem>>) {add = true}
        %dma_wait3A_299 = arith.constant 0 : i32
        %dma_wait3A_300 = tpu.memref_slice %arg7[%run_scoped3A_253, %dma_wait3A_299] : memref<16x64xi32, #tpu.memory_space<vmem>> -> memref<1x64xi32, #tpu.memory_space<vmem>>
        %dma_wait3A_301 = tpu.memref_squeeze %dma_wait3A_300 : memref<1x64xi32, #tpu.memory_space<vmem>> -> memref<64xi32, #tpu.memory_space<vmem>>
        %dma_wait3A_302 = arith.constant 0 : i32
        %dma_wait3A_303 = arith.constant 0 : i32
        %dma_wait3A_304 = tpu.memref_slice %arg10[%dma_wait3A_302, %dma_wait3A_303] : memref<10112x128xf32, #tpu.memory_space<vmem_shared>> -> memref<10112x128xf32, #tpu.memory_space<vmem_shared>>
        tpu.wait_indirect_dma semaphore(%run_scoped3A_292 : memref<!tpu.dma_semaphore, #tpu.memory_space<semaphore_mem>>) src(%arg8 : memref<64x128xf32, #tpu.memory_space<vmem>>) dst(%dma_wait3A_304 : memref<10112x128xf32, #tpu.memory_space<vmem_shared>>)
        tpu.yield
      }) : () -> ()
      %dma_start3A_254 = arith.constant 14 : i32
      %dma_start3A_255 = arith.constant 0 : i32
      %dma_start3A_256 = tpu.memref_slice %arg6[%dma_start3A_254, %dma_start3A_255] : memref<16x64xi32, #tpu.memory_space<vmem>> -> memref<1x64xi32, #tpu.memory_space<vmem>>
      %dma_start3A_257 = tpu.memref_squeeze %dma_start3A_256 : memref<1x64xi32, #tpu.memory_space<vmem>> -> memref<64xi32, #tpu.memory_space<vmem>>
      %dma_start3A_258 = arith.constant 0 : i32
      %dma_start3A_259 = arith.constant 0 : i32
      %dma_start3A_260 = tpu.memref_slice %arg2[%dma_start3A_258, %dma_start3A_259] : memref<10000x128xf32, #tpu.memory_space<hbm>> -> memref<10000x128xf32, #tpu.memory_space<hbm>>
      tpu.enqueue_indirect_dma source(%dma_start3A_260 : memref<10000x128xf32, #tpu.memory_space<hbm>>) target(%arg8 : memref<64x128xf32, #tpu.memory_space<vmem>>) offsets(%dma_start3A_257 : memref<64xi32, #tpu.memory_space<vmem>>) semaphore(%arg11 : memref<!tpu.dma_semaphore, #tpu.memory_space<semaphore_mem>>)
      %dma_wait3A_261 = arith.constant 13 : i32
      %dma_wait3A_262 = arith.constant 0 : i32
      %dma_wait3A_263 = tpu.memref_slice %arg6[%dma_wait3A_261, %dma_wait3A_262] : memref<16x64xi32, #tpu.memory_space<vmem>> -> memref<1x64xi32, #tpu.memory_space<vmem>>
      %dma_wait3A_264 = tpu.memref_squeeze %dma_wait3A_263 : memref<1x64xi32, #tpu.memory_space<vmem>> -> memref<64xi32, #tpu.memory_space<vmem>>
      %dma_wait3A_265 = arith.constant 0 : i32
      %dma_wait3A_266 = arith.constant 0 : i32
      %dma_wait3A_267 = tpu.memref_slice %arg2[%dma_wait3A_265, %dma_wait3A_266] : memref<10000x128xf32, #tpu.memory_space<hbm>> -> memref<10000x128xf32, #tpu.memory_space<hbm>>
      tpu.wait_indirect_dma semaphore(%arg12 : memref<!tpu.dma_semaphore, #tpu.memory_space<semaphore_mem>>) src(%dma_wait3A_267 : memref<10000x128xf32, #tpu.memory_space<hbm>>) dst(%arg9 : memref<64x128xf32, #tpu.memory_space<vmem>>)
      %run_scoped3A_268 = arith.constant 13 : i32
      "tpu.region"() ({
        %run_scoped3A_292 = tpu.sem_alloc : memref<!tpu.dma_semaphore, #tpu.memory_space<semaphore_mem>>
        %dma_start3A_293 = arith.constant 0 : i32
        %dma_start3A_294 = tpu.memref_slice %arg7[%run_scoped3A_268, %dma_start3A_293] : memref<16x64xi32, #tpu.memory_space<vmem>> -> memref<1x64xi32, #tpu.memory_space<vmem>>
        %dma_start3A_295 = tpu.memref_squeeze %dma_start3A_294 : memref<1x64xi32, #tpu.memory_space<vmem>> -> memref<64xi32, #tpu.memory_space<vmem>>
        %dma_start3A_296 = arith.constant 0 : i32
        %dma_start3A_297 = arith.constant 0 : i32
        %dma_start3A_298 = tpu.memref_slice %arg10[%dma_start3A_296, %dma_start3A_297] : memref<10112x128xf32, #tpu.memory_space<vmem_shared>> -> memref<10112x128xf32, #tpu.memory_space<vmem_shared>>
        tpu.enqueue_indirect_dma source(%arg9 : memref<64x128xf32, #tpu.memory_space<vmem>>) target(%dma_start3A_298 : memref<10112x128xf32, #tpu.memory_space<vmem_shared>>) offsets(%dma_start3A_295 : memref<64xi32, #tpu.memory_space<vmem>>) semaphore(%run_scoped3A_292 : memref<!tpu.dma_semaphore, #tpu.memory_space<semaphore_mem>>) {add = true}
        %dma_wait3A_299 = arith.constant 0 : i32
        %dma_wait3A_300 = tpu.memref_slice %arg7[%run_scoped3A_268, %dma_wait3A_299] : memref<16x64xi32, #tpu.memory_space<vmem>> -> memref<1x64xi32, #tpu.memory_space<vmem>>
        %dma_wait3A_301 = tpu.memref_squeeze %dma_wait3A_300 : memref<1x64xi32, #tpu.memory_space<vmem>> -> memref<64xi32, #tpu.memory_space<vmem>>
        %dma_wait3A_302 = arith.constant 0 : i32
        %dma_wait3A_303 = arith.constant 0 : i32
        %dma_wait3A_304 = tpu.memref_slice %arg10[%dma_wait3A_302, %dma_wait3A_303] : memref<10112x128xf32, #tpu.memory_space<vmem_shared>> -> memref<10112x128xf32, #tpu.memory_space<vmem_shared>>
        tpu.wait_indirect_dma semaphore(%run_scoped3A_292 : memref<!tpu.dma_semaphore, #tpu.memory_space<semaphore_mem>>) src(%arg9 : memref<64x128xf32, #tpu.memory_space<vmem>>) dst(%dma_wait3A_304 : memref<10112x128xf32, #tpu.memory_space<vmem_shared>>)
        tpu.yield
      }) : () -> ()
      %dma_start3A_269 = arith.constant 15 : i32
      %dma_start3A_270 = arith.constant 0 : i32
      %dma_start3A_271 = tpu.memref_slice %arg6[%dma_start3A_269, %dma_start3A_270] : memref<16x64xi32, #tpu.memory_space<vmem>> -> memref<1x64xi32, #tpu.memory_space<vmem>>
      %dma_start3A_272 = tpu.memref_squeeze %dma_start3A_271 : memref<1x64xi32, #tpu.memory_space<vmem>> -> memref<64xi32, #tpu.memory_space<vmem>>
      %dma_start3A_273 = arith.constant 0 : i32
      %dma_start3A_274 = arith.constant 0 : i32
      %dma_start3A_275 = tpu.memref_slice %arg2[%dma_start3A_273, %dma_start3A_274] : memref<10000x128xf32, #tpu.memory_space<hbm>> -> memref<10000x128xf32, #tpu.memory_space<hbm>>
      tpu.enqueue_indirect_dma source(%dma_start3A_275 : memref<10000x128xf32, #tpu.memory_space<hbm>>) target(%arg9 : memref<64x128xf32, #tpu.memory_space<vmem>>) offsets(%dma_start3A_272 : memref<64xi32, #tpu.memory_space<vmem>>) semaphore(%arg12 : memref<!tpu.dma_semaphore, #tpu.memory_space<semaphore_mem>>)
      %dma_wait3A_276 = arith.constant 14 : i32
      %dma_wait3A_277 = arith.constant 0 : i32
      %dma_wait3A_278 = tpu.memref_slice %arg6[%dma_wait3A_276, %dma_wait3A_277] : memref<16x64xi32, #tpu.memory_space<vmem>> -> memref<1x64xi32, #tpu.memory_space<vmem>>
      %dma_wait3A_279 = tpu.memref_squeeze %dma_wait3A_278 : memref<1x64xi32, #tpu.memory_space<vmem>> -> memref<64xi32, #tpu.memory_space<vmem>>
      %dma_wait3A_280 = arith.constant 0 : i32
      %dma_wait3A_281 = arith.constant 0 : i32
      %dma_wait3A_282 = tpu.memref_slice %arg2[%dma_wait3A_280, %dma_wait3A_281] : memref<10000x128xf32, #tpu.memory_space<hbm>> -> memref<10000x128xf32, #tpu.memory_space<hbm>>
      tpu.wait_indirect_dma semaphore(%arg11 : memref<!tpu.dma_semaphore, #tpu.memory_space<semaphore_mem>>) src(%dma_wait3A_282 : memref<10000x128xf32, #tpu.memory_space<hbm>>) dst(%arg8 : memref<64x128xf32, #tpu.memory_space<vmem>>)
      %run_scoped3A_283 = arith.constant 14 : i32
      "tpu.region"() ({
        %run_scoped3A_292 = tpu.sem_alloc : memref<!tpu.dma_semaphore, #tpu.memory_space<semaphore_mem>>
        %dma_start3A_293 = arith.constant 0 : i32
        %dma_start3A_294 = tpu.memref_slice %arg7[%run_scoped3A_283, %dma_start3A_293] : memref<16x64xi32, #tpu.memory_space<vmem>> -> memref<1x64xi32, #tpu.memory_space<vmem>>
        %dma_start3A_295 = tpu.memref_squeeze %dma_start3A_294 : memref<1x64xi32, #tpu.memory_space<vmem>> -> memref<64xi32, #tpu.memory_space<vmem>>
        %dma_start3A_296 = arith.constant 0 : i32
        %dma_start3A_297 = arith.constant 0 : i32
        %dma_start3A_298 = tpu.memref_slice %arg10[%dma_start3A_296, %dma_start3A_297] : memref<10112x128xf32, #tpu.memory_space<vmem_shared>> -> memref<10112x128xf32, #tpu.memory_space<vmem_shared>>
        tpu.enqueue_indirect_dma source(%arg8 : memref<64x128xf32, #tpu.memory_space<vmem>>) target(%dma_start3A_298 : memref<10112x128xf32, #tpu.memory_space<vmem_shared>>) offsets(%dma_start3A_295 : memref<64xi32, #tpu.memory_space<vmem>>) semaphore(%run_scoped3A_292 : memref<!tpu.dma_semaphore, #tpu.memory_space<semaphore_mem>>) {add = true}
        %dma_wait3A_299 = arith.constant 0 : i32
        %dma_wait3A_300 = tpu.memref_slice %arg7[%run_scoped3A_283, %dma_wait3A_299] : memref<16x64xi32, #tpu.memory_space<vmem>> -> memref<1x64xi32, #tpu.memory_space<vmem>>
        %dma_wait3A_301 = tpu.memref_squeeze %dma_wait3A_300 : memref<1x64xi32, #tpu.memory_space<vmem>> -> memref<64xi32, #tpu.memory_space<vmem>>
        %dma_wait3A_302 = arith.constant 0 : i32
        %dma_wait3A_303 = arith.constant 0 : i32
        %dma_wait3A_304 = tpu.memref_slice %arg10[%dma_wait3A_302, %dma_wait3A_303] : memref<10112x128xf32, #tpu.memory_space<vmem_shared>> -> memref<10112x128xf32, #tpu.memory_space<vmem_shared>>
        tpu.wait_indirect_dma semaphore(%run_scoped3A_292 : memref<!tpu.dma_semaphore, #tpu.memory_space<semaphore_mem>>) src(%arg8 : memref<64x128xf32, #tpu.memory_space<vmem>>) dst(%dma_wait3A_304 : memref<10112x128xf32, #tpu.memory_space<vmem_shared>>)
        tpu.yield
      }) : () -> ()
      %dma_wait3A_284 = arith.constant 15 : i32
      %dma_wait3A_285 = arith.constant 0 : i32
      %dma_wait3A_286 = tpu.memref_slice %arg6[%dma_wait3A_284, %dma_wait3A_285] : memref<16x64xi32, #tpu.memory_space<vmem>> -> memref<1x64xi32, #tpu.memory_space<vmem>>
      %dma_wait3A_287 = tpu.memref_squeeze %dma_wait3A_286 : memref<1x64xi32, #tpu.memory_space<vmem>> -> memref<64xi32, #tpu.memory_space<vmem>>
      %dma_wait3A_288 = arith.constant 0 : i32
      %dma_wait3A_289 = arith.constant 0 : i32
      %dma_wait3A_290 = tpu.memref_slice %arg2[%dma_wait3A_288, %dma_wait3A_289] : memref<10000x128xf32, #tpu.memory_space<hbm>> -> memref<10000x128xf32, #tpu.memory_space<hbm>>
      tpu.wait_indirect_dma semaphore(%arg12 : memref<!tpu.dma_semaphore, #tpu.memory_space<semaphore_mem>>) src(%dma_wait3A_290 : memref<10000x128xf32, #tpu.memory_space<hbm>>) dst(%arg9 : memref<64x128xf32, #tpu.memory_space<vmem>>)
      %run_scoped3A_291 = arith.constant 15 : i32
      "tpu.region"() ({
        %run_scoped3A_292 = tpu.sem_alloc : memref<!tpu.dma_semaphore, #tpu.memory_space<semaphore_mem>>
        %dma_start3A_293 = arith.constant 0 : i32
        %dma_start3A_294 = tpu.memref_slice %arg7[%run_scoped3A_291, %dma_start3A_293] : memref<16x64xi32, #tpu.memory_space<vmem>> -> memref<1x64xi32, #tpu.memory_space<vmem>>
        %dma_start3A_295 = tpu.memref_squeeze %dma_start3A_294 : memref<1x64xi32, #tpu.memory_space<vmem>> -> memref<64xi32, #tpu.memory_space<vmem>>
        %dma_start3A_296 = arith.constant 0 : i32
        %dma_start3A_297 = arith.constant 0 : i32
        %dma_start3A_298 = tpu.memref_slice %arg10[%dma_start3A_296, %dma_start3A_297] : memref<10112x128xf32, #tpu.memory_space<vmem_shared>> -> memref<10112x128xf32, #tpu.memory_space<vmem_shared>>
        tpu.enqueue_indirect_dma source(%arg9 : memref<64x128xf32, #tpu.memory_space<vmem>>) target(%dma_start3A_298 : memref<10112x128xf32, #tpu.memory_space<vmem_shared>>) offsets(%dma_start3A_295 : memref<64xi32, #tpu.memory_space<vmem>>) semaphore(%run_scoped3A_292 : memref<!tpu.dma_semaphore, #tpu.memory_space<semaphore_mem>>) {add = true}
        %dma_wait3A_299 = arith.constant 0 : i32
        %dma_wait3A_300 = tpu.memref_slice %arg7[%run_scoped3A_291, %dma_wait3A_299] : memref<16x64xi32, #tpu.memory_space<vmem>> -> memref<1x64xi32, #tpu.memory_space<vmem>>
        %dma_wait3A_301 = tpu.memref_squeeze %dma_wait3A_300 : memref<1x64xi32, #tpu.memory_space<vmem>> -> memref<64xi32, #tpu.memory_space<vmem>>
        %dma_wait3A_302 = arith.constant 0 : i32
        %dma_wait3A_303 = arith.constant 0 : i32
        %dma_wait3A_304 = tpu.memref_slice %arg10[%dma_wait3A_302, %dma_wait3A_303] : memref<10112x128xf32, #tpu.memory_space<vmem_shared>> -> memref<10112x128xf32, #tpu.memory_space<vmem_shared>>
        tpu.wait_indirect_dma semaphore(%run_scoped3A_292 : memref<!tpu.dma_semaphore, #tpu.memory_space<semaphore_mem>>) src(%arg9 : memref<64x128xf32, #tpu.memory_space<vmem>>) dst(%dma_wait3A_304 : memref<10112x128xf32, #tpu.memory_space<vmem_shared>>)
        tpu.yield
      }) : () -> ()
    }
    %while3A_43 = arith.constant 1 : i32
    scf.for %while3A_49 = %while3A_41 to %while3A_37 step %while3A_43  : i32 {
      %mul3A_50 = arith.muli %while3A_49, %while3A : i32
      %add3A_51 = arith.addi %while3A_34, %mul3A_50 : i32
      %mul3A_52 = arith.constant 16 : i32
      %mul3A_53 = arith.muli %add3A_51, %mul3A_52 : i32
      %add3A_54 = arith.addi %select_n3A, %mul3A_53 : i32
      %multiple_of3A = tpu.assume_multiple %add3A_54, 16 : i32
      "tpu.region"() ({
        %run_scoped3A_292 = tpu.sem_alloc : memref<!tpu.dma_semaphore, #tpu.memory_space<semaphore_mem>>
        %dma_start3A_293 = arith.constant 0 : i32
        %dma_start3A_294 = tpu.memref_slice %arg3[%multiple_of3A, %dma_start3A_293] : memref<5120x64xi32, #tpu.memory_space<hbm>> -> memref<16x64xi32, #tpu.memory_space<hbm>>
        %dma_start3A_295 = arith.constant 0 : i32
        %dma_start3A_296 = tpu.memref_slice %arg3[%multiple_of3A, %dma_start3A_295] : memref<5120x64xi32, #tpu.memory_space<hbm>> -> memref<16x64xi32, #tpu.memory_space<hbm>>
        tpu.enqueue_dma source(%dma_start3A_296 : memref<16x64xi32, #tpu.memory_space<hbm>>) target(%arg6 : memref<16x64xi32, #tpu.memory_space<vmem>>) target_semaphore(%run_scoped3A_292 : memref<!tpu.dma_semaphore, #tpu.memory_space<semaphore_mem>>)
        %dma_wait3A_297 = arith.constant 0 : i32
        %dma_wait3A_298 = tpu.memref_slice %arg3[%multiple_of3A, %dma_wait3A_297] : memref<5120x64xi32, #tpu.memory_space<hbm>> -> memref<16x64xi32, #tpu.memory_space<hbm>>
        %dma_wait3A_299 = arith.constant 0 : i32
        %dma_wait3A_300 = tpu.memref_slice %arg3[%multiple_of3A, %dma_wait3A_299] : memref<5120x64xi32, #tpu.memory_space<hbm>> -> memref<16x64xi32, #tpu.memory_space<hbm>>
        tpu.wait_dma2 semaphore(%run_scoped3A_292 : memref<!tpu.dma_semaphore, #tpu.memory_space<semaphore_mem>>) src(%dma_wait3A_300 : memref<16x64xi32, #tpu.memory_space<hbm>>) dst(%arg6 : memref<16x64xi32, #tpu.memory_space<vmem>>)
        tpu.yield
      }) : () -> ()
      "tpu.region"() ({
        %run_scoped3A_292 = tpu.sem_alloc : memref<!tpu.dma_semaphore, #tpu.memory_space<semaphore_mem>>
        %dma_start3A_293 = arith.constant 0 : i32
        %dma_start3A_294 = tpu.memref_slice %arg4[%multiple_of3A, %dma_start3A_293] : memref<5120x64xi32, #tpu.memory_space<hbm>> -> memref<16x64xi32, #tpu.memory_space<hbm>>
        %dma_start3A_295 = arith.constant 0 : i32
        %dma_start3A_296 = tpu.memref_slice %arg4[%multiple_of3A, %dma_start3A_295] : memref<5120x64xi32, #tpu.memory_space<hbm>> -> memref<16x64xi32, #tpu.memory_space<hbm>>
        tpu.enqueue_dma source(%dma_start3A_296 : memref<16x64xi32, #tpu.memory_space<hbm>>) target(%arg7 : memref<16x64xi32, #tpu.memory_space<vmem>>) target_semaphore(%run_scoped3A_292 : memref<!tpu.dma_semaphore, #tpu.memory_space<semaphore_mem>>)
        %dma_wait3A_297 = arith.constant 0 : i32
        %dma_wait3A_298 = tpu.memref_slice %arg4[%multiple_of3A, %dma_wait3A_297] : memref<5120x64xi32, #tpu.memory_space<hbm>> -> memref<16x64xi32, #tpu.memory_space<hbm>>
        %dma_wait3A_299 = arith.constant 0 : i32
        %dma_wait3A_300 = tpu.memref_slice %arg4[%multiple_of3A, %dma_wait3A_299] : memref<5120x64xi32, #tpu.memory_space<hbm>> -> memref<16x64xi32, #tpu.memory_space<hbm>>
        tpu.wait_dma2 semaphore(%run_scoped3A_292 : memref<!tpu.dma_semaphore, #tpu.memory_space<semaphore_mem>>) src(%dma_wait3A_300 : memref<16x64xi32, #tpu.memory_space<hbm>>) dst(%arg7 : memref<16x64xi32, #tpu.memory_space<vmem>>)
        tpu.yield
      }) : () -> ()
      %dma_start3A = arith.constant 0 : i32
      %dma_start3A_55 = arith.constant 0 : i32
      %dma_start3A_56 = tpu.memref_slice %arg6[%dma_start3A, %dma_start3A_55] : memref<16x64xi32, #tpu.memory_space<vmem>> -> memref<1x64xi32, #tpu.memory_space<vmem>>
      %dma_start3A_57 = tpu.memref_squeeze %dma_start3A_56 : memref<1x64xi32, #tpu.memory_space<vmem>> -> memref<64xi32, #tpu.memory_space<vmem>>
      %dma_start3A_58 = arith.constant 0 : i32
      %dma_start3A_59 = arith.constant 0 : i32
      %dma_start3A_60 = tpu.memref_slice %arg2[%dma_start3A_58, %dma_start3A_59] : memref<10000x128xf32, #tpu.memory_space<hbm>> -> memref<10000x128xf32, #tpu.memory_space<hbm>>
      tpu.enqueue_indirect_dma source(%dma_start3A_60 : memref<10000x128xf32, #tpu.memory_space<hbm>>) target(%arg8 : memref<64x128xf32, #tpu.memory_space<vmem>>) offsets(%dma_start3A_57 : memref<64xi32, #tpu.memory_space<vmem>>) semaphore(%arg11 : memref<!tpu.dma_semaphore, #tpu.memory_space<semaphore_mem>>)
      %dma_start3A_61 = arith.constant 1 : i32
      %dma_start3A_62 = arith.constant 0 : i32
      %dma_start3A_63 = tpu.memref_slice %arg6[%dma_start3A_61, %dma_start3A_62] : memref<16x64xi32, #tpu.memory_space<vmem>> -> memref<1x64xi32, #tpu.memory_space<vmem>>
      %dma_start3A_64 = tpu.memref_squeeze %dma_start3A_63 : memref<1x64xi32, #tpu.memory_space<vmem>> -> memref<64xi32, #tpu.memory_space<vmem>>
      %dma_start3A_65 = arith.constant 0 : i32
      %dma_start3A_66 = arith.constant 0 : i32
      %dma_start3A_67 = tpu.memref_slice %arg2[%dma_start3A_65, %dma_start3A_66] : memref<10000x128xf32, #tpu.memory_space<hbm>> -> memref<10000x128xf32, #tpu.memory_space<hbm>>
      tpu.enqueue_indirect_dma source(%dma_start3A_67 : memref<10000x128xf32, #tpu.memory_space<hbm>>) target(%arg9 : memref<64x128xf32, #tpu.memory_space<vmem>>) offsets(%dma_start3A_64 : memref<64xi32, #tpu.memory_space<vmem>>) semaphore(%arg12 : memref<!tpu.dma_semaphore, #tpu.memory_space<semaphore_mem>>)
      %dma_wait3A = arith.constant 0 : i32
      %dma_wait3A_68 = arith.constant 0 : i32
      %dma_wait3A_69 = tpu.memref_slice %arg6[%dma_wait3A, %dma_wait3A_68] : memref<16x64xi32, #tpu.memory_space<vmem>> -> memref<1x64xi32, #tpu.memory_space<vmem>>
      %dma_wait3A_70 = tpu.memref_squeeze %dma_wait3A_69 : memref<1x64xi32, #tpu.memory_space<vmem>> -> memref<64xi32, #tpu.memory_space<vmem>>
      %dma_wait3A_71 = arith.constant 0 : i32
      %dma_wait3A_72 = arith.constant 0 : i32
      %dma_wait3A_73 = tpu.memref_slice %arg2[%dma_wait3A_71, %dma_wait3A_72] : memref<10000x128xf32, #tpu.memory_space<hbm>> -> memref<10000x128xf32, #tpu.memory_space<hbm>>
      tpu.wait_indirect_dma semaphore(%arg11 : memref<!tpu.dma_semaphore, #tpu.memory_space<semaphore_mem>>) src(%dma_wait3A_73 : memref<10000x128xf32, #tpu.memory_space<hbm>>) dst(%arg8 : memref<64x128xf32, #tpu.memory_space<vmem>>)
      %run_scoped3A = arith.constant 0 : i32
      "tpu.region"() ({
        %run_scoped3A_292 = tpu.sem_alloc : memref<!tpu.dma_semaphore, #tpu.memory_space<semaphore_mem>>
        %dma_start3A_293 = arith.constant 0 : i32
        %dma_start3A_294 = tpu.memref_slice %arg7[%run_scoped3A, %dma_start3A_293] : memref<16x64xi32, #tpu.memory_space<vmem>> -> memref<1x64xi32, #tpu.memory_space<vmem>>
        %dma_start3A_295 = tpu.memref_squeeze %dma_start3A_294 : memref<1x64xi32, #tpu.memory_space<vmem>> -> memref<64xi32, #tpu.memory_space<vmem>>
        %dma_start3A_296 = arith.constant 0 : i32
        %dma_start3A_297 = arith.constant 0 : i32
        %dma_start3A_298 = tpu.memref_slice %arg10[%dma_start3A_296, %dma_start3A_297] : memref<10112x128xf32, #tpu.memory_space<vmem_shared>> -> memref<10112x128xf32, #tpu.memory_space<vmem_shared>>
        tpu.enqueue_indirect_dma source(%arg8 : memref<64x128xf32, #tpu.memory_space<vmem>>) target(%dma_start3A_298 : memref<10112x128xf32, #tpu.memory_space<vmem_shared>>) offsets(%dma_start3A_295 : memref<64xi32, #tpu.memory_space<vmem>>) semaphore(%run_scoped3A_292 : memref<!tpu.dma_semaphore, #tpu.memory_space<semaphore_mem>>) {add = true}
        %dma_wait3A_299 = arith.constant 0 : i32
        %dma_wait3A_300 = tpu.memref_slice %arg7[%run_scoped3A, %dma_wait3A_299] : memref<16x64xi32, #tpu.memory_space<vmem>> -> memref<1x64xi32, #tpu.memory_space<vmem>>
        %dma_wait3A_301 = tpu.memref_squeeze %dma_wait3A_300 : memref<1x64xi32, #tpu.memory_space<vmem>> -> memref<64xi32, #tpu.memory_space<vmem>>
        %dma_wait3A_302 = arith.constant 0 : i32
        %dma_wait3A_303 = arith.constant 0 : i32
        %dma_wait3A_304 = tpu.memref_slice %arg10[%dma_wait3A_302, %dma_wait3A_303] : memref<10112x128xf32, #tpu.memory_space<vmem_shared>> -> memref<10112x128xf32, #tpu.memory_space<vmem_shared>>
        tpu.wait_indirect_dma semaphore(%run_scoped3A_292 : memref<!tpu.dma_semaphore, #tpu.memory_space<semaphore_mem>>) src(%arg8 : memref<64x128xf32, #tpu.memory_space<vmem>>) dst(%dma_wait3A_304 : memref<10112x128xf32, #tpu.memory_space<vmem_shared>>)
        tpu.yield
      }) : () -> ()
      %dma_start3A_74 = arith.constant 2 : i32
      %dma_start3A_75 = arith.constant 0 : i32
      %dma_start3A_76 = tpu.memref_slice %arg6[%dma_start3A_74, %dma_start3A_75] : memref<16x64xi32, #tpu.memory_space<vmem>> -> memref<1x64xi32, #tpu.memory_space<vmem>>
      %dma_start3A_77 = tpu.memref_squeeze %dma_start3A_76 : memref<1x64xi32, #tpu.memory_space<vmem>> -> memref<64xi32, #tpu.memory_space<vmem>>
      %dma_start3A_78 = arith.constant 0 : i32
      %dma_start3A_79 = arith.constant 0 : i32
      %dma_start3A_80 = tpu.memref_slice %arg2[%dma_start3A_78, %dma_start3A_79] : memref<10000x128xf32, #tpu.memory_space<hbm>> -> memref<10000x128xf32, #tpu.memory_space<hbm>>
      tpu.enqueue_indirect_dma source(%dma_start3A_80 : memref<10000x128xf32, #tpu.memory_space<hbm>>) target(%arg8 : memref<64x128xf32, #tpu.memory_space<vmem>>) offsets(%dma_start3A_77 : memref<64xi32, #tpu.memory_space<vmem>>) semaphore(%arg11 : memref<!tpu.dma_semaphore, #tpu.memory_space<semaphore_mem>>)
      %dma_wait3A_81 = arith.constant 1 : i32
      %dma_wait3A_82 = arith.constant 0 : i32
      %dma_wait3A_83 = tpu.memref_slice %arg6[%dma_wait3A_81, %dma_wait3A_82] : memref<16x64xi32, #tpu.memory_space<vmem>> -> memref<1x64xi32, #tpu.memory_space<vmem>>
      %dma_wait3A_84 = tpu.memref_squeeze %dma_wait3A_83 : memref<1x64xi32, #tpu.memory_space<vmem>> -> memref<64xi32, #tpu.memory_space<vmem>>
      %dma_wait3A_85 = arith.constant 0 : i32
      %dma_wait3A_86 = arith.constant 0 : i32
      %dma_wait3A_87 = tpu.memref_slice %arg2[%dma_wait3A_85, %dma_wait3A_86] : memref<10000x128xf32, #tpu.memory_space<hbm>> -> memref<10000x128xf32, #tpu.memory_space<hbm>>
      tpu.wait_indirect_dma semaphore(%arg12 : memref<!tpu.dma_semaphore, #tpu.memory_space<semaphore_mem>>) src(%dma_wait3A_87 : memref<10000x128xf32, #tpu.memory_space<hbm>>) dst(%arg9 : memref<64x128xf32, #tpu.memory_space<vmem>>)
      %run_scoped3A_88 = arith.constant 1 : i32
      "tpu.region"() ({
        %run_scoped3A_292 = tpu.sem_alloc : memref<!tpu.dma_semaphore, #tpu.memory_space<semaphore_mem>>
        %dma_start3A_293 = arith.constant 0 : i32
        %dma_start3A_294 = tpu.memref_slice %arg7[%run_scoped3A_88, %dma_start3A_293] : memref<16x64xi32, #tpu.memory_space<vmem>> -> memref<1x64xi32, #tpu.memory_space<vmem>>
        %dma_start3A_295 = tpu.memref_squeeze %dma_start3A_294 : memref<1x64xi32, #tpu.memory_space<vmem>> -> memref<64xi32, #tpu.memory_space<vmem>>
        %dma_start3A_296 = arith.constant 0 : i32
        %dma_start3A_297 = arith.constant 0 : i32
        %dma_start3A_298 = tpu.memref_slice %arg10[%dma_start3A_296, %dma_start3A_297] : memref<10112x128xf32, #tpu.memory_space<vmem_shared>> -> memref<10112x128xf32, #tpu.memory_space<vmem_shared>>
        tpu.enqueue_indirect_dma source(%arg9 : memref<64x128xf32, #tpu.memory_space<vmem>>) target(%dma_start3A_298 : memref<10112x128xf32, #tpu.memory_space<vmem_shared>>) offsets(%dma_start3A_295 : memref<64xi32, #tpu.memory_space<vmem>>) semaphore(%run_scoped3A_292 : memref<!tpu.dma_semaphore, #tpu.memory_space<semaphore_mem>>) {add = true}
        %dma_wait3A_299 = arith.constant 0 : i32
        %dma_wait3A_300 = tpu.memref_slice %arg7[%run_scoped3A_88, %dma_wait3A_299] : memref<16x64xi32, #tpu.memory_space<vmem>> -> memref<1x64xi32, #tpu.memory_space<vmem>>
        %dma_wait3A_301 = tpu.memref_squeeze %dma_wait3A_300 : memref<1x64xi32, #tpu.memory_space<vmem>> -> memref<64xi32, #tpu.memory_space<vmem>>
        %dma_wait3A_302 = arith.constant 0 : i32
        %dma_wait3A_303 = arith.constant 0 : i32
        %dma_wait3A_304 = tpu.memref_slice %arg10[%dma_wait3A_302, %dma_wait3A_303] : memref<10112x128xf32, #tpu.memory_space<vmem_shared>> -> memref<10112x128xf32, #tpu.memory_space<vmem_shared>>
        tpu.wait_indirect_dma semaphore(%run_scoped3A_292 : memref<!tpu.dma_semaphore, #tpu.memory_space<semaphore_mem>>) src(%arg9 : memref<64x128xf32, #tpu.memory_space<vmem>>) dst(%dma_wait3A_304 : memref<10112x128xf32, #tpu.memory_space<vmem_shared>>)
        tpu.yield
      }) : () -> ()
      %dma_start3A_89 = arith.constant 3 : i32
      %dma_start3A_90 = arith.constant 0 : i32
      %dma_start3A_91 = tpu.memref_slice %arg6[%dma_start3A_89, %dma_start3A_90] : memref<16x64xi32, #tpu.memory_space<vmem>> -> memref<1x64xi32, #tpu.memory_space<vmem>>
      %dma_start3A_92 = tpu.memref_squeeze %dma_start3A_91 : memref<1x64xi32, #tpu.memory_space<vmem>> -> memref<64xi32, #tpu.memory_space<vmem>>
      %dma_start3A_93 = arith.constant 0 : i32
      %dma_start3A_94 = arith.constant 0 : i32
      %dma_start3A_95 = tpu.memref_slice %arg2[%dma_start3A_93, %dma_start3A_94] : memref<10000x128xf32, #tpu.memory_space<hbm>> -> memref<10000x128xf32, #tpu.memory_space<hbm>>
      tpu.enqueue_indirect_dma source(%dma_start3A_95 : memref<10000x128xf32, #tpu.memory_space<hbm>>) target(%arg9 : memref<64x128xf32, #tpu.memory_space<vmem>>) offsets(%dma_start3A_92 : memref<64xi32, #tpu.memory_space<vmem>>) semaphore(%arg12 : memref<!tpu.dma_semaphore, #tpu.memory_space<semaphore_mem>>)
      %dma_wait3A_96 = arith.constant 2 : i32
      %dma_wait3A_97 = arith.constant 0 : i32
      %dma_wait3A_98 = tpu.memref_slice %arg6[%dma_wait3A_96, %dma_wait3A_97] : memref<16x64xi32, #tpu.memory_space<vmem>> -> memref<1x64xi32, #tpu.memory_space<vmem>>
      %dma_wait3A_99 = tpu.memref_squeeze %dma_wait3A_98 : memref<1x64xi32, #tpu.memory_space<vmem>> -> memref<64xi32, #tpu.memory_space<vmem>>
      %dma_wait3A_100 = arith.constant 0 : i32
      %dma_wait3A_101 = arith.constant 0 : i32
      %dma_wait3A_102 = tpu.memref_slice %arg2[%dma_wait3A_100, %dma_wait3A_101] : memref<10000x128xf32, #tpu.memory_space<hbm>> -> memref<10000x128xf32, #tpu.memory_space<hbm>>
      tpu.wait_indirect_dma semaphore(%arg11 : memref<!tpu.dma_semaphore, #tpu.memory_space<semaphore_mem>>) src(%dma_wait3A_102 : memref<10000x128xf32, #tpu.memory_space<hbm>>) dst(%arg8 : memref<64x128xf32, #tpu.memory_space<vmem>>)
      %run_scoped3A_103 = arith.constant 2 : i32
      "tpu.region"() ({
        %run_scoped3A_292 = tpu.sem_alloc : memref<!tpu.dma_semaphore, #tpu.memory_space<semaphore_mem>>
        %dma_start3A_293 = arith.constant 0 : i32
        %dma_start3A_294 = tpu.memref_slice %arg7[%run_scoped3A_103, %dma_start3A_293] : memref<16x64xi32, #tpu.memory_space<vmem>> -> memref<1x64xi32, #tpu.memory_space<vmem>>
        %dma_start3A_295 = tpu.memref_squeeze %dma_start3A_294 : memref<1x64xi32, #tpu.memory_space<vmem>> -> memref<64xi32, #tpu.memory_space<vmem>>
        %dma_start3A_296 = arith.constant 0 : i32
        %dma_start3A_297 = arith.constant 0 : i32
        %dma_start3A_298 = tpu.memref_slice %arg10[%dma_start3A_296, %dma_start3A_297] : memref<10112x128xf32, #tpu.memory_space<vmem_shared>> -> memref<10112x128xf32, #tpu.memory_space<vmem_shared>>
        tpu.enqueue_indirect_dma source(%arg8 : memref<64x128xf32, #tpu.memory_space<vmem>>) target(%dma_start3A_298 : memref<10112x128xf32, #tpu.memory_space<vmem_shared>>) offsets(%dma_start3A_295 : memref<64xi32, #tpu.memory_space<vmem>>) semaphore(%run_scoped3A_292 : memref<!tpu.dma_semaphore, #tpu.memory_space<semaphore_mem>>) {add = true}
        %dma_wait3A_299 = arith.constant 0 : i32
        %dma_wait3A_300 = tpu.memref_slice %arg7[%run_scoped3A_103, %dma_wait3A_299] : memref<16x64xi32, #tpu.memory_space<vmem>> -> memref<1x64xi32, #tpu.memory_space<vmem>>
        %dma_wait3A_301 = tpu.memref_squeeze %dma_wait3A_300 : memref<1x64xi32, #tpu.memory_space<vmem>> -> memref<64xi32, #tpu.memory_space<vmem>>
        %dma_wait3A_302 = arith.constant 0 : i32
        %dma_wait3A_303 = arith.constant 0 : i32
        %dma_wait3A_304 = tpu.memref_slice %arg10[%dma_wait3A_302, %dma_wait3A_303] : memref<10112x128xf32, #tpu.memory_space<vmem_shared>> -> memref<10112x128xf32, #tpu.memory_space<vmem_shared>>
        tpu.wait_indirect_dma semaphore(%run_scoped3A_292 : memref<!tpu.dma_semaphore, #tpu.memory_space<semaphore_mem>>) src(%arg8 : memref<64x128xf32, #tpu.memory_space<vmem>>) dst(%dma_wait3A_304 : memref<10112x128xf32, #tpu.memory_space<vmem_shared>>)
        tpu.yield
      }) : () -> ()
      %dma_start3A_104 = arith.constant 4 : i32
      %dma_start3A_105 = arith.constant 0 : i32
      %dma_start3A_106 = tpu.memref_slice %arg6[%dma_start3A_104, %dma_start3A_105] : memref<16x64xi32, #tpu.memory_space<vmem>> -> memref<1x64xi32, #tpu.memory_space<vmem>>
      %dma_start3A_107 = tpu.memref_squeeze %dma_start3A_106 : memref<1x64xi32, #tpu.memory_space<vmem>> -> memref<64xi32, #tpu.memory_space<vmem>>
      %dma_start3A_108 = arith.constant 0 : i32
      %dma_start3A_109 = arith.constant 0 : i32
      %dma_start3A_110 = tpu.memref_slice %arg2[%dma_start3A_108, %dma_start3A_109] : memref<10000x128xf32, #tpu.memory_space<hbm>> -> memref<10000x128xf32, #tpu.memory_space<hbm>>
      tpu.enqueue_indirect_dma source(%dma_start3A_110 : memref<10000x128xf32, #tpu.memory_space<hbm>>) target(%arg8 : memref<64x128xf32, #tpu.memory_space<vmem>>) offsets(%dma_start3A_107 : memref<64xi32, #tpu.memory_space<vmem>>) semaphore(%arg11 : memref<!tpu.dma_semaphore, #tpu.memory_space<semaphore_mem>>)
      %dma_wait3A_111 = arith.constant 3 : i32
      %dma_wait3A_112 = arith.constant 0 : i32
      %dma_wait3A_113 = tpu.memref_slice %arg6[%dma_wait3A_111, %dma_wait3A_112] : memref<16x64xi32, #tpu.memory_space<vmem>> -> memref<1x64xi32, #tpu.memory_space<vmem>>
      %dma_wait3A_114 = tpu.memref_squeeze %dma_wait3A_113 : memref<1x64xi32, #tpu.memory_space<vmem>> -> memref<64xi32, #tpu.memory_space<vmem>>
      %dma_wait3A_115 = arith.constant 0 : i32
      %dma_wait3A_116 = arith.constant 0 : i32
      %dma_wait3A_117 = tpu.memref_slice %arg2[%dma_wait3A_115, %dma_wait3A_116] : memref<10000x128xf32, #tpu.memory_space<hbm>> -> memref<10000x128xf32, #tpu.memory_space<hbm>>
      tpu.wait_indirect_dma semaphore(%arg12 : memref<!tpu.dma_semaphore, #tpu.memory_space<semaphore_mem>>) src(%dma_wait3A_117 : memref<10000x128xf32, #tpu.memory_space<hbm>>) dst(%arg9 : memref<64x128xf32, #tpu.memory_space<vmem>>)
      %run_scoped3A_118 = arith.constant 3 : i32
      "tpu.region"() ({
        %run_scoped3A_292 = tpu.sem_alloc : memref<!tpu.dma_semaphore, #tpu.memory_space<semaphore_mem>>
        %dma_start3A_293 = arith.constant 0 : i32
        %dma_start3A_294 = tpu.memref_slice %arg7[%run_scoped3A_118, %dma_start3A_293] : memref<16x64xi32, #tpu.memory_space<vmem>> -> memref<1x64xi32, #tpu.memory_space<vmem>>
        %dma_start3A_295 = tpu.memref_squeeze %dma_start3A_294 : memref<1x64xi32, #tpu.memory_space<vmem>> -> memref<64xi32, #tpu.memory_space<vmem>>
        %dma_start3A_296 = arith.constant 0 : i32
        %dma_start3A_297 = arith.constant 0 : i32
        %dma_start3A_298 = tpu.memref_slice %arg10[%dma_start3A_296, %dma_start3A_297] : memref<10112x128xf32, #tpu.memory_space<vmem_shared>> -> memref<10112x128xf32, #tpu.memory_space<vmem_shared>>
        tpu.enqueue_indirect_dma source(%arg9 : memref<64x128xf32, #tpu.memory_space<vmem>>) target(%dma_start3A_298 : memref<10112x128xf32, #tpu.memory_space<vmem_shared>>) offsets(%dma_start3A_295 : memref<64xi32, #tpu.memory_space<vmem>>) semaphore(%run_scoped3A_292 : memref<!tpu.dma_semaphore, #tpu.memory_space<semaphore_mem>>) {add = true}
        %dma_wait3A_299 = arith.constant 0 : i32
        %dma_wait3A_300 = tpu.memref_slice %arg7[%run_scoped3A_118, %dma_wait3A_299] : memref<16x64xi32, #tpu.memory_space<vmem>> -> memref<1x64xi32, #tpu.memory_space<vmem>>
        %dma_wait3A_301 = tpu.memref_squeeze %dma_wait3A_300 : memref<1x64xi32, #tpu.memory_space<vmem>> -> memref<64xi32, #tpu.memory_space<vmem>>
        %dma_wait3A_302 = arith.constant 0 : i32
        %dma_wait3A_303 = arith.constant 0 : i32
        %dma_wait3A_304 = tpu.memref_slice %arg10[%dma_wait3A_302, %dma_wait3A_303] : memref<10112x128xf32, #tpu.memory_space<vmem_shared>> -> memref<10112x128xf32, #tpu.memory_space<vmem_shared>>
        tpu.wait_indirect_dma semaphore(%run_scoped3A_292 : memref<!tpu.dma_semaphore, #tpu.memory_space<semaphore_mem>>) src(%arg9 : memref<64x128xf32, #tpu.memory_space<vmem>>) dst(%dma_wait3A_304 : memref<10112x128xf32, #tpu.memory_space<vmem_shared>>)
        tpu.yield
      }) : () -> ()
      %dma_start3A_119 = arith.constant 5 : i32
      %dma_start3A_120 = arith.constant 0 : i32
      %dma_start3A_121 = tpu.memref_slice %arg6[%dma_start3A_119, %dma_start3A_120] : memref<16x64xi32, #tpu.memory_space<vmem>> -> memref<1x64xi32, #tpu.memory_space<vmem>>
      %dma_start3A_122 = tpu.memref_squeeze %dma_start3A_121 : memref<1x64xi32, #tpu.memory_space<vmem>> -> memref<64xi32, #tpu.memory_space<vmem>>
      %dma_start3A_123 = arith.constant 0 : i32
      %dma_start3A_124 = arith.constant 0 : i32
      %dma_start3A_125 = tpu.memref_slice %arg2[%dma_start3A_123, %dma_start3A_124] : memref<10000x128xf32, #tpu.memory_space<hbm>> -> memref<10000x128xf32, #tpu.memory_space<hbm>>
      tpu.enqueue_indirect_dma source(%dma_start3A_125 : memref<10000x128xf32, #tpu.memory_space<hbm>>) target(%arg9 : memref<64x128xf32, #tpu.memory_space<vmem>>) offsets(%dma_start3A_122 : memref<64xi32, #tpu.memory_space<vmem>>) semaphore(%arg12 : memref<!tpu.dma_semaphore, #tpu.memory_space<semaphore_mem>>)
      %dma_wait3A_126 = arith.constant 4 : i32
      %dma_wait3A_127 = arith.constant 0 : i32
      %dma_wait3A_128 = tpu.memref_slice %arg6[%dma_wait3A_126, %dma_wait3A_127] : memref<16x64xi32, #tpu.memory_space<vmem>> -> memref<1x64xi32, #tpu.memory_space<vmem>>
      %dma_wait3A_129 = tpu.memref_squeeze %dma_wait3A_128 : memref<1x64xi32, #tpu.memory_space<vmem>> -> memref<64xi32, #tpu.memory_space<vmem>>
      %dma_wait3A_130 = arith.constant 0 : i32
      %dma_wait3A_131 = arith.constant 0 : i32
      %dma_wait3A_132 = tpu.memref_slice %arg2[%dma_wait3A_130, %dma_wait3A_131] : memref<10000x128xf32, #tpu.memory_space<hbm>> -> memref<10000x128xf32, #tpu.memory_space<hbm>>
      tpu.wait_indirect_dma semaphore(%arg11 : memref<!tpu.dma_semaphore, #tpu.memory_space<semaphore_mem>>) src(%dma_wait3A_132 : memref<10000x128xf32, #tpu.memory_space<hbm>>) dst(%arg8 : memref<64x128xf32, #tpu.memory_space<vmem>>)
      %run_scoped3A_133 = arith.constant 4 : i32
      "tpu.region"() ({
        %run_scoped3A_292 = tpu.sem_alloc : memref<!tpu.dma_semaphore, #tpu.memory_space<semaphore_mem>>
        %dma_start3A_293 = arith.constant 0 : i32
        %dma_start3A_294 = tpu.memref_slice %arg7[%run_scoped3A_133, %dma_start3A_293] : memref<16x64xi32, #tpu.memory_space<vmem>> -> memref<1x64xi32, #tpu.memory_space<vmem>>
        %dma_start3A_295 = tpu.memref_squeeze %dma_start3A_294 : memref<1x64xi32, #tpu.memory_space<vmem>> -> memref<64xi32, #tpu.memory_space<vmem>>
        %dma_start3A_296 = arith.constant 0 : i32
        %dma_start3A_297 = arith.constant 0 : i32
        %dma_start3A_298 = tpu.memref_slice %arg10[%dma_start3A_296, %dma_start3A_297] : memref<10112x128xf32, #tpu.memory_space<vmem_shared>> -> memref<10112x128xf32, #tpu.memory_space<vmem_shared>>
        tpu.enqueue_indirect_dma source(%arg8 : memref<64x128xf32, #tpu.memory_space<vmem>>) target(%dma_start3A_298 : memref<10112x128xf32, #tpu.memory_space<vmem_shared>>) offsets(%dma_start3A_295 : memref<64xi32, #tpu.memory_space<vmem>>) semaphore(%run_scoped3A_292 : memref<!tpu.dma_semaphore, #tpu.memory_space<semaphore_mem>>) {add = true}
        %dma_wait3A_299 = arith.constant 0 : i32
        %dma_wait3A_300 = tpu.memref_slice %arg7[%run_scoped3A_133, %dma_wait3A_299] : memref<16x64xi32, #tpu.memory_space<vmem>> -> memref<1x64xi32, #tpu.memory_space<vmem>>
        %dma_wait3A_301 = tpu.memref_squeeze %dma_wait3A_300 : memref<1x64xi32, #tpu.memory_space<vmem>> -> memref<64xi32, #tpu.memory_space<vmem>>
        %dma_wait3A_302 = arith.constant 0 : i32
        %dma_wait3A_303 = arith.constant 0 : i32
        %dma_wait3A_304 = tpu.memref_slice %arg10[%dma_wait3A_302, %dma_wait3A_303] : memref<10112x128xf32, #tpu.memory_space<vmem_shared>> -> memref<10112x128xf32, #tpu.memory_space<vmem_shared>>
        tpu.wait_indirect_dma semaphore(%run_scoped3A_292 : memref<!tpu.dma_semaphore, #tpu.memory_space<semaphore_mem>>) src(%arg8 : memref<64x128xf32, #tpu.memory_space<vmem>>) dst(%dma_wait3A_304 : memref<10112x128xf32, #tpu.memory_space<vmem_shared>>)
        tpu.yield
      }) : () -> ()
      %dma_start3A_134 = arith.constant 6 : i32
      %dma_start3A_135 = arith.constant 0 : i32
      %dma_start3A_136 = tpu.memref_slice %arg6[%dma_start3A_134, %dma_start3A_135] : memref<16x64xi32, #tpu.memory_space<vmem>> -> memref<1x64xi32, #tpu.memory_space<vmem>>
      %dma_start3A_137 = tpu.memref_squeeze %dma_start3A_136 : memref<1x64xi32, #tpu.memory_space<vmem>> -> memref<64xi32, #tpu.memory_space<vmem>>
      %dma_start3A_138 = arith.constant 0 : i32
      %dma_start3A_139 = arith.constant 0 : i32
      %dma_start3A_140 = tpu.memref_slice %arg2[%dma_start3A_138, %dma_start3A_139] : memref<10000x128xf32, #tpu.memory_space<hbm>> -> memref<10000x128xf32, #tpu.memory_space<hbm>>
      tpu.enqueue_indirect_dma source(%dma_start3A_140 : memref<10000x128xf32, #tpu.memory_space<hbm>>) target(%arg8 : memref<64x128xf32, #tpu.memory_space<vmem>>) offsets(%dma_start3A_137 : memref<64xi32, #tpu.memory_space<vmem>>) semaphore(%arg11 : memref<!tpu.dma_semaphore, #tpu.memory_space<semaphore_mem>>)
      %dma_wait3A_141 = arith.constant 5 : i32
      %dma_wait3A_142 = arith.constant 0 : i32
      %dma_wait3A_143 = tpu.memref_slice %arg6[%dma_wait3A_141, %dma_wait3A_142] : memref<16x64xi32, #tpu.memory_space<vmem>> -> memref<1x64xi32, #tpu.memory_space<vmem>>
      %dma_wait3A_144 = tpu.memref_squeeze %dma_wait3A_143 : memref<1x64xi32, #tpu.memory_space<vmem>> -> memref<64xi32, #tpu.memory_space<vmem>>
      %dma_wait3A_145 = arith.constant 0 : i32
      %dma_wait3A_146 = arith.constant 0 : i32
      %dma_wait3A_147 = tpu.memref_slice %arg2[%dma_wait3A_145, %dma_wait3A_146] : memref<10000x128xf32, #tpu.memory_space<hbm>> -> memref<10000x128xf32, #tpu.memory_space<hbm>>
      tpu.wait_indirect_dma semaphore(%arg12 : memref<!tpu.dma_semaphore, #tpu.memory_space<semaphore_mem>>) src(%dma_wait3A_147 : memref<10000x128xf32, #tpu.memory_space<hbm>>) dst(%arg9 : memref<64x128xf32, #tpu.memory_space<vmem>>)
      %run_scoped3A_148 = arith.constant 5 : i32
      "tpu.region"() ({
        %run_scoped3A_292 = tpu.sem_alloc : memref<!tpu.dma_semaphore, #tpu.memory_space<semaphore_mem>>
        %dma_start3A_293 = arith.constant 0 : i32
        %dma_start3A_294 = tpu.memref_slice %arg7[%run_scoped3A_148, %dma_start3A_293] : memref<16x64xi32, #tpu.memory_space<vmem>> -> memref<1x64xi32, #tpu.memory_space<vmem>>
        %dma_start3A_295 = tpu.memref_squeeze %dma_start3A_294 : memref<1x64xi32, #tpu.memory_space<vmem>> -> memref<64xi32, #tpu.memory_space<vmem>>
        %dma_start3A_296 = arith.constant 0 : i32
        %dma_start3A_297 = arith.constant 0 : i32
        %dma_start3A_298 = tpu.memref_slice %arg10[%dma_start3A_296, %dma_start3A_297] : memref<10112x128xf32, #tpu.memory_space<vmem_shared>> -> memref<10112x128xf32, #tpu.memory_space<vmem_shared>>
        tpu.enqueue_indirect_dma source(%arg9 : memref<64x128xf32, #tpu.memory_space<vmem>>) target(%dma_start3A_298 : memref<10112x128xf32, #tpu.memory_space<vmem_shared>>) offsets(%dma_start3A_295 : memref<64xi32, #tpu.memory_space<vmem>>) semaphore(%run_scoped3A_292 : memref<!tpu.dma_semaphore, #tpu.memory_space<semaphore_mem>>) {add = true}
        %dma_wait3A_299 = arith.constant 0 : i32
        %dma_wait3A_300 = tpu.memref_slice %arg7[%run_scoped3A_148, %dma_wait3A_299] : memref<16x64xi32, #tpu.memory_space<vmem>> -> memref<1x64xi32, #tpu.memory_space<vmem>>
        %dma_wait3A_301 = tpu.memref_squeeze %dma_wait3A_300 : memref<1x64xi32, #tpu.memory_space<vmem>> -> memref<64xi32, #tpu.memory_space<vmem>>
        %dma_wait3A_302 = arith.constant 0 : i32
        %dma_wait3A_303 = arith.constant 0 : i32
        %dma_wait3A_304 = tpu.memref_slice %arg10[%dma_wait3A_302, %dma_wait3A_303] : memref<10112x128xf32, #tpu.memory_space<vmem_shared>> -> memref<10112x128xf32, #tpu.memory_space<vmem_shared>>
        tpu.wait_indirect_dma semaphore(%run_scoped3A_292 : memref<!tpu.dma_semaphore, #tpu.memory_space<semaphore_mem>>) src(%arg9 : memref<64x128xf32, #tpu.memory_space<vmem>>) dst(%dma_wait3A_304 : memref<10112x128xf32, #tpu.memory_space<vmem_shared>>)
        tpu.yield
      }) : () -> ()
      %dma_start3A_149 = arith.constant 7 : i32
      %dma_start3A_150 = arith.constant 0 : i32
      %dma_start3A_151 = tpu.memref_slice %arg6[%dma_start3A_149, %dma_start3A_150] : memref<16x64xi32, #tpu.memory_space<vmem>> -> memref<1x64xi32, #tpu.memory_space<vmem>>
      %dma_start3A_152 = tpu.memref_squeeze %dma_start3A_151 : memref<1x64xi32, #tpu.memory_space<vmem>> -> memref<64xi32, #tpu.memory_space<vmem>>
      %dma_start3A_153 = arith.constant 0 : i32
      %dma_start3A_154 = arith.constant 0 : i32
      %dma_start3A_155 = tpu.memref_slice %arg2[%dma_start3A_153, %dma_start3A_154] : memref<10000x128xf32, #tpu.memory_space<hbm>> -> memref<10000x128xf32, #tpu.memory_space<hbm>>
      tpu.enqueue_indirect_dma source(%dma_start3A_155 : memref<10000x128xf32, #tpu.memory_space<hbm>>) target(%arg9 : memref<64x128xf32, #tpu.memory_space<vmem>>) offsets(%dma_start3A_152 : memref<64xi32, #tpu.memory_space<vmem>>) semaphore(%arg12 : memref<!tpu.dma_semaphore, #tpu.memory_space<semaphore_mem>>)
      %dma_wait3A_156 = arith.constant 6 : i32
      %dma_wait3A_157 = arith.constant 0 : i32
      %dma_wait3A_158 = tpu.memref_slice %arg6[%dma_wait3A_156, %dma_wait3A_157] : memref<16x64xi32, #tpu.memory_space<vmem>> -> memref<1x64xi32, #tpu.memory_space<vmem>>
      %dma_wait3A_159 = tpu.memref_squeeze %dma_wait3A_158 : memref<1x64xi32, #tpu.memory_space<vmem>> -> memref<64xi32, #tpu.memory_space<vmem>>
      %dma_wait3A_160 = arith.constant 0 : i32
      %dma_wait3A_161 = arith.constant 0 : i32
      %dma_wait3A_162 = tpu.memref_slice %arg2[%dma_wait3A_160, %dma_wait3A_161] : memref<10000x128xf32, #tpu.memory_space<hbm>> -> memref<10000x128xf32, #tpu.memory_space<hbm>>
      tpu.wait_indirect_dma semaphore(%arg11 : memref<!tpu.dma_semaphore, #tpu.memory_space<semaphore_mem>>) src(%dma_wait3A_162 : memref<10000x128xf32, #tpu.memory_space<hbm>>) dst(%arg8 : memref<64x128xf32, #tpu.memory_space<vmem>>)
      %run_scoped3A_163 = arith.constant 6 : i32
      "tpu.region"() ({
        %run_scoped3A_292 = tpu.sem_alloc : memref<!tpu.dma_semaphore, #tpu.memory_space<semaphore_mem>>
        %dma_start3A_293 = arith.constant 0 : i32
        %dma_start3A_294 = tpu.memref_slice %arg7[%run_scoped3A_163, %dma_start3A_293] : memref<16x64xi32, #tpu.memory_space<vmem>> -> memref<1x64xi32, #tpu.memory_space<vmem>>
        %dma_start3A_295 = tpu.memref_squeeze %dma_start3A_294 : memref<1x64xi32, #tpu.memory_space<vmem>> -> memref<64xi32, #tpu.memory_space<vmem>>
        %dma_start3A_296 = arith.constant 0 : i32
        %dma_start3A_297 = arith.constant 0 : i32
        %dma_start3A_298 = tpu.memref_slice %arg10[%dma_start3A_296, %dma_start3A_297] : memref<10112x128xf32, #tpu.memory_space<vmem_shared>> -> memref<10112x128xf32, #tpu.memory_space<vmem_shared>>
        tpu.enqueue_indirect_dma source(%arg8 : memref<64x128xf32, #tpu.memory_space<vmem>>) target(%dma_start3A_298 : memref<10112x128xf32, #tpu.memory_space<vmem_shared>>) offsets(%dma_start3A_295 : memref<64xi32, #tpu.memory_space<vmem>>) semaphore(%run_scoped3A_292 : memref<!tpu.dma_semaphore, #tpu.memory_space<semaphore_mem>>) {add = true}
        %dma_wait3A_299 = arith.constant 0 : i32
        %dma_wait3A_300 = tpu.memref_slice %arg7[%run_scoped3A_163, %dma_wait3A_299] : memref<16x64xi32, #tpu.memory_space<vmem>> -> memref<1x64xi32, #tpu.memory_space<vmem>>
        %dma_wait3A_301 = tpu.memref_squeeze %dma_wait3A_300 : memref<1x64xi32, #tpu.memory_space<vmem>> -> memref<64xi32, #tpu.memory_space<vmem>>
        %dma_wait3A_302 = arith.constant 0 : i32
        %dma_wait3A_303 = arith.constant 0 : i32
        %dma_wait3A_304 = tpu.memref_slice %arg10[%dma_wait3A_302, %dma_wait3A_303] : memref<10112x128xf32, #tpu.memory_space<vmem_shared>> -> memref<10112x128xf32, #tpu.memory_space<vmem_shared>>
        tpu.wait_indirect_dma semaphore(%run_scoped3A_292 : memref<!tpu.dma_semaphore, #tpu.memory_space<semaphore_mem>>) src(%arg8 : memref<64x128xf32, #tpu.memory_space<vmem>>) dst(%dma_wait3A_304 : memref<10112x128xf32, #tpu.memory_space<vmem_shared>>)
        tpu.yield
      }) : () -> ()
      %dma_start3A_164 = arith.constant 8 : i32
      %dma_start3A_165 = arith.constant 0 : i32
      %dma_start3A_166 = tpu.memref_slice %arg6[%dma_start3A_164, %dma_start3A_165] : memref<16x64xi32, #tpu.memory_space<vmem>> -> memref<1x64xi32, #tpu.memory_space<vmem>>
      %dma_start3A_167 = tpu.memref_squeeze %dma_start3A_166 : memref<1x64xi32, #tpu.memory_space<vmem>> -> memref<64xi32, #tpu.memory_space<vmem>>
      %dma_start3A_168 = arith.constant 0 : i32
      %dma_start3A_169 = arith.constant 0 : i32
      %dma_start3A_170 = tpu.memref_slice %arg2[%dma_start3A_168, %dma_start3A_169] : memref<10000x128xf32, #tpu.memory_space<hbm>> -> memref<10000x128xf32, #tpu.memory_space<hbm>>
      tpu.enqueue_indirect_dma source(%dma_start3A_170 : memref<10000x128xf32, #tpu.memory_space<hbm>>) target(%arg8 : memref<64x128xf32, #tpu.memory_space<vmem>>) offsets(%dma_start3A_167 : memref<64xi32, #tpu.memory_space<vmem>>) semaphore(%arg11 : memref<!tpu.dma_semaphore, #tpu.memory_space<semaphore_mem>>)
      %dma_wait3A_171 = arith.constant 7 : i32
      %dma_wait3A_172 = arith.constant 0 : i32
      %dma_wait3A_173 = tpu.memref_slice %arg6[%dma_wait3A_171, %dma_wait3A_172] : memref<16x64xi32, #tpu.memory_space<vmem>> -> memref<1x64xi32, #tpu.memory_space<vmem>>
      %dma_wait3A_174 = tpu.memref_squeeze %dma_wait3A_173 : memref<1x64xi32, #tpu.memory_space<vmem>> -> memref<64xi32, #tpu.memory_space<vmem>>
      %dma_wait3A_175 = arith.constant 0 : i32
      %dma_wait3A_176 = arith.constant 0 : i32
      %dma_wait3A_177 = tpu.memref_slice %arg2[%dma_wait3A_175, %dma_wait3A_176] : memref<10000x128xf32, #tpu.memory_space<hbm>> -> memref<10000x128xf32, #tpu.memory_space<hbm>>
      tpu.wait_indirect_dma semaphore(%arg12 : memref<!tpu.dma_semaphore, #tpu.memory_space<semaphore_mem>>) src(%dma_wait3A_177 : memref<10000x128xf32, #tpu.memory_space<hbm>>) dst(%arg9 : memref<64x128xf32, #tpu.memory_space<vmem>>)
      %run_scoped3A_178 = arith.constant 7 : i32
      "tpu.region"() ({
        %run_scoped3A_292 = tpu.sem_alloc : memref<!tpu.dma_semaphore, #tpu.memory_space<semaphore_mem>>
        %dma_start3A_293 = arith.constant 0 : i32
        %dma_start3A_294 = tpu.memref_slice %arg7[%run_scoped3A_178, %dma_start3A_293] : memref<16x64xi32, #tpu.memory_space<vmem>> -> memref<1x64xi32, #tpu.memory_space<vmem>>
        %dma_start3A_295 = tpu.memref_squeeze %dma_start3A_294 : memref<1x64xi32, #tpu.memory_space<vmem>> -> memref<64xi32, #tpu.memory_space<vmem>>
        %dma_start3A_296 = arith.constant 0 : i32
        %dma_start3A_297 = arith.constant 0 : i32
        %dma_start3A_298 = tpu.memref_slice %arg10[%dma_start3A_296, %dma_start3A_297] : memref<10112x128xf32, #tpu.memory_space<vmem_shared>> -> memref<10112x128xf32, #tpu.memory_space<vmem_shared>>
        tpu.enqueue_indirect_dma source(%arg9 : memref<64x128xf32, #tpu.memory_space<vmem>>) target(%dma_start3A_298 : memref<10112x128xf32, #tpu.memory_space<vmem_shared>>) offsets(%dma_start3A_295 : memref<64xi32, #tpu.memory_space<vmem>>) semaphore(%run_scoped3A_292 : memref<!tpu.dma_semaphore, #tpu.memory_space<semaphore_mem>>) {add = true}
        %dma_wait3A_299 = arith.constant 0 : i32
        %dma_wait3A_300 = tpu.memref_slice %arg7[%run_scoped3A_178, %dma_wait3A_299] : memref<16x64xi32, #tpu.memory_space<vmem>> -> memref<1x64xi32, #tpu.memory_space<vmem>>
        %dma_wait3A_301 = tpu.memref_squeeze %dma_wait3A_300 : memref<1x64xi32, #tpu.memory_space<vmem>> -> memref<64xi32, #tpu.memory_space<vmem>>
        %dma_wait3A_302 = arith.constant 0 : i32
        %dma_wait3A_303 = arith.constant 0 : i32
        %dma_wait3A_304 = tpu.memref_slice %arg10[%dma_wait3A_302, %dma_wait3A_303] : memref<10112x128xf32, #tpu.memory_space<vmem_shared>> -> memref<10112x128xf32, #tpu.memory_space<vmem_shared>>
        tpu.wait_indirect_dma semaphore(%run_scoped3A_292 : memref<!tpu.dma_semaphore, #tpu.memory_space<semaphore_mem>>) src(%arg9 : memref<64x128xf32, #tpu.memory_space<vmem>>) dst(%dma_wait3A_304 : memref<10112x128xf32, #tpu.memory_space<vmem_shared>>)
        tpu.yield
      }) : () -> ()
      %dma_start3A_179 = arith.constant 9 : i32
      %dma_start3A_180 = arith.constant 0 : i32
      %dma_start3A_181 = tpu.memref_slice %arg6[%dma_start3A_179, %dma_start3A_180] : memref<16x64xi32, #tpu.memory_space<vmem>> -> memref<1x64xi32, #tpu.memory_space<vmem>>
      %dma_start3A_182 = tpu.memref_squeeze %dma_start3A_181 : memref<1x64xi32, #tpu.memory_space<vmem>> -> memref<64xi32, #tpu.memory_space<vmem>>
      %dma_start3A_183 = arith.constant 0 : i32
      %dma_start3A_184 = arith.constant 0 : i32
      %dma_start3A_185 = tpu.memref_slice %arg2[%dma_start3A_183, %dma_start3A_184] : memref<10000x128xf32, #tpu.memory_space<hbm>> -> memref<10000x128xf32, #tpu.memory_space<hbm>>
      tpu.enqueue_indirect_dma source(%dma_start3A_185 : memref<10000x128xf32, #tpu.memory_space<hbm>>) target(%arg9 : memref<64x128xf32, #tpu.memory_space<vmem>>) offsets(%dma_start3A_182 : memref<64xi32, #tpu.memory_space<vmem>>) semaphore(%arg12 : memref<!tpu.dma_semaphore, #tpu.memory_space<semaphore_mem>>)
      %dma_wait3A_186 = arith.constant 8 : i32
      %dma_wait3A_187 = arith.constant 0 : i32
      %dma_wait3A_188 = tpu.memref_slice %arg6[%dma_wait3A_186, %dma_wait3A_187] : memref<16x64xi32, #tpu.memory_space<vmem>> -> memref<1x64xi32, #tpu.memory_space<vmem>>
      %dma_wait3A_189 = tpu.memref_squeeze %dma_wait3A_188 : memref<1x64xi32, #tpu.memory_space<vmem>> -> memref<64xi32, #tpu.memory_space<vmem>>
      %dma_wait3A_190 = arith.constant 0 : i32
      %dma_wait3A_191 = arith.constant 0 : i32
      %dma_wait3A_192 = tpu.memref_slice %arg2[%dma_wait3A_190, %dma_wait3A_191] : memref<10000x128xf32, #tpu.memory_space<hbm>> -> memref<10000x128xf32, #tpu.memory_space<hbm>>
      tpu.wait_indirect_dma semaphore(%arg11 : memref<!tpu.dma_semaphore, #tpu.memory_space<semaphore_mem>>) src(%dma_wait3A_192 : memref<10000x128xf32, #tpu.memory_space<hbm>>) dst(%arg8 : memref<64x128xf32, #tpu.memory_space<vmem>>)
      %run_scoped3A_193 = arith.constant 8 : i32
      "tpu.region"() ({
        %run_scoped3A_292 = tpu.sem_alloc : memref<!tpu.dma_semaphore, #tpu.memory_space<semaphore_mem>>
        %dma_start3A_293 = arith.constant 0 : i32
        %dma_start3A_294 = tpu.memref_slice %arg7[%run_scoped3A_193, %dma_start3A_293] : memref<16x64xi32, #tpu.memory_space<vmem>> -> memref<1x64xi32, #tpu.memory_space<vmem>>
        %dma_start3A_295 = tpu.memref_squeeze %dma_start3A_294 : memref<1x64xi32, #tpu.memory_space<vmem>> -> memref<64xi32, #tpu.memory_space<vmem>>
        %dma_start3A_296 = arith.constant 0 : i32
        %dma_start3A_297 = arith.constant 0 : i32
        %dma_start3A_298 = tpu.memref_slice %arg10[%dma_start3A_296, %dma_start3A_297] : memref<10112x128xf32, #tpu.memory_space<vmem_shared>> -> memref<10112x128xf32, #tpu.memory_space<vmem_shared>>
        tpu.enqueue_indirect_dma source(%arg8 : memref<64x128xf32, #tpu.memory_space<vmem>>) target(%dma_start3A_298 : memref<10112x128xf32, #tpu.memory_space<vmem_shared>>) offsets(%dma_start3A_295 : memref<64xi32, #tpu.memory_space<vmem>>) semaphore(%run_scoped3A_292 : memref<!tpu.dma_semaphore, #tpu.memory_space<semaphore_mem>>) {add = true}
        %dma_wait3A_299 = arith.constant 0 : i32
        %dma_wait3A_300 = tpu.memref_slice %arg7[%run_scoped3A_193, %dma_wait3A_299] : memref<16x64xi32, #tpu.memory_space<vmem>> -> memref<1x64xi32, #tpu.memory_space<vmem>>
        %dma_wait3A_301 = tpu.memref_squeeze %dma_wait3A_300 : memref<1x64xi32, #tpu.memory_space<vmem>> -> memref<64xi32, #tpu.memory_space<vmem>>
        %dma_wait3A_302 = arith.constant 0 : i32
        %dma_wait3A_303 = arith.constant 0 : i32
        %dma_wait3A_304 = tpu.memref_slice %arg10[%dma_wait3A_302, %dma_wait3A_303] : memref<10112x128xf32, #tpu.memory_space<vmem_shared>> -> memref<10112x128xf32, #tpu.memory_space<vmem_shared>>
        tpu.wait_indirect_dma semaphore(%run_scoped3A_292 : memref<!tpu.dma_semaphore, #tpu.memory_space<semaphore_mem>>) src(%arg8 : memref<64x128xf32, #tpu.memory_space<vmem>>) dst(%dma_wait3A_304 : memref<10112x128xf32, #tpu.memory_space<vmem_shared>>)
        tpu.yield
      }) : () -> ()
      %dma_start3A_194 = arith.constant 10 : i32
      %dma_start3A_195 = arith.constant 0 : i32
      %dma_start3A_196 = tpu.memref_slice %arg6[%dma_start3A_194, %dma_start3A_195] : memref<16x64xi32, #tpu.memory_space<vmem>> -> memref<1x64xi32, #tpu.memory_space<vmem>>
      %dma_start3A_197 = tpu.memref_squeeze %dma_start3A_196 : memref<1x64xi32, #tpu.memory_space<vmem>> -> memref<64xi32, #tpu.memory_space<vmem>>
      %dma_start3A_198 = arith.constant 0 : i32
      %dma_start3A_199 = arith.constant 0 : i32
      %dma_start3A_200 = tpu.memref_slice %arg2[%dma_start3A_198, %dma_start3A_199] : memref<10000x128xf32, #tpu.memory_space<hbm>> -> memref<10000x128xf32, #tpu.memory_space<hbm>>
      tpu.enqueue_indirect_dma source(%dma_start3A_200 : memref<10000x128xf32, #tpu.memory_space<hbm>>) target(%arg8 : memref<64x128xf32, #tpu.memory_space<vmem>>) offsets(%dma_start3A_197 : memref<64xi32, #tpu.memory_space<vmem>>) semaphore(%arg11 : memref<!tpu.dma_semaphore, #tpu.memory_space<semaphore_mem>>)
      %dma_wait3A_201 = arith.constant 9 : i32
      %dma_wait3A_202 = arith.constant 0 : i32
      %dma_wait3A_203 = tpu.memref_slice %arg6[%dma_wait3A_201, %dma_wait3A_202] : memref<16x64xi32, #tpu.memory_space<vmem>> -> memref<1x64xi32, #tpu.memory_space<vmem>>
      %dma_wait3A_204 = tpu.memref_squeeze %dma_wait3A_203 : memref<1x64xi32, #tpu.memory_space<vmem>> -> memref<64xi32, #tpu.memory_space<vmem>>
      %dma_wait3A_205 = arith.constant 0 : i32
      %dma_wait3A_206 = arith.constant 0 : i32
      %dma_wait3A_207 = tpu.memref_slice %arg2[%dma_wait3A_205, %dma_wait3A_206] : memref<10000x128xf32, #tpu.memory_space<hbm>> -> memref<10000x128xf32, #tpu.memory_space<hbm>>
      tpu.wait_indirect_dma semaphore(%arg12 : memref<!tpu.dma_semaphore, #tpu.memory_space<semaphore_mem>>) src(%dma_wait3A_207 : memref<10000x128xf32, #tpu.memory_space<hbm>>) dst(%arg9 : memref<64x128xf32, #tpu.memory_space<vmem>>)
      %run_scoped3A_208 = arith.constant 9 : i32
      "tpu.region"() ({
        %run_scoped3A_292 = tpu.sem_alloc : memref<!tpu.dma_semaphore, #tpu.memory_space<semaphore_mem>>
        %dma_start3A_293 = arith.constant 0 : i32
        %dma_start3A_294 = tpu.memref_slice %arg7[%run_scoped3A_208, %dma_start3A_293] : memref<16x64xi32, #tpu.memory_space<vmem>> -> memref<1x64xi32, #tpu.memory_space<vmem>>
        %dma_start3A_295 = tpu.memref_squeeze %dma_start3A_294 : memref<1x64xi32, #tpu.memory_space<vmem>> -> memref<64xi32, #tpu.memory_space<vmem>>
        %dma_start3A_296 = arith.constant 0 : i32
        %dma_start3A_297 = arith.constant 0 : i32
        %dma_start3A_298 = tpu.memref_slice %arg10[%dma_start3A_296, %dma_start3A_297] : memref<10112x128xf32, #tpu.memory_space<vmem_shared>> -> memref<10112x128xf32, #tpu.memory_space<vmem_shared>>
        tpu.enqueue_indirect_dma source(%arg9 : memref<64x128xf32, #tpu.memory_space<vmem>>) target(%dma_start3A_298 : memref<10112x128xf32, #tpu.memory_space<vmem_shared>>) offsets(%dma_start3A_295 : memref<64xi32, #tpu.memory_space<vmem>>) semaphore(%run_scoped3A_292 : memref<!tpu.dma_semaphore, #tpu.memory_space<semaphore_mem>>) {add = true}
        %dma_wait3A_299 = arith.constant 0 : i32
        %dma_wait3A_300 = tpu.memref_slice %arg7[%run_scoped3A_208, %dma_wait3A_299] : memref<16x64xi32, #tpu.memory_space<vmem>> -> memref<1x64xi32, #tpu.memory_space<vmem>>
        %dma_wait3A_301 = tpu.memref_squeeze %dma_wait3A_300 : memref<1x64xi32, #tpu.memory_space<vmem>> -> memref<64xi32, #tpu.memory_space<vmem>>
        %dma_wait3A_302 = arith.constant 0 : i32
        %dma_wait3A_303 = arith.constant 0 : i32
        %dma_wait3A_304 = tpu.memref_slice %arg10[%dma_wait3A_302, %dma_wait3A_303] : memref<10112x128xf32, #tpu.memory_space<vmem_shared>> -> memref<10112x128xf32, #tpu.memory_space<vmem_shared>>
        tpu.wait_indirect_dma semaphore(%run_scoped3A_292 : memref<!tpu.dma_semaphore, #tpu.memory_space<semaphore_mem>>) src(%arg9 : memref<64x128xf32, #tpu.memory_space<vmem>>) dst(%dma_wait3A_304 : memref<10112x128xf32, #tpu.memory_space<vmem_shared>>)
        tpu.yield
      }) : () -> ()
      %dma_start3A_209 = arith.constant 11 : i32
      %dma_start3A_210 = arith.constant 0 : i32
      %dma_start3A_211 = tpu.memref_slice %arg6[%dma_start3A_209, %dma_start3A_210] : memref<16x64xi32, #tpu.memory_space<vmem>> -> memref<1x64xi32, #tpu.memory_space<vmem>>
      %dma_start3A_212 = tpu.memref_squeeze %dma_start3A_211 : memref<1x64xi32, #tpu.memory_space<vmem>> -> memref<64xi32, #tpu.memory_space<vmem>>
      %dma_start3A_213 = arith.constant 0 : i32
      %dma_start3A_214 = arith.constant 0 : i32
      %dma_start3A_215 = tpu.memref_slice %arg2[%dma_start3A_213, %dma_start3A_214] : memref<10000x128xf32, #tpu.memory_space<hbm>> -> memref<10000x128xf32, #tpu.memory_space<hbm>>
      tpu.enqueue_indirect_dma source(%dma_start3A_215 : memref<10000x128xf32, #tpu.memory_space<hbm>>) target(%arg9 : memref<64x128xf32, #tpu.memory_space<vmem>>) offsets(%dma_start3A_212 : memref<64xi32, #tpu.memory_space<vmem>>) semaphore(%arg12 : memref<!tpu.dma_semaphore, #tpu.memory_space<semaphore_mem>>)
      %dma_wait3A_216 = arith.constant 10 : i32
      %dma_wait3A_217 = arith.constant 0 : i32
      %dma_wait3A_218 = tpu.memref_slice %arg6[%dma_wait3A_216, %dma_wait3A_217] : memref<16x64xi32, #tpu.memory_space<vmem>> -> memref<1x64xi32, #tpu.memory_space<vmem>>
      %dma_wait3A_219 = tpu.memref_squeeze %dma_wait3A_218 : memref<1x64xi32, #tpu.memory_space<vmem>> -> memref<64xi32, #tpu.memory_space<vmem>>
      %dma_wait3A_220 = arith.constant 0 : i32
      %dma_wait3A_221 = arith.constant 0 : i32
      %dma_wait3A_222 = tpu.memref_slice %arg2[%dma_wait3A_220, %dma_wait3A_221] : memref<10000x128xf32, #tpu.memory_space<hbm>> -> memref<10000x128xf32, #tpu.memory_space<hbm>>
      tpu.wait_indirect_dma semaphore(%arg11 : memref<!tpu.dma_semaphore, #tpu.memory_space<semaphore_mem>>) src(%dma_wait3A_222 : memref<10000x128xf32, #tpu.memory_space<hbm>>) dst(%arg8 : memref<64x128xf32, #tpu.memory_space<vmem>>)
      %run_scoped3A_223 = arith.constant 10 : i32
      "tpu.region"() ({
        %run_scoped3A_292 = tpu.sem_alloc : memref<!tpu.dma_semaphore, #tpu.memory_space<semaphore_mem>>
        %dma_start3A_293 = arith.constant 0 : i32
        %dma_start3A_294 = tpu.memref_slice %arg7[%run_scoped3A_223, %dma_start3A_293] : memref<16x64xi32, #tpu.memory_space<vmem>> -> memref<1x64xi32, #tpu.memory_space<vmem>>
        %dma_start3A_295 = tpu.memref_squeeze %dma_start3A_294 : memref<1x64xi32, #tpu.memory_space<vmem>> -> memref<64xi32, #tpu.memory_space<vmem>>
        %dma_start3A_296 = arith.constant 0 : i32
        %dma_start3A_297 = arith.constant 0 : i32
        %dma_start3A_298 = tpu.memref_slice %arg10[%dma_start3A_296, %dma_start3A_297] : memref<10112x128xf32, #tpu.memory_space<vmem_shared>> -> memref<10112x128xf32, #tpu.memory_space<vmem_shared>>
        tpu.enqueue_indirect_dma source(%arg8 : memref<64x128xf32, #tpu.memory_space<vmem>>) target(%dma_start3A_298 : memref<10112x128xf32, #tpu.memory_space<vmem_shared>>) offsets(%dma_start3A_295 : memref<64xi32, #tpu.memory_space<vmem>>) semaphore(%run_scoped3A_292 : memref<!tpu.dma_semaphore, #tpu.memory_space<semaphore_mem>>) {add = true}
        %dma_wait3A_299 = arith.constant 0 : i32
        %dma_wait3A_300 = tpu.memref_slice %arg7[%run_scoped3A_223, %dma_wait3A_299] : memref<16x64xi32, #tpu.memory_space<vmem>> -> memref<1x64xi32, #tpu.memory_space<vmem>>
        %dma_wait3A_301 = tpu.memref_squeeze %dma_wait3A_300 : memref<1x64xi32, #tpu.memory_space<vmem>> -> memref<64xi32, #tpu.memory_space<vmem>>
        %dma_wait3A_302 = arith.constant 0 : i32
        %dma_wait3A_303 = arith.constant 0 : i32
        %dma_wait3A_304 = tpu.memref_slice %arg10[%dma_wait3A_302, %dma_wait3A_303] : memref<10112x128xf32, #tpu.memory_space<vmem_shared>> -> memref<10112x128xf32, #tpu.memory_space<vmem_shared>>
        tpu.wait_indirect_dma semaphore(%run_scoped3A_292 : memref<!tpu.dma_semaphore, #tpu.memory_space<semaphore_mem>>) src(%arg8 : memref<64x128xf32, #tpu.memory_space<vmem>>) dst(%dma_wait3A_304 : memref<10112x128xf32, #tpu.memory_space<vmem_shared>>)
        tpu.yield
      }) : () -> ()
      %dma_start3A_224 = arith.constant 12 : i32
      %dma_start3A_225 = arith.constant 0 : i32
      %dma_start3A_226 = tpu.memref_slice %arg6[%dma_start3A_224, %dma_start3A_225] : memref<16x64xi32, #tpu.memory_space<vmem>> -> memref<1x64xi32, #tpu.memory_space<vmem>>
      %dma_start3A_227 = tpu.memref_squeeze %dma_start3A_226 : memref<1x64xi32, #tpu.memory_space<vmem>> -> memref<64xi32, #tpu.memory_space<vmem>>
      %dma_start3A_228 = arith.constant 0 : i32
      %dma_start3A_229 = arith.constant 0 : i32
      %dma_start3A_230 = tpu.memref_slice %arg2[%dma_start3A_228, %dma_start3A_229] : memref<10000x128xf32, #tpu.memory_space<hbm>> -> memref<10000x128xf32, #tpu.memory_space<hbm>>
      tpu.enqueue_indirect_dma source(%dma_start3A_230 : memref<10000x128xf32, #tpu.memory_space<hbm>>) target(%arg8 : memref<64x128xf32, #tpu.memory_space<vmem>>) offsets(%dma_start3A_227 : memref<64xi32, #tpu.memory_space<vmem>>) semaphore(%arg11 : memref<!tpu.dma_semaphore, #tpu.memory_space<semaphore_mem>>)
      %dma_wait3A_231 = arith.constant 11 : i32
      %dma_wait3A_232 = arith.constant 0 : i32
      %dma_wait3A_233 = tpu.memref_slice %arg6[%dma_wait3A_231, %dma_wait3A_232] : memref<16x64xi32, #tpu.memory_space<vmem>> -> memref<1x64xi32, #tpu.memory_space<vmem>>
      %dma_wait3A_234 = tpu.memref_squeeze %dma_wait3A_233 : memref<1x64xi32, #tpu.memory_space<vmem>> -> memref<64xi32, #tpu.memory_space<vmem>>
      %dma_wait3A_235 = arith.constant 0 : i32
      %dma_wait3A_236 = arith.constant 0 : i32
      %dma_wait3A_237 = tpu.memref_slice %arg2[%dma_wait3A_235, %dma_wait3A_236] : memref<10000x128xf32, #tpu.memory_space<hbm>> -> memref<10000x128xf32, #tpu.memory_space<hbm>>
      tpu.wait_indirect_dma semaphore(%arg12 : memref<!tpu.dma_semaphore, #tpu.memory_space<semaphore_mem>>) src(%dma_wait3A_237 : memref<10000x128xf32, #tpu.memory_space<hbm>>) dst(%arg9 : memref<64x128xf32, #tpu.memory_space<vmem>>)
      %run_scoped3A_238 = arith.constant 11 : i32
      "tpu.region"() ({
        %run_scoped3A_292 = tpu.sem_alloc : memref<!tpu.dma_semaphore, #tpu.memory_space<semaphore_mem>>
        %dma_start3A_293 = arith.constant 0 : i32
        %dma_start3A_294 = tpu.memref_slice %arg7[%run_scoped3A_238, %dma_start3A_293] : memref<16x64xi32, #tpu.memory_space<vmem>> -> memref<1x64xi32, #tpu.memory_space<vmem>>
        %dma_start3A_295 = tpu.memref_squeeze %dma_start3A_294 : memref<1x64xi32, #tpu.memory_space<vmem>> -> memref<64xi32, #tpu.memory_space<vmem>>
        %dma_start3A_296 = arith.constant 0 : i32
        %dma_start3A_297 = arith.constant 0 : i32
        %dma_start3A_298 = tpu.memref_slice %arg10[%dma_start3A_296, %dma_start3A_297] : memref<10112x128xf32, #tpu.memory_space<vmem_shared>> -> memref<10112x128xf32, #tpu.memory_space<vmem_shared>>
        tpu.enqueue_indirect_dma source(%arg9 : memref<64x128xf32, #tpu.memory_space<vmem>>) target(%dma_start3A_298 : memref<10112x128xf32, #tpu.memory_space<vmem_shared>>) offsets(%dma_start3A_295 : memref<64xi32, #tpu.memory_space<vmem>>) semaphore(%run_scoped3A_292 : memref<!tpu.dma_semaphore, #tpu.memory_space<semaphore_mem>>) {add = true}
        %dma_wait3A_299 = arith.constant 0 : i32
        %dma_wait3A_300 = tpu.memref_slice %arg7[%run_scoped3A_238, %dma_wait3A_299] : memref<16x64xi32, #tpu.memory_space<vmem>> -> memref<1x64xi32, #tpu.memory_space<vmem>>
        %dma_wait3A_301 = tpu.memref_squeeze %dma_wait3A_300 : memref<1x64xi32, #tpu.memory_space<vmem>> -> memref<64xi32, #tpu.memory_space<vmem>>
        %dma_wait3A_302 = arith.constant 0 : i32
        %dma_wait3A_303 = arith.constant 0 : i32
        %dma_wait3A_304 = tpu.memref_slice %arg10[%dma_wait3A_302, %dma_wait3A_303] : memref<10112x128xf32, #tpu.memory_space<vmem_shared>> -> memref<10112x128xf32, #tpu.memory_space<vmem_shared>>
        tpu.wait_indirect_dma semaphore(%run_scoped3A_292 : memref<!tpu.dma_semaphore, #tpu.memory_space<semaphore_mem>>) src(%arg9 : memref<64x128xf32, #tpu.memory_space<vmem>>) dst(%dma_wait3A_304 : memref<10112x128xf32, #tpu.memory_space<vmem_shared>>)
        tpu.yield
      }) : () -> ()
      %dma_start3A_239 = arith.constant 13 : i32
      %dma_start3A_240 = arith.constant 0 : i32
      %dma_start3A_241 = tpu.memref_slice %arg6[%dma_start3A_239, %dma_start3A_240] : memref<16x64xi32, #tpu.memory_space<vmem>> -> memref<1x64xi32, #tpu.memory_space<vmem>>
      %dma_start3A_242 = tpu.memref_squeeze %dma_start3A_241 : memref<1x64xi32, #tpu.memory_space<vmem>> -> memref<64xi32, #tpu.memory_space<vmem>>
      %dma_start3A_243 = arith.constant 0 : i32
      %dma_start3A_244 = arith.constant 0 : i32
      %dma_start3A_245 = tpu.memref_slice %arg2[%dma_start3A_243, %dma_start3A_244] : memref<10000x128xf32, #tpu.memory_space<hbm>> -> memref<10000x128xf32, #tpu.memory_space<hbm>>
      tpu.enqueue_indirect_dma source(%dma_start3A_245 : memref<10000x128xf32, #tpu.memory_space<hbm>>) target(%arg9 : memref<64x128xf32, #tpu.memory_space<vmem>>) offsets(%dma_start3A_242 : memref<64xi32, #tpu.memory_space<vmem>>) semaphore(%arg12 : memref<!tpu.dma_semaphore, #tpu.memory_space<semaphore_mem>>)
      %dma_wait3A_246 = arith.constant 12 : i32
      %dma_wait3A_247 = arith.constant 0 : i32
      %dma_wait3A_248 = tpu.memref_slice %arg6[%dma_wait3A_246, %dma_wait3A_247] : memref<16x64xi32, #tpu.memory_space<vmem>> -> memref<1x64xi32, #tpu.memory_space<vmem>>
      %dma_wait3A_249 = tpu.memref_squeeze %dma_wait3A_248 : memref<1x64xi32, #tpu.memory_space<vmem>> -> memref<64xi32, #tpu.memory_space<vmem>>
      %dma_wait3A_250 = arith.constant 0 : i32
      %dma_wait3A_251 = arith.constant 0 : i32
      %dma_wait3A_252 = tpu.memref_slice %arg2[%dma_wait3A_250, %dma_wait3A_251] : memref<10000x128xf32, #tpu.memory_space<hbm>> -> memref<10000x128xf32, #tpu.memory_space<hbm>>
      tpu.wait_indirect_dma semaphore(%arg11 : memref<!tpu.dma_semaphore, #tpu.memory_space<semaphore_mem>>) src(%dma_wait3A_252 : memref<10000x128xf32, #tpu.memory_space<hbm>>) dst(%arg8 : memref<64x128xf32, #tpu.memory_space<vmem>>)
      %run_scoped3A_253 = arith.constant 12 : i32
      "tpu.region"() ({
        %run_scoped3A_292 = tpu.sem_alloc : memref<!tpu.dma_semaphore, #tpu.memory_space<semaphore_mem>>
        %dma_start3A_293 = arith.constant 0 : i32
        %dma_start3A_294 = tpu.memref_slice %arg7[%run_scoped3A_253, %dma_start3A_293] : memref<16x64xi32, #tpu.memory_space<vmem>> -> memref<1x64xi32, #tpu.memory_space<vmem>>
        %dma_start3A_295 = tpu.memref_squeeze %dma_start3A_294 : memref<1x64xi32, #tpu.memory_space<vmem>> -> memref<64xi32, #tpu.memory_space<vmem>>
        %dma_start3A_296 = arith.constant 0 : i32
        %dma_start3A_297 = arith.constant 0 : i32
        %dma_start3A_298 = tpu.memref_slice %arg10[%dma_start3A_296, %dma_start3A_297] : memref<10112x128xf32, #tpu.memory_space<vmem_shared>> -> memref<10112x128xf32, #tpu.memory_space<vmem_shared>>
        tpu.enqueue_indirect_dma source(%arg8 : memref<64x128xf32, #tpu.memory_space<vmem>>) target(%dma_start3A_298 : memref<10112x128xf32, #tpu.memory_space<vmem_shared>>) offsets(%dma_start3A_295 : memref<64xi32, #tpu.memory_space<vmem>>) semaphore(%run_scoped3A_292 : memref<!tpu.dma_semaphore, #tpu.memory_space<semaphore_mem>>) {add = true}
        %dma_wait3A_299 = arith.constant 0 : i32
        %dma_wait3A_300 = tpu.memref_slice %arg7[%run_scoped3A_253, %dma_wait3A_299] : memref<16x64xi32, #tpu.memory_space<vmem>> -> memref<1x64xi32, #tpu.memory_space<vmem>>
        %dma_wait3A_301 = tpu.memref_squeeze %dma_wait3A_300 : memref<1x64xi32, #tpu.memory_space<vmem>> -> memref<64xi32, #tpu.memory_space<vmem>>
        %dma_wait3A_302 = arith.constant 0 : i32
        %dma_wait3A_303 = arith.constant 0 : i32
        %dma_wait3A_304 = tpu.memref_slice %arg10[%dma_wait3A_302, %dma_wait3A_303] : memref<10112x128xf32, #tpu.memory_space<vmem_shared>> -> memref<10112x128xf32, #tpu.memory_space<vmem_shared>>
        tpu.wait_indirect_dma semaphore(%run_scoped3A_292 : memref<!tpu.dma_semaphore, #tpu.memory_space<semaphore_mem>>) src(%arg8 : memref<64x128xf32, #tpu.memory_space<vmem>>) dst(%dma_wait3A_304 : memref<10112x128xf32, #tpu.memory_space<vmem_shared>>)
        tpu.yield
      }) : () -> ()
      %dma_start3A_254 = arith.constant 14 : i32
      %dma_start3A_255 = arith.constant 0 : i32
      %dma_start3A_256 = tpu.memref_slice %arg6[%dma_start3A_254, %dma_start3A_255] : memref<16x64xi32, #tpu.memory_space<vmem>> -> memref<1x64xi32, #tpu.memory_space<vmem>>
      %dma_start3A_257 = tpu.memref_squeeze %dma_start3A_256 : memref<1x64xi32, #tpu.memory_space<vmem>> -> memref<64xi32, #tpu.memory_space<vmem>>
      %dma_start3A_258 = arith.constant 0 : i32
      %dma_start3A_259 = arith.constant 0 : i32
      %dma_start3A_260 = tpu.memref_slice %arg2[%dma_start3A_258, %dma_start3A_259] : memref<10000x128xf32, #tpu.memory_space<hbm>> -> memref<10000x128xf32, #tpu.memory_space<hbm>>
      tpu.enqueue_indirect_dma source(%dma_start3A_260 : memref<10000x128xf32, #tpu.memory_space<hbm>>) target(%arg8 : memref<64x128xf32, #tpu.memory_space<vmem>>) offsets(%dma_start3A_257 : memref<64xi32, #tpu.memory_space<vmem>>) semaphore(%arg11 : memref<!tpu.dma_semaphore, #tpu.memory_space<semaphore_mem>>)
      %dma_wait3A_261 = arith.constant 13 : i32
      %dma_wait3A_262 = arith.constant 0 : i32
      %dma_wait3A_263 = tpu.memref_slice %arg6[%dma_wait3A_261, %dma_wait3A_262] : memref<16x64xi32, #tpu.memory_space<vmem>> -> memref<1x64xi32, #tpu.memory_space<vmem>>
      %dma_wait3A_264 = tpu.memref_squeeze %dma_wait3A_263 : memref<1x64xi32, #tpu.memory_space<vmem>> -> memref<64xi32, #tpu.memory_space<vmem>>
      %dma_wait3A_265 = arith.constant 0 : i32
      %dma_wait3A_266 = arith.constant 0 : i32
      %dma_wait3A_267 = tpu.memref_slice %arg2[%dma_wait3A_265, %dma_wait3A_266] : memref<10000x128xf32, #tpu.memory_space<hbm>> -> memref<10000x128xf32, #tpu.memory_space<hbm>>
      tpu.wait_indirect_dma semaphore(%arg12 : memref<!tpu.dma_semaphore, #tpu.memory_space<semaphore_mem>>) src(%dma_wait3A_267 : memref<10000x128xf32, #tpu.memory_space<hbm>>) dst(%arg9 : memref<64x128xf32, #tpu.memory_space<vmem>>)
      %run_scoped3A_268 = arith.constant 13 : i32
      "tpu.region"() ({
        %run_scoped3A_292 = tpu.sem_alloc : memref<!tpu.dma_semaphore, #tpu.memory_space<semaphore_mem>>
        %dma_start3A_293 = arith.constant 0 : i32
        %dma_start3A_294 = tpu.memref_slice %arg7[%run_scoped3A_268, %dma_start3A_293] : memref<16x64xi32, #tpu.memory_space<vmem>> -> memref<1x64xi32, #tpu.memory_space<vmem>>
        %dma_start3A_295 = tpu.memref_squeeze %dma_start3A_294 : memref<1x64xi32, #tpu.memory_space<vmem>> -> memref<64xi32, #tpu.memory_space<vmem>>
        %dma_start3A_296 = arith.constant 0 : i32
        %dma_start3A_297 = arith.constant 0 : i32
        %dma_start3A_298 = tpu.memref_slice %arg10[%dma_start3A_296, %dma_start3A_297] : memref<10112x128xf32, #tpu.memory_space<vmem_shared>> -> memref<10112x128xf32, #tpu.memory_space<vmem_shared>>
        tpu.enqueue_indirect_dma source(%arg9 : memref<64x128xf32, #tpu.memory_space<vmem>>) target(%dma_start3A_298 : memref<10112x128xf32, #tpu.memory_space<vmem_shared>>) offsets(%dma_start3A_295 : memref<64xi32, #tpu.memory_space<vmem>>) semaphore(%run_scoped3A_292 : memref<!tpu.dma_semaphore, #tpu.memory_space<semaphore_mem>>) {add = true}
        %dma_wait3A_299 = arith.constant 0 : i32
        %dma_wait3A_300 = tpu.memref_slice %arg7[%run_scoped3A_268, %dma_wait3A_299] : memref<16x64xi32, #tpu.memory_space<vmem>> -> memref<1x64xi32, #tpu.memory_space<vmem>>
        %dma_wait3A_301 = tpu.memref_squeeze %dma_wait3A_300 : memref<1x64xi32, #tpu.memory_space<vmem>> -> memref<64xi32, #tpu.memory_space<vmem>>
        %dma_wait3A_302 = arith.constant 0 : i32
        %dma_wait3A_303 = arith.constant 0 : i32
        %dma_wait3A_304 = tpu.memref_slice %arg10[%dma_wait3A_302, %dma_wait3A_303] : memref<10112x128xf32, #tpu.memory_space<vmem_shared>> -> memref<10112x128xf32, #tpu.memory_space<vmem_shared>>
        tpu.wait_indirect_dma semaphore(%run_scoped3A_292 : memref<!tpu.dma_semaphore, #tpu.memory_space<semaphore_mem>>) src(%arg9 : memref<64x128xf32, #tpu.memory_space<vmem>>) dst(%dma_wait3A_304 : memref<10112x128xf32, #tpu.memory_space<vmem_shared>>)
        tpu.yield
      }) : () -> ()
      %dma_start3A_269 = arith.constant 15 : i32
      %dma_start3A_270 = arith.constant 0 : i32
      %dma_start3A_271 = tpu.memref_slice %arg6[%dma_start3A_269, %dma_start3A_270] : memref<16x64xi32, #tpu.memory_space<vmem>> -> memref<1x64xi32, #tpu.memory_space<vmem>>
      %dma_start3A_272 = tpu.memref_squeeze %dma_start3A_271 : memref<1x64xi32, #tpu.memory_space<vmem>> -> memref<64xi32, #tpu.memory_space<vmem>>
      %dma_start3A_273 = arith.constant 0 : i32
      %dma_start3A_274 = arith.constant 0 : i32
      %dma_start3A_275 = tpu.memref_slice %arg2[%dma_start3A_273, %dma_start3A_274] : memref<10000x128xf32, #tpu.memory_space<hbm>> -> memref<10000x128xf32, #tpu.memory_space<hbm>>
      tpu.enqueue_indirect_dma source(%dma_start3A_275 : memref<10000x128xf32, #tpu.memory_space<hbm>>) target(%arg9 : memref<64x128xf32, #tpu.memory_space<vmem>>) offsets(%dma_start3A_272 : memref<64xi32, #tpu.memory_space<vmem>>) semaphore(%arg12 : memref<!tpu.dma_semaphore, #tpu.memory_space<semaphore_mem>>)
      %dma_wait3A_276 = arith.constant 14 : i32
      %dma_wait3A_277 = arith.constant 0 : i32
      %dma_wait3A_278 = tpu.memref_slice %arg6[%dma_wait3A_276, %dma_wait3A_277] : memref<16x64xi32, #tpu.memory_space<vmem>> -> memref<1x64xi32, #tpu.memory_space<vmem>>
      %dma_wait3A_279 = tpu.memref_squeeze %dma_wait3A_278 : memref<1x64xi32, #tpu.memory_space<vmem>> -> memref<64xi32, #tpu.memory_space<vmem>>
      %dma_wait3A_280 = arith.constant 0 : i32
      %dma_wait3A_281 = arith.constant 0 : i32
      %dma_wait3A_282 = tpu.memref_slice %arg2[%dma_wait3A_280, %dma_wait3A_281] : memref<10000x128xf32, #tpu.memory_space<hbm>> -> memref<10000x128xf32, #tpu.memory_space<hbm>>
      tpu.wait_indirect_dma semaphore(%arg11 : memref<!tpu.dma_semaphore, #tpu.memory_space<semaphore_mem>>) src(%dma_wait3A_282 : memref<10000x128xf32, #tpu.memory_space<hbm>>) dst(%arg8 : memref<64x128xf32, #tpu.memory_space<vmem>>)
      %run_scoped3A_283 = arith.constant 14 : i32
      "tpu.region"() ({
        %run_scoped3A_292 = tpu.sem_alloc : memref<!tpu.dma_semaphore, #tpu.memory_space<semaphore_mem>>
        %dma_start3A_293 = arith.constant 0 : i32
        %dma_start3A_294 = tpu.memref_slice %arg7[%run_scoped3A_283, %dma_start3A_293] : memref<16x64xi32, #tpu.memory_space<vmem>> -> memref<1x64xi32, #tpu.memory_space<vmem>>
        %dma_start3A_295 = tpu.memref_squeeze %dma_start3A_294 : memref<1x64xi32, #tpu.memory_space<vmem>> -> memref<64xi32, #tpu.memory_space<vmem>>
        %dma_start3A_296 = arith.constant 0 : i32
        %dma_start3A_297 = arith.constant 0 : i32
        %dma_start3A_298 = tpu.memref_slice %arg10[%dma_start3A_296, %dma_start3A_297] : memref<10112x128xf32, #tpu.memory_space<vmem_shared>> -> memref<10112x128xf32, #tpu.memory_space<vmem_shared>>
        tpu.enqueue_indirect_dma source(%arg8 : memref<64x128xf32, #tpu.memory_space<vmem>>) target(%dma_start3A_298 : memref<10112x128xf32, #tpu.memory_space<vmem_shared>>) offsets(%dma_start3A_295 : memref<64xi32, #tpu.memory_space<vmem>>) semaphore(%run_scoped3A_292 : memref<!tpu.dma_semaphore, #tpu.memory_space<semaphore_mem>>) {add = true}
        %dma_wait3A_299 = arith.constant 0 : i32
        %dma_wait3A_300 = tpu.memref_slice %arg7[%run_scoped3A_283, %dma_wait3A_299] : memref<16x64xi32, #tpu.memory_space<vmem>> -> memref<1x64xi32, #tpu.memory_space<vmem>>
        %dma_wait3A_301 = tpu.memref_squeeze %dma_wait3A_300 : memref<1x64xi32, #tpu.memory_space<vmem>> -> memref<64xi32, #tpu.memory_space<vmem>>
        %dma_wait3A_302 = arith.constant 0 : i32
        %dma_wait3A_303 = arith.constant 0 : i32
        %dma_wait3A_304 = tpu.memref_slice %arg10[%dma_wait3A_302, %dma_wait3A_303] : memref<10112x128xf32, #tpu.memory_space<vmem_shared>> -> memref<10112x128xf32, #tpu.memory_space<vmem_shared>>
        tpu.wait_indirect_dma semaphore(%run_scoped3A_292 : memref<!tpu.dma_semaphore, #tpu.memory_space<semaphore_mem>>) src(%arg8 : memref<64x128xf32, #tpu.memory_space<vmem>>) dst(%dma_wait3A_304 : memref<10112x128xf32, #tpu.memory_space<vmem_shared>>)
        tpu.yield
      }) : () -> ()
      %dma_wait3A_284 = arith.constant 15 : i32
      %dma_wait3A_285 = arith.constant 0 : i32
      %dma_wait3A_286 = tpu.memref_slice %arg6[%dma_wait3A_284, %dma_wait3A_285] : memref<16x64xi32, #tpu.memory_space<vmem>> -> memref<1x64xi32, #tpu.memory_space<vmem>>
      %dma_wait3A_287 = tpu.memref_squeeze %dma_wait3A_286 : memref<1x64xi32, #tpu.memory_space<vmem>> -> memref<64xi32, #tpu.memory_space<vmem>>
      %dma_wait3A_288 = arith.constant 0 : i32
      %dma_wait3A_289 = arith.constant 0 : i32
      %dma_wait3A_290 = tpu.memref_slice %arg2[%dma_wait3A_288, %dma_wait3A_289] : memref<10000x128xf32, #tpu.memory_space<hbm>> -> memref<10000x128xf32, #tpu.memory_space<hbm>>
      tpu.wait_indirect_dma semaphore(%arg12 : memref<!tpu.dma_semaphore, #tpu.memory_space<semaphore_mem>>) src(%dma_wait3A_290 : memref<10000x128xf32, #tpu.memory_space<hbm>>) dst(%arg9 : memref<64x128xf32, #tpu.memory_space<vmem>>)
      %run_scoped3A_291 = arith.constant 15 : i32
      "tpu.region"() ({
        %run_scoped3A_292 = tpu.sem_alloc : memref<!tpu.dma_semaphore, #tpu.memory_space<semaphore_mem>>
        %dma_start3A_293 = arith.constant 0 : i32
        %dma_start3A_294 = tpu.memref_slice %arg7[%run_scoped3A_291, %dma_start3A_293] : memref<16x64xi32, #tpu.memory_space<vmem>> -> memref<1x64xi32, #tpu.memory_space<vmem>>
        %dma_start3A_295 = tpu.memref_squeeze %dma_start3A_294 : memref<1x64xi32, #tpu.memory_space<vmem>> -> memref<64xi32, #tpu.memory_space<vmem>>
        %dma_start3A_296 = arith.constant 0 : i32
        %dma_start3A_297 = arith.constant 0 : i32
        %dma_start3A_298 = tpu.memref_slice %arg10[%dma_start3A_296, %dma_start3A_297] : memref<10112x128xf32, #tpu.memory_space<vmem_shared>> -> memref<10112x128xf32, #tpu.memory_space<vmem_shared>>
        tpu.enqueue_indirect_dma source(%arg9 : memref<64x128xf32, #tpu.memory_space<vmem>>) target(%dma_start3A_298 : memref<10112x128xf32, #tpu.memory_space<vmem_shared>>) offsets(%dma_start3A_295 : memref<64xi32, #tpu.memory_space<vmem>>) semaphore(%run_scoped3A_292 : memref<!tpu.dma_semaphore, #tpu.memory_space<semaphore_mem>>) {add = true}
        %dma_wait3A_299 = arith.constant 0 : i32
        %dma_wait3A_300 = tpu.memref_slice %arg7[%run_scoped3A_291, %dma_wait3A_299] : memref<16x64xi32, #tpu.memory_space<vmem>> -> memref<1x64xi32, #tpu.memory_space<vmem>>
        %dma_wait3A_301 = tpu.memref_squeeze %dma_wait3A_300 : memref<1x64xi32, #tpu.memory_space<vmem>> -> memref<64xi32, #tpu.memory_space<vmem>>
        %dma_wait3A_302 = arith.constant 0 : i32
        %dma_wait3A_303 = arith.constant 0 : i32
        %dma_wait3A_304 = tpu.memref_slice %arg10[%dma_wait3A_302, %dma_wait3A_303] : memref<10112x128xf32, #tpu.memory_space<vmem_shared>> -> memref<10112x128xf32, #tpu.memory_space<vmem_shared>>
        tpu.wait_indirect_dma semaphore(%run_scoped3A_292 : memref<!tpu.dma_semaphore, #tpu.memory_space<semaphore_mem>>) src(%arg9 : memref<64x128xf32, #tpu.memory_space<vmem>>) dst(%dma_wait3A_304 : memref<10112x128xf32, #tpu.memory_space<vmem_shared>>)
        tpu.yield
      }) : () -> ()
    }
    %barrier3A_44 = arith.constant 0 : index
    tpu.barrier barrier_id(%barrier3A_44)
    %mul3A_45 = arith.constant 632 : i32
    %mul3A_46 = arith.muli %arg1, %mul3A_45 : i32
    %mul3A_47 = arith.constant 632 : i32
    %mul3A_48 = arith.muli %arg1, %mul3A_47 : i32
    "tpu.region"() ({
      %run_scoped3A = tpu.sem_alloc : memref<!tpu.dma_semaphore, #tpu.memory_space<semaphore_mem>>
      %dma_start3A = arith.constant 0 : i32
      %dma_start3A_49 = tpu.memref_slice %arg5[%arg0, %mul3A_48, %dma_start3A] : memref<2x10112x128xf32, #tpu.memory_space<hbm>> -> memref<1x632x128xf32, #tpu.memory_space<hbm>>
      %dma_start3A_50 = tpu.memref_squeeze %dma_start3A_49 : memref<1x632x128xf32, #tpu.memory_space<hbm>> -> memref<632x128xf32, #tpu.memory_space<hbm>>
      %dma_start3A_51 = arith.constant 0 : i32
      %dma_start3A_52 = tpu.memref_slice %arg10[%mul3A_46, %dma_start3A_51] : memref<10112x128xf32, #tpu.memory_space<vmem_shared>> -> memref<632x128xf32, #tpu.memory_space<vmem_shared>>
      tpu.enqueue_dma source(%dma_start3A_52 : memref<632x128xf32, #tpu.memory_space<vmem_shared>>) target(%dma_start3A_50 : memref<632x128xf32, #tpu.memory_space<hbm>>) target_semaphore(%run_scoped3A : memref<!tpu.dma_semaphore, #tpu.memory_space<semaphore_mem>>)
      %dma_wait3A = arith.constant 0 : i32
      %dma_wait3A_53 = tpu.memref_slice %arg5[%arg0, %mul3A_48, %dma_wait3A] : memref<2x10112x128xf32, #tpu.memory_space<hbm>> -> memref<1x632x128xf32, #tpu.memory_space<hbm>>
      %dma_wait3A_54 = tpu.memref_squeeze %dma_wait3A_53 : memref<1x632x128xf32, #tpu.memory_space<hbm>> -> memref<632x128xf32, #tpu.memory_space<hbm>>
      %dma_wait3A_55 = arith.constant 0 : i32
      %dma_wait3A_56 = tpu.memref_slice %arg10[%mul3A_46, %dma_wait3A_55] : memref<10112x128xf32, #tpu.memory_space<vmem_shared>> -> memref<632x128xf32, #tpu.memory_space<vmem_shared>>
      tpu.wait_dma2 semaphore(%run_scoped3A : memref<!tpu.dma_semaphore, #tpu.memory_space<semaphore_mem>>) src(%dma_wait3A_56 : memref<632x128xf32, #tpu.memory_space<vmem_shared>>) dst(%dma_wait3A_54 : memref<632x128xf32, #tpu.memory_space<hbm>>)
      tpu.yield
    }) : () -> ()
    return
  }
}

module attributes {stable_mosaic.version = 14 : i64} {
  func.func @_tc_pre_body(%arg0: i32, %arg1: memref<1024x128xf32, #tpu.memory_space<vmem>>, %arg2: memref<128x128xf32, #tpu.memory_space<vmem>>, %arg3: memref<1x128xf32, #tpu.memory_space<vmem>>, %arg4: memref<128x128xf32, #tpu.memory_space<vmem>>, %arg5: memref<1024x128xf32, #tpu.memory_space<vmem>>, %arg6: memref<1024x128xf32, #tpu.memory_space<vmem>>) attributes {dimension_semantics = [#tpu.dimension_semantics<arbitrary>], iteration_bounds = array<i64: 10>, scalar_prefetch = 0 : i64, scratch_operands = 0 : i64, tpu.core_type = #tpu.core_type<tc>, window_params = [{transform_indices = @transform_0, window_bounds = array<i64: 1024, 128>}, {pipeline_mode = #tpu.pipeline_mode<synchronous>, transform_indices = @transform_1, window_bounds = array<i64: 128, 128>}, {pipeline_mode = #tpu.pipeline_mode<synchronous>, transform_indices = @transform_2, window_bounds = array<i64: 1, 128>}, {pipeline_mode = #tpu.pipeline_mode<synchronous>, transform_indices = @transform_3, window_bounds = array<i64: 128, 128>}, {transform_indices = @transform_4, window_bounds = array<i64: 1024, 128>}, {transform_indices = @transform_5, window_bounds = array<i64: 1024, 128>}]} {
    %get3A = arith.constant 0 : index
    %get3A_0 = arith.constant 0 : index
    %get3A_1 = vector.load %arg1[%get3A, %get3A_0] : memref<1024x128xf32, #tpu.memory_space<vmem>>, vector<1024x128xf32>
    %get3A_2 = arith.constant 0 : index
    %get3A_3 = arith.constant 0 : index
    %get3A_4 = vector.load %arg2[%get3A_2, %get3A_3] : memref<128x128xf32, #tpu.memory_space<vmem>>, vector<128x128xf32>
    %dot_general3A = arith.constant dense<0.000000e+00> : vector<1024x128xf32>
    %dot_general3A_5 = tpu.matmul %get3A_1, %get3A_4, %dot_general3A {dimension_numbers = #tpu.dot_dimension_numbers<[1], [0], [0], [1], [0, 0, 1, 1], [], []>, transpose_lhs_hint = false} : vector<1024x128xf32>, vector<128x128xf32>, vector<1024x128xf32> -> vector<1024x128xf32>
    %get3A_6 = arith.constant 0 : index
    %get3A_7 = arith.constant 0 : index
    %get3A_8 = vector.load %arg3[%get3A_6, %get3A_7] : memref<1x128xf32, #tpu.memory_space<vmem>>, vector<1x128xf32>
    %add3A = vector.broadcast %get3A_8 : vector<1x128xf32> to vector<1024x128xf32>
    %add3A_9 = arith.addf %dot_general3A_5, %add3A : vector<1024x128xf32>
    %swap3A = arith.constant 0 : index
    %swap3A_10 = arith.constant 0 : index
    %swap3A_11 = vector.load %arg5[%swap3A, %swap3A_10] : memref<1024x128xf32, #tpu.memory_space<vmem>>, vector<1024x128xf32>
    tpu.vector_store %arg5[%swap3A, %swap3A_10], %add3A_9 {strides = array<i32>} : memref<1024x128xf32, #tpu.memory_space<vmem>>, vector<1024x128xf32>,
    %get3A_12 = arith.constant 0 : index
    %get3A_13 = arith.constant 0 : index
    %get3A_14 = vector.load %arg4[%get3A_12, %get3A_13] : memref<128x128xf32, #tpu.memory_space<vmem>>, vector<128x128xf32>
    %dot_general3A_15 = arith.constant dense<0.000000e+00> : vector<1024x128xf32>
    %dot_general3A_16 = tpu.matmul %add3A_9, %get3A_14, %dot_general3A_15 {dimension_numbers = #tpu.dot_dimension_numbers<[1], [0], [0], [1], [0, 0, 1, 1], [], []>, transpose_lhs_hint = false} : vector<1024x128xf32>, vector<128x128xf32>, vector<1024x128xf32> -> vector<1024x128xf32>
    %swap3A_17 = arith.constant 0 : index
    %swap3A_18 = arith.constant 0 : index
    %swap3A_19 = vector.load %arg6[%swap3A_17, %swap3A_18] : memref<1024x128xf32, #tpu.memory_space<vmem>>, vector<1024x128xf32>
    tpu.vector_store %arg6[%swap3A_17, %swap3A_18], %dot_general3A_16 {strides = array<i32>} : memref<1024x128xf32, #tpu.memory_space<vmem>>, vector<1024x128xf32>,
    return
  }
  func.func @transform_0(%arg0: i32) -> (i32, i32) {
    %c0_i32 = arith.constant 0 : i32
    %c0_i32_0 = arith.constant 0 : i32
    return %arg0, %c0_i32 : i32, i32
  }
  func.func @transform_1(%arg0: i32) -> (i32, i32) {
    %c0_i32 = arith.constant 0 : i32
    %c0_i32_0 = arith.constant 0 : i32
    %c0_i32_1 = arith.constant 0 : i32
    return %c0_i32, %c0_i32_0 : i32, i32
  }
  func.func @transform_2(%arg0: i32) -> (i32, i32) {
    %c0_i32 = arith.constant 0 : i32
    %c0_i32_0 = arith.constant 0 : i32
    %c0_i32_1 = arith.constant 0 : i32
    return %c0_i32, %c0_i32_0 : i32, i32
  }
  func.func @transform_3(%arg0: i32) -> (i32, i32) {
    %c0_i32 = arith.constant 0 : i32
    %c0_i32_0 = arith.constant 0 : i32
    %c0_i32_1 = arith.constant 0 : i32
    return %c0_i32, %c0_i32_0 : i32, i32
  }
  func.func @transform_4(%arg0: i32) -> (i32, i32) {
    %c0_i32 = arith.constant 0 : i32
    %c0_i32_0 = arith.constant 0 : i32
    return %arg0, %c0_i32 : i32, i32
  }
  func.func @transform_5(%arg0: i32) -> (i32, i32) {
    %c0_i32 = arith.constant 0 : i32
    %c0_i32_0 = arith.constant 0 : i32
    return %arg0, %c0_i32 : i32, i32
  }
}

module attributes {stable_mosaic.version = 14 : i64} {
  func.func @_tc_mid_body(%arg0: i32, %arg1: memref<1024x128xf32, #tpu.memory_space<vmem>>, %arg2: memref<2x1024x128xf32, #tpu.memory_space<vmem>>, %arg3: memref<32x1024xf32, #tpu.memory_space<vmem>>, %arg4: memref<128x128xf32, #tpu.memory_space<vmem>>, %arg5: memref<1x128xf32, #tpu.memory_space<vmem>>, %arg6: memref<128x128xf32, #tpu.memory_space<vmem>>, %arg7: memref<1024x128xf32, #tpu.memory_space<vmem>>, %arg8: memref<1024x128xf32, #tpu.memory_space<vmem>>) attributes {dimension_semantics = [#tpu.dimension_semantics<arbitrary>], iteration_bounds = array<i64: 10>, scalar_prefetch = 0 : i64, scratch_operands = 0 : i64, tpu.core_type = #tpu.core_type<tc>, window_params = [{transform_indices = @transform_0, window_bounds = array<i64: 1024, 128>}, {transform_indices = @transform_1, window_bounds = array<i64: 2, 1024, 128>}, {transform_indices = @transform_2, window_bounds = array<i64: 32, 1024>}, {pipeline_mode = #tpu.pipeline_mode<synchronous>, transform_indices = @transform_3, window_bounds = array<i64: 128, 128>}, {pipeline_mode = #tpu.pipeline_mode<synchronous>, transform_indices = @transform_4, window_bounds = array<i64: 1, 128>}, {pipeline_mode = #tpu.pipeline_mode<synchronous>, transform_indices = @transform_5, window_bounds = array<i64: 128, 128>}, {transform_indices = @transform_6, window_bounds = array<i64: 1024, 128>}, {transform_indices = @transform_7, window_bounds = array<i64: 1024, 128>}]} {
    %get3A = arith.constant 0 : index
    %get3A_0 = arith.constant 0 : index
    %get3A_1 = arith.constant 0 : index
    %get3A_2 = vector.load %arg2[%get3A, %get3A_0, %get3A_1] : memref<2x1024x128xf32, #tpu.memory_space<vmem>>, vector<1x1024x128xf32>
    %get3A_3 = vector.shape_cast %get3A_2 : vector<1x1024x128xf32> to vector<1024x128xf32>
    %get3A_4 = arith.constant 1 : index
    %get3A_5 = arith.constant 0 : index
    %get3A_6 = arith.constant 0 : index
    %get3A_7 = vector.load %arg2[%get3A_4, %get3A_5, %get3A_6] : memref<2x1024x128xf32, #tpu.memory_space<vmem>>, vector<1x1024x128xf32>
    %get3A_8 = vector.shape_cast %get3A_7 : vector<1x1024x128xf32> to vector<1024x128xf32>
    %add3A = arith.addf %get3A_3, %get3A_8 : vector<1024x128xf32>
    %get3A_9 = arith.constant 0 : index
    %get3A_10 = arith.constant 0 : index
    %get3A_11 = vector.load %arg3[%get3A_9, %get3A_10] : memref<32x1024xf32, #tpu.memory_space<vmem>>, vector<32x1024xf32>
    %reduce_sum3A = arith.constant dense<0.000000e+00> : vector<1024xf32>
    %reduce_sum3A_12 = vector.multi_reduction <add>, %get3A_11, %reduce_sum3A [0] : vector<32x1024xf32> to vector<1024xf32>
    %broadcast_in_dim3A = vector.shape_cast %reduce_sum3A_12 : vector<1024xf32> to vector<1024x1xf32>
    %max3A = arith.constant 1.000000e+00 : f32
    %max3A_13 = vector.broadcast %max3A : f32 to vector<1024x1xf32>
    %max3A_14 = arith.maximumf %broadcast_in_dim3A, %max3A_13 : vector<1024x1xf32>
    %div3A = vector.broadcast %max3A_14 : vector<1024x1xf32> to vector<1024x128xf32>
    %div3A_15 = arith.divf %add3A, %div3A : vector<1024x128xf32>
    %get3A_16 = arith.constant 0 : index
    %get3A_17 = arith.constant 0 : index
    %get3A_18 = vector.load %arg1[%get3A_16, %get3A_17] : memref<1024x128xf32, #tpu.memory_space<vmem>>, vector<1024x128xf32>
    %get3A_19 = arith.constant 0 : index
    %get3A_20 = arith.constant 0 : index
    %get3A_21 = vector.load %arg4[%get3A_19, %get3A_20] : memref<128x128xf32, #tpu.memory_space<vmem>>, vector<128x128xf32>
    %dot_general3A = arith.constant dense<0.000000e+00> : vector<1024x128xf32>
    %dot_general3A_22 = tpu.matmul %get3A_18, %get3A_21, %dot_general3A {dimension_numbers = #tpu.dot_dimension_numbers<[1], [0], [0], [1], [0, 0, 1, 1], [], []>, transpose_lhs_hint = false} : vector<1024x128xf32>, vector<128x128xf32>, vector<1024x128xf32> -> vector<1024x128xf32>
    %add3A_23 = arith.addf %dot_general3A_22, %div3A_15 : vector<1024x128xf32>
    %get3A_24 = arith.constant 0 : index
    %get3A_25 = arith.constant 0 : index
    %get3A_26 = vector.load %arg5[%get3A_24, %get3A_25] : memref<1x128xf32, #tpu.memory_space<vmem>>, vector<1x128xf32>
    %add3A_27 = vector.broadcast %get3A_26 : vector<1x128xf32> to vector<1024x128xf32>
    %add3A_28 = arith.addf %add3A_23, %add3A_27 : vector<1024x128xf32>
    %max3A_29 = arith.constant 0.000000e+00 : f32
    %max3A_30 = vector.broadcast %max3A_29 : f32 to vector<1024x128xf32>
    %max3A_31 = arith.maximumf %add3A_28, %max3A_30 : vector<1024x128xf32>
    %swap3A = arith.constant 0 : index
    %swap3A_32 = arith.constant 0 : index
    %swap3A_33 = vector.load %arg7[%swap3A, %swap3A_32] : memref<1024x128xf32, #tpu.memory_space<vmem>>, vector<1024x128xf32>
    tpu.vector_store %arg7[%swap3A, %swap3A_32], %max3A_31 {strides = array<i32>} : memref<1024x128xf32, #tpu.memory_space<vmem>>, vector<1024x128xf32>,
    %get3A_34 = arith.constant 0 : index
    %get3A_35 = arith.constant 0 : index
    %get3A_36 = vector.load %arg6[%get3A_34, %get3A_35] : memref<128x128xf32, #tpu.memory_space<vmem>>, vector<128x128xf32>
    %dot_general3A_37 = arith.constant dense<0.000000e+00> : vector<1024x128xf32>
    %dot_general3A_38 = tpu.matmul %max3A_31, %get3A_36, %dot_general3A_37 {dimension_numbers = #tpu.dot_dimension_numbers<[1], [0], [0], [1], [0, 0, 1, 1], [], []>, transpose_lhs_hint = false} : vector<1024x128xf32>, vector<128x128xf32>, vector<1024x128xf32> -> vector<1024x128xf32>
    %swap3A_39 = arith.constant 0 : index
    %swap3A_40 = arith.constant 0 : index
    %swap3A_41 = vector.load %arg8[%swap3A_39, %swap3A_40] : memref<1024x128xf32, #tpu.memory_space<vmem>>, vector<1024x128xf32>
    tpu.vector_store %arg8[%swap3A_39, %swap3A_40], %dot_general3A_38 {strides = array<i32>} : memref<1024x128xf32, #tpu.memory_space<vmem>>, vector<1024x128xf32>,
    return
  }
  func.func @transform_0(%arg0: i32) -> (i32, i32) {
    %c0_i32 = arith.constant 0 : i32
    %c0_i32_0 = arith.constant 0 : i32
    return %arg0, %c0_i32 : i32, i32
  }
  func.func @transform_1(%arg0: i32) -> (i32, i32, i32) {
    %c0_i32 = arith.constant 0 : i32
    %c0_i32_0 = arith.constant 0 : i32
    %c0_i32_1 = arith.constant 0 : i32
    return %c0_i32, %arg0, %c0_i32_0 : i32, i32, i32
  }
  func.func @transform_2(%arg0: i32) -> (i32, i32) {
    %c0_i32 = arith.constant 0 : i32
    %c0_i32_0 = arith.constant 0 : i32
    return %c0_i32, %arg0 : i32, i32
  }
  func.func @transform_3(%arg0: i32) -> (i32, i32) {
    %c0_i32 = arith.constant 0 : i32
    %c0_i32_0 = arith.constant 0 : i32
    %c0_i32_1 = arith.constant 0 : i32
    return %c0_i32, %c0_i32_0 : i32, i32
  }
  func.func @transform_4(%arg0: i32) -> (i32, i32) {
    %c0_i32 = arith.constant 0 : i32
    %c0_i32_0 = arith.constant 0 : i32
    %c0_i32_1 = arith.constant 0 : i32
    return %c0_i32, %c0_i32_0 : i32, i32
  }
  func.func @transform_5(%arg0: i32) -> (i32, i32) {
    %c0_i32 = arith.constant 0 : i32
    %c0_i32_0 = arith.constant 0 : i32
    %c0_i32_1 = arith.constant 0 : i32
    return %c0_i32, %c0_i32_0 : i32, i32
  }
  func.func @transform_6(%arg0: i32) -> (i32, i32) {
    %c0_i32 = arith.constant 0 : i32
    %c0_i32_0 = arith.constant 0 : i32
    return %arg0, %c0_i32 : i32, i32
  }
  func.func @transform_7(%arg0: i32) -> (i32, i32) {
    %c0_i32 = arith.constant 0 : i32
    %c0_i32_0 = arith.constant 0 : i32
    return %arg0, %c0_i32 : i32, i32
  }
}

module attributes {stable_mosaic.version = 14 : i64} {
  func.func @_tc_post_body(%arg0: i32, %arg1: memref<1024x128xf32, #tpu.memory_space<vmem>>, %arg2: memref<2x1024x128xf32, #tpu.memory_space<vmem>>, %arg3: memref<32x1024xf32, #tpu.memory_space<vmem>>, %arg4: memref<128x128xf32, #tpu.memory_space<vmem>>, %arg5: memref<1x128xf32, #tpu.memory_space<vmem>>, %arg6: memref<1x128xf32, #tpu.memory_space<vmem>>, %arg7: memref<1x1xf32, #tpu.memory_space<vmem>>, %arg8: memref<1024x1xf32, #tpu.memory_space<vmem>>) attributes {dimension_semantics = [#tpu.dimension_semantics<arbitrary>], iteration_bounds = array<i64: 10>, scalar_prefetch = 0 : i64, scratch_operands = 0 : i64, tpu.core_type = #tpu.core_type<tc>, window_params = [{transform_indices = @transform_0, window_bounds = array<i64: 1024, 128>}, {transform_indices = @transform_1, window_bounds = array<i64: 2, 1024, 128>}, {transform_indices = @transform_2, window_bounds = array<i64: 32, 1024>}, {pipeline_mode = #tpu.pipeline_mode<synchronous>, transform_indices = @transform_3, window_bounds = array<i64: 128, 128>}, {pipeline_mode = #tpu.pipeline_mode<synchronous>, transform_indices = @transform_4, window_bounds = array<i64: 1, 128>}, {pipeline_mode = #tpu.pipeline_mode<synchronous>, transform_indices = @transform_5, window_bounds = array<i64: 1, 128>}, {pipeline_mode = #tpu.pipeline_mode<synchronous>, transform_indices = @transform_6, window_bounds = array<i64: 1, 1>}, {transform_indices = @transform_7, window_bounds = array<i64: 1024, 1>}]} {
    %get3A = arith.constant 0 : index
    %get3A_0 = arith.constant 0 : index
    %get3A_1 = arith.constant 0 : index
    %get3A_2 = vector.load %arg2[%get3A, %get3A_0, %get3A_1] : memref<2x1024x128xf32, #tpu.memory_space<vmem>>, vector<1x1024x128xf32>
    %get3A_3 = vector.shape_cast %get3A_2 : vector<1x1024x128xf32> to vector<1024x128xf32>
    %get3A_4 = arith.constant 1 : index
    %get3A_5 = arith.constant 0 : index
    %get3A_6 = arith.constant 0 : index
    %get3A_7 = vector.load %arg2[%get3A_4, %get3A_5, %get3A_6] : memref<2x1024x128xf32, #tpu.memory_space<vmem>>, vector<1x1024x128xf32>
    %get3A_8 = vector.shape_cast %get3A_7 : vector<1x1024x128xf32> to vector<1024x128xf32>
    %add3A = arith.addf %get3A_3, %get3A_8 : vector<1024x128xf32>
    %get3A_9 = arith.constant 0 : index
    %get3A_10 = arith.constant 0 : index
    %get3A_11 = vector.load %arg3[%get3A_9, %get3A_10] : memref<32x1024xf32, #tpu.memory_space<vmem>>, vector<32x1024xf32>
    %reduce_sum3A = arith.constant dense<0.000000e+00> : vector<1024xf32>
    %reduce_sum3A_12 = vector.multi_reduction <add>, %get3A_11, %reduce_sum3A [0] : vector<32x1024xf32> to vector<1024xf32>
    %broadcast_in_dim3A = vector.shape_cast %reduce_sum3A_12 : vector<1024xf32> to vector<1024x1xf32>
    %max3A = arith.constant 1.000000e+00 : f32
    %max3A_13 = vector.broadcast %max3A : f32 to vector<1024x1xf32>
    %max3A_14 = arith.maximumf %broadcast_in_dim3A, %max3A_13 : vector<1024x1xf32>
    %div3A = vector.broadcast %max3A_14 : vector<1024x1xf32> to vector<1024x128xf32>
    %div3A_15 = arith.divf %add3A, %div3A : vector<1024x128xf32>
    %get3A_16 = arith.constant 0 : index
    %get3A_17 = arith.constant 0 : index
    %get3A_18 = vector.load %arg1[%get3A_16, %get3A_17] : memref<1024x128xf32, #tpu.memory_space<vmem>>, vector<1024x128xf32>
    %get3A_19 = arith.constant 0 : index
    %get3A_20 = arith.constant 0 : index
    %get3A_21 = vector.load %arg4[%get3A_19, %get3A_20] : memref<128x128xf32, #tpu.memory_space<vmem>>, vector<128x128xf32>
    %dot_general3A = arith.constant dense<0.000000e+00> : vector<1024x128xf32>
    %dot_general3A_22 = tpu.matmul %get3A_18, %get3A_21, %dot_general3A {dimension_numbers = #tpu.dot_dimension_numbers<[1], [0], [0], [1], [0, 0, 1, 1], [], []>, transpose_lhs_hint = false} : vector<1024x128xf32>, vector<128x128xf32>, vector<1024x128xf32> -> vector<1024x128xf32>
    %add3A_23 = arith.addf %dot_general3A_22, %div3A_15 : vector<1024x128xf32>
    %get3A_24 = arith.constant 0 : index
    %get3A_25 = arith.constant 0 : index
    %get3A_26 = vector.load %arg5[%get3A_24, %get3A_25] : memref<1x128xf32, #tpu.memory_space<vmem>>, vector<1x128xf32>
    %add3A_27 = vector.broadcast %get3A_26 : vector<1x128xf32> to vector<1024x128xf32>
    %add3A_28 = arith.addf %add3A_23, %add3A_27 : vector<1024x128xf32>
    %max3A_29 = arith.constant 0.000000e+00 : f32
    %max3A_30 = vector.broadcast %max3A_29 : f32 to vector<1024x128xf32>
    %max3A_31 = arith.maximumf %add3A_28, %max3A_30 : vector<1024x128xf32>
    %get3A_32 = arith.constant 0 : index
    %get3A_33 = arith.constant 0 : index
    %get3A_34 = vector.load %arg6[%get3A_32, %get3A_33] : memref<1x128xf32, #tpu.memory_space<vmem>>, vector<1x128xf32>
    %mul3A = vector.broadcast %get3A_34 : vector<1x128xf32> to vector<1024x128xf32>
    %mul3A_35 = arith.mulf %max3A_31, %mul3A : vector<1024x128xf32>
    %reduce_sum3A_36 = arith.constant dense<0.000000e+00> : vector<1024xf32>
    %reduce_sum3A_37 = vector.multi_reduction <add>, %mul3A_35, %reduce_sum3A_36 [1] : vector<1024x128xf32> to vector<1024xf32>
    %broadcast_in_dim3A_38 = vector.shape_cast %reduce_sum3A_37 : vector<1024xf32> to vector<1024x1xf32>
    %get3A_39 = arith.constant 0 : index
    %get3A_40 = arith.constant 0 : index
    %get3A_41 = vector.load %arg7[%get3A_39, %get3A_40] : memref<1x1xf32, #tpu.memory_space<vmem>>, vector<1x1xf32>
    %add3A_42 = vector.broadcast %get3A_41 : vector<1x1xf32> to vector<1024x1xf32>
    %add3A_43 = arith.addf %broadcast_in_dim3A_38, %add3A_42 : vector<1024x1xf32>
    %swap3A = arith.constant 0 : index
    %swap3A_44 = arith.constant 0 : index
    %swap3A_45 = vector.load %arg8[%swap3A, %swap3A_44] : memref<1024x1xf32, #tpu.memory_space<vmem>>, vector<1024x1xf32>
    tpu.vector_store %arg8[%swap3A, %swap3A_44], %add3A_43 {strides = array<i32>} : memref<1024x1xf32, #tpu.memory_space<vmem>>, vector<1024x1xf32>,
    return
  }
  func.func @transform_0(%arg0: i32) -> (i32, i32) {
    %c0_i32 = arith.constant 0 : i32
    %c0_i32_0 = arith.constant 0 : i32
    return %arg0, %c0_i32 : i32, i32
  }
  func.func @transform_1(%arg0: i32) -> (i32, i32, i32) {
    %c0_i32 = arith.constant 0 : i32
    %c0_i32_0 = arith.constant 0 : i32
    %c0_i32_1 = arith.constant 0 : i32
    return %c0_i32, %arg0, %c0_i32_0 : i32, i32, i32
  }
  func.func @transform_2(%arg0: i32) -> (i32, i32) {
    %c0_i32 = arith.constant 0 : i32
    %c0_i32_0 = arith.constant 0 : i32
    return %c0_i32, %arg0 : i32, i32
  }
  func.func @transform_3(%arg0: i32) -> (i32, i32) {
    %c0_i32 = arith.constant 0 : i32
    %c0_i32_0 = arith.constant 0 : i32
    %c0_i32_1 = arith.constant 0 : i32
    return %c0_i32, %c0_i32_0 : i32, i32
  }
  func.func @transform_4(%arg0: i32) -> (i32, i32) {
    %c0_i32 = arith.constant 0 : i32
    %c0_i32_0 = arith.constant 0 : i32
    %c0_i32_1 = arith.constant 0 : i32
    return %c0_i32, %c0_i32_0 : i32, i32
  }
  func.func @transform_5(%arg0: i32) -> (i32, i32) {
    %c0_i32 = arith.constant 0 : i32
    %c0_i32_0 = arith.constant 0 : i32
    %c0_i32_1 = arith.constant 0 : i32
    return %c0_i32, %c0_i32_0 : i32, i32
  }
  func.func @transform_6(%arg0: i32) -> (i32, i32) {
    %c0_i32 = arith.constant 0 : i32
    %c0_i32_0 = arith.constant 0 : i32
    %c0_i32_1 = arith.constant 0 : i32
    return %c0_i32, %c0_i32_0 : i32, i32
  }
  func.func @transform_7(%arg0: i32) -> (i32, i32) {
    %c0_i32 = arith.constant 0 : i32
    %c0_i32_0 = arith.constant 0 : i32
    return %arg0, %c0_i32 : i32, i32
  }
}

</mosaic_0001>

<sc_bundles>
// kernel: kernel.10.cloned.1.call-start
scs
__scs_entry_jumppad:
0x0: {  	(pc) =	sbr.rel $0x88, $3  }
0x1: {  	(tag) =	ssettag $0x0;
	lr =	simm.s32 $0x1  }
0x2: {  	[smem:$0x3F95] =	sst lr;
	_ =	strace $0xD0000000  }
0x3: {  	_ = 	snop  }
0x4: {  	_ = 	snop  }
0x5: {  	_ = 	snop  }
0x6: {  	_ = 	snop  }
0x7: {  	_ = 	snop  }
__scs_overlays_trampoline_lowered:
0x8: {  	[smem:$0x3FA4] =	sst s0  }
0x9: {  	[smem:$0x3FA5] =	sst s1  }
0xa: {  	[smem:$0x3FA6] =	sst s2  }
0xb: {  	[smem:$0x3FA7] =	sst s3  }
0xc: {  	[smem:$0x3FA8] =	sst s4  }
0xd: {  	[smem:$0x3FA9] =	sst s5  }
0xe: {  	[smem:$0x3FAA] =	sst s6  }
0xf: {  	[smem:$0x3FAB] =	sst s7  }
0x10: {  	[smem:$0x3FAC] =	sst s8  }
0x11: {  	[smem:$0x3FAD] =	sst s9;
	s0 =	simm.s32 @!p0 $0x0  }
0x12: {  	s1 =	sld [smem:$0x3F93];
	s0 =	simm.s32 @p0 $0x1  }
0x13: {  	[smem:$0x3FAE] =	sst s0;
	s0 =	simm.s32 @!p1 $0x0  }
0x14: {  	s2 =	sld [smem:$0x3F92];
	s0 =	simm.s32 @p1 $0x1  }
0x15: {  	[smem:$0x3FAF] =	sst s0;
	s0 =	simm.s32 @!p2 $0x0  }
0x16: {  	s3 =	sld [smem:$0x3FDB];
	s0 =	simm.s32 @p2 $0x1  }
0x17: {  	s4 =	simm.s32 $0x1BF5;
	[smem:$0x3FB1] =	sst s0  }
0x18: {  	s0 =	sld [smem:$0x3F94];
	_ =	swait.ge [sflag:s4], $0x0  }
0x19: {  	s7 =	sld [smem:$0x3F95]  }
0x1a: {  	s8 =	sadd.s32 $0xFFFFE003, lr  }
0x1b: {  	s9 =	sadd.s32 $0xFFFFFEF7, lr;
	s5 =	simm.s32 $0xFFFFFFFF;
	p2 =	slt.u32 s8, $0xFFFFF086  }
0x1c: {  	p1 =	slt.u32 s9, $0xF7A;
	s5 =	simm.s32 @!p2 $0x0  }
0x1d: {  	s5 =	simm.s32 @p1 $0x1;
	p0 =	seq.s32 s7, s2  }
0x1e: {  	s7 =	smul.u32 @!p0 $0xF7A, s2;
	p2 =	seq.s32 @!p0 s5, $0x0  }
0x1f: {  	s9 =	smul.u32 $0xF7A, s1;
	s8 =	simm.s32 @!p0 $0x1BF5;
	p2 =	por !p2, p0  }
0x20: {  	[sflag:s8] =	ssyncset.s32 @!p0 $0xFFFFF086;
	s6 =	sadd.s32 @!p0 s3, s7;
	s7 =	simm.s32 @!p0 $0x108  }
0x21: {  	s3 =	sadd.s32 s3, s9;
	s6 =	sadd.s32 @!p0 $0x88, s6;
	s7 =	simm.s32 @p2 $0x1082  }
0x22: {  	[simem:s7], [sflag:s8] =	dma.local @!p0 [hbm:s6], $0xF7A  }
0x23: {  	s9 =	sor.u32 $0xD0000000, s2;
	s6 =	simm.s32 $0x108;
	_ =	swait.ge @!p0 [sflag:s8], $0x0  }
0x24: {  	s3 =	sadd.s32 $0x88, s3;
	s6 =	simm.s32 @!p1 $0x1082;
	[sflag:s4] =	ssyncset.s32 $0xFFFFF086  }
0x25: {  	[simem:s6], [sflag:s4] =	dma.local [hbm:s3], $0xF7A  }
0x26: {  	[smem:$0x3F95] =	sst s1;
	(tag) =	ssettag s2;
	_ =	strace s9  }
0x27: {  	s1 =	sld [smem:$0x3FA5]  }
0x28: {  	s2 =	sld [smem:$0x3FA6]  }
0x29: {  	s4 =	sld [smem:$0x3FA8]  }
0x2a: {  	p0 =	seq.s32 s5, $0x0;
	s5 =	sld [smem:$0x3FA9]  }
0x2b: {  	s6 =	sld [smem:$0x3FAA]  }
0x2c: {  	s7 =	sld [smem:$0x3FAB]  }
0x2d: {  	s3 =	simm.s32 $0x108;
	s8 =	sld [smem:$0x3FAC]  }
0x2e: {  	s3 =	simm.s32 @!p0 $0x1082;
	s9 =	sld [smem:$0x3FAD]  }
0x2f: {  	lr =	sadd.s32 s0, s3;
	s0 =	sld [smem:$0x3FA4]  }
0x30: {  	s3 =	sld [smem:$0x3FA7]  }
0x31: {  	[smem:$0x3FB0] =	sst s10  }
0x32: {  	s10 =	sld [smem:$0x3FAE];
	_ =	sdelay $0x3  }
0x33: {  	p0 =	seq.s32 s10, $0x1;
	s10 =	sld [smem:$0x3FB0];
	_ =	sdelay $0x3  }
0x34: {  	[smem:$0x3FB0] =	sst s10  }
0x35: {  	s10 =	sld [smem:$0x3FAF];
	_ =	sdelay $0x3  }
0x36: {  	p1 =	seq.s32 s10, $0x1;
	s10 =	sld [smem:$0x3FB0];
	_ =	sdelay $0x3  }
0x37: {  	[smem:$0x3FB0] =	sst s10  }
0x38: {  	s10 =	sld [smem:$0x3FB1]  }
0x39: {  	_ = 	snop;
	(pc) =	sbr.ind lr, $3  }
0x3a: {  	_ = 	snop  }
0x3b: {  	_ = 	snop  }
0x3c: {  	p2 =	seq.s32 s10, $0x1;
	s10 =	sld [smem:$0x3FB0]  }
0x3d: {  	_ =	shalt  }
0x3e: {  	_ =	shalt  }
0x3f: {  	_ =	shalt  }
0x40: {  	_ =	shalt  }
0x41: {  	_ =	shalt  }
0x42: {  	_ =	shalt  }
0x43: {  	_ =	shalt  }
0x44: {  	_ =	shalt  }
0x45: {  	_ =	shalt  }
0x46: {  	_ =	shalt  }
0x47: {  	_ =	shalt  }
0x48: {  	_ =	shalt  }
0x49: {  	_ =	shalt  }
0x4a: {  	_ =	shalt  }
0x4b: {  	_ =	shalt  }
0x4c: {  	_ =	shalt  }
0x4d: {  	_ =	shalt  }
0x4e: {  	_ =	shalt  }
0x4f: {  	_ =	shalt  }
0x50: {  	_ =	shalt  }
0x51: {  	_ =	shalt  }
0x52: {  	_ =	shalt  }
0x53: {  	_ =	shalt  }
0x54: {  	_ =	shalt  }
0x55: {  	_ =	shalt  }
0x56: {  	_ =	shalt  }
0x57: {  	_ =	shalt  }
0x58: {  	_ =	shalt  }
0x59: {  	_ =	shalt  }
0x5a: {  	_ =	shalt  }
0x5b: {  	_ =	shalt  }
0x5c: {  	_ =	shalt  }
0x5d: {  	_ =	shalt  }
0x5e: {  	_ =	shalt  }
0x5f: {  	_ =	shalt  }
0x60: {  	_ =	shalt  }
0x61: {  	_ =	shalt  }
0x62: {  	_ =	shalt  }
0x63: {  	_ =	shalt  }
0x64: {  	_ =	shalt  }
0x65: {  	_ =	shalt  }
0x66: {  	_ =	shalt  }
0x67: {  	_ =	shalt  }
0x68: {  	_ =	shalt  }
0x69: {  	_ =	shalt  }
0x6a: {  	_ =	shalt  }
0x6b: {  	_ =	shalt  }
0x6c: {  	_ =	shalt  }
0x6d: {  	_ =	shalt  }
0x6e: {  	_ =	shalt  }
0x6f: {  	_ =	shalt  }
0x70: {  	_ =	shalt  }
0x71: {  	_ =	shalt  }
0x72: {  	_ =	shalt  }
0x73: {  	_ =	shalt  }
0x74: {  	_ =	shalt  }
0x75: {  	_ =	shalt  }
0x76: {  	_ =	shalt  }
0x77: {  	_ =	shalt  }
0x78: {  	_ =	shalt  }
0x79: {  	_ =	shalt  }
0x7a: {  	_ =	shalt  }
0x7b: {  	_ =	shalt  }
0x7c: {  	_ =	shalt  }
0x7d: {  	_ =	shalt  }
0x7e: {  	_ =	shalt  }
0x7f: {  	_ =	shalt  }
0x80: {  	_ =	shalt  }
0x81: {  	_ =	shalt  }
0x82: {  	_ =	shalt  }
0x83: {  	_ =	shalt  }
0x84: {  	_ =	shalt  }
0x85: {  	_ =	shalt  }
0x86: {  	_ =	shalt  }
0x87: {  	_ =	shalt  }
.Lfunc_end0:
.L_simem_size_0:
called_computation.1_lowered:
.L_overlay_start_0:
0x88: {  	s2 =	sld [smem:$0x3FD9]  }
0x89: {  	s3 =	sld [smem:$0x3FFE];
	_ =	sdelay $0x1  }
0x8a: {  	s1 =	srdreg.scid  }
0x8b: {  	s0 =	sand.u32 $0x1, s1  }
0x8c: {  	s16 =	sshll.u32 s0, $0xA;
	s2 =	sadd.s32 s3, s2  }
0x8d: {  	s2 =	sadd.s32 s2, s16  }
0x8e: {  	[smem:$0x3FBC] =	sst s2  }
0x8f: {  	_ = 	snop  }
0x90: {  	(tm) =	ssettm $0x1  }
0x91: {  	s17 =	sld [smem:$0x3FFB];
	_ =	sdelay $0x3  }
0x92: {  	_ =	strace s17  }
0x93: {  	s2 =	sld [smem:$0x3FFC];
	_ =	sdelay $0x3  }
0x94: {  	_ =	strace s2  }
0x95: {  	s2 =	sld [smem:$0x3FFD];
	_ =	sdelay $0x3  }
0x96: {  	_ =	strace s2  }
0x97: {  	_ =	strace $0x8FFFFFFF  }
0x98: {  	s18 =	sld [smem:$0x3FDB];
	_ =	sdelay $0x1  }
0x99: {  	s19 =	simm.s32 $_scs_section_size  }
0x9a: {  	s4 =	simm.s32 $_size__tile_overlayer_lowered;
	s5 =	simm.s32 $_tile_overlayer_lowered  }
0x9b: {  	s22 =	simm.s32 $0x1BFF;
	s21 =	sshll.u32 s5, $0x1;
	s2 =	sadd.s32 s19, s18  }
0x9c: {  	s6 =	simm.s32 $0x0;
	s20 =	sshll.u32 s4, $0x1;
	s4 =	sadd.s32 s21, s2  }
0x9d: {  	[timem:s6], [sflag:s22] =	dma.local [hbm:s4], s20  }
0x9e: {  	_ =	swait.ge [sflag:s22], s20  }
0x9f: {  	s3 =	ssub.s32 $0x0, s20;
	[sflag:s22] =	ssyncset.done $0x0  }
0xa0: {  	[sflag:s22] =	ssyncadd.s32 s3;
	_ =	sdelay $0x1  }
0xa1: {  	s23 =	simm.s32 $0x1B8B  }
0xa2: {  	_ =	swait.ge [sflag:s23], $0x1  }
0xa3: {  	[sflag:s23] =	ssyncset.done $0x0  }
0xa4: {  	s25 =	simm.s32 $0x1B8E;
	s24 =	sld [smem:$0x3FFE];
	[sflag:s23] =	ssyncadd.s32 $0xFFFFFFFF  }
0xa5: {  	s26 =	simm.s32 $execute0_lowered;
	[smem:$0x3FD2] =	sst s25  }
0xa6: {  	s4 =	sshll.u32 s26, $0x1;
	_ =	strace $0x80000049;
	[dreg:$0x1] =	wrdreg $0xFFFFFFFF  }
0xa7: {  	s28 =	simm.s32 $_size_execute0_lowered;
	s2 =	sadd.s32 s2, s4;
	[dreg:$0x0] =	wrdreg $0x0  }
0xa8: {  	s4 =	sshll.u32 s28, $0x1;
	[dreg:$0x2] =	wrdreg s2  }
0xa9: {  	[dreg:$0x3] =	wrdreg s4  }
0xaa: {  	[dreg:$0x4] =	wrdreg $0xC0  }
0xab: {  	_ =	task [dreg:s6], $0x5FFFF  }
0xac: {  	[dreg:$0x1] =	wrdreg $0xFFFFFFFF  }
0xad: {  	[dreg:$0x0] =	wrdreg $0x60  }
0xae: {  	[dreg:$0x2] =	wrdreg s24  }
0xaf: {  	[dreg:$0x3] =	wrdreg $0x50000  }
0xb0: {  	[dreg:$0x4] =	wrdreg $0x9  }
0xb1: {  	_ =	task.clear_ibuf [dreg:s6], $0x5FFFF;
	_ =	strace $0x90000049  }
0xb2: {  	s29 =	simm.s32 $0x9;
	_ =	strace $0x8000004B  }
0xb3: {  	_ =	swait.ge [sflag:s29], $0x1  }
0xb4: {  	[sflag:s29] =	ssyncadd.s32 $0xFFFFFFFF  }
0xb5: {  	_ =	strace $0x9000004B  }
0xb6: {  	_ =	sfence  }
0xb7: {  	s30 =	sld [smem:$0x0];
	_ =	sdelay $0x2  }
0xb8: {  	s31 =	sshll.u32 s1, $0xD;
	s1 =	sshrl.u32 s1, $0x2  }
0xb9: {  	s3 =	sand.u32 $0x4000, s31;
	s1 =	sadd.s32 s1, s30  }
0xba: {  	s0 =	sor.u32 s3, s0;
	s1 =	sshll.u32 s1, $0x11  }
0xbb: {  	s0 =	sor.u32 s1, s0  }
0xbc: {  	s0 =	sadd.s32 $0x8F2B, s0  }
0xbd: {  	[sflag:s0] =	ssyncadd.remote.s32 $0x1  }
0xbe: {  	_ =	sfence.sel $0xFFFF  }
0xbf: {  	[dreg:$0x0] =	wrdreg $0xFFFFFFFF;
	(pc) =	sbr.abs _section_cstart, $3  }
0xc0: {  	[dreg:$0x1] =	wrdreg $0xFFFFFFFF  }
0xc1: {  	_ =	task.clear_ibuf [dreg:s6], $0x2FFFF;
	_ =	strace $0x9FFFFFFF  }
0xc2: {  	(tm) =	ssettm $0x7FFFFFFF  }
0xc3: {  	_ =	shalt  }
tec
execute0_lowered:
.L_overlay_start_1:
0x0: {  	(tag) =	ssettag $0x1  }
0x1: {  	s0 =	rddreg [dreg:$0x0]  }
0x2: {  	s1 =	rddreg [dreg:$0x1]  }
0x3: {  	s3 =	simm.s32 $0x0;
	s2 =	srdreg.scid;
	s9 =	stileid.u32  }
0x4: {  	s26 =	simm.s32 $0x80;
	s10 =	simm.s32 $0x880;
	s11 =	simm.s32 $0x180  }
0x5: {  	s13 =	simm.s32 $0x900;
	[smem:$0x7FF] =	sst s3;
	s6 =	sadd.s32 $0x2400, s0  }
0x6: {  	s21 =	sadd.s32 $0x16400, s0;
	_ =	strace $0x8000004A;
	[dreg:$0x3] =	wrdreg s6  }
0x7: {  	s14 =	simm.s32 $0x200;
	s15 =	simm.s32 $0x980;
	[dreg:$0x4] =	wrdreg s21  }
0x8: {  	s16 =	simm.s32 $0x280;
	s18 =	simm.s32 $0xA00;
	[dreg:$0x5] =	wrdreg s26  }
0x9: {  	s19 =	simm.s32 $0x300;
	s28 =	simm.s32 $0x700;
	[dreg:$0x7] =	wrdreg s10  }
0xa: {  	s29 =	simm.s32 $0xE80;
	s30 =	simm.s32 $0x780;
	[dreg:$0x8] =	wrdreg s11  }
0xb: {  	s31 =	simm.s32 $0xF00;
	s2 =	sand.u32 $0x1, s2;
	[dreg:$0x9] =	wrdreg s13  }
0xc: {  	s7 =	smul.u32 $0x13C00, s9;
	s4 =	sadd.s32 $0x2A400, s0;
	[dreg:$0xa] =	wrdreg s14  }
0xd: {  	s25 =	sshll.u32 s9, $0xD;
	s12 =	smul.u32 $0x4F000, s9;
	[dreg:$0xb] =	wrdreg s15  }
0xe: {  	s5 =	smul.u32 $0x13C000, s2;
	s22 =	ssub.s32 $0x2, s2;
	[dreg:$0xc] =	wrdreg s16  }
0xf: {  	p0 =	seq.s32 s2, $0x0;
	s2 =	sshll.u32 s9, $0xF;
	[dreg:$0xd] =	wrdreg s18  }
0x10: {  	s8 =	sor.u32 $0x80000, s25;
	s6 =	simm.s32 $0x10;
	[dreg:$0xe] =	wrdreg s19  }
0x11: {  	s21 =	simm.s32 $0xA80;
	s11 =	simm.s32 $0x1000;
	s13 =	simm.s32 $0x800  }
0x12: {  	s14 =	simm.s32 $0x40;
	s25 =	simm.s32 $0xB80;
	s15 =	simm.s32 $0x3000  }
0x13: {  	s26 =	simm.s32 $0x480;
	s16 =	simm.s32 $0x1;
	s18 =	simm.s32 $0xC00  }
0x14: {  	s19 =	simm.s32 $0x500;
	s23 =	sshrl.u32 s22, $0x1;
	[dreg:$0xf] =	wrdreg s21  }
0x15: {  	s8 =	smov.u32 @p0 s2;
	s6 =	simm.s32 @!p0 $0x4;
	[dreg:$0x13] =	wrdreg s25  }
0x16: {  	[dreg:$0x14] =	wrdreg s26;
	s21 =	simm.s32 $0x580;
	s25 =	simm.s32 $0x680  }
0x17: {  	s26 =	simm.s32 $0xE00;
	s2 =	simm.s32 $0x0;
	s5 =	sadd.s32 s7, s5  }
0x18: {  	s24 =	ssub.s32 s22, s23;
	s7 =	simm.s32 $0x100;
	[dreg:$0x15] =	wrdreg s6  }
0x19: {  	s22 =	simm.s32 $0x380;
	s23 =	simm.s32 $0xB00;
	[dreg:$0x6] =	wrdreg s7  }
0x1a: {  	s5 =	sshrl.u32 s5, $0x3;
	s7 =	sshrl.u32 s12, $0x2;
	[dreg:$0x10] =	wrdreg s22  }
0x1b: {  	s20 =	smax.u32 s24, $0x1;
	s12 =	simm.s32 $0x3;
	[dreg:$0x11] =	wrdreg s23  }
0x1c: {  	s24 =	simm.s32 $0x400;
	s22 =	simm.s32 $0xD00;
	s23 =	simm.s32 $0x600  }
0x1d: {  	s0 =	sadd.s32 s5, s0;
	s7 =	sadd.s32 s7, s1;
	[dreg:$0x18] =	wrdreg s20  }
0x1e: {  	[dreg:$0x12] =	wrdreg s24;
	s20 =	simm.s32 $0xC80;
	s17 =	sadd.s32 $0x13800, s7  }
0x1f: {  	s24 =	simm.s32 $0xD80;
	s0 =	sadd.s32 $0x51600, s0;
	[dreg:$0x16] =	wrdreg s17  }
0x20: {  	v0 =	vimm.f32 $0.0e+00;
	[dreg:$0x17] =	wrdreg s0;
	s17 =	simm.s32 $0x2;
	s0 =	simm.s32 $0xF80  }
.LBB2_1:
0x21: {  	s5 =	simm.s32 $0x0;
	s9 =	simm.s32 $0x200  }
.LBB2_2:
0x22: {  	p0 =	sne.s32 s9, $0x1E00;
	[tilespmem:s5+$0x1070] =	vst v0  }
0x23: {  	[tilespmem:s5+$0x1000] =	vst v0  }
0x24: {  	[tilespmem:s5+$0x1010] =	vst v0  }
.Ltmp0:
0x25: {  	[tilespmem:s5+$0x1020] =	vst v0;
	(pc) =	sbr.rel @p0 .LBB2_2-.Ltmp0, $4  }
0x26: {  	[tilespmem:s5+$0x1030] =	vst v0  }
0x27: {  	[tilespmem:s5+$0x1040] =	vst v0  }
0x28: {  	[tilespmem:s5+$0x1050] =	vst v0  }
0x29: {  	[tilespmem:s5+$0x1060] =	vst v0;
	s5 =	sshra.s32 s9, $0x2;
	s9 =	sadd.s32 $0x200, s9  }
0x2a: {  	[tilespmem:s5+$0x1070] =	vst v0  }
0x2b: {  	[tilespmem:s5+$0x1000] =	vst v0  }
0x2c: {  	[tilespmem:s5+$0x1010] =	vst v0  }
0x2d: {  	[tilespmem:s5+$0x1020] =	vst v0  }
0x2e: {  	[tilespmem:s5+$0x1030] =	vst v0  }
0x2f: {  	[tilespmem:s5+$0x1040] =	vst v0  }
0x30: {  	[tilespmem:s5+$0x1050] =	vst v0  }
0x31: {  	[tilespmem:s5+$0x1060] =	vst v0;
	s10 =	sadd.s32 $0x0, s7  }
0x32: {  	[spmem:s10] =	stream.linear.scatter [tilespmem:s11], [sflag:$0x3], $0x800, $0x38;
	[tilespmem:$0x18C00] =	vst v63  }
0x33: {  	s5 =	simm.s32 $0x2000;
	_ =	swait.ge [sflag:s12], $0x800  }
.LBB2_4:
0x34: {  	s9 =	sshra.s32 s5, $0x2;
	[sflag:s12] =	ssyncset.done $0x0;
	p0 =	sne.s32 s5, $0x4C000  }
.Ltmp1:
0x35: {  	s9 =	sadd.s32 s9, s7;
	[sflag:s12] =	ssyncadd.s32 $0xFFFFF800;
	(pc) =	sbr.rel @p0 .LBB2_4-.Ltmp1, $3  }
0x36: {  	[spmem:s9] =	stream.linear.scatter [tilespmem:s11], [sflag:$0x3], $0x800, $0x38;
	[tilespmem:$0x18C00] =	vst v63  }
0x37: {  	s5 =	sadd.s32 $0x2000, s5;
	_ =	sdelay $0x1  }
0x38: {  	_ =	swait.ge [sflag:s12], $0x800  }
0x39: {  	[sflag:s12] =	ssyncset.done $0x0  }
0x3a: {  	s5 =	rddreg [dreg:$0x16];
	[sflag:s12] =	ssyncadd.s32 $0xFFFFF800  }
0x3b: {  	[spmem:s5] =	stream.linear.scatter [tilespmem:s11], [sflag:$0x3], $0x400, $0x38;
	[tilespmem:$0x18C00] =	vst v63  }
0x3c: {  	_ =	swait.ge [sflag:s12], $0x400  }
0x3d: {  	[sflag:s12] =	ssyncset.done $0x0  }
0x3e: {  	[sflag:s12] =	ssyncadd.s32 $0xFFFFFC00  }
0x3f: {  	[bflag:$0x0] =	sbarrier.arrive $0xFFFF  }
0x40: {  	s10 =	rddreg [dreg:$0x15]  }
0x41: {  	p1 =	sne.s32 s10, $0x1  }
.Ltmp2:
0x42: {  	_ = 	snop;
	(pc) =	sbr.rel @!p1 .LBB2_6-.Ltmp2, $2  }
0x43: {  	_ =	sdelay $0x2  }
0x44: {  	p0 =	por $0x0, $0x0;
	s5 =	sadd.s32 $0xFFFFFFFF, s10;
	s10 =	rddreg [dreg:$0x3]  }
0x45: {  	s9 =	sshrl.u32 s8, $0x3  }
0x46: {  	s10 =	sadd.s32 s10, s9  }
0x47: {  	[tilespmem:s3], [sflag:$0x3] =	stream.linear.gather [hbm4b:s10+s3], $0x800, $0x38;
	[tilespmem:$0x18C00] =	vst v63  }
0x48: {  	_ =	swait.ge [sflag:s12], $0x800  }
0x49: {  	s6 =	rddreg [dreg:$0x4];
	[sflag:s12] =	ssyncset.done $0x0  }
0x4a: {  	[sflag:s12] =	ssyncadd.s32 $0xFFFFF800;
	s9 =	sadd.s32 s6, s9  }
0x4b: {  	[tilespmem:s13], [sflag:$0x3] =	stream.linear.gather [hbm4b:s9+s3], $0x800, $0x38;
	[tilespmem:$0x18C00] =	vst v63  }
0x4c: {  	_ =	swait.ge [sflag:s12], $0x800  }
0x4d: {  	[sflag:s12] =	ssyncset.done $0x0  }
0x4e: {  	[sflag:s12] =	ssyncadd.s32 $0xFFFFF800  }
0x4f: {  	[tilespmem:s11], [sflag:$0x1] =	stream.indirect.gather [hbm4b:s4+s14], $0x80, s3, s14, $0xb8;
	[tilespmem:$0x18C00] =	vst v63  }
0x50: {  	s6 =	rddreg [dreg:$0x5]  }
0x51: {  	[tilespmem:s15], [sflag:$0x2] =	stream.indirect.gather [hbm4b:s4+s14], $0x80, s6, s14, $0xb8;
	[tilespmem:$0x18C00] =	vst v63  }
0x52: {  	_ =	swait.ge [sflag:s16], $0x2000  }
0x53: {  	[sflag:s16] =	ssyncset.done $0x0  }
0x54: {  	[sflag:s16] =	ssyncadd.s32 $0xFFFFE000  }
0x55: {  	[spmem:s1] =	stream.indirect.scatter.add.f32 [tilespmem:s11], [sflag:$0x3], $0x80, s13, s14, $0xb8;
	[tilespmem:$0x18C00] =	vst v63  }
0x56: {  	_ =	swait.ge [sflag:s12], $0x2000  }
0x57: {  	[sflag:s12] =	ssyncset.done $0x0  }
0x58: {  	s10 =	rddreg [dreg:$0x6];
	[sflag:s12] =	ssyncadd.s32 $0xFFFFE000  }
0x59: {  	[tilespmem:s11], [sflag:$0x1] =	stream.indirect.gather [hbm4b:s4+s14], $0x80, s10, s14, $0xb8;
	[tilespmem:$0x18C00] =	vst v63  }
0x5a: {  	_ =	swait.ge [sflag:s17], $0x2000  }
0x5b: {  	[sflag:s17] =	ssyncset.done $0x0  }
0x5c: {  	s6 =	rddreg [dreg:$0x7];
	[sflag:s17] =	ssyncadd.s32 $0xFFFFE000  }
0x5d: {  	[spmem:s1] =	stream.indirect.scatter.add.f32 [tilespmem:s15], [sflag:$0x3], $0x80, s6, s14, $0xb8;
	[tilespmem:$0x18C00] =	vst v63  }
0x5e: {  	_ =	swait.ge [sflag:s12], $0x2000  }
0x5f: {  	[sflag:s12] =	ssyncset.done $0x0  }
0x60: {  	s10 =	rddreg [dreg:$0x8];
	[sflag:s12] =	ssyncadd.s32 $0xFFFFE000  }
0x61: {  	[tilespmem:s15], [sflag:$0x2] =	stream.indirect.gather [hbm4b:s4+s14], $0x80, s10, s14, $0xb8;
	[tilespmem:$0x18C00] =	vst v63  }
0x62: {  	_ =	swait.ge [sflag:s16], $0x2000  }
0x63: {  	[sflag:s16] =	ssyncset.done $0x0  }
0x64: {  	s6 =	rddreg [dreg:$0x9];
	[sflag:s16] =	ssyncadd.s32 $0xFFFFE000  }
0x65: {  	[spmem:s1] =	stream.indirect.scatter.add.f32 [tilespmem:s11], [sflag:$0x3], $0x80, s6, s14, $0xb8;
	[tilespmem:$0x18C00] =	vst v63  }
0x66: {  	_ =	swait.ge [sflag:s12], $0x2000  }
0x67: {  	[sflag:s12] =	ssyncset.done $0x0  }
0x68: {  	s10 =	rddreg [dreg:$0xa];
	[sflag:s12] =	ssyncadd.s32 $0xFFFFE000  }
0x69: {  	[tilespmem:s11], [sflag:$0x1] =	stream.indirect.gather [hbm4b:s4+s14], $0x80, s10, s14, $0xb8;
	[tilespmem:$0x18C00] =	vst v63  }
0x6a: {  	_ =	swait.ge [sflag:s17], $0x2000  }
0x6b: {  	[sflag:s17] =	ssyncset.done $0x0  }
0x6c: {  	s6 =	rddreg [dreg:$0xb];
	[sflag:s17] =	ssyncadd.s32 $0xFFFFE000  }
0x6d: {  	[spmem:s1] =	stream.indirect.scatter.add.f32 [tilespmem:s15], [sflag:$0x3], $0x80, s6, s14, $0xb8;
	[tilespmem:$0x18C00] =	vst v63  }
0x6e: {  	_ =	swait.ge [sflag:s12], $0x2000  }
0x6f: {  	[sflag:s12] =	ssyncset.done $0x0  }
0x70: {  	s10 =	rddreg [dreg:$0xc];
	[sflag:s12] =	ssyncadd.s32 $0xFFFFE000  }
0x71: {  	[tilespmem:s15], [sflag:$0x2] =	stream.indirect.gather [hbm4b:s4+s14], $0x80, s10, s14, $0xb8;
	[tilespmem:$0x18C00] =	vst v63  }
0x72: {  	_ =	swait.ge [sflag:s16], $0x2000  }
0x73: {  	[sflag:s16] =	ssyncset.done $0x0  }
0x74: {  	s6 =	rddreg [dreg:$0xd];
	[sflag:s16] =	ssyncadd.s32 $0xFFFFE000  }
0x75: {  	[spmem:s1] =	stream.indirect.scatter.add.f32 [tilespmem:s11], [sflag:$0x3], $0x80, s6, s14, $0xb8;
	[tilespmem:$0x18C00] =	vst v63  }
0x76: {  	_ =	swait.ge [sflag:s12], $0x2000  }
0x77: {  	[sflag:s12] =	ssyncset.done $0x0  }
0x78: {  	s10 =	rddreg [dreg:$0xe];
	[sflag:s12] =	ssyncadd.s32 $0xFFFFE000  }
0x79: {  	[tilespmem:s11], [sflag:$0x1] =	stream.indirect.gather [hbm4b:s4+s14], $0x80, s10, s14, $0xb8;
	[tilespmem:$0x18C00] =	vst v63  }
0x7a: {  	_ =	swait.ge [sflag:s17], $0x2000  }
0x7b: {  	[sflag:s17] =	ssyncset.done $0x0  }
0x7c: {  	s6 =	rddreg [dreg:$0xf];
	[sflag:s17] =	ssyncadd.s32 $0xFFFFE000  }
0x7d: {  	[spmem:s1] =	stream.indirect.scatter.add.f32 [tilespmem:s15], [sflag:$0x3], $0x80, s6, s14, $0xb8;
	[tilespmem:$0x18C00] =	vst v63  }
0x7e: {  	_ =	swait.ge [sflag:s12], $0x2000  }
0x7f: {  	[sflag:s12] =	ssyncset.done $0x0  }
0x80: {  	s10 =	rddreg [dreg:$0x10];
	[sflag:s12] =	ssyncadd.s32 $0xFFFFE000  }
0x81: {  	[tilespmem:s15], [sflag:$0x2] =	stream.indirect.gather [hbm4b:s4+s14], $0x80, s10, s14, $0xb8;
	[tilespmem:$0x18C00] =	vst v63  }
0x82: {  	_ =	swait.ge [sflag:s16], $0x2000  }
0x83: {  	[sflag:s16] =	ssyncset.done $0x0  }
0x84: {  	s6 =	rddreg [dreg:$0x11];
	[sflag:s16] =	ssyncadd.s32 $0xFFFFE000  }
0x85: {  	[spmem:s1] =	stream.indirect.scatter.add.f32 [tilespmem:s11], [sflag:$0x3], $0x80, s6, s14, $0xb8;
	[tilespmem:$0x18C00] =	vst v63  }
0x86: {  	_ =	swait.ge [sflag:s12], $0x2000  }
0x87: {  	[sflag:s12] =	ssyncset.done $0x0  }
0x88: {  	s10 =	rddreg [dreg:$0x12];
	[sflag:s12] =	ssyncadd.s32 $0xFFFFE000  }
0x89: {  	[tilespmem:s11], [sflag:$0x1] =	stream.indirect.gather [hbm4b:s4+s14], $0x80, s10, s14, $0xb8;
	[tilespmem:$0x18C00] =	vst v63  }
0x8a: {  	_ =	swait.ge [sflag:s17], $0x2000  }
0x8b: {  	[sflag:s17] =	ssyncset.done $0x0  }
0x8c: {  	s6 =	rddreg [dreg:$0x13];
	[sflag:s17] =	ssyncadd.s32 $0xFFFFE000  }
0x8d: {  	[spmem:s1] =	stream.indirect.scatter.add.f32 [tilespmem:s15], [sflag:$0x3], $0x80, s6, s14, $0xb8;
	[tilespmem:$0x18C00] =	vst v63  }
0x8e: {  	_ =	swait.ge [sflag:s12], $0x2000  }
0x8f: {  	[sflag:s12] =	ssyncset.done $0x0  }
0x90: {  	s10 =	rddreg [dreg:$0x14];
	[sflag:s12] =	ssyncadd.s32 $0xFFFFE000  }
0x91: {  	[tilespmem:s15], [sflag:$0x2] =	stream.indirect.gather [hbm4b:s4+s14], $0x80, s10, s14, $0xb8;
	[tilespmem:$0x18C00] =	vst v63  }
0x92: {  	_ =	swait.ge [sflag:s16], $0x2000  }
0x93: {  	[sflag:s16] =	ssyncset.done $0x0  }
0x94: {  	[sflag:s16] =	ssyncadd.s32 $0xFFFFE000  }
0x95: {  	[spmem:s1] =	stream.indirect.scatter.add.f32 [tilespmem:s11], [sflag:$0x3], $0x80, s18, s14, $0xb8;
	[tilespmem:$0x18C00] =	vst v63  }
0x96: {  	_ =	swait.ge [sflag:s12], $0x2000  }
0x97: {  	[sflag:s12] =	ssyncset.done $0x0  }
0x98: {  	[sflag:s12] =	ssyncadd.s32 $0xFFFFE000  }
0x99: {  	[tilespmem:s11], [sflag:$0x1] =	stream.indirect.gather [hbm4b:s4+s14], $0x80, s19, s14, $0xb8;
	[tilespmem:$0x18C00] =	vst v63  }
0x9a: {  	_ =	swait.ge [sflag:s17], $0x2000  }
0x9b: {  	[sflag:s17] =	ssyncset.done $0x0  }
0x9c: {  	[sflag:s17] =	ssyncadd.s32 $0xFFFFE000  }
0x9d: {  	[spmem:s1] =	stream.indirect.scatter.add.f32 [tilespmem:s15], [sflag:$0x3], $0x80, s20, s14, $0xb8;
	[tilespmem:$0x18C00] =	vst v63  }
0x9e: {  	_ =	swait.ge [sflag:s12], $0x2000  }
0x9f: {  	[sflag:s12] =	ssyncset.done $0x0  }
0xa0: {  	[sflag:s12] =	ssyncadd.s32 $0xFFFFE000  }
0xa1: {  	[tilespmem:s15], [sflag:$0x2] =	stream.indirect.gather [hbm4b:s4+s14], $0x80, s21, s14, $0xb8;
	[tilespmem:$0x18C00] =	vst v63  }
0xa2: {  	_ =	swait.ge [sflag:s16], $0x2000  }
0xa3: {  	[sflag:s16] =	ssyncset.done $0x0  }
0xa4: {  	[sflag:s16] =	ssyncadd.s32 $0xFFFFE000  }
0xa5: {  	[spmem:s1] =	stream.indirect.scatter.add.f32 [tilespmem:s11], [sflag:$0x3], $0x80, s22, s14, $0xb8;
	[tilespmem:$0x18C00] =	vst v63  }
0xa6: {  	_ =	swait.ge [sflag:s12], $0x2000  }
0xa7: {  	[sflag:s12] =	ssyncset.done $0x0  }
0xa8: {  	[sflag:s12] =	ssyncadd.s32 $0xFFFFE000  }
0xa9: {  	[tilespmem:s11], [sflag:$0x1] =	stream.indirect.gather [hbm4b:s4+s14], $0x80, s23, s14, $0xb8;
	[tilespmem:$0x18C00] =	vst v63  }
0xaa: {  	_ =	swait.ge [sflag:s17], $0x2000  }
0xab: {  	[sflag:s17] =	ssyncset.done $0x0  }
0xac: {  	[sflag:s17] =	ssyncadd.s32 $0xFFFFE000  }
0xad: {  	[spmem:s1] =	stream.indirect.scatter.add.f32 [tilespmem:s15], [sflag:$0x3], $0x80, s24, s14, $0xb8;
	[tilespmem:$0x18C00] =	vst v63  }
0xae: {  	_ =	swait.ge [sflag:s12], $0x2000  }
0xaf: {  	[sflag:s12] =	ssyncset.done $0x0  }
0xb0: {  	[sflag:s12] =	ssyncadd.s32 $0xFFFFE000  }
0xb1: {  	[tilespmem:s15], [sflag:$0x2] =	stream.indirect.gather [hbm4b:s4+s14], $0x80, s25, s14, $0xb8;
	[tilespmem:$0x18C00] =	vst v63  }
0xb2: {  	_ =	swait.ge [sflag:s16], $0x2000  }
0xb3: {  	[sflag:s16] =	ssyncset.done $0x0  }
0xb4: {  	[sflag:s16] =	ssyncadd.s32 $0xFFFFE000  }
0xb5: {  	[spmem:s1] =	stream.indirect.scatter.add.f32 [tilespmem:s11], [sflag:$0x3], $0x80, s26, s14, $0xb8;
	[tilespmem:$0x18C00] =	vst v63  }
0xb6: {  	_ =	swait.ge [sflag:s12], $0x2000  }
0xb7: {  	[sflag:s12] =	ssyncset.done $0x0  }
0xb8: {  	[sflag:s12] =	ssyncadd.s32 $0xFFFFE000  }
0xb9: {  	[tilespmem:s11], [sflag:$0x1] =	stream.indirect.gather [hbm4b:s4+s14], $0x80, s28, s14, $0xb8;
	[tilespmem:$0x18C00] =	vst v63  }
0xba: {  	_ =	swait.ge [sflag:s17], $0x2000  }
0xbb: {  	[sflag:s17] =	ssyncset.done $0x0  }
0xbc: {  	[sflag:s17] =	ssyncadd.s32 $0xFFFFE000  }
0xbd: {  	[spmem:s1] =	stream.indirect.scatter.add.f32 [tilespmem:s15], [sflag:$0x3], $0x80, s29, s14, $0xb8;
	[tilespmem:$0x18C00] =	vst v63  }
0xbe: {  	_ =	swait.ge [sflag:s12], $0x2000  }
0xbf: {  	[sflag:s12] =	ssyncset.done $0x0  }
0xc0: {  	[sflag:s12] =	ssyncadd.s32 $0xFFFFE000  }
0xc1: {  	[tilespmem:s15], [sflag:$0x2] =	stream.indirect.gather [hbm4b:s4+s14], $0x80, s30, s14, $0xb8;
	[tilespmem:$0x18C00] =	vst v63  }
0xc2: {  	_ =	swait.ge [sflag:s16], $0x2000  }
0xc3: {  	[sflag:s16] =	ssyncset.done $0x0  }
0xc4: {  	[sflag:s16] =	ssyncadd.s32 $0xFFFFE000  }
0xc5: {  	[spmem:s1] =	stream.indirect.scatter.add.f32 [tilespmem:s11], [sflag:$0x3], $0x80, s31, s14, $0xb8;
	[tilespmem:$0x18C00] =	vst v63  }
0xc6: {  	_ =	swait.ge [sflag:s12], $0x2000  }
0xc7: {  	[sflag:s12] =	ssyncset.done $0x0  }
0xc8: {  	[sflag:s12] =	ssyncadd.s32 $0xFFFFE000  }
0xc9: {  	p1 =	sne.s32 s5, $0x1;
	_ =	swait.ge [sflag:s17], $0x2000  }
.Ltmp3:
0xca: {  	[sflag:s17] =	ssyncset.done $0x0;
	(pc) =	sbr.rel @!p1 .LBB2_8-.Ltmp3, $4  }
0xcb: {  	[sflag:s17] =	ssyncadd.s32 $0xFFFFE000  }
0xcc: {  	[spmem:s1] =	stream.indirect.scatter.add.f32 [tilespmem:s15], [sflag:$0x3], $0x80, s0, s14, $0xb8;
	[tilespmem:$0x18C00] =	vst v63  }
0xcd: {  	p0 =	por $0x1, $0x1;
	s9 =	sadd.s32 $0xFFFFFFFF, s5;
	_ =	swait.ge [sflag:s12], $0x2000  }
0xce: {  	s5 =	smov.u32 s8;
	s10 =	rddreg [dreg:$0x3];
	[sflag:s12] =	ssyncset.done $0x0  }
.LBB2_9:
0xcf: {  	s5 =	sadd.s32 $0x800, s5  }
0xd0: {  	s6 =	sshrl.u32 s5, $0x3  }
0xd1: {  	[sflag:s12] =	ssyncadd.s32 $0xFFFFE000;
	s10 =	sadd.s32 s10, s6  }
0xd2: {  	[tilespmem:s3], [sflag:$0x3] =	stream.linear.gather [hbm4b:s10+s3], $0x800, $0x38;
	[tilespmem:$0x18C00] =	vst v63  }
0xd3: {  	_ =	swait.ge [sflag:s12], $0x800  }
0xd4: {  	s10 =	rddreg [dreg:$0x4];
	[sflag:s12] =	ssyncset.done $0x0  }
0xd5: {  	[sflag:s12] =	ssyncadd.s32 $0xFFFFF800;
	s6 =	sadd.s32 s10, s6  }
0xd6: {  	[tilespmem:s13], [sflag:$0x3] =	stream.linear.gather [hbm4b:s6+s3], $0x800, $0x38;
	[tilespmem:$0x18C00] =	vst v63  }
0xd7: {  	_ =	swait.ge [sflag:s12], $0x800  }
0xd8: {  	[sflag:s12] =	ssyncset.done $0x0  }
0xd9: {  	[sflag:s12] =	ssyncadd.s32 $0xFFFFF800  }
0xda: {  	[tilespmem:s11], [sflag:$0x1] =	stream.indirect.gather [hbm4b:s4+s14], $0x80, s3, s14, $0xb8;
	[tilespmem:$0x18C00] =	vst v63  }
0xdb: {  	s10 =	rddreg [dreg:$0x5]  }
0xdc: {  	[tilespmem:s15], [sflag:$0x2] =	stream.indirect.gather [hbm4b:s4+s14], $0x80, s10, s14, $0xb8;
	[tilespmem:$0x18C00] =	vst v63  }
0xdd: {  	_ =	swait.ge [sflag:s16], $0x2000  }
0xde: {  	[sflag:s16] =	ssyncset.done $0x0  }
0xdf: {  	[sflag:s16] =	ssyncadd.s32 $0xFFFFE000  }
0xe0: {  	[spmem:s1] =	stream.indirect.scatter.add.f32 [tilespmem:s11], [sflag:$0x3], $0x80, s13, s14, $0xb8;
	[tilespmem:$0x18C00] =	vst v63  }
0xe1: {  	_ =	swait.ge [sflag:s12], $0x2000  }
0xe2: {  	[sflag:s12] =	ssyncset.done $0x0  }
0xe3: {  	s10 =	rddreg [dreg:$0x6];
	[sflag:s12] =	ssyncadd.s32 $0xFFFFE000  }
0xe4: {  	[tilespmem:s11], [sflag:$0x1] =	stream.indirect.gather [hbm4b:s4+s14], $0x80, s10, s14, $0xb8;
	[tilespmem:$0x18C00] =	vst v63  }
0xe5: {  	_ =	swait.ge [sflag:s17], $0x2000  }
0xe6: {  	[sflag:s17] =	ssyncset.done $0x0  }
0xe7: {  	s10 =	rddreg [dreg:$0x7];
	[sflag:s17] =	ssyncadd.s32 $0xFFFFE000  }
0xe8: {  	[spmem:s1] =	stream.indirect.scatter.add.f32 [tilespmem:s15], [sflag:$0x3], $0x80, s10, s14, $0xb8;
	[tilespmem:$0x18C00] =	vst v63  }
0xe9: {  	_ =	swait.ge [sflag:s12], $0x2000  }
0xea: {  	[sflag:s12] =	ssyncset.done $0x0  }
0xeb: {  	s10 =	rddreg [dreg:$0x8];
	[sflag:s12] =	ssyncadd.s32 $0xFFFFE000  }
0xec: {  	[tilespmem:s15], [sflag:$0x2] =	stream.indirect.gather [hbm4b:s4+s14], $0x80, s10, s14, $0xb8;
	[tilespmem:$0x18C00] =	vst v63  }
0xed: {  	_ =	swait.ge [sflag:s16], $0x2000  }
0xee: {  	[sflag:s16] =	ssyncset.done $0x0  }
0xef: {  	s10 =	rddreg [dreg:$0x9];
	[sflag:s16] =	ssyncadd.s32 $0xFFFFE000  }
0xf0: {  	[spmem:s1] =	stream.indirect.scatter.add.f32 [tilespmem:s11], [sflag:$0x3], $0x80, s10, s14, $0xb8;
	[tilespmem:$0x18C00] =	vst v63  }
0xf1: {  	_ =	swait.ge [sflag:s12], $0x2000  }
0xf2: {  	[sflag:s12] =	ssyncset.done $0x0  }
0xf3: {  	s10 =	rddreg [dreg:$0xa];
	[sflag:s12] =	ssyncadd.s32 $0xFFFFE000  }
0xf4: {  	[tilespmem:s11], [sflag:$0x1] =	stream.indirect.gather [hbm4b:s4+s14], $0x80, s10, s14, $0xb8;
	[tilespmem:$0x18C00] =	vst v63  }
0xf5: {  	_ =	swait.ge [sflag:s17], $0x2000  }
0xf6: {  	[sflag:s17] =	ssyncset.done $0x0  }
0xf7: {  	s10 =	rddreg [dreg:$0xb];
	[sflag:s17] =	ssyncadd.s32 $0xFFFFE000  }
0xf8: {  	[spmem:s1] =	stream.indirect.scatter.add.f32 [tilespmem:s15], [sflag:$0x3], $0x80, s10, s14, $0xb8;
	[tilespmem:$0x18C00] =	vst v63  }
0xf9: {  	_ =	swait.ge [sflag:s12], $0x2000  }
0xfa: {  	[sflag:s12] =	ssyncset.done $0x0  }
0xfb: {  	s10 =	rddreg [dreg:$0xc];
	[sflag:s12] =	ssyncadd.s32 $0xFFFFE000  }
0xfc: {  	[tilespmem:s15], [sflag:$0x2] =	stream.indirect.gather [hbm4b:s4+s14], $0x80, s10, s14, $0xb8;
	[tilespmem:$0x18C00] =	vst v63  }
0xfd: {  	_ =	swait.ge [sflag:s16], $0x2000  }
0xfe: {  	[sflag:s16] =	ssyncset.done $0x0  }
0xff: {  	s10 =	rddreg [dreg:$0xd];
	[sflag:s16] =	ssyncadd.s32 $0xFFFFE000  }
0x100: {  	[spmem:s1] =	stream.indirect.scatter.add.f32 [tilespmem:s11], [sflag:$0x3], $0x80, s10, s14, $0xb8;
	[tilespmem:$0x18C00] =	vst v63  }
0x101: {  	_ =	swait.ge [sflag:s12], $0x2000  }
0x102: {  	[sflag:s12] =	ssyncset.done $0x0  }
0x103: {  	s10 =	rddreg [dreg:$0xe];
	[sflag:s12] =	ssyncadd.s32 $0xFFFFE000  }
0x104: {  	[tilespmem:s11], [sflag:$0x1] =	stream.indirect.gather [hbm4b:s4+s14], $0x80, s10, s14, $0xb8;
	[tilespmem:$0x18C00] =	vst v63  }
0x105: {  	_ =	swait.ge [sflag:s17], $0x2000  }
0x106: {  	[sflag:s17] =	ssyncset.done $0x0  }
0x107: {  	s10 =	rddreg [dreg:$0xf];
	[sflag:s17] =	ssyncadd.s32 $0xFFFFE000  }
0x108: {  	[spmem:s1] =	stream.indirect.scatter.add.f32 [tilespmem:s15], [sflag:$0x3], $0x80, s10, s14, $0xb8;
	[tilespmem:$0x18C00] =	vst v63  }
0x109: {  	_ =	swait.ge [sflag:s12], $0x2000  }
0x10a: {  	[sflag:s12] =	ssyncset.done $0x0  }
0x10b: {  	s10 =	rddreg [dreg:$0x10];
	[sflag:s12] =	ssyncadd.s32 $0xFFFFE000  }
0x10c: {  	[tilespmem:s15], [sflag:$0x2] =	stream.indirect.gather [hbm4b:s4+s14], $0x80, s10, s14, $0xb8;
	[tilespmem:$0x18C00] =	vst v63  }
0x10d: {  	_ =	swait.ge [sflag:s16], $0x2000  }
0x10e: {  	[sflag:s16] =	ssyncset.done $0x0  }
0x10f: {  	s10 =	rddreg [dreg:$0x11];
	[sflag:s16] =	ssyncadd.s32 $0xFFFFE000  }
0x110: {  	[spmem:s1] =	stream.indirect.scatter.add.f32 [tilespmem:s11], [sflag:$0x3], $0x80, s10, s14, $0xb8;
	[tilespmem:$0x18C00] =	vst v63  }
0x111: {  	_ =	swait.ge [sflag:s12], $0x2000  }
0x112: {  	[sflag:s12] =	ssyncset.done $0x0  }
0x113: {  	s10 =	rddreg [dreg:$0x12];
	[sflag:s12] =	ssyncadd.s32 $0xFFFFE000  }
0x114: {  	[tilespmem:s11], [sflag:$0x1] =	stream.indirect.gather [hbm4b:s4+s14], $0x80, s10, s14, $0xb8;
	[tilespmem:$0x18C00] =	vst v63  }
0x115: {  	_ =	swait.ge [sflag:s17], $0x2000  }
0x116: {  	[sflag:s17] =	ssyncset.done $0x0  }
0x117: {  	s10 =	rddreg [dreg:$0x13];
	[sflag:s17] =	ssyncadd.s32 $0xFFFFE000  }
0x118: {  	[spmem:s1] =	stream.indirect.scatter.add.f32 [tilespmem:s15], [sflag:$0x3], $0x80, s10, s14, $0xb8;
	[tilespmem:$0x18C00] =	vst v63  }
0x119: {  	_ =	swait.ge [sflag:s12], $0x2000  }
0x11a: {  	[sflag:s12] =	ssyncset.done $0x0  }
0x11b: {  	s10 =	rddreg [dreg:$0x14];
	[sflag:s12] =	ssyncadd.s32 $0xFFFFE000  }
0x11c: {  	[tilespmem:s15], [sflag:$0x2] =	stream.indirect.gather [hbm4b:s4+s14], $0x80, s10, s14, $0xb8;
	[tilespmem:$0x18C00] =	vst v63  }
0x11d: {  	_ =	swait.ge [sflag:s16], $0x2000  }
0x11e: {  	[sflag:s16] =	ssyncset.done $0x0  }
0x11f: {  	[sflag:s16] =	ssyncadd.s32 $0xFFFFE000  }
0x120: {  	[spmem:s1] =	stream.indirect.scatter.add.f32 [tilespmem:s11], [sflag:$0x3], $0x80, s18, s14, $0xb8;
	[tilespmem:$0x18C00] =	vst v63  }
0x121: {  	_ =	swait.ge [sflag:s12], $0x2000  }
0x122: {  	[sflag:s12] =	ssyncset.done $0x0  }
0x123: {  	[sflag:s12] =	ssyncadd.s32 $0xFFFFE000  }
0x124: {  	[tilespmem:s11], [sflag:$0x1] =	stream.indirect.gather [hbm4b:s4+s14], $0x80, s19, s14, $0xb8;
	[tilespmem:$0x18C00] =	vst v63  }
0x125: {  	_ =	swait.ge [sflag:s17], $0x2000  }
0x126: {  	[sflag:s17] =	ssyncset.done $0x0  }
0x127: {  	[sflag:s17] =	ssyncadd.s32 $0xFFFFE000  }
0x128: {  	[spmem:s1] =	stream.indirect.scatter.add.f32 [tilespmem:s15], [sflag:$0x3], $0x80, s20, s14, $0xb8;
	[tilespmem:$0x18C00] =	vst v63  }
0x129: {  	_ =	swait.ge [sflag:s12], $0x2000  }
0x12a: {  	[sflag:s12] =	ssyncset.done $0x0  }
0x12b: {  	[sflag:s12] =	ssyncadd.s32 $0xFFFFE000  }
0x12c: {  	[tilespmem:s15], [sflag:$0x2] =	stream.indirect.gather [hbm4b:s4+s14], $0x80, s21, s14, $0xb8;
	[tilespmem:$0x18C00] =	vst v63  }
0x12d: {  	_ =	swait.ge [sflag:s16], $0x2000  }
0x12e: {  	[sflag:s16] =	ssyncset.done $0x0  }
0x12f: {  	[sflag:s16] =	ssyncadd.s32 $0xFFFFE000  }
0x130: {  	[spmem:s1] =	stream.indirect.scatter.add.f32 [tilespmem:s11], [sflag:$0x3], $0x80, s22, s14, $0xb8;
	[tilespmem:$0x18C00] =	vst v63  }
0x131: {  	_ =	swait.ge [sflag:s12], $0x2000  }
0x132: {  	[sflag:s12] =	ssyncset.done $0x0  }
0x133: {  	[sflag:s12] =	ssyncadd.s32 $0xFFFFE000  }
0x134: {  	[tilespmem:s11], [sflag:$0x1] =	stream.indirect.gather [hbm4b:s4+s14], $0x80, s23, s14, $0xb8;
	[tilespmem:$0x18C00] =	vst v63  }
0x135: {  	_ =	swait.ge [sflag:s17], $0x2000  }
0x136: {  	[sflag:s17] =	ssyncset.done $0x0  }
0x137: {  	[sflag:s17] =	ssyncadd.s32 $0xFFFFE000  }
0x138: {  	[spmem:s1] =	stream.indirect.scatter.add.f32 [tilespmem:s15], [sflag:$0x3], $0x80, s24, s14, $0xb8;
	[tilespmem:$0x18C00] =	vst v63  }
0x139: {  	_ =	swait.ge [sflag:s12], $0x2000  }
0x13a: {  	[sflag:s12] =	ssyncset.done $0x0  }
0x13b: {  	[sflag:s12] =	ssyncadd.s32 $0xFFFFE000  }
0x13c: {  	[tilespmem:s15], [sflag:$0x2] =	stream.indirect.gather [hbm4b:s4+s14], $0x80, s25, s14, $0xb8;
	[tilespmem:$0x18C00] =	vst v63  }
0x13d: {  	_ =	swait.ge [sflag:s16], $0x2000  }
0x13e: {  	[sflag:s16] =	ssyncset.done $0x0  }
0x13f: {  	[sflag:s16] =	ssyncadd.s32 $0xFFFFE000  }
0x140: {  	[spmem:s1] =	stream.indirect.scatter.add.f32 [tilespmem:s11], [sflag:$0x3], $0x80, s26, s14, $0xb8;
	[tilespmem:$0x18C00] =	vst v63  }
0x141: {  	_ =	swait.ge [sflag:s12], $0x2000  }
0x142: {  	[sflag:s12] =	ssyncset.done $0x0  }
0x143: {  	[sflag:s12] =	ssyncadd.s32 $0xFFFFE000  }
0x144: {  	[tilespmem:s11], [sflag:$0x1] =	stream.indirect.gather [hbm4b:s4+s14], $0x80, s28, s14, $0xb8;
	[tilespmem:$0x18C00] =	vst v63  }
0x145: {  	_ =	swait.ge [sflag:s17], $0x2000  }
0x146: {  	[sflag:s17] =	ssyncset.done $0x0  }
0x147: {  	[sflag:s17] =	ssyncadd.s32 $0xFFFFE000  }
0x148: {  	[spmem:s1] =	stream.indirect.scatter.add.f32 [tilespmem:s15], [sflag:$0x3], $0x80, s29, s14, $0xb8;
	[tilespmem:$0x18C00] =	vst v63  }
0x149: {  	_ =	swait.ge [sflag:s12], $0x2000  }
0x14a: {  	[sflag:s12] =	ssyncset.done $0x0  }
0x14b: {  	[sflag:s12] =	ssyncadd.s32 $0xFFFFE000  }
0x14c: {  	[tilespmem:s15], [sflag:$0x2] =	stream.indirect.gather [hbm4b:s4+s14], $0x80, s30, s14, $0xb8;
	[tilespmem:$0x18C00] =	vst v63  }
0x14d: {  	_ =	swait.ge [sflag:s16], $0x2000  }
0x14e: {  	[sflag:s16] =	ssyncset.done $0x0  }
0x14f: {  	[sflag:s16] =	ssyncadd.s32 $0xFFFFE000  }
0x150: {  	[spmem:s1] =	stream.indirect.scatter.add.f32 [tilespmem:s11], [sflag:$0x3], $0x80, s31, s14, $0xb8;
	[tilespmem:$0x18C00] =	vst v63  }
0x151: {  	_ =	swait.ge [sflag:s12], $0x2000  }
0x152: {  	[sflag:s12] =	ssyncset.done $0x0  }
0x153: {  	[sflag:s12] =	ssyncadd.s32 $0xFFFFE000  }
0x154: {  	p1 =	sne.s32 s9, $0x1;
	_ =	swait.ge [sflag:s17], $0x2000  }
.Ltmp4:
0x155: {  	[sflag:s17] =	ssyncset.done $0x0;
	(pc) =	sbr.rel @p1 .LBB2_9-.Ltmp4, $4  }
0x156: {  	[sflag:s17] =	ssyncadd.s32 $0xFFFFE000  }
0x157: {  	[spmem:s1] =	stream.indirect.scatter.add.f32 [tilespmem:s15], [sflag:$0x3], $0x80, s0, s14, $0xb8;
	[tilespmem:$0x18C00] =	vst v63  }
0x158: {  	_ =	swait.ge [sflag:s12], $0x2000  }
0x159: {  	s9 =	sadd.s32 $0xFFFFFFFF, s9;
	s10 =	rddreg [dreg:$0x3];
	[sflag:s12] =	ssyncset.done $0x0  }
.LBB2_10:
0x15a: {  	s5 =	sadd.s32 @p0 $0x800, s5;
	s6 =	smov.u32 s8  }
0x15b: {  	s6 =	smov.u32 @p0 s5  }
0x15c: {  	s5 =	sshrl.u32 s6, $0x3  }
0x15d: {  	[sflag:s12] =	ssyncadd.s32 @p0 $0xFFFFE000;
	s6 =	sadd.s32 s10, s5  }
0x15e: {  	[tilespmem:s3], [sflag:$0x3] =	stream.linear.gather [hbm4b:s6+s3], $0x800, $0x38;
	[tilespmem:$0x18C00] =	vst v63  }
0x15f: {  	_ =	swait.ge [sflag:s12], $0x800  }
0x160: {  	s10 =	rddreg [dreg:$0x4];
	[sflag:s12] =	ssyncset.done $0x0  }
0x161: {  	[sflag:s12] =	ssyncadd.s32 $0xFFFFF800;
	s5 =	sadd.s32 s10, s5  }
0x162: {  	[tilespmem:s13], [sflag:$0x3] =	stream.linear.gather [hbm4b:s5+s3], $0x800, $0x38;
	[tilespmem:$0x18C00] =	vst v63  }
0x163: {  	_ =	swait.ge [sflag:s12], $0x800  }
0x164: {  	[sflag:s12] =	ssyncset.done $0x0  }
0x165: {  	[sflag:s12] =	ssyncadd.s32 $0xFFFFF800  }
0x166: {  	[tilespmem:s11], [sflag:$0x1] =	stream.indirect.gather [hbm4b:s4+s14], $0x80, s3, s14, $0xb8;
	[tilespmem:$0x18C00] =	vst v63  }
0x167: {  	s6 =	rddreg [dreg:$0x5]  }
0x168: {  	[tilespmem:s15], [sflag:$0x2] =	stream.indirect.gather [hbm4b:s4+s14], $0x80, s6, s14, $0xb8;
	[tilespmem:$0x18C00] =	vst v63  }
0x169: {  	_ =	swait.ge [sflag:s16], $0x2000  }
0x16a: {  	[sflag:s16] =	ssyncset.done $0x0  }
0x16b: {  	[sflag:s16] =	ssyncadd.s32 $0xFFFFE000  }
0x16c: {  	[spmem:s1] =	stream.indirect.scatter.add.f32 [tilespmem:s11], [sflag:$0x3], $0x80, s13, s14, $0xb8;
	[tilespmem:$0x18C00] =	vst v63  }
0x16d: {  	_ =	swait.ge [sflag:s12], $0x2000  }
0x16e: {  	[sflag:s12] =	ssyncset.done $0x0  }
0x16f: {  	s9 =	rddreg [dreg:$0x6];
	[sflag:s12] =	ssyncadd.s32 $0xFFFFE000  }
0x170: {  	[tilespmem:s11], [sflag:$0x1] =	stream.indirect.gather [hbm4b:s4+s14], $0x80, s9, s14, $0xb8;
	[tilespmem:$0x18C00] =	vst v63  }
0x171: {  	_ =	swait.ge [sflag:s17], $0x2000  }
0x172: {  	[sflag:s17] =	ssyncset.done $0x0  }
0x173: {  	s10 =	rddreg [dreg:$0x7];
	[sflag:s17] =	ssyncadd.s32 $0xFFFFE000  }
0x174: {  	[spmem:s1] =	stream.indirect.scatter.add.f32 [tilespmem:s15], [sflag:$0x3], $0x80, s10, s14, $0xb8;
	[tilespmem:$0x18C00] =	vst v63  }
0x175: {  	_ =	swait.ge [sflag:s12], $0x2000  }
0x176: {  	[sflag:s12] =	ssyncset.done $0x0  }
0x177: {  	s6 =	rddreg [dreg:$0x8];
	[sflag:s12] =	ssyncadd.s32 $0xFFFFE000  }
0x178: {  	[tilespmem:s15], [sflag:$0x2] =	stream.indirect.gather [hbm4b:s4+s14], $0x80, s6, s14, $0xb8;
	[tilespmem:$0x18C00] =	vst v63  }
0x179: {  	_ =	swait.ge [sflag:s16], $0x2000  }
0x17a: {  	[sflag:s16] =	ssyncset.done $0x0  }
0x17b: {  	s9 =	rddreg [dreg:$0x9];
	[sflag:s16] =	ssyncadd.s32 $0xFFFFE000  }
0x17c: {  	[spmem:s1] =	stream.indirect.scatter.add.f32 [tilespmem:s11], [sflag:$0x3], $0x80, s9, s14, $0xb8;
	[tilespmem:$0x18C00] =	vst v63  }
0x17d: {  	_ =	swait.ge [sflag:s12], $0x2000  }
0x17e: {  	[sflag:s12] =	ssyncset.done $0x0  }
0x17f: {  	s10 =	rddreg [dreg:$0xa];
	[sflag:s12] =	ssyncadd.s32 $0xFFFFE000  }
0x180: {  	[tilespmem:s11], [sflag:$0x1] =	stream.indirect.gather [hbm4b:s4+s14], $0x80, s10, s14, $0xb8;
	[tilespmem:$0x18C00] =	vst v63  }
0x181: {  	_ =	swait.ge [sflag:s17], $0x2000  }
0x182: {  	[sflag:s17] =	ssyncset.done $0x0  }
0x183: {  	s6 =	rddreg [dreg:$0xb];
	[sflag:s17] =	ssyncadd.s32 $0xFFFFE000  }
0x184: {  	[spmem:s1] =	stream.indirect.scatter.add.f32 [tilespmem:s15], [sflag:$0x3], $0x80, s6, s14, $0xb8;
	[tilespmem:$0x18C00] =	vst v63  }
0x185: {  	_ =	swait.ge [sflag:s12], $0x2000  }
0x186: {  	[sflag:s12] =	ssyncset.done $0x0  }
0x187: {  	s9 =	rddreg [dreg:$0xc];
	[sflag:s12] =	ssyncadd.s32 $0xFFFFE000  }
0x188: {  	[tilespmem:s15], [sflag:$0x2] =	stream.indirect.gather [hbm4b:s4+s14], $0x80, s9, s14, $0xb8;
	[tilespmem:$0x18C00] =	vst v63  }
0x189: {  	_ =	swait.ge [sflag:s16], $0x2000  }
0x18a: {  	[sflag:s16] =	ssyncset.done $0x0  }
0x18b: {  	s10 =	rddreg [dreg:$0xd];
	[sflag:s16] =	ssyncadd.s32 $0xFFFFE000  }
0x18c: {  	[spmem:s1] =	stream.indirect.scatter.add.f32 [tilespmem:s11], [sflag:$0x3], $0x80, s10, s14, $0xb8;
	[tilespmem:$0x18C00] =	vst v63  }
0x18d: {  	_ =	swait.ge [sflag:s12], $0x2000  }
0x18e: {  	[sflag:s12] =	ssyncset.done $0x0  }
0x18f: {  	s6 =	rddreg [dreg:$0xe];
	[sflag:s12] =	ssyncadd.s32 $0xFFFFE000  }
0x190: {  	[tilespmem:s11], [sflag:$0x1] =	stream.indirect.gather [hbm4b:s4+s14], $0x80, s6, s14, $0xb8;
	[tilespmem:$0x18C00] =	vst v63  }
0x191: {  	_ =	swait.ge [sflag:s17], $0x2000  }
0x192: {  	[sflag:s17] =	ssyncset.done $0x0  }
0x193: {  	s9 =	rddreg [dreg:$0xf];
	[sflag:s17] =	ssyncadd.s32 $0xFFFFE000  }
0x194: {  	[spmem:s1] =	stream.indirect.scatter.add.f32 [tilespmem:s15], [sflag:$0x3], $0x80, s9, s14, $0xb8;
	[tilespmem:$0x18C00] =	vst v63  }
0x195: {  	_ =	swait.ge [sflag:s12], $0x2000  }
0x196: {  	[sflag:s12] =	ssyncset.done $0x0  }
0x197: {  	s10 =	rddreg [dreg:$0x10];
	[sflag:s12] =	ssyncadd.s32 $0xFFFFE000  }
0x198: {  	[tilespmem:s15], [sflag:$0x2] =	stream.indirect.gather [hbm4b:s4+s14], $0x80, s10, s14, $0xb8;
	[tilespmem:$0x18C00] =	vst v63  }
0x199: {  	_ =	swait.ge [sflag:s16], $0x2000  }
0x19a: {  	[sflag:s16] =	ssyncset.done $0x0  }
0x19b: {  	s6 =	rddreg [dreg:$0x11];
	[sflag:s16] =	ssyncadd.s32 $0xFFFFE000  }
0x19c: {  	[spmem:s1] =	stream.indirect.scatter.add.f32 [tilespmem:s11], [sflag:$0x3], $0x80, s6, s14, $0xb8;
	[tilespmem:$0x18C00] =	vst v63  }
0x19d: {  	_ =	swait.ge [sflag:s12], $0x2000  }
0x19e: {  	[sflag:s12] =	ssyncset.done $0x0  }
0x19f: {  	s9 =	rddreg [dreg:$0x12];
	[sflag:s12] =	ssyncadd.s32 $0xFFFFE000  }
0x1a0: {  	[tilespmem:s11], [sflag:$0x1] =	stream.indirect.gather [hbm4b:s4+s14], $0x80, s9, s14, $0xb8;
	[tilespmem:$0x18C00] =	vst v63  }
0x1a1: {  	_ =	swait.ge [sflag:s17], $0x2000  }
0x1a2: {  	[sflag:s17] =	ssyncset.done $0x0  }
0x1a3: {  	s10 =	rddreg [dreg:$0x13];
	[sflag:s17] =	ssyncadd.s32 $0xFFFFE000  }
0x1a4: {  	[spmem:s1] =	stream.indirect.scatter.add.f32 [tilespmem:s15], [sflag:$0x3], $0x80, s10, s14, $0xb8;
	[tilespmem:$0x18C00] =	vst v63  }
0x1a5: {  	_ =	swait.ge [sflag:s12], $0x2000  }
0x1a6: {  	[sflag:s12] =	ssyncset.done $0x0  }
0x1a7: {  	s6 =	rddreg [dreg:$0x14];
	[sflag:s12] =	ssyncadd.s32 $0xFFFFE000  }
0x1a8: {  	[tilespmem:s15], [sflag:$0x2] =	stream.indirect.gather [hbm4b:s4+s14], $0x80, s6, s14, $0xb8;
	[tilespmem:$0x18C00] =	vst v63  }
0x1a9: {  	_ =	swait.ge [sflag:s16], $0x2000  }
0x1aa: {  	[sflag:s16] =	ssyncset.done $0x0  }
0x1ab: {  	[sflag:s16] =	ssyncadd.s32 $0xFFFFE000  }
0x1ac: {  	[spmem:s1] =	stream.indirect.scatter.add.f32 [tilespmem:s11], [sflag:$0x3], $0x80, s18, s14, $0xb8;
	[tilespmem:$0x18C00] =	vst v63  }
0x1ad: {  	_ =	swait.ge [sflag:s12], $0x2000  }
0x1ae: {  	[sflag:s12] =	ssyncset.done $0x0  }
0x1af: {  	[sflag:s12] =	ssyncadd.s32 $0xFFFFE000  }
0x1b0: {  	[tilespmem:s11], [sflag:$0x1] =	stream.indirect.gather [hbm4b:s4+s14], $0x80, s19, s14, $0xb8;
	[tilespmem:$0x18C00] =	vst v63  }
0x1b1: {  	_ =	swait.ge [sflag:s17], $0x2000  }
0x1b2: {  	[sflag:s17] =	ssyncset.done $0x0  }
0x1b3: {  	[sflag:s17] =	ssyncadd.s32 $0xFFFFE000  }
0x1b4: {  	[spmem:s1] =	stream.indirect.scatter.add.f32 [tilespmem:s15], [sflag:$0x3], $0x80, s20, s14, $0xb8;
	[tilespmem:$0x18C00] =	vst v63  }
0x1b5: {  	_ =	swait.ge [sflag:s12], $0x2000  }
0x1b6: {  	[sflag:s12] =	ssyncset.done $0x0  }
0x1b7: {  	[sflag:s12] =	ssyncadd.s32 $0xFFFFE000  }
0x1b8: {  	[tilespmem:s15], [sflag:$0x2] =	stream.indirect.gather [hbm4b:s4+s14], $0x80, s21, s14, $0xb8;
	[tilespmem:$0x18C00] =	vst v63  }
0x1b9: {  	_ =	swait.ge [sflag:s16], $0x2000  }
0x1ba: {  	[sflag:s16] =	ssyncset.done $0x0  }
0x1bb: {  	[sflag:s16] =	ssyncadd.s32 $0xFFFFE000  }
0x1bc: {  	[spmem:s1] =	stream.indirect.scatter.add.f32 [tilespmem:s11], [sflag:$0x3], $0x80, s22, s14, $0xb8;
	[tilespmem:$0x18C00] =	vst v63  }
0x1bd: {  	_ =	swait.ge [sflag:s12], $0x2000  }
0x1be: {  	[sflag:s12] =	ssyncset.done $0x0  }
0x1bf: {  	[sflag:s12] =	ssyncadd.s32 $0xFFFFE000  }
0x1c0: {  	[tilespmem:s11], [sflag:$0x1] =	stream.indirect.gather [hbm4b:s4+s14], $0x80, s23, s14, $0xb8;
	[tilespmem:$0x18C00] =	vst v63  }
0x1c1: {  	_ =	swait.ge [sflag:s17], $0x2000  }
0x1c2: {  	[sflag:s17] =	ssyncset.done $0x0  }
0x1c3: {  	[sflag:s17] =	ssyncadd.s32 $0xFFFFE000  }
0x1c4: {  	[spmem:s1] =	stream.indirect.scatter.add.f32 [tilespmem:s15], [sflag:$0x3], $0x80, s24, s14, $0xb8;
	[tilespmem:$0x18C00] =	vst v63  }
0x1c5: {  	_ =	swait.ge [sflag:s12], $0x2000  }
0x1c6: {  	[sflag:s12] =	ssyncset.done $0x0  }
0x1c7: {  	[sflag:s12] =	ssyncadd.s32 $0xFFFFE000  }
0x1c8: {  	[tilespmem:s15], [sflag:$0x2] =	stream.indirect.gather [hbm4b:s4+s14], $0x80, s25, s14, $0xb8;
	[tilespmem:$0x18C00] =	vst v63  }
0x1c9: {  	_ =	swait.ge [sflag:s16], $0x2000  }
0x1ca: {  	[sflag:s16] =	ssyncset.done $0x0  }
0x1cb: {  	[sflag:s16] =	ssyncadd.s32 $0xFFFFE000  }
0x1cc: {  	[spmem:s1] =	stream.indirect.scatter.add.f32 [tilespmem:s11], [sflag:$0x3], $0x80, s26, s14, $0xb8;
	[tilespmem:$0x18C00] =	vst v63  }
0x1cd: {  	_ =	swait.ge [sflag:s12], $0x2000  }
0x1ce: {  	[sflag:s12] =	ssyncset.done $0x0  }
0x1cf: {  	[sflag:s12] =	ssyncadd.s32 $0xFFFFE000  }
0x1d0: {  	[tilespmem:s11], [sflag:$0x1] =	stream.indirect.gather [hbm4b:s4+s14], $0x80, s28, s14, $0xb8;
	[tilespmem:$0x18C00] =	vst v63  }
0x1d1: {  	_ =	swait.ge [sflag:s17], $0x2000  }
0x1d2: {  	[sflag:s17] =	ssyncset.done $0x0  }
0x1d3: {  	[sflag:s17] =	ssyncadd.s32 $0xFFFFE000  }
0x1d4: {  	[spmem:s1] =	stream.indirect.scatter.add.f32 [tilespmem:s15], [sflag:$0x3], $0x80, s29, s14, $0xb8;
	[tilespmem:$0x18C00] =	vst v63  }
0x1d5: {  	_ =	swait.ge [sflag:s12], $0x2000  }
0x1d6: {  	[sflag:s12] =	ssyncset.done $0x0  }
0x1d7: {  	[sflag:s12] =	ssyncadd.s32 $0xFFFFE000  }
0x1d8: {  	[tilespmem:s15], [sflag:$0x2] =	stream.indirect.gather [hbm4b:s4+s14], $0x80, s30, s14, $0xb8;
	[tilespmem:$0x18C00] =	vst v63  }
0x1d9: {  	_ =	swait.ge [sflag:s16], $0x2000  }
0x1da: {  	[sflag:s16] =	ssyncset.done $0x0  }
0x1db: {  	[sflag:s16] =	ssyncadd.s32 $0xFFFFE000  }
0x1dc: {  	[spmem:s1] =	stream.indirect.scatter.add.f32 [tilespmem:s11], [sflag:$0x3], $0x80, s31, s14, $0xb8;
	[tilespmem:$0x18C00] =	vst v63  }
0x1dd: {  	_ =	swait.ge [sflag:s12], $0x2000  }
0x1de: {  	[sflag:s12] =	ssyncset.done $0x0  }
0x1df: {  	[sflag:s12] =	ssyncadd.s32 $0xFFFFE000  }
0x1e0: {  	_ =	swait.ge [sflag:s17], $0x2000  }
0x1e1: {  	[sflag:s17] =	ssyncset.done $0x0  }
0x1e2: {  	[sflag:s17] =	ssyncadd.s32 $0xFFFFE000  }
0x1e3: {  	[spmem:s1] =	stream.indirect.scatter.add.f32 [tilespmem:s15], [sflag:$0x3], $0x80, s0, s14, $0xb8;
	[tilespmem:$0x18C00] =	vst v63  }
0x1e4: {  	_ =	swait.ge [sflag:s12], $0x2000  }
0x1e5: {  	[sflag:s12] =	ssyncset.done $0x0  }
0x1e6: {  	s9 =	stileid.u32;
	[sflag:s12] =	ssyncadd.s32 $0xFFFFE000  }
0x1e7: {  	s5 =	sshll.u32 s9, $0x6;
	[bflag:$0x0] =	sbarrier.arrive $0xFFFF  }
0x1e8: {  	s5 =	sor.u32 $0x1C03, s5;
	s10 =	sshrl.u32 s7, $0x3;
	s9 =	rddreg [dreg:$0x17]  }
0x1e9: {  	[hbm:s9], [sflag:s5] =	dma.local [spmem:s10], $0x2780  }
0x1ea: {  	_ =	swait.ge [sflag:s12], $0x2780  }
0x1eb: {  	s2 =	sadd.s32 $0x1, s2;
	s10 =	rddreg [dreg:$0x18]  }
0x1ec: {  	p0 =	sne.s32 s2, s10  }
.Ltmp5:
0x1ed: {  	_ = 	snop;
	(pc) =	sbr.rel @p0 .LBB2_1-.Ltmp5, $4  }
.Ltmp6:
0x1ee: {  	_ = 	snop;
	(pc) =	sbr.rel @!p0 .LBB2_11-.Ltmp6, $4  }
0x1ef: {  	_ = 	snop  }
0x1f0: {  	[sflag:s12] =	ssyncset.done $0x0  }
0x1f1: {  	[sflag:s12] =	ssyncadd.s32 $0xFFFFD880  }
0x1f2: {  	_ = 	snop  }
.LBB2_6:
.Ltmp7:
0x1f3: {  	(pc) =	sbr.rel .LBB2_10-.Ltmp7, $2  }
0x1f4: {  	_ =	sdelay $0x2  }
0x1f5: {  	s5 =	smov.u32 s8  }
.LBB2_8:
.Ltmp8:
0x1f6: {  	(pc) =	sbr.rel .LBB2_10-.Ltmp8, $2  }
0x1f7: {  	_ =	sdelay $0x2  }
0x1f8: {  	s5 =	smov.u32 s8  }
.LBB2_11:
0x1f9: {  	_ =	sfence.sel $0x180000  }
0x1fa: {  	[bflag:$0x0] =	sbarrier.arrive $0xFFFF  }
0x1fb: {  	_ =	strace $0x9000004A  }
0x1fc: {  	s0 =	stileid.u32;
	[bflag:$0x2] =	sbarrier.arrive $0xFFFF  }
0x1fd: {  	p0 =	sne.s32 s0, $0x0;
	s0 =	rddreg [dreg:$0x2]  }
0x1fe: {  	s0 =	sadd.s32 @!p0 $0x100000, s0  }
0x1ff: {  	[sflag:s0] =	ssyncadd.tile.s32 @!p0 $0x1;
	_ =	shalt  }
.Lfunc_end2:
_tile_overlayer_lowered:
.L_overlay_start_2:
0x200: {  	(tag) =	ssettag $0x2  }
0x201: {  	s0 =	rddreg [dreg:$0x0];
	s2 =	stileid.u32  }
0x202: {  	s1 =	rddreg [dreg:$0x1];
	p0 =	sne.s32 s2, $0x0  }
0x203: {  	s3 =	rddreg [dreg:$0x2];
	[bflag:$0x3] =	sbarrier.arrive $0xFFFF;
	s2 =	simm.s32 @!p0 $0x1C03  }
0x204: {  	[timem:s3], [sflag:s2] =	dma.local @!p0 [hbm:s0], s1  }
0x205: {  	s0 =	simm.s32 @!p0 $0x3  }
0x206: {  	_ =	swait.ge @!p0 [sflag:s0], s1  }
0x207: {  	s1 =	ssub.s32 @!p0 $0x0, s1;
	[sflag:s0] =	ssyncset.done @!p0 $0x0  }
0x208: {  	[sflag:s0] =	ssyncadd.s32 @!p0 s1  }
0x209: {  	[bflag:$0x3] =	sbarrier.arrive $0xFFFF  }
0x20a: {  	_ =	shalt  }

// kernel: kernel.7.cloned.1.call-start
scs
__scs_entry_jumppad:
0x0: {  	(pc) =	sbr.rel $0x88, $3  }
0x1: {  	(tag) =	ssettag $0x0;
	lr =	simm.s32 $0x1  }
0x2: {  	[smem:$0x3F95] =	sst lr;
	_ =	strace $0xD0000000  }
0x3: {  	_ = 	snop  }
0x4: {  	_ = 	snop  }
0x5: {  	_ = 	snop  }
0x6: {  	_ = 	snop  }
0x7: {  	_ = 	snop  }
__scs_overlays_trampoline_lowered:
0x8: {  	[smem:$0x3FA4] =	sst s0  }
0x9: {  	[smem:$0x3FA5] =	sst s1  }
0xa: {  	[smem:$0x3FA6] =	sst s2  }
0xb: {  	[smem:$0x3FA7] =	sst s3  }
0xc: {  	[smem:$0x3FA8] =	sst s4  }
0xd: {  	[smem:$0x3FA9] =	sst s5  }
0xe: {  	[smem:$0x3FAA] =	sst s6  }
0xf: {  	[smem:$0x3FAB] =	sst s7  }
0x10: {  	[smem:$0x3FAC] =	sst s8  }
0x11: {  	[smem:$0x3FAD] =	sst s9;
	s0 =	simm.s32 @!p0 $0x0  }
0x12: {  	s1 =	sld [smem:$0x3F93];
	s0 =	simm.s32 @p0 $0x1  }
0x13: {  	[smem:$0x3FAE] =	sst s0;
	s0 =	simm.s32 @!p1 $0x0  }
0x14: {  	s2 =	sld [smem:$0x3F92];
	s0 =	simm.s32 @p1 $0x1  }
0x15: {  	[smem:$0x3FAF] =	sst s0;
	s0 =	simm.s32 @!p2 $0x0  }
0x16: {  	s3 =	sld [smem:$0x3FDB];
	s0 =	simm.s32 @p2 $0x1  }
0x17: {  	s4 =	simm.s32 $0x1BF5;
	[smem:$0x3FB1] =	sst s0  }
0x18: {  	s0 =	sld [smem:$0x3F94];
	_ =	swait.ge [sflag:s4], $0x0  }
0x19: {  	s7 =	sld [smem:$0x3F95]  }
0x1a: {  	s8 =	sadd.s32 $0xFFFFE003, lr  }
0x1b: {  	s9 =	sadd.s32 $0xFFFFFEF7, lr;
	s5 =	simm.s32 $0xFFFFFFFF;
	p2 =	slt.u32 s8, $0xFFFFF086  }
0x1c: {  	p1 =	slt.u32 s9, $0xF7A;
	s5 =	simm.s32 @!p2 $0x0  }
0x1d: {  	s5 =	simm.s32 @p1 $0x1;
	p0 =	seq.s32 s7, s2  }
0x1e: {  	s7 =	smul.u32 @!p0 $0xF7A, s2;
	p2 =	seq.s32 @!p0 s5, $0x0  }
0x1f: {  	s9 =	smul.u32 $0xF7A, s1;
	s8 =	simm.s32 @!p0 $0x1BF5;
	p2 =	por !p2, p0  }
0x20: {  	[sflag:s8] =	ssyncset.s32 @!p0 $0xFFFFF086;
	s6 =	sadd.s32 @!p0 s3, s7;
	s7 =	simm.s32 @!p0 $0x108  }
0x21: {  	s3 =	sadd.s32 s3, s9;
	s6 =	sadd.s32 @!p0 $0x88, s6;
	s7 =	simm.s32 @p2 $0x1082  }
0x22: {  	[simem:s7], [sflag:s8] =	dma.local @!p0 [hbm:s6], $0xF7A  }
0x23: {  	s9 =	sor.u32 $0xD0000000, s2;
	s6 =	simm.s32 $0x108;
	_ =	swait.ge @!p0 [sflag:s8], $0x0  }
0x24: {  	s3 =	sadd.s32 $0x88, s3;
	s6 =	simm.s32 @!p1 $0x1082;
	[sflag:s4] =	ssyncset.s32 $0xFFFFF086  }
0x25: {  	[simem:s6], [sflag:s4] =	dma.local [hbm:s3], $0xF7A  }
0x26: {  	[smem:$0x3F95] =	sst s1;
	(tag) =	ssettag s2;
	_ =	strace s9  }
0x27: {  	s1 =	sld [smem:$0x3FA5]  }
0x28: {  	s2 =	sld [smem:$0x3FA6]  }
0x29: {  	s4 =	sld [smem:$0x3FA8]  }
0x2a: {  	p0 =	seq.s32 s5, $0x0;
	s5 =	sld [smem:$0x3FA9]  }
0x2b: {  	s6 =	sld [smem:$0x3FAA]  }
0x2c: {  	s7 =	sld [smem:$0x3FAB]  }
0x2d: {  	s3 =	simm.s32 $0x108;
	s8 =	sld [smem:$0x3FAC]  }
0x2e: {  	s3 =	simm.s32 @!p0 $0x1082;
	s9 =	sld [smem:$0x3FAD]  }
0x2f: {  	lr =	sadd.s32 s0, s3;
	s0 =	sld [smem:$0x3FA4]  }
0x30: {  	s3 =	sld [smem:$0x3FA7]  }
0x31: {  	[smem:$0x3FB0] =	sst s10  }
0x32: {  	s10 =	sld [smem:$0x3FAE];
	_ =	sdelay $0x3  }
0x33: {  	p0 =	seq.s32 s10, $0x1;
	s10 =	sld [smem:$0x3FB0];
	_ =	sdelay $0x3  }
0x34: {  	[smem:$0x3FB0] =	sst s10  }
0x35: {  	s10 =	sld [smem:$0x3FAF];
	_ =	sdelay $0x3  }
0x36: {  	p1 =	seq.s32 s10, $0x1;
	s10 =	sld [smem:$0x3FB0];
	_ =	sdelay $0x3  }
0x37: {  	[smem:$0x3FB0] =	sst s10  }
0x38: {  	s10 =	sld [smem:$0x3FB1]  }
0x39: {  	_ = 	snop;
	(pc) =	sbr.ind lr, $3  }
0x3a: {  	_ = 	snop  }
0x3b: {  	_ = 	snop  }
0x3c: {  	p2 =	seq.s32 s10, $0x1;
	s10 =	sld [smem:$0x3FB0]  }
0x3d: {  	_ =	shalt  }
0x3e: {  	_ =	shalt  }
0x3f: {  	_ =	shalt  }
0x40: {  	_ =	shalt  }
0x41: {  	_ =	shalt  }
0x42: {  	_ =	shalt  }
0x43: {  	_ =	shalt  }
0x44: {  	_ =	shalt  }
0x45: {  	_ =	shalt  }
0x46: {  	_ =	shalt  }
0x47: {  	_ =	shalt  }
0x48: {  	_ =	shalt  }
0x49: {  	_ =	shalt  }
0x4a: {  	_ =	shalt  }
0x4b: {  	_ =	shalt  }
0x4c: {  	_ =	shalt  }
0x4d: {  	_ =	shalt  }
0x4e: {  	_ =	shalt  }
0x4f: {  	_ =	shalt  }
0x50: {  	_ =	shalt  }
0x51: {  	_ =	shalt  }
0x52: {  	_ =	shalt  }
0x53: {  	_ =	shalt  }
0x54: {  	_ =	shalt  }
0x55: {  	_ =	shalt  }
0x56: {  	_ =	shalt  }
0x57: {  	_ =	shalt  }
0x58: {  	_ =	shalt  }
0x59: {  	_ =	shalt  }
0x5a: {  	_ =	shalt  }
0x5b: {  	_ =	shalt  }
0x5c: {  	_ =	shalt  }
0x5d: {  	_ =	shalt  }
0x5e: {  	_ =	shalt  }
0x5f: {  	_ =	shalt  }
0x60: {  	_ =	shalt  }
0x61: {  	_ =	shalt  }
0x62: {  	_ =	shalt  }
0x63: {  	_ =	shalt  }
0x64: {  	_ =	shalt  }
0x65: {  	_ =	shalt  }
0x66: {  	_ =	shalt  }
0x67: {  	_ =	shalt  }
0x68: {  	_ =	shalt  }
0x69: {  	_ =	shalt  }
0x6a: {  	_ =	shalt  }
0x6b: {  	_ =	shalt  }
0x6c: {  	_ =	shalt  }
0x6d: {  	_ =	shalt  }
0x6e: {  	_ =	shalt  }
0x6f: {  	_ =	shalt  }
0x70: {  	_ =	shalt  }
0x71: {  	_ =	shalt  }
0x72: {  	_ =	shalt  }
0x73: {  	_ =	shalt  }
0x74: {  	_ =	shalt  }
0x75: {  	_ =	shalt  }
0x76: {  	_ =	shalt  }
0x77: {  	_ =	shalt  }
0x78: {  	_ =	shalt  }
0x79: {  	_ =	shalt  }
0x7a: {  	_ =	shalt  }
0x7b: {  	_ =	shalt  }
0x7c: {  	_ =	shalt  }
0x7d: {  	_ =	shalt  }
0x7e: {  	_ =	shalt  }
0x7f: {  	_ =	shalt  }
0x80: {  	_ =	shalt  }
0x81: {  	_ =	shalt  }
0x82: {  	_ =	shalt  }
0x83: {  	_ =	shalt  }
0x84: {  	_ =	shalt  }
0x85: {  	_ =	shalt  }
0x86: {  	_ =	shalt  }
0x87: {  	_ =	shalt  }
.Lfunc_end0:
.L_simem_size_0:
called_computation_lowered:
.L_overlay_start_0:
0x88: {  	s2 =	sld [smem:$0x3FD9]  }
0x89: {  	s3 =	sld [smem:$0x3FFE];
	_ =	sdelay $0x1  }
0x8a: {  	s1 =	srdreg.scid  }
0x8b: {  	s0 =	sand.u32 $0x1, s1  }
0x8c: {  	s16 =	sshll.u32 s0, $0xA;
	s2 =	sadd.s32 s3, s2  }
0x8d: {  	s2 =	sadd.s32 s2, s16  }
0x8e: {  	[smem:$0x3FBC] =	sst s2  }
0x8f: {  	_ = 	snop  }
0x90: {  	(tm) =	ssettm $0x1  }
0x91: {  	s17 =	sld [smem:$0x3FFB];
	_ =	sdelay $0x3  }
0x92: {  	_ =	strace s17  }
0x93: {  	s2 =	sld [smem:$0x3FFC];
	_ =	sdelay $0x3  }
0x94: {  	_ =	strace s2  }
0x95: {  	s2 =	sld [smem:$0x3FFD];
	_ =	sdelay $0x3  }
0x96: {  	_ =	strace s2  }
0x97: {  	_ =	strace $0x8FFFFFFF  }
0x98: {  	s18 =	sld [smem:$0x3FDB];
	_ =	sdelay $0x1  }
0x99: {  	s19 =	simm.s32 $_scs_section_size  }
0x9a: {  	s4 =	simm.s32 $_size__tile_overlayer_lowered;
	s5 =	simm.s32 $_tile_overlayer_lowered  }
0x9b: {  	s22 =	simm.s32 $0x1BFF;
	s21 =	sshll.u32 s5, $0x1;
	s2 =	sadd.s32 s19, s18  }
0x9c: {  	s6 =	simm.s32 $0x0;
	s20 =	sshll.u32 s4, $0x1;
	s4 =	sadd.s32 s21, s2  }
0x9d: {  	[timem:s6], [sflag:s22] =	dma.local [hbm:s4], s20  }
0x9e: {  	_ =	swait.ge [sflag:s22], s20  }
0x9f: {  	s3 =	ssub.s32 $0x0, s20;
	[sflag:s22] =	ssyncset.done $0x0  }
0xa0: {  	[sflag:s22] =	ssyncadd.s32 s3;
	_ =	sdelay $0x1  }
0xa1: {  	s23 =	simm.s32 $0x1B8B  }
0xa2: {  	_ =	swait.ge [sflag:s23], $0x1  }
0xa3: {  	[sflag:s23] =	ssyncset.done $0x0  }
0xa4: {  	s25 =	simm.s32 $0x1B8E;
	s24 =	sld [smem:$0x3FFE];
	[sflag:s23] =	ssyncadd.s32 $0xFFFFFFFF  }
0xa5: {  	s26 =	simm.s32 $execute0_lowered;
	[smem:$0x3FD2] =	sst s25  }
0xa6: {  	s4 =	sshll.u32 s26, $0x1;
	_ =	strace $0x80000046;
	[dreg:$0x1] =	wrdreg $0xFFFFFFFF  }
0xa7: {  	s28 =	simm.s32 $_size_execute0_lowered;
	s2 =	sadd.s32 s2, s4;
	[dreg:$0x0] =	wrdreg $0x0  }
0xa8: {  	s4 =	sshll.u32 s28, $0x1;
	[dreg:$0x2] =	wrdreg s2  }
0xa9: {  	[dreg:$0x3] =	wrdreg s4  }
0xaa: {  	[dreg:$0x4] =	wrdreg $0xC0  }
0xab: {  	_ =	task [dreg:s6], $0x5FFFF  }
0xac: {  	[dreg:$0x1] =	wrdreg $0xFFFFFFFF  }
0xad: {  	[dreg:$0x0] =	wrdreg $0x60  }
0xae: {  	[dreg:$0x2] =	wrdreg s24  }
0xaf: {  	[dreg:$0x3] =	wrdreg $0x50000  }
0xb0: {  	[dreg:$0x4] =	wrdreg $0x9  }
0xb1: {  	_ =	task.clear_ibuf [dreg:s6], $0x5FFFF;
	_ =	strace $0x90000046  }
0xb2: {  	s29 =	simm.s32 $0x9;
	_ =	strace $0x80000048  }
0xb3: {  	_ =	swait.ge [sflag:s29], $0x1  }
0xb4: {  	[sflag:s29] =	ssyncadd.s32 $0xFFFFFFFF  }
0xb5: {  	_ =	strace $0x90000048  }
0xb6: {  	_ =	sfence  }
0xb7: {  	s30 =	sld [smem:$0x0];
	_ =	sdelay $0x2  }
0xb8: {  	s31 =	sshll.u32 s1, $0xD;
	s1 =	sshrl.u32 s1, $0x2  }
0xb9: {  	s3 =	sand.u32 $0x4000, s31;
	s1 =	sadd.s32 s1, s30  }
0xba: {  	s0 =	sor.u32 s3, s0;
	s1 =	sshll.u32 s1, $0x11  }
0xbb: {  	s0 =	sor.u32 s1, s0  }
0xbc: {  	s0 =	sadd.s32 $0x8F2B, s0  }
0xbd: {  	[sflag:s0] =	ssyncadd.remote.s32 $0x1  }
0xbe: {  	_ =	sfence.sel $0xFFFF  }
0xbf: {  	[dreg:$0x0] =	wrdreg $0xFFFFFFFF;
	(pc) =	sbr.abs _section_cstart, $3  }
0xc0: {  	[dreg:$0x1] =	wrdreg $0xFFFFFFFF  }
0xc1: {  	_ =	task.clear_ibuf [dreg:s6], $0x2FFFF;
	_ =	strace $0x9FFFFFFF  }
0xc2: {  	(tm) =	ssettm $0x7FFFFFFF  }
0xc3: {  	_ =	shalt  }
tec
execute0_lowered:
.L_overlay_start_1:
0x0: {  	(tag) =	ssettag $0x1  }
0x1: {  	s0 =	rddreg [dreg:$0x0]  }
0x2: {  	s1 =	rddreg [dreg:$0x1];
	s2 =	simm.s32 $0x0  }
0x3: {  	s5 =	srdreg.scid;
	s11 =	stileid.u32;
	s25 =	simm.s32 $0x100  }
0x4: {  	s12 =	simm.s32 $0x200;
	s14 =	simm.s32 $0x980;
	s15 =	simm.s32 $0x280  }
0x5: {  	s16 =	simm.s32 $0xA00;
	s28 =	simm.s32 $0xE00;
	s29 =	simm.s32 $0x700  }
0x6: {  	s30 =	simm.s32 $0xE80;
	s31 =	simm.s32 $0x780;
	[smem:$0x7FF] =	sst s2  }
0x7: {  	s3 =	sadd.s32 $0x2400, s0;
	s4 =	sadd.s32 $0x2A400, s0;
	s17 =	sand.u32 $0x1, s5  }
0x8: {  	s18 =	sadd.s32 $0x16400, s0;
	s7 =	smul.u32 $0x13C00, s11;
	s8 =	sshrl.u32 s11, $0x2  }
0x9: {  	s26 =	smul.u32 $0x4F000, s11;
	_ =	strace $0x80000047;
	[dreg:$0x3] =	wrdreg s3  }
0xa: {  	s9 =	sshll.u32 s11, $0x8;
	s6 =	smul.u32 $0x13C000, s17;
	[dreg:$0x4] =	wrdreg s18  }
0xb: {  	s24 =	sshll.u32 s11, $0xD;
	s8 =	smul.u32 $0x13C00, s8;
	[dreg:$0x5] =	wrdreg s25  }
0xc: {  	s10 =	sshll.u32 s17, $0x7;
	s9 =	sand.u32 $0x300, s9;
	[dreg:$0x9] =	wrdreg s12  }
0xd: {  	s21 =	ssub.s32 $0x2, s17;
	p0 =	seq.s32 s17, $0x0;
	[dreg:$0xa] =	wrdreg s14  }
0xe: {  	s3 =	sshll.u32 s11, $0xF;
	s11 =	simm.s32 $0x900;
	[dreg:$0xb] =	wrdreg s15  }
0xf: {  	[dreg:$0xc] =	wrdreg s16;
	s18 =	simm.s32 $0x300;
	s12 =	simm.s32 $0x1000  }
0x10: {  	s14 =	simm.s32 $0x800;
	s15 =	simm.s32 $0x18C00;
	s16 =	simm.s32 $0x40  }
0x11: {  	s25 =	simm.s32 $0x500;
	s20 =	sor.u32 s10, s9;
	[dreg:$0x8] =	wrdreg s11  }
0x12: {  	s22 =	sshrl.u32 s21, $0x1;
	s9 =	simm.s32 $0x10;
	[dreg:$0xd] =	wrdreg s18  }
0x13: {  	s10 =	simm.s32 $0x180;
	s18 =	simm.s32 $0x3000;
	[dreg:$0x14] =	wrdreg s25  }
0x14: {  	s25 =	simm.s32 $0xD80;
	s19 =	sadd.s32 s7, s6;
	s6 =	sor.u32 s8, s20  }
0x15: {  	s23 =	ssub.s32 s21, s22;
	s7 =	sor.u32 $0x80000, s24;
	s8 =	simm.s32 $0x880  }
0x16: {  	s9 =	simm.s32 @!p0 $0x4;
	[dreg:$0x7] =	wrdreg s10;
	s20 =	simm.s32 $0x380  }
0x17: {  	s21 =	simm.s32 $0xB00;
	s22 =	simm.s32 $0xB80;
	[dreg:$0x6] =	wrdreg s8  }
0x18: {  	s24 =	simm.s32 $0xC00;
	s5 =	sshrl.u32 s19, $0x3;
	[dreg:$0xf] =	wrdreg s20  }
0x19: {  	s6 =	sshrl.u32 s6, $0x3;
	s7 =	smov.u32 @p0 s3;
	[dreg:$0x10] =	wrdreg s21  }
0x1a: {  	s17 =	smax.u32 s23, $0x1;
	s19 =	simm.s32 $0xA80;
	[dreg:$0x11] =	wrdreg s22  }
0x1b: {  	s23 =	simm.s32 $0x480;
	[dreg:$0x13] =	wrdreg s24;
	s20 =	simm.s32 $0x2  }
0x1c: {  	s21 =	simm.s32 $0x400;
	s22 =	simm.s32 $0x580;
	s24 =	simm.s32 $0x600  }
0x1d: {  	s3 =	simm.s32 $0xF80;
	s8 =	simm.s32 $0x0;
	[dreg:$0x16] =	wrdreg s7  }
0x1e: {  	s5 =	sadd.s32 s5, s0;
	s0 =	sadd.s32 s6, s0;
	[dreg:$0x1a] =	wrdreg s17  }
0x1f: {  	s7 =	sshrl.u32 s26, $0x2;
	[dreg:$0xe] =	wrdreg s19;
	s17 =	simm.s32 $0x80  }
0x20: {  	[dreg:$0x12] =	wrdreg s23;
	s19 =	simm.s32 $0x1;
	s26 =	simm.s32 $0xC80  }
0x21: {  	s23 =	simm.s32 $0xD00;
	s5 =	sadd.s32 $0x5B400, s5;
	[dreg:$0x15] =	wrdreg s26  }
0x22: {  	s7 =	sadd.s32 s7, s1;
	s0 =	sadd.s32 $0x51600, s0;
	[dreg:$0x18] =	wrdreg s5  }
0x23: {  	s26 =	simm.s32 $0x680;
	s13 =	sadd.s32 $0x13800, s7;
	[dreg:$0x19] =	wrdreg s0  }
0x24: {  	v0 =	vimm.f32 $0.0e+00;
	v1 =	vimm.f32 $1.000000000e+00;
	s0 =	simm.s32 $0xF00;
	[dreg:$0x17] =	wrdreg s13;
	s13 =	simm.s32 $0x3  }
.LBB2_1:
0x25: {  	s5 =	simm.s32 $0x0;
	s6 =	simm.s32 $0x200  }
.LBB2_2:
0x26: {  	p0 =	sne.s32 s6, $0x1E00;
	[tilespmem:s5+$0x1070] =	vst v0  }
0x27: {  	[tilespmem:s5+$0x1000] =	vst v0  }
0x28: {  	[tilespmem:s5+$0x1010] =	vst v0  }
.Ltmp0:
0x29: {  	[tilespmem:s5+$0x1020] =	vst v0;
	(pc) =	sbr.rel @p0 .LBB2_2-.Ltmp0, $4  }
0x2a: {  	[tilespmem:s5+$0x1030] =	vst v0  }
0x2b: {  	[tilespmem:s5+$0x1040] =	vst v0  }
0x2c: {  	[tilespmem:s5+$0x1050] =	vst v0  }
0x2d: {  	[tilespmem:s5+$0x1060] =	vst v0;
	s5 =	sshra.s32 s6, $0x2;
	s6 =	sadd.s32 $0x200, s6  }
0x2e: {  	[tilespmem:s5+$0x1070] =	vst v0  }
0x2f: {  	[tilespmem:s5+$0x1000] =	vst v0  }
0x30: {  	[tilespmem:s5+$0x1010] =	vst v0  }
0x31: {  	[tilespmem:s5+$0x1020] =	vst v0  }
0x32: {  	[tilespmem:s5+$0x1030] =	vst v0  }
0x33: {  	[tilespmem:s5+$0x1040] =	vst v0  }
0x34: {  	[tilespmem:s5+$0x1050] =	vst v0  }
0x35: {  	[tilespmem:s5+$0x1060] =	vst v0;
	s5 =	simm.s32 $0x40;
	s6 =	simm.s32 $0x0  }
.LBB2_4:
0x36: {  	p0 =	sne.s32 s5, $0x9DC0;
	[tilespmem:s6+$0x18C00] =	vst v0;
	s6 =	smov.u32 s5;
	s5 =	sadd.s32 $0x40, s5  }
.Ltmp1:
0x37: {  	(pc) =	sbr.rel @p0 .LBB2_4-.Ltmp1, $2  }
0x38: {  	_ =	sdelay $0x2  }
0x39: {  	s6 =	sshra.s32 s6, $0x2  }
0x3a: {  	[tilespmem:s6+$0x18C00] =	vst v0;
	s5 =	sadd.s32 $0x0, s7  }
0x3b: {  	[spmem:s5] =	stream.linear.scatter [tilespmem:s12], [sflag:$0x3], $0x800, $0x38;
	[tilespmem:$0x1B380] =	vst v63  }
0x3c: {  	s5 =	simm.s32 $0x2000;
	_ =	swait.ge [sflag:s13], $0x800  }
.LBB2_6:
0x3d: {  	s6 =	sshra.s32 s5, $0x2;
	[sflag:s13] =	ssyncset.done $0x0;
	p0 =	sne.s32 s5, $0x4C000  }
.Ltmp2:
0x3e: {  	s6 =	sadd.s32 s6, s7;
	[sflag:s13] =	ssyncadd.s32 $0xFFFFF800;
	(pc) =	sbr.rel @p0 .LBB2_6-.Ltmp2, $3  }
0x3f: {  	[spmem:s6] =	stream.linear.scatter [tilespmem:s12], [sflag:$0x3], $0x800, $0x38;
	[tilespmem:$0x1B380] =	vst v63  }
0x40: {  	s5 =	sadd.s32 $0x2000, s5;
	_ =	sdelay $0x1  }
0x41: {  	_ =	swait.ge [sflag:s13], $0x800  }
0x42: {  	[sflag:s13] =	ssyncset.done $0x0  }
0x43: {  	s5 =	rddreg [dreg:$0x17];
	[sflag:s13] =	ssyncadd.s32 $0xFFFFF800  }
0x44: {  	[spmem:s5] =	stream.linear.scatter [tilespmem:s12], [sflag:$0x3], $0x400, $0x38;
	[tilespmem:$0x1B380] =	vst v63  }
0x45: {  	_ =	swait.ge [sflag:s13], $0x400  }
0x46: {  	[sflag:s13] =	ssyncset.done $0x0  }
0x47: {  	[sflag:s13] =	ssyncadd.s32 $0xFFFFFC00  }
0x48: {  	[bflag:$0x0] =	sbarrier.arrive $0xFFFF  }
0x49: {  	s6 =	smov.u32 s9;
	s5 =	rddreg [dreg:$0x16]  }
.LBB2_8:
0x4a: {  	s11 =	rddreg [dreg:$0x3];
	s10 =	sshrl.u32 s5, $0x3  }
0x4b: {  	s11 =	sadd.s32 s11, s10  }
0x4c: {  	[tilespmem:s2], [sflag:$0x3] =	stream.linear.gather [hbm4b:s11+s2], $0x800, $0x38;
	[tilespmem:$0x1B380] =	vst v63  }
0x4d: {  	_ =	swait.ge [sflag:s13], $0x800  }
0x4e: {  	s11 =	rddreg [dreg:$0x4];
	[sflag:s13] =	ssyncset.done $0x0  }
0x4f: {  	s10 =	sadd.s32 s11, s10;
	[sflag:s13] =	ssyncadd.s32 $0xFFFFF800  }
0x50: {  	[tilespmem:s14], [sflag:$0x3] =	stream.linear.gather [hbm4b:s10+s2], $0x800, $0x38;
	[tilespmem:$0x1B380] =	vst v63  }
0x51: {  	_ =	swait.ge [sflag:s13], $0x800  }
0x52: {  	[sflag:s13] =	ssyncset.done $0x0  }
0x53: {  	[sflag:s13] =	ssyncadd.s32 $0xFFFFF800  }
0x54: {  	v2 =	vld [tilespmem:$0x800];
	_ =	sdelay $0x7  }
0x55: {  	[tilespmem:v2+s15+$0x0] =	vst.idx.add.f32.msk $0xffff, v1  }
0x56: {  	v2 =	vld [tilespmem:$0x810];
	_ =	sdelay $0x7  }
0x57: {  	[tilespmem:v2+s15+$0x0] =	vst.idx.add.f32.msk $0xffff, v1  }
0x58: {  	v2 =	vld [tilespmem:$0x820];
	_ =	sdelay $0x7  }
0x59: {  	[tilespmem:v2+s15+$0x0] =	vst.idx.add.f32.msk $0xffff, v1  }
0x5a: {  	v2 =	vld [tilespmem:$0x830];
	_ =	sdelay $0x7  }
0x5b: {  	[tilespmem:v2+s15+$0x0] =	vst.idx.add.f32.msk $0xffff, v1  }
0x5c: {  	v2 =	vld [tilespmem:$0x880];
	_ =	sdelay $0x7  }
0x5d: {  	[tilespmem:v2+s15+$0x0] =	vst.idx.add.f32.msk $0xffff, v1  }
0x5e: {  	v2 =	vld [tilespmem:$0x890];
	_ =	sdelay $0x7  }
0x5f: {  	[tilespmem:v2+s15+$0x0] =	vst.idx.add.f32.msk $0xffff, v1  }
0x60: {  	v2 =	vld [tilespmem:$0x8A0];
	_ =	sdelay $0x7  }
0x61: {  	[tilespmem:v2+s15+$0x0] =	vst.idx.add.f32.msk $0xffff, v1  }
0x62: {  	v2 =	vld [tilespmem:$0x8B0];
	_ =	sdelay $0x7  }
0x63: {  	[tilespmem:v2+s15+$0x0] =	vst.idx.add.f32.msk $0xffff, v1  }
0x64: {  	v2 =	vld [tilespmem:$0x900];
	_ =	sdelay $0x7  }
0x65: {  	[tilespmem:v2+s15+$0x0] =	vst.idx.add.f32.msk $0xffff, v1  }
0x66: {  	v2 =	vld [tilespmem:$0x910];
	_ =	sdelay $0x7  }
0x67: {  	[tilespmem:v2+s15+$0x0] =	vst.idx.add.f32.msk $0xffff, v1  }
0x68: {  	v2 =	vld [tilespmem:$0x920];
	_ =	sdelay $0x7  }
0x69: {  	[tilespmem:v2+s15+$0x0] =	vst.idx.add.f32.msk $0xffff, v1  }
0x6a: {  	v2 =	vld [tilespmem:$0x930];
	_ =	sdelay $0x7  }
0x6b: {  	[tilespmem:v2+s15+$0x0] =	vst.idx.add.f32.msk $0xffff, v1  }
0x6c: {  	v2 =	vld [tilespmem:$0x980];
	_ =	sdelay $0x7  }
0x6d: {  	[tilespmem:v2+s15+$0x0] =	vst.idx.add.f32.msk $0xffff, v1  }
0x6e: {  	v2 =	vld [tilespmem:$0x990];
	_ =	sdelay $0x7  }
0x6f: {  	[tilespmem:v2+s15+$0x0] =	vst.idx.add.f32.msk $0xffff, v1  }
0x70: {  	v2 =	vld [tilespmem:$0x9A0];
	_ =	sdelay $0x7  }
0x71: {  	[tilespmem:v2+s15+$0x0] =	vst.idx.add.f32.msk $0xffff, v1  }
0x72: {  	v2 =	vld [tilespmem:$0x9B0];
	_ =	sdelay $0x7  }
0x73: {  	[tilespmem:v2+s15+$0x0] =	vst.idx.add.f32.msk $0xffff, v1  }
0x74: {  	v2 =	vld [tilespmem:$0xA00];
	_ =	sdelay $0x7  }
0x75: {  	[tilespmem:v2+s15+$0x0] =	vst.idx.add.f32.msk $0xffff, v1  }
0x76: {  	v2 =	vld [tilespmem:$0xA10];
	_ =	sdelay $0x7  }
0x77: {  	[tilespmem:v2+s15+$0x0] =	vst.idx.add.f32.msk $0xffff, v1  }
0x78: {  	v2 =	vld [tilespmem:$0xA20];
	_ =	sdelay $0x7  }
0x79: {  	[tilespmem:v2+s15+$0x0] =	vst.idx.add.f32.msk $0xffff, v1  }
0x7a: {  	v2 =	vld [tilespmem:$0xA30];
	_ =	sdelay $0x7  }
0x7b: {  	[tilespmem:v2+s15+$0x0] =	vst.idx.add.f32.msk $0xffff, v1  }
0x7c: {  	v2 =	vld [tilespmem:$0xA80];
	_ =	sdelay $0x7  }
0x7d: {  	[tilespmem:v2+s15+$0x0] =	vst.idx.add.f32.msk $0xffff, v1  }
0x7e: {  	v2 =	vld [tilespmem:$0xA90];
	_ =	sdelay $0x7  }
0x7f: {  	[tilespmem:v2+s15+$0x0] =	vst.idx.add.f32.msk $0xffff, v1  }
0x80: {  	v2 =	vld [tilespmem:$0xAA0];
	_ =	sdelay $0x7  }
0x81: {  	[tilespmem:v2+s15+$0x0] =	vst.idx.add.f32.msk $0xffff, v1  }
0x82: {  	v2 =	vld [tilespmem:$0xAB0];
	_ =	sdelay $0x7  }
0x83: {  	[tilespmem:v2+s15+$0x0] =	vst.idx.add.f32.msk $0xffff, v1  }
0x84: {  	v2 =	vld [tilespmem:$0xB00];
	_ =	sdelay $0x7  }
0x85: {  	[tilespmem:v2+s15+$0x0] =	vst.idx.add.f32.msk $0xffff, v1  }
0x86: {  	v2 =	vld [tilespmem:$0xB10];
	_ =	sdelay $0x7  }
0x87: {  	[tilespmem:v2+s15+$0x0] =	vst.idx.add.f32.msk $0xffff, v1  }
0x88: {  	v2 =	vld [tilespmem:$0xB20];
	_ =	sdelay $0x7  }
0x89: {  	[tilespmem:v2+s15+$0x0] =	vst.idx.add.f32.msk $0xffff, v1  }
0x8a: {  	v2 =	vld [tilespmem:$0xB30];
	_ =	sdelay $0x7  }
0x8b: {  	[tilespmem:v2+s15+$0x0] =	vst.idx.add.f32.msk $0xffff, v1  }
0x8c: {  	v2 =	vld [tilespmem:$0xB80];
	_ =	sdelay $0x7  }
0x8d: {  	[tilespmem:v2+s15+$0x0] =	vst.idx.add.f32.msk $0xffff, v1  }
0x8e: {  	v2 =	vld [tilespmem:$0xB90];
	_ =	sdelay $0x7  }
0x8f: {  	[tilespmem:v2+s15+$0x0] =	vst.idx.add.f32.msk $0xffff, v1  }
0x90: {  	v2 =	vld [tilespmem:$0xBA0];
	_ =	sdelay $0x7  }
0x91: {  	[tilespmem:v2+s15+$0x0] =	vst.idx.add.f32.msk $0xffff, v1  }
0x92: {  	v2 =	vld [tilespmem:$0xBB0];
	_ =	sdelay $0x7  }
0x93: {  	[tilespmem:v2+s15+$0x0] =	vst.idx.add.f32.msk $0xffff, v1  }
0x94: {  	v2 =	vld [tilespmem:$0xC00];
	_ =	sdelay $0x7  }
0x95: {  	[tilespmem:v2+s15+$0x0] =	vst.idx.add.f32.msk $0xffff, v1  }
0x96: {  	v2 =	vld [tilespmem:$0xC10];
	_ =	sdelay $0x7  }
0x97: {  	[tilespmem:v2+s15+$0x0] =	vst.idx.add.f32.msk $0xffff, v1  }
0x98: {  	v2 =	vld [tilespmem:$0xC20];
	_ =	sdelay $0x7  }
0x99: {  	[tilespmem:v2+s15+$0x0] =	vst.idx.add.f32.msk $0xffff, v1  }
0x9a: {  	v2 =	vld [tilespmem:$0xC30];
	_ =	sdelay $0x7  }
0x9b: {  	[tilespmem:v2+s15+$0x0] =	vst.idx.add.f32.msk $0xffff, v1  }
0x9c: {  	v2 =	vld [tilespmem:$0xC80];
	_ =	sdelay $0x7  }
0x9d: {  	[tilespmem:v2+s15+$0x0] =	vst.idx.add.f32.msk $0xffff, v1  }
0x9e: {  	v2 =	vld [tilespmem:$0xC90];
	_ =	sdelay $0x7  }
0x9f: {  	[tilespmem:v2+s15+$0x0] =	vst.idx.add.f32.msk $0xffff, v1  }
0xa0: {  	v2 =	vld [tilespmem:$0xCA0];
	_ =	sdelay $0x7  }
0xa1: {  	[tilespmem:v2+s15+$0x0] =	vst.idx.add.f32.msk $0xffff, v1  }
0xa2: {  	v2 =	vld [tilespmem:$0xCB0];
	_ =	sdelay $0x7  }
0xa3: {  	[tilespmem:v2+s15+$0x0] =	vst.idx.add.f32.msk $0xffff, v1  }
0xa4: {  	v2 =	vld [tilespmem:$0xD00];
	_ =	sdelay $0x7  }
0xa5: {  	[tilespmem:v2+s15+$0x0] =	vst.idx.add.f32.msk $0xffff, v1  }
0xa6: {  	v2 =	vld [tilespmem:$0xD10];
	_ =	sdelay $0x7  }
0xa7: {  	[tilespmem:v2+s15+$0x0] =	vst.idx.add.f32.msk $0xffff, v1  }
0xa8: {  	v2 =	vld [tilespmem:$0xD20];
	_ =	sdelay $0x7  }
0xa9: {  	[tilespmem:v2+s15+$0x0] =	vst.idx.add.f32.msk $0xffff, v1  }
0xaa: {  	v2 =	vld [tilespmem:$0xD30];
	_ =	sdelay $0x7  }
0xab: {  	[tilespmem:v2+s15+$0x0] =	vst.idx.add.f32.msk $0xffff, v1  }
0xac: {  	v2 =	vld [tilespmem:$0xD80];
	_ =	sdelay $0x7  }
0xad: {  	[tilespmem:v2+s15+$0x0] =	vst.idx.add.f32.msk $0xffff, v1  }
0xae: {  	v2 =	vld [tilespmem:$0xD90];
	_ =	sdelay $0x7  }
0xaf: {  	[tilespmem:v2+s15+$0x0] =	vst.idx.add.f32.msk $0xffff, v1  }
0xb0: {  	v2 =	vld [tilespmem:$0xDA0];
	_ =	sdelay $0x7  }
0xb1: {  	[tilespmem:v2+s15+$0x0] =	vst.idx.add.f32.msk $0xffff, v1  }
0xb2: {  	v2 =	vld [tilespmem:$0xDB0];
	_ =	sdelay $0x7  }
0xb3: {  	[tilespmem:v2+s15+$0x0] =	vst.idx.add.f32.msk $0xffff, v1  }
0xb4: {  	v2 =	vld [tilespmem:$0xE00];
	_ =	sdelay $0x7  }
0xb5: {  	[tilespmem:v2+s15+$0x0] =	vst.idx.add.f32.msk $0xffff, v1  }
0xb6: {  	v2 =	vld [tilespmem:$0xE10];
	_ =	sdelay $0x7  }
0xb7: {  	[tilespmem:v2+s15+$0x0] =	vst.idx.add.f32.msk $0xffff, v1  }
0xb8: {  	v2 =	vld [tilespmem:$0xE20];
	_ =	sdelay $0x7  }
0xb9: {  	[tilespmem:v2+s15+$0x0] =	vst.idx.add.f32.msk $0xffff, v1  }
0xba: {  	v2 =	vld [tilespmem:$0xE30];
	_ =	sdelay $0x7  }
0xbb: {  	[tilespmem:v2+s15+$0x0] =	vst.idx.add.f32.msk $0xffff, v1  }
0xbc: {  	v2 =	vld [tilespmem:$0xE80];
	_ =	sdelay $0x7  }
0xbd: {  	[tilespmem:v2+s15+$0x0] =	vst.idx.add.f32.msk $0xffff, v1  }
0xbe: {  	v2 =	vld [tilespmem:$0xE90];
	_ =	sdelay $0x7  }
0xbf: {  	[tilespmem:v2+s15+$0x0] =	vst.idx.add.f32.msk $0xffff, v1  }
0xc0: {  	v2 =	vld [tilespmem:$0xEA0];
	_ =	sdelay $0x7  }
0xc1: {  	[tilespmem:v2+s15+$0x0] =	vst.idx.add.f32.msk $0xffff, v1  }
0xc2: {  	v2 =	vld [tilespmem:$0xEB0];
	_ =	sdelay $0x7  }
0xc3: {  	[tilespmem:v2+s15+$0x0] =	vst.idx.add.f32.msk $0xffff, v1  }
0xc4: {  	v2 =	vld [tilespmem:$0xF00];
	_ =	sdelay $0x7  }
0xc5: {  	[tilespmem:v2+s15+$0x0] =	vst.idx.add.f32.msk $0xffff, v1  }
0xc6: {  	v2 =	vld [tilespmem:$0xF10];
	_ =	sdelay $0x7  }
0xc7: {  	[tilespmem:v2+s15+$0x0] =	vst.idx.add.f32.msk $0xffff, v1  }
0xc8: {  	v2 =	vld [tilespmem:$0xF20];
	_ =	sdelay $0x7  }
0xc9: {  	[tilespmem:v2+s15+$0x0] =	vst.idx.add.f32.msk $0xffff, v1  }
0xca: {  	v2 =	vld [tilespmem:$0xF30];
	_ =	sdelay $0x7  }
0xcb: {  	[tilespmem:v2+s15+$0x0] =	vst.idx.add.f32.msk $0xffff, v1  }
0xcc: {  	v2 =	vld [tilespmem:$0xF80];
	_ =	sdelay $0x7  }
0xcd: {  	[tilespmem:v2+s15+$0x0] =	vst.idx.add.f32.msk $0xffff, v1  }
0xce: {  	v2 =	vld [tilespmem:$0xF90];
	_ =	sdelay $0x7  }
0xcf: {  	[tilespmem:v2+s15+$0x0] =	vst.idx.add.f32.msk $0xffff, v1  }
0xd0: {  	v2 =	vld [tilespmem:$0xFA0];
	_ =	sdelay $0x7  }
0xd1: {  	[tilespmem:v2+s15+$0x0] =	vst.idx.add.f32.msk $0xffff, v1  }
0xd2: {  	v2 =	vld [tilespmem:$0xFB0];
	_ =	sdelay $0x7  }
0xd3: {  	[tilespmem:v2+s15+$0x0] =	vst.idx.add.f32.msk $0xffff, v1  }
0xd4: {  	[tilespmem:s12], [sflag:$0x1] =	stream.indirect.gather [hbm4b:s4+s16], $0x80, s2, s16, $0xb8;
	[tilespmem:$0x1B380] =	vst v63  }
0xd5: {  	_ = 	snop  }
0xd6: {  	[tilespmem:s18], [sflag:$0x2] =	stream.indirect.gather [hbm4b:s4+s16], $0x80, s17, s16, $0xb8;
	[tilespmem:$0x1B380] =	vst v63  }
0xd7: {  	_ =	swait.ge [sflag:s19], $0x2000  }
0xd8: {  	[sflag:s19] =	ssyncset.done $0x0  }
0xd9: {  	[sflag:s19] =	ssyncadd.s32 $0xFFFFE000  }
0xda: {  	[spmem:s1] =	stream.indirect.scatter.add.f32 [tilespmem:s12], [sflag:$0x3], $0x80, s14, s16, $0xb8;
	[tilespmem:$0x1B380] =	vst v63  }
0xdb: {  	_ =	swait.ge [sflag:s13], $0x2000  }
0xdc: {  	[sflag:s13] =	ssyncset.done $0x0  }
0xdd: {  	s11 =	rddreg [dreg:$0x5];
	[sflag:s13] =	ssyncadd.s32 $0xFFFFE000  }
0xde: {  	[tilespmem:s12], [sflag:$0x1] =	stream.indirect.gather [hbm4b:s4+s16], $0x80, s11, s16, $0xb8;
	[tilespmem:$0x1B380] =	vst v63  }
0xdf: {  	_ =	swait.ge [sflag:s20], $0x2000  }
0xe0: {  	[sflag:s20] =	ssyncset.done $0x0  }
0xe1: {  	s11 =	rddreg [dreg:$0x6];
	[sflag:s20] =	ssyncadd.s32 $0xFFFFE000  }
0xe2: {  	[spmem:s1] =	stream.indirect.scatter.add.f32 [tilespmem:s18], [sflag:$0x3], $0x80, s11, s16, $0xb8;
	[tilespmem:$0x1B380] =	vst v63  }
0xe3: {  	_ =	swait.ge [sflag:s13], $0x2000  }
0xe4: {  	[sflag:s13] =	ssyncset.done $0x0  }
0xe5: {  	s11 =	rddreg [dreg:$0x7];
	[sflag:s13] =	ssyncadd.s32 $0xFFFFE000  }
0xe6: {  	[tilespmem:s18], [sflag:$0x2] =	stream.indirect.gather [hbm4b:s4+s16], $0x80, s11, s16, $0xb8;
	[tilespmem:$0x1B380] =	vst v63  }
0xe7: {  	_ =	swait.ge [sflag:s19], $0x2000  }
0xe8: {  	[sflag:s19] =	ssyncset.done $0x0  }
0xe9: {  	s11 =	rddreg [dreg:$0x8];
	[sflag:s19] =	ssyncadd.s32 $0xFFFFE000  }
0xea: {  	[spmem:s1] =	stream.indirect.scatter.add.f32 [tilespmem:s12], [sflag:$0x3], $0x80, s11, s16, $0xb8;
	[tilespmem:$0x1B380] =	vst v63  }
0xeb: {  	_ =	swait.ge [sflag:s13], $0x2000  }
0xec: {  	[sflag:s13] =	ssyncset.done $0x0  }
0xed: {  	s11 =	rddreg [dreg:$0x9];
	[sflag:s13] =	ssyncadd.s32 $0xFFFFE000  }
0xee: {  	[tilespmem:s12], [sflag:$0x1] =	stream.indirect.gather [hbm4b:s4+s16], $0x80, s11, s16, $0xb8;
	[tilespmem:$0x1B380] =	vst v63  }
0xef: {  	_ =	swait.ge [sflag:s20], $0x2000  }
0xf0: {  	[sflag:s20] =	ssyncset.done $0x0  }
0xf1: {  	s11 =	rddreg [dreg:$0xa];
	[sflag:s20] =	ssyncadd.s32 $0xFFFFE000  }
0xf2: {  	[spmem:s1] =	stream.indirect.scatter.add.f32 [tilespmem:s18], [sflag:$0x3], $0x80, s11, s16, $0xb8;
	[tilespmem:$0x1B380] =	vst v63  }
0xf3: {  	_ =	swait.ge [sflag:s13], $0x2000  }
0xf4: {  	[sflag:s13] =	ssyncset.done $0x0  }
0xf5: {  	s11 =	rddreg [dreg:$0xb];
	[sflag:s13] =	ssyncadd.s32 $0xFFFFE000  }
0xf6: {  	[tilespmem:s18], [sflag:$0x2] =	stream.indirect.gather [hbm4b:s4+s16], $0x80, s11, s16, $0xb8;
	[tilespmem:$0x1B380] =	vst v63  }
0xf7: {  	_ =	swait.ge [sflag:s19], $0x2000  }
0xf8: {  	[sflag:s19] =	ssyncset.done $0x0  }
0xf9: {  	s11 =	rddreg [dreg:$0xc];
	[sflag:s19] =	ssyncadd.s32 $0xFFFFE000  }
0xfa: {  	[spmem:s1] =	stream.indirect.scatter.add.f32 [tilespmem:s12], [sflag:$0x3], $0x80, s11, s16, $0xb8;
	[tilespmem:$0x1B380] =	vst v63  }
0xfb: {  	_ =	swait.ge [sflag:s13], $0x2000  }
0xfc: {  	[sflag:s13] =	ssyncset.done $0x0  }
0xfd: {  	s11 =	rddreg [dreg:$0xd];
	[sflag:s13] =	ssyncadd.s32 $0xFFFFE000  }
0xfe: {  	[tilespmem:s12], [sflag:$0x1] =	stream.indirect.gather [hbm4b:s4+s16], $0x80, s11, s16, $0xb8;
	[tilespmem:$0x1B380] =	vst v63  }
0xff: {  	_ =	swait.ge [sflag:s20], $0x2000  }
0x100: {  	[sflag:s20] =	ssyncset.done $0x0  }
0x101: {  	s11 =	rddreg [dreg:$0xe];
	[sflag:s20] =	ssyncadd.s32 $0xFFFFE000  }
0x102: {  	[spmem:s1] =	stream.indirect.scatter.add.f32 [tilespmem:s18], [sflag:$0x3], $0x80, s11, s16, $0xb8;
	[tilespmem:$0x1B380] =	vst v63  }
0x103: {  	_ =	swait.ge [sflag:s13], $0x2000  }
0x104: {  	[sflag:s13] =	ssyncset.done $0x0  }
0x105: {  	s11 =	rddreg [dreg:$0xf];
	[sflag:s13] =	ssyncadd.s32 $0xFFFFE000  }
0x106: {  	[tilespmem:s18], [sflag:$0x2] =	stream.indirect.gather [hbm4b:s4+s16], $0x80, s11, s16, $0xb8;
	[tilespmem:$0x1B380] =	vst v63  }
0x107: {  	_ =	swait.ge [sflag:s19], $0x2000  }
0x108: {  	[sflag:s19] =	ssyncset.done $0x0  }
0x109: {  	s11 =	rddreg [dreg:$0x10];
	[sflag:s19] =	ssyncadd.s32 $0xFFFFE000  }
0x10a: {  	[spmem:s1] =	stream.indirect.scatter.add.f32 [tilespmem:s12], [sflag:$0x3], $0x80, s11, s16, $0xb8;
	[tilespmem:$0x1B380] =	vst v63  }
0x10b: {  	_ =	swait.ge [sflag:s13], $0x2000  }
0x10c: {  	[sflag:s13] =	ssyncset.done $0x0  }
0x10d: {  	[sflag:s13] =	ssyncadd.s32 $0xFFFFE000  }
0x10e: {  	[tilespmem:s12], [sflag:$0x1] =	stream.indirect.gather [hbm4b:s4+s16], $0x80, s21, s16, $0xb8;
	[tilespmem:$0x1B380] =	vst v63  }
0x10f: {  	_ =	swait.ge [sflag:s20], $0x2000  }
0x110: {  	[sflag:s20] =	ssyncset.done $0x0  }
0x111: {  	s11 =	rddreg [dreg:$0x11];
	[sflag:s20] =	ssyncadd.s32 $0xFFFFE000  }
0x112: {  	[spmem:s1] =	stream.indirect.scatter.add.f32 [tilespmem:s18], [sflag:$0x3], $0x80, s11, s16, $0xb8;
	[tilespmem:$0x1B380] =	vst v63  }
0x113: {  	_ =	swait.ge [sflag:s13], $0x2000  }
0x114: {  	[sflag:s13] =	ssyncset.done $0x0  }
0x115: {  	s11 =	rddreg [dreg:$0x12];
	[sflag:s13] =	ssyncadd.s32 $0xFFFFE000  }
0x116: {  	[tilespmem:s18], [sflag:$0x2] =	stream.indirect.gather [hbm4b:s4+s16], $0x80, s11, s16, $0xb8;
	[tilespmem:$0x1B380] =	vst v63  }
0x117: {  	_ =	swait.ge [sflag:s19], $0x2000  }
0x118: {  	[sflag:s19] =	ssyncset.done $0x0  }
0x119: {  	s11 =	rddreg [dreg:$0x13];
	[sflag:s19] =	ssyncadd.s32 $0xFFFFE000  }
0x11a: {  	[spmem:s1] =	stream.indirect.scatter.add.f32 [tilespmem:s12], [sflag:$0x3], $0x80, s11, s16, $0xb8;
	[tilespmem:$0x1B380] =	vst v63  }
0x11b: {  	_ =	swait.ge [sflag:s13], $0x2000  }
0x11c: {  	[sflag:s13] =	ssyncset.done $0x0  }
0x11d: {  	s11 =	rddreg [dreg:$0x14];
	[sflag:s13] =	ssyncadd.s32 $0xFFFFE000  }
0x11e: {  	[tilespmem:s12], [sflag:$0x1] =	stream.indirect.gather [hbm4b:s4+s16], $0x80, s11, s16, $0xb8;
	[tilespmem:$0x1B380] =	vst v63  }
0x11f: {  	_ =	swait.ge [sflag:s20], $0x2000  }
0x120: {  	[sflag:s20] =	ssyncset.done $0x0  }
0x121: {  	s11 =	rddreg [dreg:$0x15];
	[sflag:s20] =	ssyncadd.s32 $0xFFFFE000  }
0x122: {  	[spmem:s1] =	stream.indirect.scatter.add.f32 [tilespmem:s18], [sflag:$0x3], $0x80, s11, s16, $0xb8;
	[tilespmem:$0x1B380] =	vst v63  }
0x123: {  	_ =	swait.ge [sflag:s13], $0x2000  }
0x124: {  	[sflag:s13] =	ssyncset.done $0x0  }
0x125: {  	[sflag:s13] =	ssyncadd.s32 $0xFFFFE000  }
0x126: {  	[tilespmem:s18], [sflag:$0x2] =	stream.indirect.gather [hbm4b:s4+s16], $0x80, s22, s16, $0xb8;
	[tilespmem:$0x1B380] =	vst v63  }
0x127: {  	_ =	swait.ge [sflag:s19], $0x2000  }
0x128: {  	[sflag:s19] =	ssyncset.done $0x0  }
0x129: {  	[sflag:s19] =	ssyncadd.s32 $0xFFFFE000  }
0x12a: {  	[spmem:s1] =	stream.indirect.scatter.add.f32 [tilespmem:s12], [sflag:$0x3], $0x80, s23, s16, $0xb8;
	[tilespmem:$0x1B380] =	vst v63  }
0x12b: {  	_ =	swait.ge [sflag:s13], $0x2000  }
0x12c: {  	[sflag:s13] =	ssyncset.done $0x0  }
0x12d: {  	[sflag:s13] =	ssyncadd.s32 $0xFFFFE000  }
0x12e: {  	[tilespmem:s12], [sflag:$0x1] =	stream.indirect.gather [hbm4b:s4+s16], $0x80, s24, s16, $0xb8;
	[tilespmem:$0x1B380] =	vst v63  }
0x12f: {  	_ =	swait.ge [sflag:s20], $0x2000  }
0x130: {  	[sflag:s20] =	ssyncset.done $0x0  }
0x131: {  	[sflag:s20] =	ssyncadd.s32 $0xFFFFE000  }
0x132: {  	[spmem:s1] =	stream.indirect.scatter.add.f32 [tilespmem:s18], [sflag:$0x3], $0x80, s25, s16, $0xb8;
	[tilespmem:$0x1B380] =	vst v63  }
0x133: {  	_ =	swait.ge [sflag:s13], $0x2000  }
0x134: {  	[sflag:s13] =	ssyncset.done $0x0  }
0x135: {  	[sflag:s13] =	ssyncadd.s32 $0xFFFFE000  }
0x136: {  	[tilespmem:s18], [sflag:$0x2] =	stream.indirect.gather [hbm4b:s4+s16], $0x80, s26, s16, $0xb8;
	[tilespmem:$0x1B380] =	vst v63  }
0x137: {  	_ =	swait.ge [sflag:s19], $0x2000  }
0x138: {  	[sflag:s19] =	ssyncset.done $0x0  }
0x139: {  	[sflag:s19] =	ssyncadd.s32 $0xFFFFE000  }
0x13a: {  	[spmem:s1] =	stream.indirect.scatter.add.f32 [tilespmem:s12], [sflag:$0x3], $0x80, s28, s16, $0xb8;
	[tilespmem:$0x1B380] =	vst v63  }
0x13b: {  	_ =	swait.ge [sflag:s13], $0x2000  }
0x13c: {  	[sflag:s13] =	ssyncset.done $0x0  }
0x13d: {  	[sflag:s13] =	ssyncadd.s32 $0xFFFFE000  }
0x13e: {  	[tilespmem:s12], [sflag:$0x1] =	stream.indirect.gather [hbm4b:s4+s16], $0x80, s29, s16, $0xb8;
	[tilespmem:$0x1B380] =	vst v63  }
0x13f: {  	_ =	swait.ge [sflag:s20], $0x2000  }
0x140: {  	[sflag:s20] =	ssyncset.done $0x0  }
0x141: {  	[sflag:s20] =	ssyncadd.s32 $0xFFFFE000  }
0x142: {  	[spmem:s1] =	stream.indirect.scatter.add.f32 [tilespmem:s18], [sflag:$0x3], $0x80, s30, s16, $0xb8;
	[tilespmem:$0x1B380] =	vst v63  }
0x143: {  	_ =	swait.ge [sflag:s13], $0x2000  }
0x144: {  	[sflag:s13] =	ssyncset.done $0x0  }
0x145: {  	[sflag:s13] =	ssyncadd.s32 $0xFFFFE000  }
0x146: {  	[tilespmem:s18], [sflag:$0x2] =	stream.indirect.gather [hbm4b:s4+s16], $0x80, s31, s16, $0xb8;
	[tilespmem:$0x1B380] =	vst v63  }
0x147: {  	_ =	swait.ge [sflag:s19], $0x2000  }
0x148: {  	[sflag:s19] =	ssyncset.done $0x0  }
0x149: {  	[sflag:s19] =	ssyncadd.s32 $0xFFFFE000  }
0x14a: {  	[spmem:s1] =	stream.indirect.scatter.add.f32 [tilespmem:s12], [sflag:$0x3], $0x80, s0, s16, $0xb8;
	[tilespmem:$0x1B380] =	vst v63  }
0x14b: {  	_ =	swait.ge [sflag:s13], $0x2000  }
0x14c: {  	[sflag:s13] =	ssyncset.done $0x0  }
0x14d: {  	[sflag:s13] =	ssyncadd.s32 $0xFFFFE000  }
0x14e: {  	_ =	swait.ge [sflag:s20], $0x2000  }
0x14f: {  	p0 =	sne.s32 s6, $0x1;
	[sflag:s20] =	ssyncset.done $0x0  }
.Ltmp3:
0x150: {  	[sflag:s20] =	ssyncadd.s32 $0xFFFFE000;
	(pc) =	sbr.rel @p0 .LBB2_8-.Ltmp3, $4  }
0x151: {  	[spmem:s1] =	stream.indirect.scatter.add.f32 [tilespmem:s18], [sflag:$0x3], $0x80, s3, s16, $0xb8;
	[tilespmem:$0x1B380] =	vst v63  }
0x152: {  	_ =	swait.ge [sflag:s13], $0x2000  }
0x153: {  	[sflag:s13] =	ssyncset.done $0x0  }
0x154: {  	s5 =	sadd.s32 $0x800, s5;
	s6 =	sadd.s32 $0xFFFFFFFF, s6;
	[sflag:s13] =	ssyncadd.s32 $0xFFFFE000  }
0x155: {  	s5 =	stileid.u32  }
0x156: {  	[bflag:$0x0] =	sbarrier.arrive $0xFFFF;
	s5 =	sshll.u32 s5, $0x6  }
0x157: {  	s6 =	sshrl.u32 s7, $0x3;
	s10 =	rddreg [dreg:$0x18];
	s5 =	sor.u32 $0x1C03, s5  }
0x158: {  	[hbm:s10], [sflag:s5] =	dma.local [spmem:s6], $0x2780  }
0x159: {  	_ =	swait.ge [sflag:s13], $0x2780  }
0x15a: {  	[sflag:s13] =	ssyncset.done $0x0  }
0x15b: {  	s10 =	rddreg [dreg:$0x19];
	[sflag:s13] =	ssyncadd.s32 $0xFFFFD880  }
0x15c: {  	[hbm4b:s10+s17] =	stream.strided.scatter [tilespmem:s15], [sflag:$0x3], $0x2780, s21, s17, $0x38;
	[tilespmem:$0x1B380] =	vst v63  }
0x15d: {  	_ =	swait.ge [sflag:s13], $0x2780  }
0x15e: {  	s8 =	sadd.s32 $0x1, s8;
	s11 =	rddreg [dreg:$0x1a]  }
0x15f: {  	p0 =	sne.s32 s8, s11  }
.Ltmp4:
0x160: {  	_ = 	snop;
	(pc) =	sbr.rel @p0 .LBB2_1-.Ltmp4, $3  }
0x161: {  	_ =	sdelay $0x1  }
0x162: {  	[sflag:s13] =	ssyncset.done $0x0  }
0x163: {  	[sflag:s13] =	ssyncadd.s32 $0xFFFFD880  }
0x164: {  	_ =	sfence.sel $0x180000  }
0x165: {  	[bflag:$0x0] =	sbarrier.arrive $0xFFFF  }
0x166: {  	_ =	strace $0x90000047  }
0x167: {  	s0 =	stileid.u32;
	[bflag:$0x2] =	sbarrier.arrive $0xFFFF  }
0x168: {  	p0 =	sne.s32 s0, $0x0;
	s0 =	rddreg [dreg:$0x2]  }
0x169: {  	s0 =	sadd.s32 @!p0 $0x100000, s0  }
0x16a: {  	[sflag:s0] =	ssyncadd.tile.s32 @!p0 $0x1;
	_ =	shalt  }
.Lfunc_end2:
_tile_overlayer_lowered:
.L_overlay_start_2:
0x16b: {  	(tag) =	ssettag $0x2  }
0x16c: {  	s0 =	rddreg [dreg:$0x0];
	s2 =	stileid.u32  }
0x16d: {  	s1 =	rddreg [dreg:$0x1];
	p0 =	sne.s32 s2, $0x0  }
0x16e: {  	s3 =	rddreg [dreg:$0x2];
	[bflag:$0x3] =	sbarrier.arrive $0xFFFF;
	s2 =	simm.s32 @!p0 $0x1C03  }
0x16f: {  	[timem:s3], [sflag:s2] =	dma.local @!p0 [hbm:s0], s1  }
0x170: {  	s0 =	simm.s32 @!p0 $0x3  }
0x171: {  	_ =	swait.ge @!p0 [sflag:s0], s1  }
0x172: {  	s1 =	ssub.s32 @!p0 $0x0, s1;
	[sflag:s0] =	ssyncset.done @!p0 $0x0  }
0x173: {  	[sflag:s0] =	ssyncadd.s32 @!p0 s1  }
0x174: {  	[bflag:$0x3] =	sbarrier.arrive $0xFFFF  }
0x175: {  	_ =	shalt  }

</sc_bundles>
